<compile_context>
chip_gen: v7x
topology: tpu7x:2x2x1
jax: 0.10.2.dev20260603
libtpu: 0.0.44.dev20260713+nightly
codegen_flags: <defaults>
</compile_context>

<pallas_src>
import functools

import jax
import jax.numpy as jnp
from jax import lax
from jax.experimental import pallas as pl
from jax.experimental.pallas import tpu as pltpu
from jax.experimental.pallas import tpu_sc as plsc

NUM_GRAPHS = 256
GW = 128
NW = 32



def _node_body(x_ref, w_ref, b_ref, o_ref):
    o_ref[...] = jnp.maximum(x_ref[...] @ w_ref[...] + b_ref[...], 0.0)


def _msg_body(ea_ref, fs_ref, rm_ref, tt_ref, w2_ref, o_ref):
    ea = ea_ref[...]
    fs = fs_ref[...].astype(jnp.bfloat16)
    a = jnp.dot(ea, rm_ref[...],
                preferred_element_type=jnp.float32)
    b = jnp.dot(fs, tt_ref[...],
                preferred_element_type=jnp.float32)
    o_ref[...] = jnp.dot((a * b).astype(jnp.bfloat16), w2_ref[...],
                         preferred_element_type=jnp.float32)


def _gru_body(aggp_ref, f_ref, h_ref, rw_ref, cb_ref, wih_ref, whh_ref,
              bih_ref, bhh_ref, o_ref):
    n = f_ref.shape[0]
    hdim = f_ref.shape[1]
    agg = aggp_ref[0, :n, :] + aggp_ref[1, :n, :]
    f = f_ref[...]
    h = h_ref[...]
    conv = agg + f @ rw_ref[...] + cb_ref[...]
    a = jnp.maximum(conv, 0.0)
    gi = a @ wih_ref[...] + bih_ref[...]
    gh = h @ whh_ref[...] + bhh_ref[...]
    r = jax.nn.sigmoid(gi[:, :hdim] + gh[:, :hdim])
    z = jax.nn.sigmoid(gi[:, hdim:2 * hdim] + gh[:, hdim:2 * hdim])
    nn = jnp.tanh(gi[:, 2 * hdim:] + r * gh[:, 2 * hdim:])
    o_ref[...] = (1.0 - z) * nn + z * h


def _s2s_body(na_ref, naT_ref, b_ref, wih_ref, whh_ref, lb_ref,
              spw_ref, spb_ref, pa_ref, o_ref, num_steps):
    na = na_ref[...]
    naT = naT_ref[...]
    n = na.shape[0]
    ic = na.shape[1]
    g = NUM_GRAPHS
    brow = b_ref[...]
    gid = lax.broadcasted_iota(jnp.int32, (g, 1), 0)
    ot = brow == gid
    q_star = jnp.zeros((g, 2 * ic), jnp.float32)
    h_l = jnp.zeros((g, ic), jnp.float32)
    c_l = jnp.zeros((g, ic), jnp.float32)
    for _ in range(num_steps):
        gates = q_star @ wih_ref[...] + h_l @ whh_ref[...] + lb_ref[...]
        g_i = gates[:, :ic]
        g_f = gates[:, ic:2 * ic]
        g_g = gates[:, 2 * ic:3 * ic]
        g_o = gates[:, 3 * ic:]
        c_l = jax.nn.sigmoid(g_f) * c_l + jax.nn.sigmoid(g_i) * jnp.tanh(g_g)
        h_l = jax.nn.sigmoid(g_o) * jnp.tanh(c_l)
        d = h_l @ naT
        em = jnp.max(jnp.where(ot, d, -1e30), axis=1, keepdims=True)
        em = jnp.where(em > -1e29, em, 0.0)
        e2 = jnp.exp(jnp.where(ot, d - em, -1e30))
        den = jnp.sum(e2, axis=1, keepdims=True)
        alpha = e2 / (den + 1e-16)
        r_vec = alpha @ na
        q_star = jnp.concatenate([h_l, r_vec], axis=1)
    out = q_star @ spw_ref[...] + spb_ref[...]
    o_ref[...] = jnp.where(out > 0, out, pa_ref[...] * out)



_GRP = 8


def _sc_gather(table, idx2):
    nt, h = table.shape
    r = idx2.shape[0]
    rpw = r // NW
    mesh = plsc.VectorSubcoreMesh(core_axis_name="core",
                                  subcore_axis_name="subcore")

    @functools.partial(
        pl.kernel,
        out_type=jax.ShapeDtypeStruct((r * GW, h), jnp.float32),
        mesh=mesh,
        scratch_types=[pltpu.VMEM((rpw, GW), jnp.int32),
                       pltpu.VMEM((rpw * GW, h), jnp.float32),
                       pltpu.SemaphoreType.DMA],
        compiler_params=pltpu.CompilerParams(use_tc_tiling_on_sc=False),
    )
    def k(tab_hbm, idx_hbm, o_hbm, idx_v, rows_v, sem):
        cid = lax.axis_index("core")
        sid = lax.axis_index("subcore")
        wid = sid * 2 + cid
        r0 = wid * rpw
        pltpu.sync_copy(idx_hbm.at[pl.ds(r0, rpw)], idx_v)

        @pl.loop(0, rpw // _GRP)
        def _(t):
            cps = [pltpu.async_copy(
                tab_hbm.at[idx_v.at[t * _GRP + u]],
                rows_v.at[pl.ds((t * _GRP + u) * GW, GW)], sem)
                for u in range(_GRP)]
            for c in cps:
                c.wait()

        pltpu.sync_copy(rows_v, o_hbm.at[pl.ds(r0 * GW, rpw * GW)])

    return k(table, idx2)


def _sc_scatter_add(msg3, idx2, np_rows):
    r, _, h = msg3.shape
    rpw = r // NW
    zr = np_rows // 16
    mesh = plsc.VectorSubcoreMesh(core_axis_name="core",
                                  subcore_axis_name="subcore")

    @functools.partial(
        pl.kernel,
        out_type=jax.ShapeDtypeStruct((2, np_rows, h), jnp.float32),
        mesh=mesh,
        scratch_types=[pltpu.VMEM((rpw, GW), jnp.int32),
                       pltpu.VMEM((rpw, GW, h), jnp.float32),
                       pltpu.VMEM((zr, h), jnp.float32),
                       pltpu.VMEM_SHARED((np_rows, h), jnp.float32),
                       pltpu.SemaphoreType.DMA],
        compiler_params=pltpu.CompilerParams(use_tc_tiling_on_sc=False),
    )
    def k(msg_hbm, idx_hbm, o_hbm, idx_v, msg_v, zb, acc, sem):
        cid = lax.axis_index("core")
        sid = lax.axis_index("subcore")
        wid = sid * 2 + cid

        @pl.loop(0, zr)
        def _(i):
            zb[i] = jnp.zeros((h,), jnp.float32)

        pltpu.sync_copy(zb, acc.at[pl.ds(sid * zr, zr)])
        plsc.subcore_barrier()
        r0 = wid * rpw
        pltpu.sync_copy(idx_hbm.at[pl.ds(r0, rpw)], idx_v)
        pltpu.sync_copy(msg_hbm.at[pl.ds(r0, rpw)], msg_v)

        @pl.loop(0, rpw // _GRP)
        def _(t):
            cps = [pltpu.async_copy(
                msg_v.at[t * _GRP + u], acc.at[idx_v.at[t * _GRP + u]],
                sem, add=True)
                for u in range(_GRP)]
            for c in cps:
                c.wait()
        plsc.subcore_barrier()
        pltpu.sync_copy(acc.at[pl.ds(sid * zr, zr)],
                        o_hbm.at[cid, pl.ds(sid * zr, zr)])

    return k(msg3, idx2)



def kernel(x, edge_index, edge_attr, batch, lin_W, lin_b, edge_W, edge_b,
           root_W, conv_b, gru_Wih, gru_Whh, gru_bih, gru_bhh,
           lstm_Wih, lstm_Whh, lstm_bih, lstm_bhh, sp_W, sp_b, prelu_a):
    f32 = jnp.float32
    n, node_in = x.shape
    e = edge_index.shape[1]
    h = lin_W.shape[1]
    k_in = edge_attr.shape[1]
    g = NUM_GRAPHS
    out_dim = sp_W.shape[1]
    ic = 2 * h

    chunk = NW * GW
    epad = ((e + chunk - 1) // chunk) * chunk
    pad = epad - e
    np_rows = ((n + 1 + 15) // 16) * 16
    src = edge_index[0]
    dst = edge_index[1]
    src2 = jnp.concatenate([src, jnp.zeros((pad,), jnp.int32)]).reshape(-1, GW)
    dst2 = jnp.concatenate([dst, jnp.full((pad,), n, jnp.int32)]).reshape(-1, GW)
    ea1 = jnp.concatenate([edge_attr, jnp.ones((e, 1), f32)], axis=1)
    ea_p = jnp.concatenate([ea1, jnp.zeros((pad, k_in + 1), f32)], axis=0)
    w2 = jnp.concatenate([edge_W, edge_b.reshape(1, h * h)],
                         axis=0).reshape((k_in + 1) * h, h)
    bf16 = jnp.bfloat16
    rm = jnp.kron(jnp.eye(k_in + 1, dtype=bf16), jnp.ones((1, h), bf16))
    tt = jnp.tile(jnp.eye(h, dtype=bf16), (1, k_in + 1))
    ea_pb = ea_p.astype(bf16)
    w2b = w2.astype(bf16)
    wihT = gru_Wih.T
    whhT = gru_Whh.T
    bih2 = gru_bih.reshape(1, 3 * h)
    bhh2 = gru_bhh.reshape(1, 3 * h)
    lwihT = lstm_Wih.T
    lwhhT = lstm_Whh.T
    lb = (lstm_bih + lstm_bhh).reshape(1, 4 * ic)
    pa2 = jnp.broadcast_to(prelu_a.reshape(1, 1), (1, out_dim))

    node = pl.pallas_call(
        _node_body,
        out_shape=jax.ShapeDtypeStruct((n, h), f32),
    )(x, lin_W, lin_b.reshape(1, h))

    blk = 4096
    msg_call = pl.pallas_call(
        _msg_body,
        grid=(epad // blk,),
        in_specs=[
            pl.BlockSpec((blk, k_in + 1), lambda i: (i, 0)),
            pl.BlockSpec((blk, h), lambda i: (i, 0)),
            pl.BlockSpec((k_in + 1, (k_in + 1) * h), lambda i: (0, 0)),
            pl.BlockSpec((h, (k_in + 1) * h), lambda i: (0, 0)),
            pl.BlockSpec(((k_in + 1) * h, h), lambda i: (0, 0)),
        ],
        out_specs=pl.BlockSpec((blk, h), lambda i: (i, 0)),
        out_shape=jax.ShapeDtypeStruct((epad, h), f32),
    )
    gru_call = pl.pallas_call(
        _gru_body,
        out_shape=jax.ShapeDtypeStruct((n, h), f32),
    )

    feats = node
    for _ in range(3):
        fs3 = _sc_gather(feats, src2)
        msg = msg_call(ea_pb, fs3.reshape(epad, h), rm, tt, w2b)
        aggp = _sc_scatter_add(msg.reshape(-1, GW, h), dst2, np_rows)
        feats = gru_call(aggp, feats, feats, root_W, conv_b.reshape(1, h),
                         wihT, whhT, bih2, bhh2)

    na = jnp.concatenate([node, feats], axis=1)
    out = pl.pallas_call(
        functools.partial(_s2s_body, num_steps=3),
        out_shape=jax.ShapeDtypeStruct((g, out_dim), f32),
    )(na, na.T, batch.reshape(1, n), lwihT, lwhhT, lb,
      sp_W, sp_b.reshape(1, out_dim), pa2)
    return out

# --- scband reference (transcript-rebuilt; emitter-appended) ---
"""Pipeline reference for scband-mol-encoder-42666205118513 (READ-ONLY COPY).

The authoritative reference and input builder live on the scoring server;
editing this copy changes nothing except your own understanding.
"""

import jax, jax.numpy as jnp
import numpy as np

N = 10000
E = 160000
NODE_IN = 128
EDGE_IN = 16
H = 16
NUM_STEP_MP = 3
NUM_STEP_S2S = 3
NUM_GRAPHS = 256
OUT_DIM = 128


def setup_inputs(seed: int = 0) -> dict:
    key = jax.random.key(seed)
    ks = jax.random.split(key, 16)
    s = 0.1
    inp = {}
    inp["x"] = jax.random.normal(ks[0], (N, NODE_IN), dtype=jnp.float32)
    inp["edge_index"] = jax.random.randint(ks[1], (2, E), 0, N, dtype=jnp.int32)
    inp["edge_attr"] = jax.random.normal(ks[2], (E, EDGE_IN), dtype=jnp.float32)
    inp["batch"] = jnp.sort(jax.random.randint(ks[3], (N,), 0, NUM_GRAPHS, dtype=jnp.int32))
    inp["lin_W"] = jax.random.normal(ks[4], (NODE_IN, H), dtype=jnp.float32) * s
    inp["lin_b"] = jnp.zeros((H,), dtype=jnp.float32)
    inp["edge_W"] = jax.random.normal(ks[5], (EDGE_IN, H * H), dtype=jnp.float32) * s
    inp["edge_b"] = jnp.zeros((H * H,), dtype=jnp.float32)
    inp["root_W"] = jax.random.normal(ks[6], (H, H), dtype=jnp.float32) * s
    inp["conv_b"] = jnp.zeros((H,), dtype=jnp.float32)
    inp["gru_Wih"] = jax.random.normal(ks[7], (3 * H, H), dtype=jnp.float32) * s
    inp["gru_Whh"] = jax.random.normal(ks[8], (3 * H, H), dtype=jnp.float32) * s
    inp["gru_bih"] = jnp.zeros((3 * H,), dtype=jnp.float32)
    inp["gru_bhh"] = jnp.zeros((3 * H,), dtype=jnp.float32)
    IC = 2 * H
    inp["lstm_Wih"] = jax.random.normal(ks[9], (4 * IC, 2 * IC), dtype=jnp.float32) * s
    inp["lstm_Whh"] = jax.random.normal(ks[10], (4 * IC, IC), dtype=jnp.float32) * s
    inp["lstm_bih"] = jnp.zeros((4 * IC,), dtype=jnp.float32)
    inp["lstm_bhh"] = jnp.zeros((4 * IC,), dtype=jnp.float32)
    inp["sp_W"] = jax.random.normal(ks[11], (4 * H, OUT_DIM), dtype=jnp.float32) * s
    inp["sp_b"] = jnp.zeros((OUT_DIM,), dtype=jnp.float32)
    inp["prelu_a"] = jnp.full((1,), 0.25, dtype=jnp.float32)
    return inp


def _forward(x, edge_attr, lin_W, lin_b, edge_W, edge_b, root_W, conv_b,
             gru_Wih, gru_Whh, gru_bih, gru_bhh,
             lstm_Wih, lstm_Whh, lstm_bih, lstm_bhh,
             sp_W, sp_b, prelu_a, edge_index, batch):
    node = jax.nn.relu(x @ lin_W + lin_b)
    src = edge_index[0]
    dst = edge_index[1]
    w_e = (edge_attr @ edge_W + edge_b).reshape(E, H, H)
    feats = node
    h_gru = node
    for _ in range(NUM_STEP_MP):
        msg = jnp.einsum('eh,eho->eo', feats[src], w_e)
        agg = jax.ops.segment_sum(msg, dst, num_segments=N)
        conv = agg + feats @ root_W + conv_b
        a = jax.nn.relu(conv)
        gi = a @ gru_Wih.T + gru_bih
        gh = h_gru @ gru_Whh.T + gru_bhh
        i_r, i_z, i_n = jnp.split(gi, 3, axis=-1)
        h_r, h_z, h_n = jnp.split(gh, 3, axis=-1)
        r = jax.nn.sigmoid(i_r + h_r)
        z = jax.nn.sigmoid(i_z + h_z)
        n = jnp.tanh(i_n + r * h_n)
        h_gru = (1.0 - z) * n + z * h_gru
        feats = h_gru
    node_aggr = jnp.concatenate([node, feats], axis=1)
    IC = 2 * H
    q_star = jnp.zeros((NUM_GRAPHS, 2 * IC), dtype=jnp.float32)
    h_l = jnp.zeros((NUM_GRAPHS, IC), dtype=jnp.float32)
    c_l = jnp.zeros((NUM_GRAPHS, IC), dtype=jnp.float32)
    for _ in range(NUM_STEP_S2S):
        gates = q_star @ lstm_Wih.T + lstm_bih + h_l @ lstm_Whh.T + lstm_bhh
        g_i, g_f, g_g, g_o = jnp.split(gates, 4, axis=-1)
        c_l = jax.nn.sigmoid(g_f) * c_l + jax.nn.sigmoid(g_i) * jnp.tanh(g_g)
        h_l = jax.nn.sigmoid(g_o) * jnp.tanh(c_l)
        q = h_l
        e = jnp.sum(node_aggr * q[batch], axis=-1)
        e_max = jax.ops.segment_max(e, batch, num_segments=NUM_GRAPHS)
        e_max = jnp.where(jnp.isfinite(e_max), e_max, 0.0)
        e_exp = jnp.exp(e - e_max[batch])
        denom = jax.ops.segment_sum(e_exp, batch, num_segments=NUM_GRAPHS)
        alpha = e_exp / (denom[batch] + 1e-16)
        r_vec = jax.ops.segment_sum(alpha[:, None] * node_aggr, batch, num_segments=NUM_GRAPHS)
        q_star = jnp.concatenate([q, r_vec], axis=-1)
    out = q_star @ sp_W + sp_b
    out = jnp.where(out > 0, out, prelu_a * out)
    return out


def reference(x, edge_index, edge_attr, batch, lin_W, lin_b, edge_W, edge_b, root_W, conv_b,
              gru_Wih, gru_Whh, gru_bih, gru_bhh,
              lstm_Wih, lstm_Whh, lstm_bih, lstm_bhh,
              sp_W, sp_b, prelu_a):
    return _forward(x, edge_attr, lin_W, lin_b, edge_W, edge_b, root_W, conv_b,
                    gru_Wih, gru_Whh, gru_bih, gru_bhh,
                    lstm_Wih, lstm_Whh, lstm_bih, lstm_bhh,
                    sp_W, sp_b, prelu_a, edge_index, batch)

if __name__ == "__main__":
    import jax
    _d = setup_inputs()
    print(jax.jit(kernel)(*tuple(_d.values())))

</pallas_src>

<mosaic_0001>
#map = affine_map<(d0, d1) -> (0, 0, 0)>
#map1 = affine_map<(d0, d1) -> (0, 0)>
module attributes {stable_mosaic.version = 14 : i64} {
  func.func @k(%arg0: i32, %arg1: i32, %arg2: memref<1280x128x16xf32, #tpu.memory_space<hbm>>, %arg3: memref<1280x128xi32, #tpu.memory_space<hbm>>, %arg4: memref<2x10016x16xf32, #tpu.memory_space<hbm>>, %arg5: memref<40x128xi32, #tpu.memory_space<vmem>>, %arg6: memref<40x128x16xf32, #tpu.memory_space<vmem>>, %arg7: memref<626x16xf32, #tpu.memory_space<vmem>>, %arg8: memref<10016x16xf32, #tpu.memory_space<vmem_shared>>, %arg9: memref<!tpu.dma_semaphore, #tpu.memory_space<semaphore_mem>>) attributes {dimension_semantics = [#tpu.dimension_semantics<core_parallel>, #tpu.dimension_semantics<subcore_parallel>], iteration_bounds = array<i64: 2, 16>, scalar_prefetch = 0 : i64, scratch_operands = 5 : i64, tpu.core_type = #tpu.core_type<sc_vector_subcore>, window_params = [{transform_indices = #map}, {transform_indices = #map1}, {transform_indices = #map}]} {
    %mul3A = arith.constant 2 : i32
    %mul3A_0 = arith.muli %arg1, %mul3A : i32
    %add3A = arith.addi %mul3A_0, %arg0 : i32
    %scan3A = arith.constant 0 : i32
    %scan3A_1 = arith.constant 626 : i32
    %scan3A_2 = arith.addi %scan3A, %scan3A_1 : i32
    %scan3A_3 = arith.constant 1 : i32
    scf.for %scan3A_19 = %scan3A to %scan3A_2 step %scan3A_3  : i32 {
      %mul3A_20 = arith.constant 1 : i32
      %mul3A_21 = arith.muli %scan3A_19, %mul3A_20 : i32
      %add3A_22 = arith.constant 0 : i32
      %add3A_23 = arith.addi %add3A_22, %mul3A_21 : i32
      %broadcast_in_dim3A = arith.constant 0.000000e+00 : f32
      %broadcast_in_dim3A_24 = vector.broadcast %broadcast_in_dim3A : f32 to vector<16xf32>
      %swap3A = arith.index_cast %add3A_23 : i32 to index
      %swap3A_25 = arith.constant 0 : index
      %swap3A_26 = tpu.vector_load %arg7[%swap3A, %swap3A_25] {strides = array<i32>} : memref<626x16xf32, #tpu.memory_space<vmem>>, vector<1x16xf32>,
      %swap3A_27 = vector.shape_cast %swap3A_26 : vector<1x16xf32> to vector<16xf32>
      %swap3A_28 = vector.shape_cast %broadcast_in_dim3A_24 : vector<16xf32> to vector<1x16xf32>
      tpu.vector_store %arg7[%swap3A, %swap3A_25], %swap3A_28 {strides = array<i32>} : memref<626x16xf32, #tpu.memory_space<vmem>>, vector<1x16xf32>,
    }
    %scan3A_4 = arith.constant 626 : i32
    %mul3A_5 = arith.constant 626 : i32
    %mul3A_6 = arith.muli %arg1, %mul3A_5 : i32
    "tpu.region"() ({
      %run_scoped3A = tpu.sem_alloc : memref<!tpu.dma_semaphore, #tpu.memory_space<semaphore_mem>>
      %dma_start3A = arith.constant 0 : i32
      %dma_start3A_19 = tpu.memref_slice %arg8[%mul3A_6, %dma_start3A] : memref<10016x16xf32, #tpu.memory_space<vmem_shared>> -> memref<626x16xf32, #tpu.memory_space<vmem_shared>>
      %dma_start3A_20 = arith.constant 0 : i32
      %dma_start3A_21 = tpu.memref_slice %arg8[%mul3A_6, %dma_start3A_20] : memref<10016x16xf32, #tpu.memory_space<vmem_shared>> -> memref<626x16xf32, #tpu.memory_space<vmem_shared>>
      tpu.enqueue_dma source(%arg7 : memref<626x16xf32, #tpu.memory_space<vmem>>) target(%dma_start3A_21 : memref<626x16xf32, #tpu.memory_space<vmem_shared>>) target_semaphore(%run_scoped3A : memref<!tpu.dma_semaphore, #tpu.memory_space<semaphore_mem>>)
      %dma_wait3A = arith.constant 0 : i32
      %dma_wait3A_22 = tpu.memref_slice %arg8[%mul3A_6, %dma_wait3A] : memref<10016x16xf32, #tpu.memory_space<vmem_shared>> -> memref<626x16xf32, #tpu.memory_space<vmem_shared>>
      %dma_wait3A_23 = arith.constant 0 : i32
      %dma_wait3A_24 = tpu.memref_slice %arg8[%mul3A_6, %dma_wait3A_23] : memref<10016x16xf32, #tpu.memory_space<vmem_shared>> -> memref<626x16xf32, #tpu.memory_space<vmem_shared>>
      tpu.wait_dma2 semaphore(%run_scoped3A : memref<!tpu.dma_semaphore, #tpu.memory_space<semaphore_mem>>) src(%arg7 : memref<626x16xf32, #tpu.memory_space<vmem>>) dst(%dma_wait3A_24 : memref<626x16xf32, #tpu.memory_space<vmem_shared>>)
      tpu.yield
    }) : () -> ()
    %barrier3A = arith.constant 0 : index
    tpu.barrier barrier_id(%barrier3A)
    %mul3A_7 = arith.constant 40 : i32
    %mul3A_8 = arith.muli %add3A, %mul3A_7 : i32
    "tpu.region"() ({
      %run_scoped3A = tpu.sem_alloc : memref<!tpu.dma_semaphore, #tpu.memory_space<semaphore_mem>>
      %dma_start3A = arith.constant 0 : i32
      %dma_start3A_19 = tpu.memref_slice %arg3[%mul3A_8, %dma_start3A] : memref<1280x128xi32, #tpu.memory_space<hbm>> -> memref<40x128xi32, #tpu.memory_space<hbm>>
      %dma_start3A_20 = arith.constant 0 : i32
      %dma_start3A_21 = tpu.memref_slice %arg3[%mul3A_8, %dma_start3A_20] : memref<1280x128xi32, #tpu.memory_space<hbm>> -> memref<40x128xi32, #tpu.memory_space<hbm>>
      tpu.enqueue_dma source(%dma_start3A_21 : memref<40x128xi32, #tpu.memory_space<hbm>>) target(%arg5 : memref<40x128xi32, #tpu.memory_space<vmem>>) target_semaphore(%run_scoped3A : memref<!tpu.dma_semaphore, #tpu.memory_space<semaphore_mem>>)
      %dma_wait3A = arith.constant 0 : i32
      %dma_wait3A_22 = tpu.memref_slice %arg3[%mul3A_8, %dma_wait3A] : memref<1280x128xi32, #tpu.memory_space<hbm>> -> memref<40x128xi32, #tpu.memory_space<hbm>>
      %dma_wait3A_23 = arith.constant 0 : i32
      %dma_wait3A_24 = tpu.memref_slice %arg3[%mul3A_8, %dma_wait3A_23] : memref<1280x128xi32, #tpu.memory_space<hbm>> -> memref<40x128xi32, #tpu.memory_space<hbm>>
      tpu.wait_dma2 semaphore(%run_scoped3A : memref<!tpu.dma_semaphore, #tpu.memory_space<semaphore_mem>>) src(%dma_wait3A_24 : memref<40x128xi32, #tpu.memory_space<hbm>>) dst(%arg5 : memref<40x128xi32, #tpu.memory_space<vmem>>)
      tpu.yield
    }) : () -> ()
    "tpu.region"() ({
      %run_scoped3A = tpu.sem_alloc : memref<!tpu.dma_semaphore, #tpu.memory_space<semaphore_mem>>
      %dma_start3A = arith.constant 0 : i32
      %dma_start3A_19 = arith.constant 0 : i32
      %dma_start3A_20 = tpu.memref_slice %arg2[%mul3A_8, %dma_start3A, %dma_start3A_19] : memref<1280x128x16xf32, #tpu.memory_space<hbm>> -> memref<40x128x16xf32, #tpu.memory_space<hbm>>
      %dma_start3A_21 = arith.constant 0 : i32
      %dma_start3A_22 = arith.constant 0 : i32
      %dma_start3A_23 = tpu.memref_slice %arg2[%mul3A_8, %dma_start3A_21, %dma_start3A_22] : memref<1280x128x16xf32, #tpu.memory_space<hbm>> -> memref<40x128x16xf32, #tpu.memory_space<hbm>>
      tpu.enqueue_dma source(%dma_start3A_23 : memref<40x128x16xf32, #tpu.memory_space<hbm>>) target(%arg6 : memref<40x128x16xf32, #tpu.memory_space<vmem>>) target_semaphore(%run_scoped3A : memref<!tpu.dma_semaphore, #tpu.memory_space<semaphore_mem>>)
      %dma_wait3A = arith.constant 0 : i32
      %dma_wait3A_24 = arith.constant 0 : i32
      %dma_wait3A_25 = tpu.memref_slice %arg2[%mul3A_8, %dma_wait3A, %dma_wait3A_24] : memref<1280x128x16xf32, #tpu.memory_space<hbm>> -> memref<40x128x16xf32, #tpu.memory_space<hbm>>
      %dma_wait3A_26 = arith.constant 0 : i32
      %dma_wait3A_27 = arith.constant 0 : i32
      %dma_wait3A_28 = tpu.memref_slice %arg2[%mul3A_8, %dma_wait3A_26, %dma_wait3A_27] : memref<1280x128x16xf32, #tpu.memory_space<hbm>> -> memref<40x128x16xf32, #tpu.memory_space<hbm>>
      tpu.wait_dma2 semaphore(%run_scoped3A : memref<!tpu.dma_semaphore, #tpu.memory_space<semaphore_mem>>) src(%dma_wait3A_28 : memref<40x128x16xf32, #tpu.memory_space<hbm>>) dst(%arg6 : memref<40x128x16xf32, #tpu.memory_space<vmem>>)
      tpu.yield
    }) : () -> ()
    %scan3A_9 = arith.constant 0 : i32
    %scan3A_10 = arith.constant 5 : i32
    %scan3A_11 = arith.addi %scan3A_9, %scan3A_10 : i32
    %scan3A_12 = arith.constant 1 : i32
    scf.for %scan3A_19 = %scan3A_9 to %scan3A_11 step %scan3A_12  : i32 {
      %mul3A_20 = arith.constant 1 : i32
      %mul3A_21 = arith.muli %scan3A_19, %mul3A_20 : i32
      %add3A_22 = arith.constant 0 : i32
      %add3A_23 = arith.addi %add3A_22, %mul3A_21 : i32
      %mul3A_24 = arith.constant 8 : i32
      %mul3A_25 = arith.muli %add3A_23, %mul3A_24 : i32
      %add3A_26 = arith.constant 0 : i32
      %add3A_27 = arith.addi %mul3A_25, %add3A_26 : i32
      %mul3A_28 = arith.constant 8 : i32
      %mul3A_29 = arith.muli %add3A_23, %mul3A_28 : i32
      %add3A_30 = arith.constant 0 : i32
      %add3A_31 = arith.addi %mul3A_29, %add3A_30 : i32
      %dma_start3A = arith.constant 0 : i32
      %dma_start3A_32 = arith.constant 0 : i32
      %dma_start3A_33 = tpu.memref_slice %arg6[%add3A_27, %dma_start3A, %dma_start3A_32] : memref<40x128x16xf32, #tpu.memory_space<vmem>> -> memref<1x128x16xf32, #tpu.memory_space<vmem>>
      %dma_start3A_34 = tpu.memref_squeeze %dma_start3A_33 : memref<1x128x16xf32, #tpu.memory_space<vmem>> -> memref<128x16xf32, #tpu.memory_space<vmem>>
      %dma_start3A_35 = arith.constant 0 : i32
      %dma_start3A_36 = tpu.memref_slice %arg5[%add3A_31, %dma_start3A_35] : memref<40x128xi32, #tpu.memory_space<vmem>> -> memref<1x128xi32, #tpu.memory_space<vmem>>
      %dma_start3A_37 = tpu.memref_squeeze %dma_start3A_36 : memref<1x128xi32, #tpu.memory_space<vmem>> -> memref<128xi32, #tpu.memory_space<vmem>>
      %dma_start3A_38 = arith.constant 0 : i32
      %dma_start3A_39 = arith.constant 0 : i32
      %dma_start3A_40 = tpu.memref_slice %arg8[%dma_start3A_38, %dma_start3A_39] : memref<10016x16xf32, #tpu.memory_space<vmem_shared>> -> memref<10016x16xf32, #tpu.memory_space<vmem_shared>>
      tpu.enqueue_indirect_dma source(%dma_start3A_34 : memref<128x16xf32, #tpu.memory_space<vmem>>) target(%dma_start3A_40 : memref<10016x16xf32, #tpu.memory_space<vmem_shared>>) offsets(%dma_start3A_37 : memref<128xi32, #tpu.memory_space<vmem>>) semaphore(%arg9 : memref<!tpu.dma_semaphore, #tpu.memory_space<semaphore_mem>>) {add = true}
      %mul3A_41 = arith.constant 8 : i32
      %mul3A_42 = arith.muli %add3A_23, %mul3A_41 : i32
      %add3A_43 = arith.constant 1 : i32
      %add3A_44 = arith.addi %mul3A_42, %add3A_43 : i32
      %mul3A_45 = arith.constant 8 : i32
      %mul3A_46 = arith.muli %add3A_23, %mul3A_45 : i32
      %add3A_47 = arith.constant 1 : i32
      %add3A_48 = arith.addi %mul3A_46, %add3A_47 : i32
      %dma_start3A_49 = arith.constant 0 : i32
      %dma_start3A_50 = arith.constant 0 : i32
      %dma_start3A_51 = tpu.memref_slice %arg6[%add3A_44, %dma_start3A_49, %dma_start3A_50] : memref<40x128x16xf32, #tpu.memory_space<vmem>> -> memref<1x128x16xf32, #tpu.memory_space<vmem>>
      %dma_start3A_52 = tpu.memref_squeeze %dma_start3A_51 : memref<1x128x16xf32, #tpu.memory_space<vmem>> -> memref<128x16xf32, #tpu.memory_space<vmem>>
      %dma_start3A_53 = arith.constant 0 : i32
      %dma_start3A_54 = tpu.memref_slice %arg5[%add3A_48, %dma_start3A_53] : memref<40x128xi32, #tpu.memory_space<vmem>> -> memref<1x128xi32, #tpu.memory_space<vmem>>
      %dma_start3A_55 = tpu.memref_squeeze %dma_start3A_54 : memref<1x128xi32, #tpu.memory_space<vmem>> -> memref<128xi32, #tpu.memory_space<vmem>>
      %dma_start3A_56 = arith.constant 0 : i32
      %dma_start3A_57 = arith.constant 0 : i32
      %dma_start3A_58 = tpu.memref_slice %arg8[%dma_start3A_56, %dma_start3A_57] : memref<10016x16xf32, #tpu.memory_space<vmem_shared>> -> memref<10016x16xf32, #tpu.memory_space<vmem_shared>>
      tpu.enqueue_indirect_dma source(%dma_start3A_52 : memref<128x16xf32, #tpu.memory_space<vmem>>) target(%dma_start3A_58 : memref<10016x16xf32, #tpu.memory_space<vmem_shared>>) offsets(%dma_start3A_55 : memref<128xi32, #tpu.memory_space<vmem>>) semaphore(%arg9 : memref<!tpu.dma_semaphore, #tpu.memory_space<semaphore_mem>>) {add = true}
      %mul3A_59 = arith.constant 8 : i32
      %mul3A_60 = arith.muli %add3A_23, %mul3A_59 : i32
      %add3A_61 = arith.constant 2 : i32
      %add3A_62 = arith.addi %mul3A_60, %add3A_61 : i32
      %mul3A_63 = arith.constant 8 : i32
      %mul3A_64 = arith.muli %add3A_23, %mul3A_63 : i32
      %add3A_65 = arith.constant 2 : i32
      %add3A_66 = arith.addi %mul3A_64, %add3A_65 : i32
      %dma_start3A_67 = arith.constant 0 : i32
      %dma_start3A_68 = arith.constant 0 : i32
      %dma_start3A_69 = tpu.memref_slice %arg6[%add3A_62, %dma_start3A_67, %dma_start3A_68] : memref<40x128x16xf32, #tpu.memory_space<vmem>> -> memref<1x128x16xf32, #tpu.memory_space<vmem>>
      %dma_start3A_70 = tpu.memref_squeeze %dma_start3A_69 : memref<1x128x16xf32, #tpu.memory_space<vmem>> -> memref<128x16xf32, #tpu.memory_space<vmem>>
      %dma_start3A_71 = arith.constant 0 : i32
      %dma_start3A_72 = tpu.memref_slice %arg5[%add3A_66, %dma_start3A_71] : memref<40x128xi32, #tpu.memory_space<vmem>> -> memref<1x128xi32, #tpu.memory_space<vmem>>
      %dma_start3A_73 = tpu.memref_squeeze %dma_start3A_72 : memref<1x128xi32, #tpu.memory_space<vmem>> -> memref<128xi32, #tpu.memory_space<vmem>>
      %dma_start3A_74 = arith.constant 0 : i32
      %dma_start3A_75 = arith.constant 0 : i32
      %dma_start3A_76 = tpu.memref_slice %arg8[%dma_start3A_74, %dma_start3A_75] : memref<10016x16xf32, #tpu.memory_space<vmem_shared>> -> memref<10016x16xf32, #tpu.memory_space<vmem_shared>>
      tpu.enqueue_indirect_dma source(%dma_start3A_70 : memref<128x16xf32, #tpu.memory_space<vmem>>) target(%dma_start3A_76 : memref<10016x16xf32, #tpu.memory_space<vmem_shared>>) offsets(%dma_start3A_73 : memref<128xi32, #tpu.memory_space<vmem>>) semaphore(%arg9 : memref<!tpu.dma_semaphore, #tpu.memory_space<semaphore_mem>>) {add = true}
      %mul3A_77 = arith.constant 8 : i32
      %mul3A_78 = arith.muli %add3A_23, %mul3A_77 : i32
      %add3A_79 = arith.constant 3 : i32
      %add3A_80 = arith.addi %mul3A_78, %add3A_79 : i32
      %mul3A_81 = arith.constant 8 : i32
      %mul3A_82 = arith.muli %add3A_23, %mul3A_81 : i32
      %add3A_83 = arith.constant 3 : i32
      %add3A_84 = arith.addi %mul3A_82, %add3A_83 : i32
      %dma_start3A_85 = arith.constant 0 : i32
      %dma_start3A_86 = arith.constant 0 : i32
      %dma_start3A_87 = tpu.memref_slice %arg6[%add3A_80, %dma_start3A_85, %dma_start3A_86] : memref<40x128x16xf32, #tpu.memory_space<vmem>> -> memref<1x128x16xf32, #tpu.memory_space<vmem>>
      %dma_start3A_88 = tpu.memref_squeeze %dma_start3A_87 : memref<1x128x16xf32, #tpu.memory_space<vmem>> -> memref<128x16xf32, #tpu.memory_space<vmem>>
      %dma_start3A_89 = arith.constant 0 : i32
      %dma_start3A_90 = tpu.memref_slice %arg5[%add3A_84, %dma_start3A_89] : memref<40x128xi32, #tpu.memory_space<vmem>> -> memref<1x128xi32, #tpu.memory_space<vmem>>
      %dma_start3A_91 = tpu.memref_squeeze %dma_start3A_90 : memref<1x128xi32, #tpu.memory_space<vmem>> -> memref<128xi32, #tpu.memory_space<vmem>>
      %dma_start3A_92 = arith.constant 0 : i32
      %dma_start3A_93 = arith.constant 0 : i32
      %dma_start3A_94 = tpu.memref_slice %arg8[%dma_start3A_92, %dma_start3A_93] : memref<10016x16xf32, #tpu.memory_space<vmem_shared>> -> memref<10016x16xf32, #tpu.memory_space<vmem_shared>>
      tpu.enqueue_indirect_dma source(%dma_start3A_88 : memref<128x16xf32, #tpu.memory_space<vmem>>) target(%dma_start3A_94 : memref<10016x16xf32, #tpu.memory_space<vmem_shared>>) offsets(%dma_start3A_91 : memref<128xi32, #tpu.memory_space<vmem>>) semaphore(%arg9 : memref<!tpu.dma_semaphore, #tpu.memory_space<semaphore_mem>>) {add = true}
      %mul3A_95 = arith.constant 8 : i32
      %mul3A_96 = arith.muli %add3A_23, %mul3A_95 : i32
      %add3A_97 = arith.constant 4 : i32
      %add3A_98 = arith.addi %mul3A_96, %add3A_97 : i32
      %mul3A_99 = arith.constant 8 : i32
      %mul3A_100 = arith.muli %add3A_23, %mul3A_99 : i32
      %add3A_101 = arith.constant 4 : i32
      %add3A_102 = arith.addi %mul3A_100, %add3A_101 : i32
      %dma_start3A_103 = arith.constant 0 : i32
      %dma_start3A_104 = arith.constant 0 : i32
      %dma_start3A_105 = tpu.memref_slice %arg6[%add3A_98, %dma_start3A_103, %dma_start3A_104] : memref<40x128x16xf32, #tpu.memory_space<vmem>> -> memref<1x128x16xf32, #tpu.memory_space<vmem>>
      %dma_start3A_106 = tpu.memref_squeeze %dma_start3A_105 : memref<1x128x16xf32, #tpu.memory_space<vmem>> -> memref<128x16xf32, #tpu.memory_space<vmem>>
      %dma_start3A_107 = arith.constant 0 : i32
      %dma_start3A_108 = tpu.memref_slice %arg5[%add3A_102, %dma_start3A_107] : memref<40x128xi32, #tpu.memory_space<vmem>> -> memref<1x128xi32, #tpu.memory_space<vmem>>
      %dma_start3A_109 = tpu.memref_squeeze %dma_start3A_108 : memref<1x128xi32, #tpu.memory_space<vmem>> -> memref<128xi32, #tpu.memory_space<vmem>>
      %dma_start3A_110 = arith.constant 0 : i32
      %dma_start3A_111 = arith.constant 0 : i32
      %dma_start3A_112 = tpu.memref_slice %arg8[%dma_start3A_110, %dma_start3A_111] : memref<10016x16xf32, #tpu.memory_space<vmem_shared>> -> memref<10016x16xf32, #tpu.memory_space<vmem_shared>>
      tpu.enqueue_indirect_dma source(%dma_start3A_106 : memref<128x16xf32, #tpu.memory_space<vmem>>) target(%dma_start3A_112 : memref<10016x16xf32, #tpu.memory_space<vmem_shared>>) offsets(%dma_start3A_109 : memref<128xi32, #tpu.memory_space<vmem>>) semaphore(%arg9 : memref<!tpu.dma_semaphore, #tpu.memory_space<semaphore_mem>>) {add = true}
      %mul3A_113 = arith.constant 8 : i32
      %mul3A_114 = arith.muli %add3A_23, %mul3A_113 : i32
      %add3A_115 = arith.constant 5 : i32
      %add3A_116 = arith.addi %mul3A_114, %add3A_115 : i32
      %mul3A_117 = arith.constant 8 : i32
      %mul3A_118 = arith.muli %add3A_23, %mul3A_117 : i32
      %add3A_119 = arith.constant 5 : i32
      %add3A_120 = arith.addi %mul3A_118, %add3A_119 : i32
      %dma_start3A_121 = arith.constant 0 : i32
      %dma_start3A_122 = arith.constant 0 : i32
      %dma_start3A_123 = tpu.memref_slice %arg6[%add3A_116, %dma_start3A_121, %dma_start3A_122] : memref<40x128x16xf32, #tpu.memory_space<vmem>> -> memref<1x128x16xf32, #tpu.memory_space<vmem>>
      %dma_start3A_124 = tpu.memref_squeeze %dma_start3A_123 : memref<1x128x16xf32, #tpu.memory_space<vmem>> -> memref<128x16xf32, #tpu.memory_space<vmem>>
      %dma_start3A_125 = arith.constant 0 : i32
      %dma_start3A_126 = tpu.memref_slice %arg5[%add3A_120, %dma_start3A_125] : memref<40x128xi32, #tpu.memory_space<vmem>> -> memref<1x128xi32, #tpu.memory_space<vmem>>
      %dma_start3A_127 = tpu.memref_squeeze %dma_start3A_126 : memref<1x128xi32, #tpu.memory_space<vmem>> -> memref<128xi32, #tpu.memory_space<vmem>>
      %dma_start3A_128 = arith.constant 0 : i32
      %dma_start3A_129 = arith.constant 0 : i32
      %dma_start3A_130 = tpu.memref_slice %arg8[%dma_start3A_128, %dma_start3A_129] : memref<10016x16xf32, #tpu.memory_space<vmem_shared>> -> memref<10016x16xf32, #tpu.memory_space<vmem_shared>>
      tpu.enqueue_indirect_dma source(%dma_start3A_124 : memref<128x16xf32, #tpu.memory_space<vmem>>) target(%dma_start3A_130 : memref<10016x16xf32, #tpu.memory_space<vmem_shared>>) offsets(%dma_start3A_127 : memref<128xi32, #tpu.memory_space<vmem>>) semaphore(%arg9 : memref<!tpu.dma_semaphore, #tpu.memory_space<semaphore_mem>>) {add = true}
      %mul3A_131 = arith.constant 8 : i32
      %mul3A_132 = arith.muli %add3A_23, %mul3A_131 : i32
      %add3A_133 = arith.constant 6 : i32
      %add3A_134 = arith.addi %mul3A_132, %add3A_133 : i32
      %mul3A_135 = arith.constant 8 : i32
      %mul3A_136 = arith.muli %add3A_23, %mul3A_135 : i32
      %add3A_137 = arith.constant 6 : i32
      %add3A_138 = arith.addi %mul3A_136, %add3A_137 : i32
      %dma_start3A_139 = arith.constant 0 : i32
      %dma_start3A_140 = arith.constant 0 : i32
      %dma_start3A_141 = tpu.memref_slice %arg6[%add3A_134, %dma_start3A_139, %dma_start3A_140] : memref<40x128x16xf32, #tpu.memory_space<vmem>> -> memref<1x128x16xf32, #tpu.memory_space<vmem>>
      %dma_start3A_142 = tpu.memref_squeeze %dma_start3A_141 : memref<1x128x16xf32, #tpu.memory_space<vmem>> -> memref<128x16xf32, #tpu.memory_space<vmem>>
      %dma_start3A_143 = arith.constant 0 : i32
      %dma_start3A_144 = tpu.memref_slice %arg5[%add3A_138, %dma_start3A_143] : memref<40x128xi32, #tpu.memory_space<vmem>> -> memref<1x128xi32, #tpu.memory_space<vmem>>
      %dma_start3A_145 = tpu.memref_squeeze %dma_start3A_144 : memref<1x128xi32, #tpu.memory_space<vmem>> -> memref<128xi32, #tpu.memory_space<vmem>>
      %dma_start3A_146 = arith.constant 0 : i32
      %dma_start3A_147 = arith.constant 0 : i32
      %dma_start3A_148 = tpu.memref_slice %arg8[%dma_start3A_146, %dma_start3A_147] : memref<10016x16xf32, #tpu.memory_space<vmem_shared>> -> memref<10016x16xf32, #tpu.memory_space<vmem_shared>>
      tpu.enqueue_indirect_dma source(%dma_start3A_142 : memref<128x16xf32, #tpu.memory_space<vmem>>) target(%dma_start3A_148 : memref<10016x16xf32, #tpu.memory_space<vmem_shared>>) offsets(%dma_start3A_145 : memref<128xi32, #tpu.memory_space<vmem>>) semaphore(%arg9 : memref<!tpu.dma_semaphore, #tpu.memory_space<semaphore_mem>>) {add = true}
      %mul3A_149 = arith.constant 8 : i32
      %mul3A_150 = arith.muli %add3A_23, %mul3A_149 : i32
      %add3A_151 = arith.constant 7 : i32
      %add3A_152 = arith.addi %mul3A_150, %add3A_151 : i32
      %mul3A_153 = arith.constant 8 : i32
      %mul3A_154 = arith.muli %add3A_23, %mul3A_153 : i32
      %add3A_155 = arith.constant 7 : i32
      %add3A_156 = arith.addi %mul3A_154, %add3A_155 : i32
      %dma_start3A_157 = arith.constant 0 : i32
      %dma_start3A_158 = arith.constant 0 : i32
      %dma_start3A_159 = tpu.memref_slice %arg6[%add3A_152, %dma_start3A_157, %dma_start3A_158] : memref<40x128x16xf32, #tpu.memory_space<vmem>> -> memref<1x128x16xf32, #tpu.memory_space<vmem>>
      %dma_start3A_160 = tpu.memref_squeeze %dma_start3A_159 : memref<1x128x16xf32, #tpu.memory_space<vmem>> -> memref<128x16xf32, #tpu.memory_space<vmem>>
      %dma_start3A_161 = arith.constant 0 : i32
      %dma_start3A_162 = tpu.memref_slice %arg5[%add3A_156, %dma_start3A_161] : memref<40x128xi32, #tpu.memory_space<vmem>> -> memref<1x128xi32, #tpu.memory_space<vmem>>
      %dma_start3A_163 = tpu.memref_squeeze %dma_start3A_162 : memref<1x128xi32, #tpu.memory_space<vmem>> -> memref<128xi32, #tpu.memory_space<vmem>>
      %dma_start3A_164 = arith.constant 0 : i32
      %dma_start3A_165 = arith.constant 0 : i32
      %dma_start3A_166 = tpu.memref_slice %arg8[%dma_start3A_164, %dma_start3A_165] : memref<10016x16xf32, #tpu.memory_space<vmem_shared>> -> memref<10016x16xf32, #tpu.memory_space<vmem_shared>>
      tpu.enqueue_indirect_dma source(%dma_start3A_160 : memref<128x16xf32, #tpu.memory_space<vmem>>) target(%dma_start3A_166 : memref<10016x16xf32, #tpu.memory_space<vmem_shared>>) offsets(%dma_start3A_163 : memref<128xi32, #tpu.memory_space<vmem>>) semaphore(%arg9 : memref<!tpu.dma_semaphore, #tpu.memory_space<semaphore_mem>>) {add = true}
      %dma_wait3A = arith.constant 0 : i32
      %dma_wait3A_167 = arith.constant 0 : i32
      %dma_wait3A_168 = tpu.memref_slice %arg6[%add3A_27, %dma_wait3A, %dma_wait3A_167] : memref<40x128x16xf32, #tpu.memory_space<vmem>> -> memref<1x128x16xf32, #tpu.memory_space<vmem>>
      %dma_wait3A_169 = tpu.memref_squeeze %dma_wait3A_168 : memref<1x128x16xf32, #tpu.memory_space<vmem>> -> memref<128x16xf32, #tpu.memory_space<vmem>>
      %dma_wait3A_170 = arith.constant 0 : i32
      %dma_wait3A_171 = tpu.memref_slice %arg5[%add3A_31, %dma_wait3A_170] : memref<40x128xi32, #tpu.memory_space<vmem>> -> memref<1x128xi32, #tpu.memory_space<vmem>>
      %dma_wait3A_172 = tpu.memref_squeeze %dma_wait3A_171 : memref<1x128xi32, #tpu.memory_space<vmem>> -> memref<128xi32, #tpu.memory_space<vmem>>
      %dma_wait3A_173 = arith.constant 0 : i32
      %dma_wait3A_174 = arith.constant 0 : i32
      %dma_wait3A_175 = tpu.memref_slice %arg8[%dma_wait3A_173, %dma_wait3A_174] : memref<10016x16xf32, #tpu.memory_space<vmem_shared>> -> memref<10016x16xf32, #tpu.memory_space<vmem_shared>>
      tpu.wait_indirect_dma semaphore(%arg9 : memref<!tpu.dma_semaphore, #tpu.memory_space<semaphore_mem>>) src(%dma_wait3A_169 : memref<128x16xf32, #tpu.memory_space<vmem>>) dst(%dma_wait3A_175 : memref<10016x16xf32, #tpu.memory_space<vmem_shared>>)
      %dma_wait3A_176 = arith.constant 0 : i32
      %dma_wait3A_177 = arith.constant 0 : i32
      %dma_wait3A_178 = tpu.memref_slice %arg6[%add3A_44, %dma_wait3A_176, %dma_wait3A_177] : memref<40x128x16xf32, #tpu.memory_space<vmem>> -> memref<1x128x16xf32, #tpu.memory_space<vmem>>
      %dma_wait3A_179 = tpu.memref_squeeze %dma_wait3A_178 : memref<1x128x16xf32, #tpu.memory_space<vmem>> -> memref<128x16xf32, #tpu.memory_space<vmem>>
      %dma_wait3A_180 = arith.constant 0 : i32
      %dma_wait3A_181 = tpu.memref_slice %arg5[%add3A_48, %dma_wait3A_180] : memref<40x128xi32, #tpu.memory_space<vmem>> -> memref<1x128xi32, #tpu.memory_space<vmem>>
      %dma_wait3A_182 = tpu.memref_squeeze %dma_wait3A_181 : memref<1x128xi32, #tpu.memory_space<vmem>> -> memref<128xi32, #tpu.memory_space<vmem>>
      %dma_wait3A_183 = arith.constant 0 : i32
      %dma_wait3A_184 = arith.constant 0 : i32
      %dma_wait3A_185 = tpu.memref_slice %arg8[%dma_wait3A_183, %dma_wait3A_184] : memref<10016x16xf32, #tpu.memory_space<vmem_shared>> -> memref<10016x16xf32, #tpu.memory_space<vmem_shared>>
      tpu.wait_indirect_dma semaphore(%arg9 : memref<!tpu.dma_semaphore, #tpu.memory_space<semaphore_mem>>) src(%dma_wait3A_179 : memref<128x16xf32, #tpu.memory_space<vmem>>) dst(%dma_wait3A_185 : memref<10016x16xf32, #tpu.memory_space<vmem_shared>>)
      %dma_wait3A_186 = arith.constant 0 : i32
      %dma_wait3A_187 = arith.constant 0 : i32
      %dma_wait3A_188 = tpu.memref_slice %arg6[%add3A_62, %dma_wait3A_186, %dma_wait3A_187] : memref<40x128x16xf32, #tpu.memory_space<vmem>> -> memref<1x128x16xf32, #tpu.memory_space<vmem>>
      %dma_wait3A_189 = tpu.memref_squeeze %dma_wait3A_188 : memref<1x128x16xf32, #tpu.memory_space<vmem>> -> memref<128x16xf32, #tpu.memory_space<vmem>>
      %dma_wait3A_190 = arith.constant 0 : i32
      %dma_wait3A_191 = tpu.memref_slice %arg5[%add3A_66, %dma_wait3A_190] : memref<40x128xi32, #tpu.memory_space<vmem>> -> memref<1x128xi32, #tpu.memory_space<vmem>>
      %dma_wait3A_192 = tpu.memref_squeeze %dma_wait3A_191 : memref<1x128xi32, #tpu.memory_space<vmem>> -> memref<128xi32, #tpu.memory_space<vmem>>
      %dma_wait3A_193 = arith.constant 0 : i32
      %dma_wait3A_194 = arith.constant 0 : i32
      %dma_wait3A_195 = tpu.memref_slice %arg8[%dma_wait3A_193, %dma_wait3A_194] : memref<10016x16xf32, #tpu.memory_space<vmem_shared>> -> memref<10016x16xf32, #tpu.memory_space<vmem_shared>>
      tpu.wait_indirect_dma semaphore(%arg9 : memref<!tpu.dma_semaphore, #tpu.memory_space<semaphore_mem>>) src(%dma_wait3A_189 : memref<128x16xf32, #tpu.memory_space<vmem>>) dst(%dma_wait3A_195 : memref<10016x16xf32, #tpu.memory_space<vmem_shared>>)
      %dma_wait3A_196 = arith.constant 0 : i32
      %dma_wait3A_197 = arith.constant 0 : i32
      %dma_wait3A_198 = tpu.memref_slice %arg6[%add3A_80, %dma_wait3A_196, %dma_wait3A_197] : memref<40x128x16xf32, #tpu.memory_space<vmem>> -> memref<1x128x16xf32, #tpu.memory_space<vmem>>
      %dma_wait3A_199 = tpu.memref_squeeze %dma_wait3A_198 : memref<1x128x16xf32, #tpu.memory_space<vmem>> -> memref<128x16xf32, #tpu.memory_space<vmem>>
      %dma_wait3A_200 = arith.constant 0 : i32
      %dma_wait3A_201 = tpu.memref_slice %arg5[%add3A_84, %dma_wait3A_200] : memref<40x128xi32, #tpu.memory_space<vmem>> -> memref<1x128xi32, #tpu.memory_space<vmem>>
      %dma_wait3A_202 = tpu.memref_squeeze %dma_wait3A_201 : memref<1x128xi32, #tpu.memory_space<vmem>> -> memref<128xi32, #tpu.memory_space<vmem>>
      %dma_wait3A_203 = arith.constant 0 : i32
      %dma_wait3A_204 = arith.constant 0 : i32
      %dma_wait3A_205 = tpu.memref_slice %arg8[%dma_wait3A_203, %dma_wait3A_204] : memref<10016x16xf32, #tpu.memory_space<vmem_shared>> -> memref<10016x16xf32, #tpu.memory_space<vmem_shared>>
      tpu.wait_indirect_dma semaphore(%arg9 : memref<!tpu.dma_semaphore, #tpu.memory_space<semaphore_mem>>) src(%dma_wait3A_199 : memref<128x16xf32, #tpu.memory_space<vmem>>) dst(%dma_wait3A_205 : memref<10016x16xf32, #tpu.memory_space<vmem_shared>>)
      %dma_wait3A_206 = arith.constant 0 : i32
      %dma_wait3A_207 = arith.constant 0 : i32
      %dma_wait3A_208 = tpu.memref_slice %arg6[%add3A_98, %dma_wait3A_206, %dma_wait3A_207] : memref<40x128x16xf32, #tpu.memory_space<vmem>> -> memref<1x128x16xf32, #tpu.memory_space<vmem>>
      %dma_wait3A_209 = tpu.memref_squeeze %dma_wait3A_208 : memref<1x128x16xf32, #tpu.memory_space<vmem>> -> memref<128x16xf32, #tpu.memory_space<vmem>>
      %dma_wait3A_210 = arith.constant 0 : i32
      %dma_wait3A_211 = tpu.memref_slice %arg5[%add3A_102, %dma_wait3A_210] : memref<40x128xi32, #tpu.memory_space<vmem>> -> memref<1x128xi32, #tpu.memory_space<vmem>>
      %dma_wait3A_212 = tpu.memref_squeeze %dma_wait3A_211 : memref<1x128xi32, #tpu.memory_space<vmem>> -> memref<128xi32, #tpu.memory_space<vmem>>
      %dma_wait3A_213 = arith.constant 0 : i32
      %dma_wait3A_214 = arith.constant 0 : i32
      %dma_wait3A_215 = tpu.memref_slice %arg8[%dma_wait3A_213, %dma_wait3A_214] : memref<10016x16xf32, #tpu.memory_space<vmem_shared>> -> memref<10016x16xf32, #tpu.memory_space<vmem_shared>>
      tpu.wait_indirect_dma semaphore(%arg9 : memref<!tpu.dma_semaphore, #tpu.memory_space<semaphore_mem>>) src(%dma_wait3A_209 : memref<128x16xf32, #tpu.memory_space<vmem>>) dst(%dma_wait3A_215 : memref<10016x16xf32, #tpu.memory_space<vmem_shared>>)
      %dma_wait3A_216 = arith.constant 0 : i32
      %dma_wait3A_217 = arith.constant 0 : i32
      %dma_wait3A_218 = tpu.memref_slice %arg6[%add3A_116, %dma_wait3A_216, %dma_wait3A_217] : memref<40x128x16xf32, #tpu.memory_space<vmem>> -> memref<1x128x16xf32, #tpu.memory_space<vmem>>
      %dma_wait3A_219 = tpu.memref_squeeze %dma_wait3A_218 : memref<1x128x16xf32, #tpu.memory_space<vmem>> -> memref<128x16xf32, #tpu.memory_space<vmem>>
      %dma_wait3A_220 = arith.constant 0 : i32
      %dma_wait3A_221 = tpu.memref_slice %arg5[%add3A_120, %dma_wait3A_220] : memref<40x128xi32, #tpu.memory_space<vmem>> -> memref<1x128xi32, #tpu.memory_space<vmem>>
      %dma_wait3A_222 = tpu.memref_squeeze %dma_wait3A_221 : memref<1x128xi32, #tpu.memory_space<vmem>> -> memref<128xi32, #tpu.memory_space<vmem>>
      %dma_wait3A_223 = arith.constant 0 : i32
      %dma_wait3A_224 = arith.constant 0 : i32
      %dma_wait3A_225 = tpu.memref_slice %arg8[%dma_wait3A_223, %dma_wait3A_224] : memref<10016x16xf32, #tpu.memory_space<vmem_shared>> -> memref<10016x16xf32, #tpu.memory_space<vmem_shared>>
      tpu.wait_indirect_dma semaphore(%arg9 : memref<!tpu.dma_semaphore, #tpu.memory_space<semaphore_mem>>) src(%dma_wait3A_219 : memref<128x16xf32, #tpu.memory_space<vmem>>) dst(%dma_wait3A_225 : memref<10016x16xf32, #tpu.memory_space<vmem_shared>>)
      %dma_wait3A_226 = arith.constant 0 : i32
      %dma_wait3A_227 = arith.constant 0 : i32
      %dma_wait3A_228 = tpu.memref_slice %arg6[%add3A_134, %dma_wait3A_226, %dma_wait3A_227] : memref<40x128x16xf32, #tpu.memory_space<vmem>> -> memref<1x128x16xf32, #tpu.memory_space<vmem>>
      %dma_wait3A_229 = tpu.memref_squeeze %dma_wait3A_228 : memref<1x128x16xf32, #tpu.memory_space<vmem>> -> memref<128x16xf32, #tpu.memory_space<vmem>>
      %dma_wait3A_230 = arith.constant 0 : i32
      %dma_wait3A_231 = tpu.memref_slice %arg5[%add3A_138, %dma_wait3A_230] : memref<40x128xi32, #tpu.memory_space<vmem>> -> memref<1x128xi32, #tpu.memory_space<vmem>>
      %dma_wait3A_232 = tpu.memref_squeeze %dma_wait3A_231 : memref<1x128xi32, #tpu.memory_space<vmem>> -> memref<128xi32, #tpu.memory_space<vmem>>
      %dma_wait3A_233 = arith.constant 0 : i32
      %dma_wait3A_234 = arith.constant 0 : i32
      %dma_wait3A_235 = tpu.memref_slice %arg8[%dma_wait3A_233, %dma_wait3A_234] : memref<10016x16xf32, #tpu.memory_space<vmem_shared>> -> memref<10016x16xf32, #tpu.memory_space<vmem_shared>>
      tpu.wait_indirect_dma semaphore(%arg9 : memref<!tpu.dma_semaphore, #tpu.memory_space<semaphore_mem>>) src(%dma_wait3A_229 : memref<128x16xf32, #tpu.memory_space<vmem>>) dst(%dma_wait3A_235 : memref<10016x16xf32, #tpu.memory_space<vmem_shared>>)
      %dma_wait3A_236 = arith.constant 0 : i32
      %dma_wait3A_237 = arith.constant 0 : i32
      %dma_wait3A_238 = tpu.memref_slice %arg6[%add3A_152, %dma_wait3A_236, %dma_wait3A_237] : memref<40x128x16xf32, #tpu.memory_space<vmem>> -> memref<1x128x16xf32, #tpu.memory_space<vmem>>
      %dma_wait3A_239 = tpu.memref_squeeze %dma_wait3A_238 : memref<1x128x16xf32, #tpu.memory_space<vmem>> -> memref<128x16xf32, #tpu.memory_space<vmem>>
      %dma_wait3A_240 = arith.constant 0 : i32
      %dma_wait3A_241 = tpu.memref_slice %arg5[%add3A_156, %dma_wait3A_240] : memref<40x128xi32, #tpu.memory_space<vmem>> -> memref<1x128xi32, #tpu.memory_space<vmem>>
      %dma_wait3A_242 = tpu.memref_squeeze %dma_wait3A_241 : memref<1x128xi32, #tpu.memory_space<vmem>> -> memref<128xi32, #tpu.memory_space<vmem>>
      %dma_wait3A_243 = arith.constant 0 : i32
      %dma_wait3A_244 = arith.constant 0 : i32
      %dma_wait3A_245 = tpu.memref_slice %arg8[%dma_wait3A_243, %dma_wait3A_244] : memref<10016x16xf32, #tpu.memory_space<vmem_shared>> -> memref<10016x16xf32, #tpu.memory_space<vmem_shared>>
      tpu.wait_indirect_dma semaphore(%arg9 : memref<!tpu.dma_semaphore, #tpu.memory_space<semaphore_mem>>) src(%dma_wait3A_239 : memref<128x16xf32, #tpu.memory_space<vmem>>) dst(%dma_wait3A_245 : memref<10016x16xf32, #tpu.memory_space<vmem_shared>>)
    }
    %scan3A_13 = arith.constant 5 : i32
    %barrier3A_14 = arith.constant 0 : index
    tpu.barrier barrier_id(%barrier3A_14)
    %mul3A_15 = arith.constant 626 : i32
    %mul3A_16 = arith.muli %arg1, %mul3A_15 : i32
    %mul3A_17 = arith.constant 626 : i32
    %mul3A_18 = arith.muli %arg1, %mul3A_17 : i32
    "tpu.region"() ({
      %run_scoped3A = tpu.sem_alloc : memref<!tpu.dma_semaphore, #tpu.memory_space<semaphore_mem>>
      %dma_start3A = arith.constant 0 : i32
      %dma_start3A_19 = tpu.memref_slice %arg4[%arg0, %mul3A_18, %dma_start3A] : memref<2x10016x16xf32, #tpu.memory_space<hbm>> -> memref<1x626x16xf32, #tpu.memory_space<hbm>>
      %dma_start3A_20 = tpu.memref_squeeze %dma_start3A_19 : memref<1x626x16xf32, #tpu.memory_space<hbm>> -> memref<626x16xf32, #tpu.memory_space<hbm>>
      %dma_start3A_21 = arith.constant 0 : i32
      %dma_start3A_22 = tpu.memref_slice %arg8[%mul3A_16, %dma_start3A_21] : memref<10016x16xf32, #tpu.memory_space<vmem_shared>> -> memref<626x16xf32, #tpu.memory_space<vmem_shared>>
      tpu.enqueue_dma source(%dma_start3A_22 : memref<626x16xf32, #tpu.memory_space<vmem_shared>>) target(%dma_start3A_20 : memref<626x16xf32, #tpu.memory_space<hbm>>) target_semaphore(%run_scoped3A : memref<!tpu.dma_semaphore, #tpu.memory_space<semaphore_mem>>)
      %dma_wait3A = arith.constant 0 : i32
      %dma_wait3A_23 = tpu.memref_slice %arg4[%arg0, %mul3A_18, %dma_wait3A] : memref<2x10016x16xf32, #tpu.memory_space<hbm>> -> memref<1x626x16xf32, #tpu.memory_space<hbm>>
      %dma_wait3A_24 = tpu.memref_squeeze %dma_wait3A_23 : memref<1x626x16xf32, #tpu.memory_space<hbm>> -> memref<626x16xf32, #tpu.memory_space<hbm>>
      %dma_wait3A_25 = arith.constant 0 : i32
      %dma_wait3A_26 = tpu.memref_slice %arg8[%mul3A_16, %dma_wait3A_25] : memref<10016x16xf32, #tpu.memory_space<vmem_shared>> -> memref<626x16xf32, #tpu.memory_space<vmem_shared>>
      tpu.wait_dma2 semaphore(%run_scoped3A : memref<!tpu.dma_semaphore, #tpu.memory_space<semaphore_mem>>) src(%dma_wait3A_26 : memref<626x16xf32, #tpu.memory_space<vmem_shared>>) dst(%dma_wait3A_24 : memref<626x16xf32, #tpu.memory_space<hbm>>)
      tpu.yield
    }) : () -> ()
    return
  }
}

#map = affine_map<(d0, d1) -> (0, 0)>
module attributes {stable_mosaic.version = 14 : i64} {
  func.func @k(%arg0: i32, %arg1: i32, %arg2: memref<10000x16xf32, #tpu.memory_space<hbm>>, %arg3: memref<1280x128xi32, #tpu.memory_space<hbm>>, %arg4: memref<163840x16xf32, #tpu.memory_space<hbm>>, %arg5: memref<40x128xi32, #tpu.memory_space<vmem>>, %arg6: memref<5120x16xf32, #tpu.memory_space<vmem>>, %arg7: memref<!tpu.dma_semaphore, #tpu.memory_space<semaphore_mem>>) attributes {dimension_semantics = [#tpu.dimension_semantics<core_parallel>, #tpu.dimension_semantics<subcore_parallel>], iteration_bounds = array<i64: 2, 16>, scalar_prefetch = 0 : i64, scratch_operands = 3 : i64, tpu.core_type = #tpu.core_type<sc_vector_subcore>, window_params = [{transform_indices = #map}, {transform_indices = #map}, {transform_indices = #map}]} {
    %mul3A = arith.constant 2 : i32
    %mul3A_0 = arith.muli %arg1, %mul3A : i32
    %add3A = arith.addi %mul3A_0, %arg0 : i32
    %mul3A_1 = arith.constant 40 : i32
    %mul3A_2 = arith.muli %add3A, %mul3A_1 : i32
    "tpu.region"() ({
      %run_scoped3A = tpu.sem_alloc : memref<!tpu.dma_semaphore, #tpu.memory_space<semaphore_mem>>
      %dma_start3A = arith.constant 0 : i32
      %dma_start3A_9 = tpu.memref_slice %arg3[%mul3A_2, %dma_start3A] : memref<1280x128xi32, #tpu.memory_space<hbm>> -> memref<40x128xi32, #tpu.memory_space<hbm>>
      %dma_start3A_10 = arith.constant 0 : i32
      %dma_start3A_11 = tpu.memref_slice %arg3[%mul3A_2, %dma_start3A_10] : memref<1280x128xi32, #tpu.memory_space<hbm>> -> memref<40x128xi32, #tpu.memory_space<hbm>>
      tpu.enqueue_dma source(%dma_start3A_11 : memref<40x128xi32, #tpu.memory_space<hbm>>) target(%arg5 : memref<40x128xi32, #tpu.memory_space<vmem>>) target_semaphore(%run_scoped3A : memref<!tpu.dma_semaphore, #tpu.memory_space<semaphore_mem>>)
      %dma_wait3A = arith.constant 0 : i32
      %dma_wait3A_12 = tpu.memref_slice %arg3[%mul3A_2, %dma_wait3A] : memref<1280x128xi32, #tpu.memory_space<hbm>> -> memref<40x128xi32, #tpu.memory_space<hbm>>
      %dma_wait3A_13 = arith.constant 0 : i32
      %dma_wait3A_14 = tpu.memref_slice %arg3[%mul3A_2, %dma_wait3A_13] : memref<1280x128xi32, #tpu.memory_space<hbm>> -> memref<40x128xi32, #tpu.memory_space<hbm>>
      tpu.wait_dma2 semaphore(%run_scoped3A : memref<!tpu.dma_semaphore, #tpu.memory_space<semaphore_mem>>) src(%dma_wait3A_14 : memref<40x128xi32, #tpu.memory_space<hbm>>) dst(%arg5 : memref<40x128xi32, #tpu.memory_space<vmem>>)
      tpu.yield
    }) : () -> ()
    %scan3A = arith.constant 0 : i32
    %scan3A_3 = arith.constant 5 : i32
    %scan3A_4 = arith.addi %scan3A, %scan3A_3 : i32
    %scan3A_5 = arith.constant 1 : i32
    scf.for %scan3A_9 = %scan3A to %scan3A_4 step %scan3A_5  : i32 {
      %mul3A_10 = arith.constant 1 : i32
      %mul3A_11 = arith.muli %scan3A_9, %mul3A_10 : i32
      %add3A_12 = arith.constant 0 : i32
      %add3A_13 = arith.addi %add3A_12, %mul3A_11 : i32
      %mul3A_14 = arith.constant 8 : i32
      %mul3A_15 = arith.muli %add3A_13, %mul3A_14 : i32
      %add3A_16 = arith.constant 0 : i32
      %add3A_17 = arith.addi %mul3A_15, %add3A_16 : i32
      %mul3A_18 = arith.constant 8 : i32
      %mul3A_19 = arith.muli %add3A_13, %mul3A_18 : i32
      %add3A_20 = arith.constant 0 : i32
      %add3A_21 = arith.addi %mul3A_19, %add3A_20 : i32
      %mul3A_22 = arith.constant 128 : i32
      %mul3A_23 = arith.muli %add3A_21, %mul3A_22 : i32
      %dma_start3A = arith.constant 0 : i32
      %dma_start3A_24 = tpu.memref_slice %arg6[%mul3A_23, %dma_start3A] : memref<5120x16xf32, #tpu.memory_space<vmem>> -> memref<128x16xf32, #tpu.memory_space<vmem>>
      %dma_start3A_25 = arith.constant 0 : i32
      %dma_start3A_26 = tpu.memref_slice %arg5[%add3A_17, %dma_start3A_25] : memref<40x128xi32, #tpu.memory_space<vmem>> -> memref<1x128xi32, #tpu.memory_space<vmem>>
      %dma_start3A_27 = tpu.memref_squeeze %dma_start3A_26 : memref<1x128xi32, #tpu.memory_space<vmem>> -> memref<128xi32, #tpu.memory_space<vmem>>
      %dma_start3A_28 = arith.constant 0 : i32
      %dma_start3A_29 = arith.constant 0 : i32
      %dma_start3A_30 = tpu.memref_slice %arg2[%dma_start3A_28, %dma_start3A_29] : memref<10000x16xf32, #tpu.memory_space<hbm>> -> memref<10000x16xf32, #tpu.memory_space<hbm>>
      tpu.enqueue_indirect_dma source(%dma_start3A_30 : memref<10000x16xf32, #tpu.memory_space<hbm>>) target(%dma_start3A_24 : memref<128x16xf32, #tpu.memory_space<vmem>>) offsets(%dma_start3A_27 : memref<128xi32, #tpu.memory_space<vmem>>) semaphore(%arg7 : memref<!tpu.dma_semaphore, #tpu.memory_space<semaphore_mem>>)
      %mul3A_31 = arith.constant 8 : i32
      %mul3A_32 = arith.muli %add3A_13, %mul3A_31 : i32
      %add3A_33 = arith.constant 1 : i32
      %add3A_34 = arith.addi %mul3A_32, %add3A_33 : i32
      %mul3A_35 = arith.constant 8 : i32
      %mul3A_36 = arith.muli %add3A_13, %mul3A_35 : i32
      %add3A_37 = arith.constant 1 : i32
      %add3A_38 = arith.addi %mul3A_36, %add3A_37 : i32
      %mul3A_39 = arith.constant 128 : i32
      %mul3A_40 = arith.muli %add3A_38, %mul3A_39 : i32
      %dma_start3A_41 = arith.constant 0 : i32
      %dma_start3A_42 = tpu.memref_slice %arg6[%mul3A_40, %dma_start3A_41] : memref<5120x16xf32, #tpu.memory_space<vmem>> -> memref<128x16xf32, #tpu.memory_space<vmem>>
      %dma_start3A_43 = arith.constant 0 : i32
      %dma_start3A_44 = tpu.memref_slice %arg5[%add3A_34, %dma_start3A_43] : memref<40x128xi32, #tpu.memory_space<vmem>> -> memref<1x128xi32, #tpu.memory_space<vmem>>
      %dma_start3A_45 = tpu.memref_squeeze %dma_start3A_44 : memref<1x128xi32, #tpu.memory_space<vmem>> -> memref<128xi32, #tpu.memory_space<vmem>>
      %dma_start3A_46 = arith.constant 0 : i32
      %dma_start3A_47 = arith.constant 0 : i32
      %dma_start3A_48 = tpu.memref_slice %arg2[%dma_start3A_46, %dma_start3A_47] : memref<10000x16xf32, #tpu.memory_space<hbm>> -> memref<10000x16xf32, #tpu.memory_space<hbm>>
      tpu.enqueue_indirect_dma source(%dma_start3A_48 : memref<10000x16xf32, #tpu.memory_space<hbm>>) target(%dma_start3A_42 : memref<128x16xf32, #tpu.memory_space<vmem>>) offsets(%dma_start3A_45 : memref<128xi32, #tpu.memory_space<vmem>>) semaphore(%arg7 : memref<!tpu.dma_semaphore, #tpu.memory_space<semaphore_mem>>)
      %mul3A_49 = arith.constant 8 : i32
      %mul3A_50 = arith.muli %add3A_13, %mul3A_49 : i32
      %add3A_51 = arith.constant 2 : i32
      %add3A_52 = arith.addi %mul3A_50, %add3A_51 : i32
      %mul3A_53 = arith.constant 8 : i32
      %mul3A_54 = arith.muli %add3A_13, %mul3A_53 : i32
      %add3A_55 = arith.constant 2 : i32
      %add3A_56 = arith.addi %mul3A_54, %add3A_55 : i32
      %mul3A_57 = arith.constant 128 : i32
      %mul3A_58 = arith.muli %add3A_56, %mul3A_57 : i32
      %dma_start3A_59 = arith.constant 0 : i32
      %dma_start3A_60 = tpu.memref_slice %arg6[%mul3A_58, %dma_start3A_59] : memref<5120x16xf32, #tpu.memory_space<vmem>> -> memref<128x16xf32, #tpu.memory_space<vmem>>
      %dma_start3A_61 = arith.constant 0 : i32
      %dma_start3A_62 = tpu.memref_slice %arg5[%add3A_52, %dma_start3A_61] : memref<40x128xi32, #tpu.memory_space<vmem>> -> memref<1x128xi32, #tpu.memory_space<vmem>>
      %dma_start3A_63 = tpu.memref_squeeze %dma_start3A_62 : memref<1x128xi32, #tpu.memory_space<vmem>> -> memref<128xi32, #tpu.memory_space<vmem>>
      %dma_start3A_64 = arith.constant 0 : i32
      %dma_start3A_65 = arith.constant 0 : i32
      %dma_start3A_66 = tpu.memref_slice %arg2[%dma_start3A_64, %dma_start3A_65] : memref<10000x16xf32, #tpu.memory_space<hbm>> -> memref<10000x16xf32, #tpu.memory_space<hbm>>
      tpu.enqueue_indirect_dma source(%dma_start3A_66 : memref<10000x16xf32, #tpu.memory_space<hbm>>) target(%dma_start3A_60 : memref<128x16xf32, #tpu.memory_space<vmem>>) offsets(%dma_start3A_63 : memref<128xi32, #tpu.memory_space<vmem>>) semaphore(%arg7 : memref<!tpu.dma_semaphore, #tpu.memory_space<semaphore_mem>>)
      %mul3A_67 = arith.constant 8 : i32
      %mul3A_68 = arith.muli %add3A_13, %mul3A_67 : i32
      %add3A_69 = arith.constant 3 : i32
      %add3A_70 = arith.addi %mul3A_68, %add3A_69 : i32
      %mul3A_71 = arith.constant 8 : i32
      %mul3A_72 = arith.muli %add3A_13, %mul3A_71 : i32
      %add3A_73 = arith.constant 3 : i32
      %add3A_74 = arith.addi %mul3A_72, %add3A_73 : i32
      %mul3A_75 = arith.constant 128 : i32
      %mul3A_76 = arith.muli %add3A_74, %mul3A_75 : i32
      %dma_start3A_77 = arith.constant 0 : i32
      %dma_start3A_78 = tpu.memref_slice %arg6[%mul3A_76, %dma_start3A_77] : memref<5120x16xf32, #tpu.memory_space<vmem>> -> memref<128x16xf32, #tpu.memory_space<vmem>>
      %dma_start3A_79 = arith.constant 0 : i32
      %dma_start3A_80 = tpu.memref_slice %arg5[%add3A_70, %dma_start3A_79] : memref<40x128xi32, #tpu.memory_space<vmem>> -> memref<1x128xi32, #tpu.memory_space<vmem>>
      %dma_start3A_81 = tpu.memref_squeeze %dma_start3A_80 : memref<1x128xi32, #tpu.memory_space<vmem>> -> memref<128xi32, #tpu.memory_space<vmem>>
      %dma_start3A_82 = arith.constant 0 : i32
      %dma_start3A_83 = arith.constant 0 : i32
      %dma_start3A_84 = tpu.memref_slice %arg2[%dma_start3A_82, %dma_start3A_83] : memref<10000x16xf32, #tpu.memory_space<hbm>> -> memref<10000x16xf32, #tpu.memory_space<hbm>>
      tpu.enqueue_indirect_dma source(%dma_start3A_84 : memref<10000x16xf32, #tpu.memory_space<hbm>>) target(%dma_start3A_78 : memref<128x16xf32, #tpu.memory_space<vmem>>) offsets(%dma_start3A_81 : memref<128xi32, #tpu.memory_space<vmem>>) semaphore(%arg7 : memref<!tpu.dma_semaphore, #tpu.memory_space<semaphore_mem>>)
      %mul3A_85 = arith.constant 8 : i32
      %mul3A_86 = arith.muli %add3A_13, %mul3A_85 : i32
      %add3A_87 = arith.constant 4 : i32
      %add3A_88 = arith.addi %mul3A_86, %add3A_87 : i32
      %mul3A_89 = arith.constant 8 : i32
      %mul3A_90 = arith.muli %add3A_13, %mul3A_89 : i32
      %add3A_91 = arith.constant 4 : i32
      %add3A_92 = arith.addi %mul3A_90, %add3A_91 : i32
      %mul3A_93 = arith.constant 128 : i32
      %mul3A_94 = arith.muli %add3A_92, %mul3A_93 : i32
      %dma_start3A_95 = arith.constant 0 : i32
      %dma_start3A_96 = tpu.memref_slice %arg6[%mul3A_94, %dma_start3A_95] : memref<5120x16xf32, #tpu.memory_space<vmem>> -> memref<128x16xf32, #tpu.memory_space<vmem>>
      %dma_start3A_97 = arith.constant 0 : i32
      %dma_start3A_98 = tpu.memref_slice %arg5[%add3A_88, %dma_start3A_97] : memref<40x128xi32, #tpu.memory_space<vmem>> -> memref<1x128xi32, #tpu.memory_space<vmem>>
      %dma_start3A_99 = tpu.memref_squeeze %dma_start3A_98 : memref<1x128xi32, #tpu.memory_space<vmem>> -> memref<128xi32, #tpu.memory_space<vmem>>
      %dma_start3A_100 = arith.constant 0 : i32
      %dma_start3A_101 = arith.constant 0 : i32
      %dma_start3A_102 = tpu.memref_slice %arg2[%dma_start3A_100, %dma_start3A_101] : memref<10000x16xf32, #tpu.memory_space<hbm>> -> memref<10000x16xf32, #tpu.memory_space<hbm>>
      tpu.enqueue_indirect_dma source(%dma_start3A_102 : memref<10000x16xf32, #tpu.memory_space<hbm>>) target(%dma_start3A_96 : memref<128x16xf32, #tpu.memory_space<vmem>>) offsets(%dma_start3A_99 : memref<128xi32, #tpu.memory_space<vmem>>) semaphore(%arg7 : memref<!tpu.dma_semaphore, #tpu.memory_space<semaphore_mem>>)
      %mul3A_103 = arith.constant 8 : i32
      %mul3A_104 = arith.muli %add3A_13, %mul3A_103 : i32
      %add3A_105 = arith.constant 5 : i32
      %add3A_106 = arith.addi %mul3A_104, %add3A_105 : i32
      %mul3A_107 = arith.constant 8 : i32
      %mul3A_108 = arith.muli %add3A_13, %mul3A_107 : i32
      %add3A_109 = arith.constant 5 : i32
      %add3A_110 = arith.addi %mul3A_108, %add3A_109 : i32
      %mul3A_111 = arith.constant 128 : i32
      %mul3A_112 = arith.muli %add3A_110, %mul3A_111 : i32
      %dma_start3A_113 = arith.constant 0 : i32
      %dma_start3A_114 = tpu.memref_slice %arg6[%mul3A_112, %dma_start3A_113] : memref<5120x16xf32, #tpu.memory_space<vmem>> -> memref<128x16xf32, #tpu.memory_space<vmem>>
      %dma_start3A_115 = arith.constant 0 : i32
      %dma_start3A_116 = tpu.memref_slice %arg5[%add3A_106, %dma_start3A_115] : memref<40x128xi32, #tpu.memory_space<vmem>> -> memref<1x128xi32, #tpu.memory_space<vmem>>
      %dma_start3A_117 = tpu.memref_squeeze %dma_start3A_116 : memref<1x128xi32, #tpu.memory_space<vmem>> -> memref<128xi32, #tpu.memory_space<vmem>>
      %dma_start3A_118 = arith.constant 0 : i32
      %dma_start3A_119 = arith.constant 0 : i32
      %dma_start3A_120 = tpu.memref_slice %arg2[%dma_start3A_118, %dma_start3A_119] : memref<10000x16xf32, #tpu.memory_space<hbm>> -> memref<10000x16xf32, #tpu.memory_space<hbm>>
      tpu.enqueue_indirect_dma source(%dma_start3A_120 : memref<10000x16xf32, #tpu.memory_space<hbm>>) target(%dma_start3A_114 : memref<128x16xf32, #tpu.memory_space<vmem>>) offsets(%dma_start3A_117 : memref<128xi32, #tpu.memory_space<vmem>>) semaphore(%arg7 : memref<!tpu.dma_semaphore, #tpu.memory_space<semaphore_mem>>)
      %mul3A_121 = arith.constant 8 : i32
      %mul3A_122 = arith.muli %add3A_13, %mul3A_121 : i32
      %add3A_123 = arith.constant 6 : i32
      %add3A_124 = arith.addi %mul3A_122, %add3A_123 : i32
      %mul3A_125 = arith.constant 8 : i32
      %mul3A_126 = arith.muli %add3A_13, %mul3A_125 : i32
      %add3A_127 = arith.constant 6 : i32
      %add3A_128 = arith.addi %mul3A_126, %add3A_127 : i32
      %mul3A_129 = arith.constant 128 : i32
      %mul3A_130 = arith.muli %add3A_128, %mul3A_129 : i32
      %dma_start3A_131 = arith.constant 0 : i32
      %dma_start3A_132 = tpu.memref_slice %arg6[%mul3A_130, %dma_start3A_131] : memref<5120x16xf32, #tpu.memory_space<vmem>> -> memref<128x16xf32, #tpu.memory_space<vmem>>
      %dma_start3A_133 = arith.constant 0 : i32
      %dma_start3A_134 = tpu.memref_slice %arg5[%add3A_124, %dma_start3A_133] : memref<40x128xi32, #tpu.memory_space<vmem>> -> memref<1x128xi32, #tpu.memory_space<vmem>>
      %dma_start3A_135 = tpu.memref_squeeze %dma_start3A_134 : memref<1x128xi32, #tpu.memory_space<vmem>> -> memref<128xi32, #tpu.memory_space<vmem>>
      %dma_start3A_136 = arith.constant 0 : i32
      %dma_start3A_137 = arith.constant 0 : i32
      %dma_start3A_138 = tpu.memref_slice %arg2[%dma_start3A_136, %dma_start3A_137] : memref<10000x16xf32, #tpu.memory_space<hbm>> -> memref<10000x16xf32, #tpu.memory_space<hbm>>
      tpu.enqueue_indirect_dma source(%dma_start3A_138 : memref<10000x16xf32, #tpu.memory_space<hbm>>) target(%dma_start3A_132 : memref<128x16xf32, #tpu.memory_space<vmem>>) offsets(%dma_start3A_135 : memref<128xi32, #tpu.memory_space<vmem>>) semaphore(%arg7 : memref<!tpu.dma_semaphore, #tpu.memory_space<semaphore_mem>>)
      %mul3A_139 = arith.constant 8 : i32
      %mul3A_140 = arith.muli %add3A_13, %mul3A_139 : i32
      %add3A_141 = arith.constant 7 : i32
      %add3A_142 = arith.addi %mul3A_140, %add3A_141 : i32
      %mul3A_143 = arith.constant 8 : i32
      %mul3A_144 = arith.muli %add3A_13, %mul3A_143 : i32
      %add3A_145 = arith.constant 7 : i32
      %add3A_146 = arith.addi %mul3A_144, %add3A_145 : i32
      %mul3A_147 = arith.constant 128 : i32
      %mul3A_148 = arith.muli %add3A_146, %mul3A_147 : i32
      %dma_start3A_149 = arith.constant 0 : i32
      %dma_start3A_150 = tpu.memref_slice %arg6[%mul3A_148, %dma_start3A_149] : memref<5120x16xf32, #tpu.memory_space<vmem>> -> memref<128x16xf32, #tpu.memory_space<vmem>>
      %dma_start3A_151 = arith.constant 0 : i32
      %dma_start3A_152 = tpu.memref_slice %arg5[%add3A_142, %dma_start3A_151] : memref<40x128xi32, #tpu.memory_space<vmem>> -> memref<1x128xi32, #tpu.memory_space<vmem>>
      %dma_start3A_153 = tpu.memref_squeeze %dma_start3A_152 : memref<1x128xi32, #tpu.memory_space<vmem>> -> memref<128xi32, #tpu.memory_space<vmem>>
      %dma_start3A_154 = arith.constant 0 : i32
      %dma_start3A_155 = arith.constant 0 : i32
      %dma_start3A_156 = tpu.memref_slice %arg2[%dma_start3A_154, %dma_start3A_155] : memref<10000x16xf32, #tpu.memory_space<hbm>> -> memref<10000x16xf32, #tpu.memory_space<hbm>>
      tpu.enqueue_indirect_dma source(%dma_start3A_156 : memref<10000x16xf32, #tpu.memory_space<hbm>>) target(%dma_start3A_150 : memref<128x16xf32, #tpu.memory_space<vmem>>) offsets(%dma_start3A_153 : memref<128xi32, #tpu.memory_space<vmem>>) semaphore(%arg7 : memref<!tpu.dma_semaphore, #tpu.memory_space<semaphore_mem>>)
      %dma_wait3A = arith.constant 0 : i32
      %dma_wait3A_157 = tpu.memref_slice %arg6[%mul3A_23, %dma_wait3A] : memref<5120x16xf32, #tpu.memory_space<vmem>> -> memref<128x16xf32, #tpu.memory_space<vmem>>
      %dma_wait3A_158 = arith.constant 0 : i32
      %dma_wait3A_159 = tpu.memref_slice %arg5[%add3A_17, %dma_wait3A_158] : memref<40x128xi32, #tpu.memory_space<vmem>> -> memref<1x128xi32, #tpu.memory_space<vmem>>
      %dma_wait3A_160 = tpu.memref_squeeze %dma_wait3A_159 : memref<1x128xi32, #tpu.memory_space<vmem>> -> memref<128xi32, #tpu.memory_space<vmem>>
      %dma_wait3A_161 = arith.constant 0 : i32
      %dma_wait3A_162 = arith.constant 0 : i32
      %dma_wait3A_163 = tpu.memref_slice %arg2[%dma_wait3A_161, %dma_wait3A_162] : memref<10000x16xf32, #tpu.memory_space<hbm>> -> memref<10000x16xf32, #tpu.memory_space<hbm>>
      tpu.wait_indirect_dma semaphore(%arg7 : memref<!tpu.dma_semaphore, #tpu.memory_space<semaphore_mem>>) src(%dma_wait3A_163 : memref<10000x16xf32, #tpu.memory_space<hbm>>) dst(%dma_wait3A_157 : memref<128x16xf32, #tpu.memory_space<vmem>>)
      %dma_wait3A_164 = arith.constant 0 : i32
      %dma_wait3A_165 = tpu.memref_slice %arg6[%mul3A_40, %dma_wait3A_164] : memref<5120x16xf32, #tpu.memory_space<vmem>> -> memref<128x16xf32, #tpu.memory_space<vmem>>
      %dma_wait3A_166 = arith.constant 0 : i32
      %dma_wait3A_167 = tpu.memref_slice %arg5[%add3A_34, %dma_wait3A_166] : memref<40x128xi32, #tpu.memory_space<vmem>> -> memref<1x128xi32, #tpu.memory_space<vmem>>
      %dma_wait3A_168 = tpu.memref_squeeze %dma_wait3A_167 : memref<1x128xi32, #tpu.memory_space<vmem>> -> memref<128xi32, #tpu.memory_space<vmem>>
      %dma_wait3A_169 = arith.constant 0 : i32
      %dma_wait3A_170 = arith.constant 0 : i32
      %dma_wait3A_171 = tpu.memref_slice %arg2[%dma_wait3A_169, %dma_wait3A_170] : memref<10000x16xf32, #tpu.memory_space<hbm>> -> memref<10000x16xf32, #tpu.memory_space<hbm>>
      tpu.wait_indirect_dma semaphore(%arg7 : memref<!tpu.dma_semaphore, #tpu.memory_space<semaphore_mem>>) src(%dma_wait3A_171 : memref<10000x16xf32, #tpu.memory_space<hbm>>) dst(%dma_wait3A_165 : memref<128x16xf32, #tpu.memory_space<vmem>>)
      %dma_wait3A_172 = arith.constant 0 : i32
      %dma_wait3A_173 = tpu.memref_slice %arg6[%mul3A_58, %dma_wait3A_172] : memref<5120x16xf32, #tpu.memory_space<vmem>> -> memref<128x16xf32, #tpu.memory_space<vmem>>
      %dma_wait3A_174 = arith.constant 0 : i32
      %dma_wait3A_175 = tpu.memref_slice %arg5[%add3A_52, %dma_wait3A_174] : memref<40x128xi32, #tpu.memory_space<vmem>> -> memref<1x128xi32, #tpu.memory_space<vmem>>
      %dma_wait3A_176 = tpu.memref_squeeze %dma_wait3A_175 : memref<1x128xi32, #tpu.memory_space<vmem>> -> memref<128xi32, #tpu.memory_space<vmem>>
      %dma_wait3A_177 = arith.constant 0 : i32
      %dma_wait3A_178 = arith.constant 0 : i32
      %dma_wait3A_179 = tpu.memref_slice %arg2[%dma_wait3A_177, %dma_wait3A_178] : memref<10000x16xf32, #tpu.memory_space<hbm>> -> memref<10000x16xf32, #tpu.memory_space<hbm>>
      tpu.wait_indirect_dma semaphore(%arg7 : memref<!tpu.dma_semaphore, #tpu.memory_space<semaphore_mem>>) src(%dma_wait3A_179 : memref<10000x16xf32, #tpu.memory_space<hbm>>) dst(%dma_wait3A_173 : memref<128x16xf32, #tpu.memory_space<vmem>>)
      %dma_wait3A_180 = arith.constant 0 : i32
      %dma_wait3A_181 = tpu.memref_slice %arg6[%mul3A_76, %dma_wait3A_180] : memref<5120x16xf32, #tpu.memory_space<vmem>> -> memref<128x16xf32, #tpu.memory_space<vmem>>
      %dma_wait3A_182 = arith.constant 0 : i32
      %dma_wait3A_183 = tpu.memref_slice %arg5[%add3A_70, %dma_wait3A_182] : memref<40x128xi32, #tpu.memory_space<vmem>> -> memref<1x128xi32, #tpu.memory_space<vmem>>
      %dma_wait3A_184 = tpu.memref_squeeze %dma_wait3A_183 : memref<1x128xi32, #tpu.memory_space<vmem>> -> memref<128xi32, #tpu.memory_space<vmem>>
      %dma_wait3A_185 = arith.constant 0 : i32
      %dma_wait3A_186 = arith.constant 0 : i32
      %dma_wait3A_187 = tpu.memref_slice %arg2[%dma_wait3A_185, %dma_wait3A_186] : memref<10000x16xf32, #tpu.memory_space<hbm>> -> memref<10000x16xf32, #tpu.memory_space<hbm>>
      tpu.wait_indirect_dma semaphore(%arg7 : memref<!tpu.dma_semaphore, #tpu.memory_space<semaphore_mem>>) src(%dma_wait3A_187 : memref<10000x16xf32, #tpu.memory_space<hbm>>) dst(%dma_wait3A_181 : memref<128x16xf32, #tpu.memory_space<vmem>>)
      %dma_wait3A_188 = arith.constant 0 : i32
      %dma_wait3A_189 = tpu.memref_slice %arg6[%mul3A_94, %dma_wait3A_188] : memref<5120x16xf32, #tpu.memory_space<vmem>> -> memref<128x16xf32, #tpu.memory_space<vmem>>
      %dma_wait3A_190 = arith.constant 0 : i32
      %dma_wait3A_191 = tpu.memref_slice %arg5[%add3A_88, %dma_wait3A_190] : memref<40x128xi32, #tpu.memory_space<vmem>> -> memref<1x128xi32, #tpu.memory_space<vmem>>
      %dma_wait3A_192 = tpu.memref_squeeze %dma_wait3A_191 : memref<1x128xi32, #tpu.memory_space<vmem>> -> memref<128xi32, #tpu.memory_space<vmem>>
      %dma_wait3A_193 = arith.constant 0 : i32
      %dma_wait3A_194 = arith.constant 0 : i32
      %dma_wait3A_195 = tpu.memref_slice %arg2[%dma_wait3A_193, %dma_wait3A_194] : memref<10000x16xf32, #tpu.memory_space<hbm>> -> memref<10000x16xf32, #tpu.memory_space<hbm>>
      tpu.wait_indirect_dma semaphore(%arg7 : memref<!tpu.dma_semaphore, #tpu.memory_space<semaphore_mem>>) src(%dma_wait3A_195 : memref<10000x16xf32, #tpu.memory_space<hbm>>) dst(%dma_wait3A_189 : memref<128x16xf32, #tpu.memory_space<vmem>>)
      %dma_wait3A_196 = arith.constant 0 : i32
      %dma_wait3A_197 = tpu.memref_slice %arg6[%mul3A_112, %dma_wait3A_196] : memref<5120x16xf32, #tpu.memory_space<vmem>> -> memref<128x16xf32, #tpu.memory_space<vmem>>
      %dma_wait3A_198 = arith.constant 0 : i32
      %dma_wait3A_199 = tpu.memref_slice %arg5[%add3A_106, %dma_wait3A_198] : memref<40x128xi32, #tpu.memory_space<vmem>> -> memref<1x128xi32, #tpu.memory_space<vmem>>
      %dma_wait3A_200 = tpu.memref_squeeze %dma_wait3A_199 : memref<1x128xi32, #tpu.memory_space<vmem>> -> memref<128xi32, #tpu.memory_space<vmem>>
      %dma_wait3A_201 = arith.constant 0 : i32
      %dma_wait3A_202 = arith.constant 0 : i32
      %dma_wait3A_203 = tpu.memref_slice %arg2[%dma_wait3A_201, %dma_wait3A_202] : memref<10000x16xf32, #tpu.memory_space<hbm>> -> memref<10000x16xf32, #tpu.memory_space<hbm>>
      tpu.wait_indirect_dma semaphore(%arg7 : memref<!tpu.dma_semaphore, #tpu.memory_space<semaphore_mem>>) src(%dma_wait3A_203 : memref<10000x16xf32, #tpu.memory_space<hbm>>) dst(%dma_wait3A_197 : memref<128x16xf32, #tpu.memory_space<vmem>>)
      %dma_wait3A_204 = arith.constant 0 : i32
      %dma_wait3A_205 = tpu.memref_slice %arg6[%mul3A_130, %dma_wait3A_204] : memref<5120x16xf32, #tpu.memory_space<vmem>> -> memref<128x16xf32, #tpu.memory_space<vmem>>
      %dma_wait3A_206 = arith.constant 0 : i32
      %dma_wait3A_207 = tpu.memref_slice %arg5[%add3A_124, %dma_wait3A_206] : memref<40x128xi32, #tpu.memory_space<vmem>> -> memref<1x128xi32, #tpu.memory_space<vmem>>
      %dma_wait3A_208 = tpu.memref_squeeze %dma_wait3A_207 : memref<1x128xi32, #tpu.memory_space<vmem>> -> memref<128xi32, #tpu.memory_space<vmem>>
      %dma_wait3A_209 = arith.constant 0 : i32
      %dma_wait3A_210 = arith.constant 0 : i32
      %dma_wait3A_211 = tpu.memref_slice %arg2[%dma_wait3A_209, %dma_wait3A_210] : memref<10000x16xf32, #tpu.memory_space<hbm>> -> memref<10000x16xf32, #tpu.memory_space<hbm>>
      tpu.wait_indirect_dma semaphore(%arg7 : memref<!tpu.dma_semaphore, #tpu.memory_space<semaphore_mem>>) src(%dma_wait3A_211 : memref<10000x16xf32, #tpu.memory_space<hbm>>) dst(%dma_wait3A_205 : memref<128x16xf32, #tpu.memory_space<vmem>>)
      %dma_wait3A_212 = arith.constant 0 : i32
      %dma_wait3A_213 = tpu.memref_slice %arg6[%mul3A_148, %dma_wait3A_212] : memref<5120x16xf32, #tpu.memory_space<vmem>> -> memref<128x16xf32, #tpu.memory_space<vmem>>
      %dma_wait3A_214 = arith.constant 0 : i32
      %dma_wait3A_215 = tpu.memref_slice %arg5[%add3A_142, %dma_wait3A_214] : memref<40x128xi32, #tpu.memory_space<vmem>> -> memref<1x128xi32, #tpu.memory_space<vmem>>
      %dma_wait3A_216 = tpu.memref_squeeze %dma_wait3A_215 : memref<1x128xi32, #tpu.memory_space<vmem>> -> memref<128xi32, #tpu.memory_space<vmem>>
      %dma_wait3A_217 = arith.constant 0 : i32
      %dma_wait3A_218 = arith.constant 0 : i32
      %dma_wait3A_219 = tpu.memref_slice %arg2[%dma_wait3A_217, %dma_wait3A_218] : memref<10000x16xf32, #tpu.memory_space<hbm>> -> memref<10000x16xf32, #tpu.memory_space<hbm>>
      tpu.wait_indirect_dma semaphore(%arg7 : memref<!tpu.dma_semaphore, #tpu.memory_space<semaphore_mem>>) src(%dma_wait3A_219 : memref<10000x16xf32, #tpu.memory_space<hbm>>) dst(%dma_wait3A_213 : memref<128x16xf32, #tpu.memory_space<vmem>>)
    }
    %scan3A_6 = arith.constant 5 : i32
    %mul3A_7 = arith.constant 128 : i32
    %mul3A_8 = arith.muli %mul3A_2, %mul3A_7 : i32
    "tpu.region"() ({
      %run_scoped3A = tpu.sem_alloc : memref<!tpu.dma_semaphore, #tpu.memory_space<semaphore_mem>>
      %dma_start3A = arith.constant 0 : i32
      %dma_start3A_9 = tpu.memref_slice %arg4[%mul3A_8, %dma_start3A] : memref<163840x16xf32, #tpu.memory_space<hbm>> -> memref<5120x16xf32, #tpu.memory_space<hbm>>
      %dma_start3A_10 = arith.constant 0 : i32
      %dma_start3A_11 = tpu.memref_slice %arg4[%mul3A_8, %dma_start3A_10] : memref<163840x16xf32, #tpu.memory_space<hbm>> -> memref<5120x16xf32, #tpu.memory_space<hbm>>
      tpu.enqueue_dma source(%arg6 : memref<5120x16xf32, #tpu.memory_space<vmem>>) target(%dma_start3A_11 : memref<5120x16xf32, #tpu.memory_space<hbm>>) target_semaphore(%run_scoped3A : memref<!tpu.dma_semaphore, #tpu.memory_space<semaphore_mem>>)
      %dma_wait3A = arith.constant 0 : i32
      %dma_wait3A_12 = tpu.memref_slice %arg4[%mul3A_8, %dma_wait3A] : memref<163840x16xf32, #tpu.memory_space<hbm>> -> memref<5120x16xf32, #tpu.memory_space<hbm>>
      %dma_wait3A_13 = arith.constant 0 : i32
      %dma_wait3A_14 = tpu.memref_slice %arg4[%mul3A_8, %dma_wait3A_13] : memref<163840x16xf32, #tpu.memory_space<hbm>> -> memref<5120x16xf32, #tpu.memory_space<hbm>>
      tpu.wait_dma2 semaphore(%run_scoped3A : memref<!tpu.dma_semaphore, #tpu.memory_space<semaphore_mem>>) src(%arg6 : memref<5120x16xf32, #tpu.memory_space<vmem>>) dst(%dma_wait3A_14 : memref<5120x16xf32, #tpu.memory_space<hbm>>)
      tpu.yield
    }) : () -> ()
    return
  }
}

#map = affine_map<(d0, d1) -> (0, 0)>
module attributes {stable_mosaic.version = 14 : i64} {
  func.func @k(%arg0: i32, %arg1: i32, %arg2: memref<10000x16xf32, #tpu.memory_space<hbm>>, %arg3: memref<1280x128xi32, #tpu.memory_space<hbm>>, %arg4: memref<163840x16xf32, #tpu.memory_space<hbm>>, %arg5: memref<40x128xi32, #tpu.memory_space<vmem>>, %arg6: memref<5120x16xf32, #tpu.memory_space<vmem>>, %arg7: memref<!tpu.dma_semaphore, #tpu.memory_space<semaphore_mem>>) attributes {dimension_semantics = [#tpu.dimension_semantics<core_parallel>, #tpu.dimension_semantics<subcore_parallel>], iteration_bounds = array<i64: 2, 16>, scalar_prefetch = 0 : i64, scratch_operands = 3 : i64, tpu.core_type = #tpu.core_type<sc_vector_subcore>, window_params = [{transform_indices = #map}, {transform_indices = #map}, {transform_indices = #map}]} {
    %mul3A = arith.constant 2 : i32
    %mul3A_0 = arith.muli %arg1, %mul3A : i32
    %add3A = arith.addi %mul3A_0, %arg0 : i32
    %mul3A_1 = arith.constant 40 : i32
    %mul3A_2 = arith.muli %add3A, %mul3A_1 : i32
    "tpu.region"() ({
      %run_scoped3A = tpu.sem_alloc : memref<!tpu.dma_semaphore, #tpu.memory_space<semaphore_mem>>
      %dma_start3A = arith.constant 0 : i32
      %dma_start3A_9 = tpu.memref_slice %arg3[%mul3A_2, %dma_start3A] : memref<1280x128xi32, #tpu.memory_space<hbm>> -> memref<40x128xi32, #tpu.memory_space<hbm>>
      %dma_start3A_10 = arith.constant 0 : i32
      %dma_start3A_11 = tpu.memref_slice %arg3[%mul3A_2, %dma_start3A_10] : memref<1280x128xi32, #tpu.memory_space<hbm>> -> memref<40x128xi32, #tpu.memory_space<hbm>>
      tpu.enqueue_dma source(%dma_start3A_11 : memref<40x128xi32, #tpu.memory_space<hbm>>) target(%arg5 : memref<40x128xi32, #tpu.memory_space<vmem>>) target_semaphore(%run_scoped3A : memref<!tpu.dma_semaphore, #tpu.memory_space<semaphore_mem>>)
      %dma_wait3A = arith.constant 0 : i32
      %dma_wait3A_12 = tpu.memref_slice %arg3[%mul3A_2, %dma_wait3A] : memref<1280x128xi32, #tpu.memory_space<hbm>> -> memref<40x128xi32, #tpu.memory_space<hbm>>
      %dma_wait3A_13 = arith.constant 0 : i32
      %dma_wait3A_14 = tpu.memref_slice %arg3[%mul3A_2, %dma_wait3A_13] : memref<1280x128xi32, #tpu.memory_space<hbm>> -> memref<40x128xi32, #tpu.memory_space<hbm>>
      tpu.wait_dma2 semaphore(%run_scoped3A : memref<!tpu.dma_semaphore, #tpu.memory_space<semaphore_mem>>) src(%dma_wait3A_14 : memref<40x128xi32, #tpu.memory_space<hbm>>) dst(%arg5 : memref<40x128xi32, #tpu.memory_space<vmem>>)
      tpu.yield
    }) : () -> ()
    %scan3A = arith.constant 0 : i32
    %scan3A_3 = arith.constant 5 : i32
    %scan3A_4 = arith.addi %scan3A, %scan3A_3 : i32
    %scan3A_5 = arith.constant 1 : i32
    scf.for %scan3A_9 = %scan3A to %scan3A_4 step %scan3A_5  : i32 {
      %mul3A_10 = arith.constant 1 : i32
      %mul3A_11 = arith.muli %scan3A_9, %mul3A_10 : i32
      %add3A_12 = arith.constant 0 : i32
      %add3A_13 = arith.addi %add3A_12, %mul3A_11 : i32
      %mul3A_14 = arith.constant 8 : i32
      %mul3A_15 = arith.muli %add3A_13, %mul3A_14 : i32
      %add3A_16 = arith.constant 0 : i32
      %add3A_17 = arith.addi %mul3A_15, %add3A_16 : i32
      %mul3A_18 = arith.constant 8 : i32
      %mul3A_19 = arith.muli %add3A_13, %mul3A_18 : i32
      %add3A_20 = arith.constant 0 : i32
      %add3A_21 = arith.addi %mul3A_19, %add3A_20 : i32
      %mul3A_22 = arith.constant 128 : i32
      %mul3A_23 = arith.muli %add3A_21, %mul3A_22 : i32
      %dma_start3A = arith.constant 0 : i32
      %dma_start3A_24 = tpu.memref_slice %arg6[%mul3A_23, %dma_start3A] : memref<5120x16xf32, #tpu.memory_space<vmem>> -> memref<128x16xf32, #tpu.memory_space<vmem>>
      %dma_start3A_25 = arith.constant 0 : i32
      %dma_start3A_26 = tpu.memref_slice %arg5[%add3A_17, %dma_start3A_25] : memref<40x128xi32, #tpu.memory_space<vmem>> -> memref<1x128xi32, #tpu.memory_space<vmem>>
      %dma_start3A_27 = tpu.memref_squeeze %dma_start3A_26 : memref<1x128xi32, #tpu.memory_space<vmem>> -> memref<128xi32, #tpu.memory_space<vmem>>
      %dma_start3A_28 = arith.constant 0 : i32
      %dma_start3A_29 = arith.constant 0 : i32
      %dma_start3A_30 = tpu.memref_slice %arg2[%dma_start3A_28, %dma_start3A_29] : memref<10000x16xf32, #tpu.memory_space<hbm>> -> memref<10000x16xf32, #tpu.memory_space<hbm>>
      tpu.enqueue_indirect_dma source(%dma_start3A_30 : memref<10000x16xf32, #tpu.memory_space<hbm>>) target(%dma_start3A_24 : memref<128x16xf32, #tpu.memory_space<vmem>>) offsets(%dma_start3A_27 : memref<128xi32, #tpu.memory_space<vmem>>) semaphore(%arg7 : memref<!tpu.dma_semaphore, #tpu.memory_space<semaphore_mem>>)
      %mul3A_31 = arith.constant 8 : i32
      %mul3A_32 = arith.muli %add3A_13, %mul3A_31 : i32
      %add3A_33 = arith.constant 1 : i32
      %add3A_34 = arith.addi %mul3A_32, %add3A_33 : i32
      %mul3A_35 = arith.constant 8 : i32
      %mul3A_36 = arith.muli %add3A_13, %mul3A_35 : i32
      %add3A_37 = arith.constant 1 : i32
      %add3A_38 = arith.addi %mul3A_36, %add3A_37 : i32
      %mul3A_39 = arith.constant 128 : i32
      %mul3A_40 = arith.muli %add3A_38, %mul3A_39 : i32
      %dma_start3A_41 = arith.constant 0 : i32
      %dma_start3A_42 = tpu.memref_slice %arg6[%mul3A_40, %dma_start3A_41] : memref<5120x16xf32, #tpu.memory_space<vmem>> -> memref<128x16xf32, #tpu.memory_space<vmem>>
      %dma_start3A_43 = arith.constant 0 : i32
      %dma_start3A_44 = tpu.memref_slice %arg5[%add3A_34, %dma_start3A_43] : memref<40x128xi32, #tpu.memory_space<vmem>> -> memref<1x128xi32, #tpu.memory_space<vmem>>
      %dma_start3A_45 = tpu.memref_squeeze %dma_start3A_44 : memref<1x128xi32, #tpu.memory_space<vmem>> -> memref<128xi32, #tpu.memory_space<vmem>>
      %dma_start3A_46 = arith.constant 0 : i32
      %dma_start3A_47 = arith.constant 0 : i32
      %dma_start3A_48 = tpu.memref_slice %arg2[%dma_start3A_46, %dma_start3A_47] : memref<10000x16xf32, #tpu.memory_space<hbm>> -> memref<10000x16xf32, #tpu.memory_space<hbm>>
      tpu.enqueue_indirect_dma source(%dma_start3A_48 : memref<10000x16xf32, #tpu.memory_space<hbm>>) target(%dma_start3A_42 : memref<128x16xf32, #tpu.memory_space<vmem>>) offsets(%dma_start3A_45 : memref<128xi32, #tpu.memory_space<vmem>>) semaphore(%arg7 : memref<!tpu.dma_semaphore, #tpu.memory_space<semaphore_mem>>)
      %mul3A_49 = arith.constant 8 : i32
      %mul3A_50 = arith.muli %add3A_13, %mul3A_49 : i32
      %add3A_51 = arith.constant 2 : i32
      %add3A_52 = arith.addi %mul3A_50, %add3A_51 : i32
      %mul3A_53 = arith.constant 8 : i32
      %mul3A_54 = arith.muli %add3A_13, %mul3A_53 : i32
      %add3A_55 = arith.constant 2 : i32
      %add3A_56 = arith.addi %mul3A_54, %add3A_55 : i32
      %mul3A_57 = arith.constant 128 : i32
      %mul3A_58 = arith.muli %add3A_56, %mul3A_57 : i32
      %dma_start3A_59 = arith.constant 0 : i32
      %dma_start3A_60 = tpu.memref_slice %arg6[%mul3A_58, %dma_start3A_59] : memref<5120x16xf32, #tpu.memory_space<vmem>> -> memref<128x16xf32, #tpu.memory_space<vmem>>
      %dma_start3A_61 = arith.constant 0 : i32
      %dma_start3A_62 = tpu.memref_slice %arg5[%add3A_52, %dma_start3A_61] : memref<40x128xi32, #tpu.memory_space<vmem>> -> memref<1x128xi32, #tpu.memory_space<vmem>>
      %dma_start3A_63 = tpu.memref_squeeze %dma_start3A_62 : memref<1x128xi32, #tpu.memory_space<vmem>> -> memref<128xi32, #tpu.memory_space<vmem>>
      %dma_start3A_64 = arith.constant 0 : i32
      %dma_start3A_65 = arith.constant 0 : i32
      %dma_start3A_66 = tpu.memref_slice %arg2[%dma_start3A_64, %dma_start3A_65] : memref<10000x16xf32, #tpu.memory_space<hbm>> -> memref<10000x16xf32, #tpu.memory_space<hbm>>
      tpu.enqueue_indirect_dma source(%dma_start3A_66 : memref<10000x16xf32, #tpu.memory_space<hbm>>) target(%dma_start3A_60 : memref<128x16xf32, #tpu.memory_space<vmem>>) offsets(%dma_start3A_63 : memref<128xi32, #tpu.memory_space<vmem>>) semaphore(%arg7 : memref<!tpu.dma_semaphore, #tpu.memory_space<semaphore_mem>>)
      %mul3A_67 = arith.constant 8 : i32
      %mul3A_68 = arith.muli %add3A_13, %mul3A_67 : i32
      %add3A_69 = arith.constant 3 : i32
      %add3A_70 = arith.addi %mul3A_68, %add3A_69 : i32
      %mul3A_71 = arith.constant 8 : i32
      %mul3A_72 = arith.muli %add3A_13, %mul3A_71 : i32
      %add3A_73 = arith.constant 3 : i32
      %add3A_74 = arith.addi %mul3A_72, %add3A_73 : i32
      %mul3A_75 = arith.constant 128 : i32
      %mul3A_76 = arith.muli %add3A_74, %mul3A_75 : i32
      %dma_start3A_77 = arith.constant 0 : i32
      %dma_start3A_78 = tpu.memref_slice %arg6[%mul3A_76, %dma_start3A_77] : memref<5120x16xf32, #tpu.memory_space<vmem>> -> memref<128x16xf32, #tpu.memory_space<vmem>>
      %dma_start3A_79 = arith.constant 0 : i32
      %dma_start3A_80 = tpu.memref_slice %arg5[%add3A_70, %dma_start3A_79] : memref<40x128xi32, #tpu.memory_space<vmem>> -> memref<1x128xi32, #tpu.memory_space<vmem>>
      %dma_start3A_81 = tpu.memref_squeeze %dma_start3A_80 : memref<1x128xi32, #tpu.memory_space<vmem>> -> memref<128xi32, #tpu.memory_space<vmem>>
      %dma_start3A_82 = arith.constant 0 : i32
      %dma_start3A_83 = arith.constant 0 : i32
      %dma_start3A_84 = tpu.memref_slice %arg2[%dma_start3A_82, %dma_start3A_83] : memref<10000x16xf32, #tpu.memory_space<hbm>> -> memref<10000x16xf32, #tpu.memory_space<hbm>>
      tpu.enqueue_indirect_dma source(%dma_start3A_84 : memref<10000x16xf32, #tpu.memory_space<hbm>>) target(%dma_start3A_78 : memref<128x16xf32, #tpu.memory_space<vmem>>) offsets(%dma_start3A_81 : memref<128xi32, #tpu.memory_space<vmem>>) semaphore(%arg7 : memref<!tpu.dma_semaphore, #tpu.memory_space<semaphore_mem>>)
      %mul3A_85 = arith.constant 8 : i32
      %mul3A_86 = arith.muli %add3A_13, %mul3A_85 : i32
      %add3A_87 = arith.constant 4 : i32
      %add3A_88 = arith.addi %mul3A_86, %add3A_87 : i32
      %mul3A_89 = arith.constant 8 : i32
      %mul3A_90 = arith.muli %add3A_13, %mul3A_89 : i32
      %add3A_91 = arith.constant 4 : i32
      %add3A_92 = arith.addi %mul3A_90, %add3A_91 : i32
      %mul3A_93 = arith.constant 128 : i32
      %mul3A_94 = arith.muli %add3A_92, %mul3A_93 : i32
      %dma_start3A_95 = arith.constant 0 : i32
      %dma_start3A_96 = tpu.memref_slice %arg6[%mul3A_94, %dma_start3A_95] : memref<5120x16xf32, #tpu.memory_space<vmem>> -> memref<128x16xf32, #tpu.memory_space<vmem>>
      %dma_start3A_97 = arith.constant 0 : i32
      %dma_start3A_98 = tpu.memref_slice %arg5[%add3A_88, %dma_start3A_97] : memref<40x128xi32, #tpu.memory_space<vmem>> -> memref<1x128xi32, #tpu.memory_space<vmem>>
      %dma_start3A_99 = tpu.memref_squeeze %dma_start3A_98 : memref<1x128xi32, #tpu.memory_space<vmem>> -> memref<128xi32, #tpu.memory_space<vmem>>
      %dma_start3A_100 = arith.constant 0 : i32
      %dma_start3A_101 = arith.constant 0 : i32
      %dma_start3A_102 = tpu.memref_slice %arg2[%dma_start3A_100, %dma_start3A_101] : memref<10000x16xf32, #tpu.memory_space<hbm>> -> memref<10000x16xf32, #tpu.memory_space<hbm>>
      tpu.enqueue_indirect_dma source(%dma_start3A_102 : memref<10000x16xf32, #tpu.memory_space<hbm>>) target(%dma_start3A_96 : memref<128x16xf32, #tpu.memory_space<vmem>>) offsets(%dma_start3A_99 : memref<128xi32, #tpu.memory_space<vmem>>) semaphore(%arg7 : memref<!tpu.dma_semaphore, #tpu.memory_space<semaphore_mem>>)
      %mul3A_103 = arith.constant 8 : i32
      %mul3A_104 = arith.muli %add3A_13, %mul3A_103 : i32
      %add3A_105 = arith.constant 5 : i32
      %add3A_106 = arith.addi %mul3A_104, %add3A_105 : i32
      %mul3A_107 = arith.constant 8 : i32
      %mul3A_108 = arith.muli %add3A_13, %mul3A_107 : i32
      %add3A_109 = arith.constant 5 : i32
      %add3A_110 = arith.addi %mul3A_108, %add3A_109 : i32
      %mul3A_111 = arith.constant 128 : i32
      %mul3A_112 = arith.muli %add3A_110, %mul3A_111 : i32
      %dma_start3A_113 = arith.constant 0 : i32
      %dma_start3A_114 = tpu.memref_slice %arg6[%mul3A_112, %dma_start3A_113] : memref<5120x16xf32, #tpu.memory_space<vmem>> -> memref<128x16xf32, #tpu.memory_space<vmem>>
      %dma_start3A_115 = arith.constant 0 : i32
      %dma_start3A_116 = tpu.memref_slice %arg5[%add3A_106, %dma_start3A_115] : memref<40x128xi32, #tpu.memory_space<vmem>> -> memref<1x128xi32, #tpu.memory_space<vmem>>
      %dma_start3A_117 = tpu.memref_squeeze %dma_start3A_116 : memref<1x128xi32, #tpu.memory_space<vmem>> -> memref<128xi32, #tpu.memory_space<vmem>>
      %dma_start3A_118 = arith.constant 0 : i32
      %dma_start3A_119 = arith.constant 0 : i32
      %dma_start3A_120 = tpu.memref_slice %arg2[%dma_start3A_118, %dma_start3A_119] : memref<10000x16xf32, #tpu.memory_space<hbm>> -> memref<10000x16xf32, #tpu.memory_space<hbm>>
      tpu.enqueue_indirect_dma source(%dma_start3A_120 : memref<10000x16xf32, #tpu.memory_space<hbm>>) target(%dma_start3A_114 : memref<128x16xf32, #tpu.memory_space<vmem>>) offsets(%dma_start3A_117 : memref<128xi32, #tpu.memory_space<vmem>>) semaphore(%arg7 : memref<!tpu.dma_semaphore, #tpu.memory_space<semaphore_mem>>)
      %mul3A_121 = arith.constant 8 : i32
      %mul3A_122 = arith.muli %add3A_13, %mul3A_121 : i32
      %add3A_123 = arith.constant 6 : i32
      %add3A_124 = arith.addi %mul3A_122, %add3A_123 : i32
      %mul3A_125 = arith.constant 8 : i32
      %mul3A_126 = arith.muli %add3A_13, %mul3A_125 : i32
      %add3A_127 = arith.constant 6 : i32
      %add3A_128 = arith.addi %mul3A_126, %add3A_127 : i32
      %mul3A_129 = arith.constant 128 : i32
      %mul3A_130 = arith.muli %add3A_128, %mul3A_129 : i32
      %dma_start3A_131 = arith.constant 0 : i32
      %dma_start3A_132 = tpu.memref_slice %arg6[%mul3A_130, %dma_start3A_131] : memref<5120x16xf32, #tpu.memory_space<vmem>> -> memref<128x16xf32, #tpu.memory_space<vmem>>
      %dma_start3A_133 = arith.constant 0 : i32
      %dma_start3A_134 = tpu.memref_slice %arg5[%add3A_124, %dma_start3A_133] : memref<40x128xi32, #tpu.memory_space<vmem>> -> memref<1x128xi32, #tpu.memory_space<vmem>>
      %dma_start3A_135 = tpu.memref_squeeze %dma_start3A_134 : memref<1x128xi32, #tpu.memory_space<vmem>> -> memref<128xi32, #tpu.memory_space<vmem>>
      %dma_start3A_136 = arith.constant 0 : i32
      %dma_start3A_137 = arith.constant 0 : i32
      %dma_start3A_138 = tpu.memref_slice %arg2[%dma_start3A_136, %dma_start3A_137] : memref<10000x16xf32, #tpu.memory_space<hbm>> -> memref<10000x16xf32, #tpu.memory_space<hbm>>
      tpu.enqueue_indirect_dma source(%dma_start3A_138 : memref<10000x16xf32, #tpu.memory_space<hbm>>) target(%dma_start3A_132 : memref<128x16xf32, #tpu.memory_space<vmem>>) offsets(%dma_start3A_135 : memref<128xi32, #tpu.memory_space<vmem>>) semaphore(%arg7 : memref<!tpu.dma_semaphore, #tpu.memory_space<semaphore_mem>>)
      %mul3A_139 = arith.constant 8 : i32
      %mul3A_140 = arith.muli %add3A_13, %mul3A_139 : i32
      %add3A_141 = arith.constant 7 : i32
      %add3A_142 = arith.addi %mul3A_140, %add3A_141 : i32
      %mul3A_143 = arith.constant 8 : i32
      %mul3A_144 = arith.muli %add3A_13, %mul3A_143 : i32
      %add3A_145 = arith.constant 7 : i32
      %add3A_146 = arith.addi %mul3A_144, %add3A_145 : i32
      %mul3A_147 = arith.constant 128 : i32
      %mul3A_148 = arith.muli %add3A_146, %mul3A_147 : i32
      %dma_start3A_149 = arith.constant 0 : i32
      %dma_start3A_150 = tpu.memref_slice %arg6[%mul3A_148, %dma_start3A_149] : memref<5120x16xf32, #tpu.memory_space<vmem>> -> memref<128x16xf32, #tpu.memory_space<vmem>>
      %dma_start3A_151 = arith.constant 0 : i32
      %dma_start3A_152 = tpu.memref_slice %arg5[%add3A_142, %dma_start3A_151] : memref<40x128xi32, #tpu.memory_space<vmem>> -> memref<1x128xi32, #tpu.memory_space<vmem>>
      %dma_start3A_153 = tpu.memref_squeeze %dma_start3A_152 : memref<1x128xi32, #tpu.memory_space<vmem>> -> memref<128xi32, #tpu.memory_space<vmem>>
      %dma_start3A_154 = arith.constant 0 : i32
      %dma_start3A_155 = arith.constant 0 : i32
      %dma_start3A_156 = tpu.memref_slice %arg2[%dma_start3A_154, %dma_start3A_155] : memref<10000x16xf32, #tpu.memory_space<hbm>> -> memref<10000x16xf32, #tpu.memory_space<hbm>>
      tpu.enqueue_indirect_dma source(%dma_start3A_156 : memref<10000x16xf32, #tpu.memory_space<hbm>>) target(%dma_start3A_150 : memref<128x16xf32, #tpu.memory_space<vmem>>) offsets(%dma_start3A_153 : memref<128xi32, #tpu.memory_space<vmem>>) semaphore(%arg7 : memref<!tpu.dma_semaphore, #tpu.memory_space<semaphore_mem>>)
      %dma_wait3A = arith.constant 0 : i32
      %dma_wait3A_157 = tpu.memref_slice %arg6[%mul3A_23, %dma_wait3A] : memref<5120x16xf32, #tpu.memory_space<vmem>> -> memref<128x16xf32, #tpu.memory_space<vmem>>
      %dma_wait3A_158 = arith.constant 0 : i32
      %dma_wait3A_159 = tpu.memref_slice %arg5[%add3A_17, %dma_wait3A_158] : memref<40x128xi32, #tpu.memory_space<vmem>> -> memref<1x128xi32, #tpu.memory_space<vmem>>
      %dma_wait3A_160 = tpu.memref_squeeze %dma_wait3A_159 : memref<1x128xi32, #tpu.memory_space<vmem>> -> memref<128xi32, #tpu.memory_space<vmem>>
      %dma_wait3A_161 = arith.constant 0 : i32
      %dma_wait3A_162 = arith.constant 0 : i32
      %dma_wait3A_163 = tpu.memref_slice %arg2[%dma_wait3A_161, %dma_wait3A_162] : memref<10000x16xf32, #tpu.memory_space<hbm>> -> memref<10000x16xf32, #tpu.memory_space<hbm>>
      tpu.wait_indirect_dma semaphore(%arg7 : memref<!tpu.dma_semaphore, #tpu.memory_space<semaphore_mem>>) src(%dma_wait3A_163 : memref<10000x16xf32, #tpu.memory_space<hbm>>) dst(%dma_wait3A_157 : memref<128x16xf32, #tpu.memory_space<vmem>>)
      %dma_wait3A_164 = arith.constant 0 : i32
      %dma_wait3A_165 = tpu.memref_slice %arg6[%mul3A_40, %dma_wait3A_164] : memref<5120x16xf32, #tpu.memory_space<vmem>> -> memref<128x16xf32, #tpu.memory_space<vmem>>
      %dma_wait3A_166 = arith.constant 0 : i32
      %dma_wait3A_167 = tpu.memref_slice %arg5[%add3A_34, %dma_wait3A_166] : memref<40x128xi32, #tpu.memory_space<vmem>> -> memref<1x128xi32, #tpu.memory_space<vmem>>
      %dma_wait3A_168 = tpu.memref_squeeze %dma_wait3A_167 : memref<1x128xi32, #tpu.memory_space<vmem>> -> memref<128xi32, #tpu.memory_space<vmem>>
      %dma_wait3A_169 = arith.constant 0 : i32
      %dma_wait3A_170 = arith.constant 0 : i32
      %dma_wait3A_171 = tpu.memref_slice %arg2[%dma_wait3A_169, %dma_wait3A_170] : memref<10000x16xf32, #tpu.memory_space<hbm>> -> memref<10000x16xf32, #tpu.memory_space<hbm>>
      tpu.wait_indirect_dma semaphore(%arg7 : memref<!tpu.dma_semaphore, #tpu.memory_space<semaphore_mem>>) src(%dma_wait3A_171 : memref<10000x16xf32, #tpu.memory_space<hbm>>) dst(%dma_wait3A_165 : memref<128x16xf32, #tpu.memory_space<vmem>>)
      %dma_wait3A_172 = arith.constant 0 : i32
      %dma_wait3A_173 = tpu.memref_slice %arg6[%mul3A_58, %dma_wait3A_172] : memref<5120x16xf32, #tpu.memory_space<vmem>> -> memref<128x16xf32, #tpu.memory_space<vmem>>
      %dma_wait3A_174 = arith.constant 0 : i32
      %dma_wait3A_175 = tpu.memref_slice %arg5[%add3A_52, %dma_wait3A_174] : memref<40x128xi32, #tpu.memory_space<vmem>> -> memref<1x128xi32, #tpu.memory_space<vmem>>
      %dma_wait3A_176 = tpu.memref_squeeze %dma_wait3A_175 : memref<1x128xi32, #tpu.memory_space<vmem>> -> memref<128xi32, #tpu.memory_space<vmem>>
      %dma_wait3A_177 = arith.constant 0 : i32
      %dma_wait3A_178 = arith.constant 0 : i32
      %dma_wait3A_179 = tpu.memref_slice %arg2[%dma_wait3A_177, %dma_wait3A_178] : memref<10000x16xf32, #tpu.memory_space<hbm>> -> memref<10000x16xf32, #tpu.memory_space<hbm>>
      tpu.wait_indirect_dma semaphore(%arg7 : memref<!tpu.dma_semaphore, #tpu.memory_space<semaphore_mem>>) src(%dma_wait3A_179 : memref<10000x16xf32, #tpu.memory_space<hbm>>) dst(%dma_wait3A_173 : memref<128x16xf32, #tpu.memory_space<vmem>>)
      %dma_wait3A_180 = arith.constant 0 : i32
      %dma_wait3A_181 = tpu.memref_slice %arg6[%mul3A_76, %dma_wait3A_180] : memref<5120x16xf32, #tpu.memory_space<vmem>> -> memref<128x16xf32, #tpu.memory_space<vmem>>
      %dma_wait3A_182 = arith.constant 0 : i32
      %dma_wait3A_183 = tpu.memref_slice %arg5[%add3A_70, %dma_wait3A_182] : memref<40x128xi32, #tpu.memory_space<vmem>> -> memref<1x128xi32, #tpu.memory_space<vmem>>
      %dma_wait3A_184 = tpu.memref_squeeze %dma_wait3A_183 : memref<1x128xi32, #tpu.memory_space<vmem>> -> memref<128xi32, #tpu.memory_space<vmem>>
      %dma_wait3A_185 = arith.constant 0 : i32
      %dma_wait3A_186 = arith.constant 0 : i32
      %dma_wait3A_187 = tpu.memref_slice %arg2[%dma_wait3A_185, %dma_wait3A_186] : memref<10000x16xf32, #tpu.memory_space<hbm>> -> memref<10000x16xf32, #tpu.memory_space<hbm>>
      tpu.wait_indirect_dma semaphore(%arg7 : memref<!tpu.dma_semaphore, #tpu.memory_space<semaphore_mem>>) src(%dma_wait3A_187 : memref<10000x16xf32, #tpu.memory_space<hbm>>) dst(%dma_wait3A_181 : memref<128x16xf32, #tpu.memory_space<vmem>>)
      %dma_wait3A_188 = arith.constant 0 : i32
      %dma_wait3A_189 = tpu.memref_slice %arg6[%mul3A_94, %dma_wait3A_188] : memref<5120x16xf32, #tpu.memory_space<vmem>> -> memref<128x16xf32, #tpu.memory_space<vmem>>
      %dma_wait3A_190 = arith.constant 0 : i32
      %dma_wait3A_191 = tpu.memref_slice %arg5[%add3A_88, %dma_wait3A_190] : memref<40x128xi32, #tpu.memory_space<vmem>> -> memref<1x128xi32, #tpu.memory_space<vmem>>
      %dma_wait3A_192 = tpu.memref_squeeze %dma_wait3A_191 : memref<1x128xi32, #tpu.memory_space<vmem>> -> memref<128xi32, #tpu.memory_space<vmem>>
      %dma_wait3A_193 = arith.constant 0 : i32
      %dma_wait3A_194 = arith.constant 0 : i32
      %dma_wait3A_195 = tpu.memref_slice %arg2[%dma_wait3A_193, %dma_wait3A_194] : memref<10000x16xf32, #tpu.memory_space<hbm>> -> memref<10000x16xf32, #tpu.memory_space<hbm>>
      tpu.wait_indirect_dma semaphore(%arg7 : memref<!tpu.dma_semaphore, #tpu.memory_space<semaphore_mem>>) src(%dma_wait3A_195 : memref<10000x16xf32, #tpu.memory_space<hbm>>) dst(%dma_wait3A_189 : memref<128x16xf32, #tpu.memory_space<vmem>>)
      %dma_wait3A_196 = arith.constant 0 : i32
      %dma_wait3A_197 = tpu.memref_slice %arg6[%mul3A_112, %dma_wait3A_196] : memref<5120x16xf32, #tpu.memory_space<vmem>> -> memref<128x16xf32, #tpu.memory_space<vmem>>
      %dma_wait3A_198 = arith.constant 0 : i32
      %dma_wait3A_199 = tpu.memref_slice %arg5[%add3A_106, %dma_wait3A_198] : memref<40x128xi32, #tpu.memory_space<vmem>> -> memref<1x128xi32, #tpu.memory_space<vmem>>
      %dma_wait3A_200 = tpu.memref_squeeze %dma_wait3A_199 : memref<1x128xi32, #tpu.memory_space<vmem>> -> memref<128xi32, #tpu.memory_space<vmem>>
      %dma_wait3A_201 = arith.constant 0 : i32
      %dma_wait3A_202 = arith.constant 0 : i32
      %dma_wait3A_203 = tpu.memref_slice %arg2[%dma_wait3A_201, %dma_wait3A_202] : memref<10000x16xf32, #tpu.memory_space<hbm>> -> memref<10000x16xf32, #tpu.memory_space<hbm>>
      tpu.wait_indirect_dma semaphore(%arg7 : memref<!tpu.dma_semaphore, #tpu.memory_space<semaphore_mem>>) src(%dma_wait3A_203 : memref<10000x16xf32, #tpu.memory_space<hbm>>) dst(%dma_wait3A_197 : memref<128x16xf32, #tpu.memory_space<vmem>>)
      %dma_wait3A_204 = arith.constant 0 : i32
      %dma_wait3A_205 = tpu.memref_slice %arg6[%mul3A_130, %dma_wait3A_204] : memref<5120x16xf32, #tpu.memory_space<vmem>> -> memref<128x16xf32, #tpu.memory_space<vmem>>
      %dma_wait3A_206 = arith.constant 0 : i32
      %dma_wait3A_207 = tpu.memref_slice %arg5[%add3A_124, %dma_wait3A_206] : memref<40x128xi32, #tpu.memory_space<vmem>> -> memref<1x128xi32, #tpu.memory_space<vmem>>
      %dma_wait3A_208 = tpu.memref_squeeze %dma_wait3A_207 : memref<1x128xi32, #tpu.memory_space<vmem>> -> memref<128xi32, #tpu.memory_space<vmem>>
      %dma_wait3A_209 = arith.constant 0 : i32
      %dma_wait3A_210 = arith.constant 0 : i32
      %dma_wait3A_211 = tpu.memref_slice %arg2[%dma_wait3A_209, %dma_wait3A_210] : memref<10000x16xf32, #tpu.memory_space<hbm>> -> memref<10000x16xf32, #tpu.memory_space<hbm>>
      tpu.wait_indirect_dma semaphore(%arg7 : memref<!tpu.dma_semaphore, #tpu.memory_space<semaphore_mem>>) src(%dma_wait3A_211 : memref<10000x16xf32, #tpu.memory_space<hbm>>) dst(%dma_wait3A_205 : memref<128x16xf32, #tpu.memory_space<vmem>>)
      %dma_wait3A_212 = arith.constant 0 : i32
      %dma_wait3A_213 = tpu.memref_slice %arg6[%mul3A_148, %dma_wait3A_212] : memref<5120x16xf32, #tpu.memory_space<vmem>> -> memref<128x16xf32, #tpu.memory_space<vmem>>
      %dma_wait3A_214 = arith.constant 0 : i32
      %dma_wait3A_215 = tpu.memref_slice %arg5[%add3A_142, %dma_wait3A_214] : memref<40x128xi32, #tpu.memory_space<vmem>> -> memref<1x128xi32, #tpu.memory_space<vmem>>
      %dma_wait3A_216 = tpu.memref_squeeze %dma_wait3A_215 : memref<1x128xi32, #tpu.memory_space<vmem>> -> memref<128xi32, #tpu.memory_space<vmem>>
      %dma_wait3A_217 = arith.constant 0 : i32
      %dma_wait3A_218 = arith.constant 0 : i32
      %dma_wait3A_219 = tpu.memref_slice %arg2[%dma_wait3A_217, %dma_wait3A_218] : memref<10000x16xf32, #tpu.memory_space<hbm>> -> memref<10000x16xf32, #tpu.memory_space<hbm>>
      tpu.wait_indirect_dma semaphore(%arg7 : memref<!tpu.dma_semaphore, #tpu.memory_space<semaphore_mem>>) src(%dma_wait3A_219 : memref<10000x16xf32, #tpu.memory_space<hbm>>) dst(%dma_wait3A_213 : memref<128x16xf32, #tpu.memory_space<vmem>>)
    }
    %scan3A_6 = arith.constant 5 : i32
    %mul3A_7 = arith.constant 128 : i32
    %mul3A_8 = arith.muli %mul3A_2, %mul3A_7 : i32
    "tpu.region"() ({
      %run_scoped3A = tpu.sem_alloc : memref<!tpu.dma_semaphore, #tpu.memory_space<semaphore_mem>>
      %dma_start3A = arith.constant 0 : i32
      %dma_start3A_9 = tpu.memref_slice %arg4[%mul3A_8, %dma_start3A] : memref<163840x16xf32, #tpu.memory_space<hbm>> -> memref<5120x16xf32, #tpu.memory_space<hbm>>
      %dma_start3A_10 = arith.constant 0 : i32
      %dma_start3A_11 = tpu.memref_slice %arg4[%mul3A_8, %dma_start3A_10] : memref<163840x16xf32, #tpu.memory_space<hbm>> -> memref<5120x16xf32, #tpu.memory_space<hbm>>
      tpu.enqueue_dma source(%arg6 : memref<5120x16xf32, #tpu.memory_space<vmem>>) target(%dma_start3A_11 : memref<5120x16xf32, #tpu.memory_space<hbm>>) target_semaphore(%run_scoped3A : memref<!tpu.dma_semaphore, #tpu.memory_space<semaphore_mem>>)
      %dma_wait3A = arith.constant 0 : i32
      %dma_wait3A_12 = tpu.memref_slice %arg4[%mul3A_8, %dma_wait3A] : memref<163840x16xf32, #tpu.memory_space<hbm>> -> memref<5120x16xf32, #tpu.memory_space<hbm>>
      %dma_wait3A_13 = arith.constant 0 : i32
      %dma_wait3A_14 = tpu.memref_slice %arg4[%mul3A_8, %dma_wait3A_13] : memref<163840x16xf32, #tpu.memory_space<hbm>> -> memref<5120x16xf32, #tpu.memory_space<hbm>>
      tpu.wait_dma2 semaphore(%run_scoped3A : memref<!tpu.dma_semaphore, #tpu.memory_space<semaphore_mem>>) src(%arg6 : memref<5120x16xf32, #tpu.memory_space<vmem>>) dst(%dma_wait3A_14 : memref<5120x16xf32, #tpu.memory_space<hbm>>)
      tpu.yield
    }) : () -> ()
    return
  }
}

#map = affine_map<(d0, d1) -> (0, 0, 0)>
#map1 = affine_map<(d0, d1) -> (0, 0)>
module attributes {stable_mosaic.version = 14 : i64} {
  func.func @k(%arg0: i32, %arg1: i32, %arg2: memref<1280x128x16xf32, #tpu.memory_space<hbm>>, %arg3: memref<1280x128xi32, #tpu.memory_space<hbm>>, %arg4: memref<2x10016x16xf32, #tpu.memory_space<hbm>>, %arg5: memref<40x128xi32, #tpu.memory_space<vmem>>, %arg6: memref<40x128x16xf32, #tpu.memory_space<vmem>>, %arg7: memref<626x16xf32, #tpu.memory_space<vmem>>, %arg8: memref<10016x16xf32, #tpu.memory_space<vmem_shared>>, %arg9: memref<!tpu.dma_semaphore, #tpu.memory_space<semaphore_mem>>) attributes {dimension_semantics = [#tpu.dimension_semantics<core_parallel>, #tpu.dimension_semantics<subcore_parallel>], iteration_bounds = array<i64: 2, 16>, scalar_prefetch = 0 : i64, scratch_operands = 5 : i64, tpu.core_type = #tpu.core_type<sc_vector_subcore>, window_params = [{transform_indices = #map}, {transform_indices = #map1}, {transform_indices = #map}]} {
    %mul3A = arith.constant 2 : i32
    %mul3A_0 = arith.muli %arg1, %mul3A : i32
    %add3A = arith.addi %mul3A_0, %arg0 : i32
    %scan3A = arith.constant 0 : i32
    %scan3A_1 = arith.constant 626 : i32
    %scan3A_2 = arith.addi %scan3A, %scan3A_1 : i32
    %scan3A_3 = arith.constant 1 : i32
    scf.for %scan3A_19 = %scan3A to %scan3A_2 step %scan3A_3  : i32 {
      %mul3A_20 = arith.constant 1 : i32
      %mul3A_21 = arith.muli %scan3A_19, %mul3A_20 : i32
      %add3A_22 = arith.constant 0 : i32
      %add3A_23 = arith.addi %add3A_22, %mul3A_21 : i32
      %broadcast_in_dim3A = arith.constant 0.000000e+00 : f32
      %broadcast_in_dim3A_24 = vector.broadcast %broadcast_in_dim3A : f32 to vector<16xf32>
      %swap3A = arith.index_cast %add3A_23 : i32 to index
      %swap3A_25 = arith.constant 0 : index
      %swap3A_26 = tpu.vector_load %arg7[%swap3A, %swap3A_25] {strides = array<i32>} : memref<626x16xf32, #tpu.memory_space<vmem>>, vector<1x16xf32>,
      %swap3A_27 = vector.shape_cast %swap3A_26 : vector<1x16xf32> to vector<16xf32>
      %swap3A_28 = vector.shape_cast %broadcast_in_dim3A_24 : vector<16xf32> to vector<1x16xf32>
      tpu.vector_store %arg7[%swap3A, %swap3A_25], %swap3A_28 {strides = array<i32>} : memref<626x16xf32, #tpu.memory_space<vmem>>, vector<1x16xf32>,
    }
    %scan3A_4 = arith.constant 626 : i32
    %mul3A_5 = arith.constant 626 : i32
    %mul3A_6 = arith.muli %arg1, %mul3A_5 : i32
    "tpu.region"() ({
      %run_scoped3A = tpu.sem_alloc : memref<!tpu.dma_semaphore, #tpu.memory_space<semaphore_mem>>
      %dma_start3A = arith.constant 0 : i32
      %dma_start3A_19 = tpu.memref_slice %arg8[%mul3A_6, %dma_start3A] : memref<10016x16xf32, #tpu.memory_space<vmem_shared>> -> memref<626x16xf32, #tpu.memory_space<vmem_shared>>
      %dma_start3A_20 = arith.constant 0 : i32
      %dma_start3A_21 = tpu.memref_slice %arg8[%mul3A_6, %dma_start3A_20] : memref<10016x16xf32, #tpu.memory_space<vmem_shared>> -> memref<626x16xf32, #tpu.memory_space<vmem_shared>>
      tpu.enqueue_dma source(%arg7 : memref<626x16xf32, #tpu.memory_space<vmem>>) target(%dma_start3A_21 : memref<626x16xf32, #tpu.memory_space<vmem_shared>>) target_semaphore(%run_scoped3A : memref<!tpu.dma_semaphore, #tpu.memory_space<semaphore_mem>>)
      %dma_wait3A = arith.constant 0 : i32
      %dma_wait3A_22 = tpu.memref_slice %arg8[%mul3A_6, %dma_wait3A] : memref<10016x16xf32, #tpu.memory_space<vmem_shared>> -> memref<626x16xf32, #tpu.memory_space<vmem_shared>>
      %dma_wait3A_23 = arith.constant 0 : i32
      %dma_wait3A_24 = tpu.memref_slice %arg8[%mul3A_6, %dma_wait3A_23] : memref<10016x16xf32, #tpu.memory_space<vmem_shared>> -> memref<626x16xf32, #tpu.memory_space<vmem_shared>>
      tpu.wait_dma2 semaphore(%run_scoped3A : memref<!tpu.dma_semaphore, #tpu.memory_space<semaphore_mem>>) src(%arg7 : memref<626x16xf32, #tpu.memory_space<vmem>>) dst(%dma_wait3A_24 : memref<626x16xf32, #tpu.memory_space<vmem_shared>>)
      tpu.yield
    }) : () -> ()
    %barrier3A = arith.constant 0 : index
    tpu.barrier barrier_id(%barrier3A)
    %mul3A_7 = arith.constant 40 : i32
    %mul3A_8 = arith.muli %add3A, %mul3A_7 : i32
    "tpu.region"() ({
      %run_scoped3A = tpu.sem_alloc : memref<!tpu.dma_semaphore, #tpu.memory_space<semaphore_mem>>
      %dma_start3A = arith.constant 0 : i32
      %dma_start3A_19 = tpu.memref_slice %arg3[%mul3A_8, %dma_start3A] : memref<1280x128xi32, #tpu.memory_space<hbm>> -> memref<40x128xi32, #tpu.memory_space<hbm>>
      %dma_start3A_20 = arith.constant 0 : i32
      %dma_start3A_21 = tpu.memref_slice %arg3[%mul3A_8, %dma_start3A_20] : memref<1280x128xi32, #tpu.memory_space<hbm>> -> memref<40x128xi32, #tpu.memory_space<hbm>>
      tpu.enqueue_dma source(%dma_start3A_21 : memref<40x128xi32, #tpu.memory_space<hbm>>) target(%arg5 : memref<40x128xi32, #tpu.memory_space<vmem>>) target_semaphore(%run_scoped3A : memref<!tpu.dma_semaphore, #tpu.memory_space<semaphore_mem>>)
      %dma_wait3A = arith.constant 0 : i32
      %dma_wait3A_22 = tpu.memref_slice %arg3[%mul3A_8, %dma_wait3A] : memref<1280x128xi32, #tpu.memory_space<hbm>> -> memref<40x128xi32, #tpu.memory_space<hbm>>
      %dma_wait3A_23 = arith.constant 0 : i32
      %dma_wait3A_24 = tpu.memref_slice %arg3[%mul3A_8, %dma_wait3A_23] : memref<1280x128xi32, #tpu.memory_space<hbm>> -> memref<40x128xi32, #tpu.memory_space<hbm>>
      tpu.wait_dma2 semaphore(%run_scoped3A : memref<!tpu.dma_semaphore, #tpu.memory_space<semaphore_mem>>) src(%dma_wait3A_24 : memref<40x128xi32, #tpu.memory_space<hbm>>) dst(%arg5 : memref<40x128xi32, #tpu.memory_space<vmem>>)
      tpu.yield
    }) : () -> ()
    "tpu.region"() ({
      %run_scoped3A = tpu.sem_alloc : memref<!tpu.dma_semaphore, #tpu.memory_space<semaphore_mem>>
      %dma_start3A = arith.constant 0 : i32
      %dma_start3A_19 = arith.constant 0 : i32
      %dma_start3A_20 = tpu.memref_slice %arg2[%mul3A_8, %dma_start3A, %dma_start3A_19] : memref<1280x128x16xf32, #tpu.memory_space<hbm>> -> memref<40x128x16xf32, #tpu.memory_space<hbm>>
      %dma_start3A_21 = arith.constant 0 : i32
      %dma_start3A_22 = arith.constant 0 : i32
      %dma_start3A_23 = tpu.memref_slice %arg2[%mul3A_8, %dma_start3A_21, %dma_start3A_22] : memref<1280x128x16xf32, #tpu.memory_space<hbm>> -> memref<40x128x16xf32, #tpu.memory_space<hbm>>
      tpu.enqueue_dma source(%dma_start3A_23 : memref<40x128x16xf32, #tpu.memory_space<hbm>>) target(%arg6 : memref<40x128x16xf32, #tpu.memory_space<vmem>>) target_semaphore(%run_scoped3A : memref<!tpu.dma_semaphore, #tpu.memory_space<semaphore_mem>>)
      %dma_wait3A = arith.constant 0 : i32
      %dma_wait3A_24 = arith.constant 0 : i32
      %dma_wait3A_25 = tpu.memref_slice %arg2[%mul3A_8, %dma_wait3A, %dma_wait3A_24] : memref<1280x128x16xf32, #tpu.memory_space<hbm>> -> memref<40x128x16xf32, #tpu.memory_space<hbm>>
      %dma_wait3A_26 = arith.constant 0 : i32
      %dma_wait3A_27 = arith.constant 0 : i32
      %dma_wait3A_28 = tpu.memref_slice %arg2[%mul3A_8, %dma_wait3A_26, %dma_wait3A_27] : memref<1280x128x16xf32, #tpu.memory_space<hbm>> -> memref<40x128x16xf32, #tpu.memory_space<hbm>>
      tpu.wait_dma2 semaphore(%run_scoped3A : memref<!tpu.dma_semaphore, #tpu.memory_space<semaphore_mem>>) src(%dma_wait3A_28 : memref<40x128x16xf32, #tpu.memory_space<hbm>>) dst(%arg6 : memref<40x128x16xf32, #tpu.memory_space<vmem>>)
      tpu.yield
    }) : () -> ()
    %scan3A_9 = arith.constant 0 : i32
    %scan3A_10 = arith.constant 5 : i32
    %scan3A_11 = arith.addi %scan3A_9, %scan3A_10 : i32
    %scan3A_12 = arith.constant 1 : i32
    scf.for %scan3A_19 = %scan3A_9 to %scan3A_11 step %scan3A_12  : i32 {
      %mul3A_20 = arith.constant 1 : i32
      %mul3A_21 = arith.muli %scan3A_19, %mul3A_20 : i32
      %add3A_22 = arith.constant 0 : i32
      %add3A_23 = arith.addi %add3A_22, %mul3A_21 : i32
      %mul3A_24 = arith.constant 8 : i32
      %mul3A_25 = arith.muli %add3A_23, %mul3A_24 : i32
      %add3A_26 = arith.constant 0 : i32
      %add3A_27 = arith.addi %mul3A_25, %add3A_26 : i32
      %mul3A_28 = arith.constant 8 : i32
      %mul3A_29 = arith.muli %add3A_23, %mul3A_28 : i32
      %add3A_30 = arith.constant 0 : i32
      %add3A_31 = arith.addi %mul3A_29, %add3A_30 : i32
      %dma_start3A = arith.constant 0 : i32
      %dma_start3A_32 = arith.constant 0 : i32
      %dma_start3A_33 = tpu.memref_slice %arg6[%add3A_27, %dma_start3A, %dma_start3A_32] : memref<40x128x16xf32, #tpu.memory_space<vmem>> -> memref<1x128x16xf32, #tpu.memory_space<vmem>>
      %dma_start3A_34 = tpu.memref_squeeze %dma_start3A_33 : memref<1x128x16xf32, #tpu.memory_space<vmem>> -> memref<128x16xf32, #tpu.memory_space<vmem>>
      %dma_start3A_35 = arith.constant 0 : i32
      %dma_start3A_36 = tpu.memref_slice %arg5[%add3A_31, %dma_start3A_35] : memref<40x128xi32, #tpu.memory_space<vmem>> -> memref<1x128xi32, #tpu.memory_space<vmem>>
      %dma_start3A_37 = tpu.memref_squeeze %dma_start3A_36 : memref<1x128xi32, #tpu.memory_space<vmem>> -> memref<128xi32, #tpu.memory_space<vmem>>
      %dma_start3A_38 = arith.constant 0 : i32
      %dma_start3A_39 = arith.constant 0 : i32
      %dma_start3A_40 = tpu.memref_slice %arg8[%dma_start3A_38, %dma_start3A_39] : memref<10016x16xf32, #tpu.memory_space<vmem_shared>> -> memref<10016x16xf32, #tpu.memory_space<vmem_shared>>
      tpu.enqueue_indirect_dma source(%dma_start3A_34 : memref<128x16xf32, #tpu.memory_space<vmem>>) target(%dma_start3A_40 : memref<10016x16xf32, #tpu.memory_space<vmem_shared>>) offsets(%dma_start3A_37 : memref<128xi32, #tpu.memory_space<vmem>>) semaphore(%arg9 : memref<!tpu.dma_semaphore, #tpu.memory_space<semaphore_mem>>) {add = true}
      %mul3A_41 = arith.constant 8 : i32
      %mul3A_42 = arith.muli %add3A_23, %mul3A_41 : i32
      %add3A_43 = arith.constant 1 : i32
      %add3A_44 = arith.addi %mul3A_42, %add3A_43 : i32
      %mul3A_45 = arith.constant 8 : i32
      %mul3A_46 = arith.muli %add3A_23, %mul3A_45 : i32
      %add3A_47 = arith.constant 1 : i32
      %add3A_48 = arith.addi %mul3A_46, %add3A_47 : i32
      %dma_start3A_49 = arith.constant 0 : i32
      %dma_start3A_50 = arith.constant 0 : i32
      %dma_start3A_51 = tpu.memref_slice %arg6[%add3A_44, %dma_start3A_49, %dma_start3A_50] : memref<40x128x16xf32, #tpu.memory_space<vmem>> -> memref<1x128x16xf32, #tpu.memory_space<vmem>>
      %dma_start3A_52 = tpu.memref_squeeze %dma_start3A_51 : memref<1x128x16xf32, #tpu.memory_space<vmem>> -> memref<128x16xf32, #tpu.memory_space<vmem>>
      %dma_start3A_53 = arith.constant 0 : i32
      %dma_start3A_54 = tpu.memref_slice %arg5[%add3A_48, %dma_start3A_53] : memref<40x128xi32, #tpu.memory_space<vmem>> -> memref<1x128xi32, #tpu.memory_space<vmem>>
      %dma_start3A_55 = tpu.memref_squeeze %dma_start3A_54 : memref<1x128xi32, #tpu.memory_space<vmem>> -> memref<128xi32, #tpu.memory_space<vmem>>
      %dma_start3A_56 = arith.constant 0 : i32
      %dma_start3A_57 = arith.constant 0 : i32
      %dma_start3A_58 = tpu.memref_slice %arg8[%dma_start3A_56, %dma_start3A_57] : memref<10016x16xf32, #tpu.memory_space<vmem_shared>> -> memref<10016x16xf32, #tpu.memory_space<vmem_shared>>
      tpu.enqueue_indirect_dma source(%dma_start3A_52 : memref<128x16xf32, #tpu.memory_space<vmem>>) target(%dma_start3A_58 : memref<10016x16xf32, #tpu.memory_space<vmem_shared>>) offsets(%dma_start3A_55 : memref<128xi32, #tpu.memory_space<vmem>>) semaphore(%arg9 : memref<!tpu.dma_semaphore, #tpu.memory_space<semaphore_mem>>) {add = true}
      %mul3A_59 = arith.constant 8 : i32
      %mul3A_60 = arith.muli %add3A_23, %mul3A_59 : i32
      %add3A_61 = arith.constant 2 : i32
      %add3A_62 = arith.addi %mul3A_60, %add3A_61 : i32
      %mul3A_63 = arith.constant 8 : i32
      %mul3A_64 = arith.muli %add3A_23, %mul3A_63 : i32
      %add3A_65 = arith.constant 2 : i32
      %add3A_66 = arith.addi %mul3A_64, %add3A_65 : i32
      %dma_start3A_67 = arith.constant 0 : i32
      %dma_start3A_68 = arith.constant 0 : i32
      %dma_start3A_69 = tpu.memref_slice %arg6[%add3A_62, %dma_start3A_67, %dma_start3A_68] : memref<40x128x16xf32, #tpu.memory_space<vmem>> -> memref<1x128x16xf32, #tpu.memory_space<vmem>>
      %dma_start3A_70 = tpu.memref_squeeze %dma_start3A_69 : memref<1x128x16xf32, #tpu.memory_space<vmem>> -> memref<128x16xf32, #tpu.memory_space<vmem>>
      %dma_start3A_71 = arith.constant 0 : i32
      %dma_start3A_72 = tpu.memref_slice %arg5[%add3A_66, %dma_start3A_71] : memref<40x128xi32, #tpu.memory_space<vmem>> -> memref<1x128xi32, #tpu.memory_space<vmem>>
      %dma_start3A_73 = tpu.memref_squeeze %dma_start3A_72 : memref<1x128xi32, #tpu.memory_space<vmem>> -> memref<128xi32, #tpu.memory_space<vmem>>
      %dma_start3A_74 = arith.constant 0 : i32
      %dma_start3A_75 = arith.constant 0 : i32
      %dma_start3A_76 = tpu.memref_slice %arg8[%dma_start3A_74, %dma_start3A_75] : memref<10016x16xf32, #tpu.memory_space<vmem_shared>> -> memref<10016x16xf32, #tpu.memory_space<vmem_shared>>
      tpu.enqueue_indirect_dma source(%dma_start3A_70 : memref<128x16xf32, #tpu.memory_space<vmem>>) target(%dma_start3A_76 : memref<10016x16xf32, #tpu.memory_space<vmem_shared>>) offsets(%dma_start3A_73 : memref<128xi32, #tpu.memory_space<vmem>>) semaphore(%arg9 : memref<!tpu.dma_semaphore, #tpu.memory_space<semaphore_mem>>) {add = true}
      %mul3A_77 = arith.constant 8 : i32
      %mul3A_78 = arith.muli %add3A_23, %mul3A_77 : i32
      %add3A_79 = arith.constant 3 : i32
      %add3A_80 = arith.addi %mul3A_78, %add3A_79 : i32
      %mul3A_81 = arith.constant 8 : i32
      %mul3A_82 = arith.muli %add3A_23, %mul3A_81 : i32
      %add3A_83 = arith.constant 3 : i32
      %add3A_84 = arith.addi %mul3A_82, %add3A_83 : i32
      %dma_start3A_85 = arith.constant 0 : i32
      %dma_start3A_86 = arith.constant 0 : i32
      %dma_start3A_87 = tpu.memref_slice %arg6[%add3A_80, %dma_start3A_85, %dma_start3A_86] : memref<40x128x16xf32, #tpu.memory_space<vmem>> -> memref<1x128x16xf32, #tpu.memory_space<vmem>>
      %dma_start3A_88 = tpu.memref_squeeze %dma_start3A_87 : memref<1x128x16xf32, #tpu.memory_space<vmem>> -> memref<128x16xf32, #tpu.memory_space<vmem>>
      %dma_start3A_89 = arith.constant 0 : i32
      %dma_start3A_90 = tpu.memref_slice %arg5[%add3A_84, %dma_start3A_89] : memref<40x128xi32, #tpu.memory_space<vmem>> -> memref<1x128xi32, #tpu.memory_space<vmem>>
      %dma_start3A_91 = tpu.memref_squeeze %dma_start3A_90 : memref<1x128xi32, #tpu.memory_space<vmem>> -> memref<128xi32, #tpu.memory_space<vmem>>
      %dma_start3A_92 = arith.constant 0 : i32
      %dma_start3A_93 = arith.constant 0 : i32
      %dma_start3A_94 = tpu.memref_slice %arg8[%dma_start3A_92, %dma_start3A_93] : memref<10016x16xf32, #tpu.memory_space<vmem_shared>> -> memref<10016x16xf32, #tpu.memory_space<vmem_shared>>
      tpu.enqueue_indirect_dma source(%dma_start3A_88 : memref<128x16xf32, #tpu.memory_space<vmem>>) target(%dma_start3A_94 : memref<10016x16xf32, #tpu.memory_space<vmem_shared>>) offsets(%dma_start3A_91 : memref<128xi32, #tpu.memory_space<vmem>>) semaphore(%arg9 : memref<!tpu.dma_semaphore, #tpu.memory_space<semaphore_mem>>) {add = true}
      %mul3A_95 = arith.constant 8 : i32
      %mul3A_96 = arith.muli %add3A_23, %mul3A_95 : i32
      %add3A_97 = arith.constant 4 : i32
      %add3A_98 = arith.addi %mul3A_96, %add3A_97 : i32
      %mul3A_99 = arith.constant 8 : i32
      %mul3A_100 = arith.muli %add3A_23, %mul3A_99 : i32
      %add3A_101 = arith.constant 4 : i32
      %add3A_102 = arith.addi %mul3A_100, %add3A_101 : i32
      %dma_start3A_103 = arith.constant 0 : i32
      %dma_start3A_104 = arith.constant 0 : i32
      %dma_start3A_105 = tpu.memref_slice %arg6[%add3A_98, %dma_start3A_103, %dma_start3A_104] : memref<40x128x16xf32, #tpu.memory_space<vmem>> -> memref<1x128x16xf32, #tpu.memory_space<vmem>>
      %dma_start3A_106 = tpu.memref_squeeze %dma_start3A_105 : memref<1x128x16xf32, #tpu.memory_space<vmem>> -> memref<128x16xf32, #tpu.memory_space<vmem>>
      %dma_start3A_107 = arith.constant 0 : i32
      %dma_start3A_108 = tpu.memref_slice %arg5[%add3A_102, %dma_start3A_107] : memref<40x128xi32, #tpu.memory_space<vmem>> -> memref<1x128xi32, #tpu.memory_space<vmem>>
      %dma_start3A_109 = tpu.memref_squeeze %dma_start3A_108 : memref<1x128xi32, #tpu.memory_space<vmem>> -> memref<128xi32, #tpu.memory_space<vmem>>
      %dma_start3A_110 = arith.constant 0 : i32
      %dma_start3A_111 = arith.constant 0 : i32
      %dma_start3A_112 = tpu.memref_slice %arg8[%dma_start3A_110, %dma_start3A_111] : memref<10016x16xf32, #tpu.memory_space<vmem_shared>> -> memref<10016x16xf32, #tpu.memory_space<vmem_shared>>
      tpu.enqueue_indirect_dma source(%dma_start3A_106 : memref<128x16xf32, #tpu.memory_space<vmem>>) target(%dma_start3A_112 : memref<10016x16xf32, #tpu.memory_space<vmem_shared>>) offsets(%dma_start3A_109 : memref<128xi32, #tpu.memory_space<vmem>>) semaphore(%arg9 : memref<!tpu.dma_semaphore, #tpu.memory_space<semaphore_mem>>) {add = true}
      %mul3A_113 = arith.constant 8 : i32
      %mul3A_114 = arith.muli %add3A_23, %mul3A_113 : i32
      %add3A_115 = arith.constant 5 : i32
      %add3A_116 = arith.addi %mul3A_114, %add3A_115 : i32
      %mul3A_117 = arith.constant 8 : i32
      %mul3A_118 = arith.muli %add3A_23, %mul3A_117 : i32
      %add3A_119 = arith.constant 5 : i32
      %add3A_120 = arith.addi %mul3A_118, %add3A_119 : i32
      %dma_start3A_121 = arith.constant 0 : i32
      %dma_start3A_122 = arith.constant 0 : i32
      %dma_start3A_123 = tpu.memref_slice %arg6[%add3A_116, %dma_start3A_121, %dma_start3A_122] : memref<40x128x16xf32, #tpu.memory_space<vmem>> -> memref<1x128x16xf32, #tpu.memory_space<vmem>>
      %dma_start3A_124 = tpu.memref_squeeze %dma_start3A_123 : memref<1x128x16xf32, #tpu.memory_space<vmem>> -> memref<128x16xf32, #tpu.memory_space<vmem>>
      %dma_start3A_125 = arith.constant 0 : i32
      %dma_start3A_126 = tpu.memref_slice %arg5[%add3A_120, %dma_start3A_125] : memref<40x128xi32, #tpu.memory_space<vmem>> -> memref<1x128xi32, #tpu.memory_space<vmem>>
      %dma_start3A_127 = tpu.memref_squeeze %dma_start3A_126 : memref<1x128xi32, #tpu.memory_space<vmem>> -> memref<128xi32, #tpu.memory_space<vmem>>
      %dma_start3A_128 = arith.constant 0 : i32
      %dma_start3A_129 = arith.constant 0 : i32
      %dma_start3A_130 = tpu.memref_slice %arg8[%dma_start3A_128, %dma_start3A_129] : memref<10016x16xf32, #tpu.memory_space<vmem_shared>> -> memref<10016x16xf32, #tpu.memory_space<vmem_shared>>
      tpu.enqueue_indirect_dma source(%dma_start3A_124 : memref<128x16xf32, #tpu.memory_space<vmem>>) target(%dma_start3A_130 : memref<10016x16xf32, #tpu.memory_space<vmem_shared>>) offsets(%dma_start3A_127 : memref<128xi32, #tpu.memory_space<vmem>>) semaphore(%arg9 : memref<!tpu.dma_semaphore, #tpu.memory_space<semaphore_mem>>) {add = true}
      %mul3A_131 = arith.constant 8 : i32
      %mul3A_132 = arith.muli %add3A_23, %mul3A_131 : i32
      %add3A_133 = arith.constant 6 : i32
      %add3A_134 = arith.addi %mul3A_132, %add3A_133 : i32
      %mul3A_135 = arith.constant 8 : i32
      %mul3A_136 = arith.muli %add3A_23, %mul3A_135 : i32
      %add3A_137 = arith.constant 6 : i32
      %add3A_138 = arith.addi %mul3A_136, %add3A_137 : i32
      %dma_start3A_139 = arith.constant 0 : i32
      %dma_start3A_140 = arith.constant 0 : i32
      %dma_start3A_141 = tpu.memref_slice %arg6[%add3A_134, %dma_start3A_139, %dma_start3A_140] : memref<40x128x16xf32, #tpu.memory_space<vmem>> -> memref<1x128x16xf32, #tpu.memory_space<vmem>>
      %dma_start3A_142 = tpu.memref_squeeze %dma_start3A_141 : memref<1x128x16xf32, #tpu.memory_space<vmem>> -> memref<128x16xf32, #tpu.memory_space<vmem>>
      %dma_start3A_143 = arith.constant 0 : i32
      %dma_start3A_144 = tpu.memref_slice %arg5[%add3A_138, %dma_start3A_143] : memref<40x128xi32, #tpu.memory_space<vmem>> -> memref<1x128xi32, #tpu.memory_space<vmem>>
      %dma_start3A_145 = tpu.memref_squeeze %dma_start3A_144 : memref<1x128xi32, #tpu.memory_space<vmem>> -> memref<128xi32, #tpu.memory_space<vmem>>
      %dma_start3A_146 = arith.constant 0 : i32
      %dma_start3A_147 = arith.constant 0 : i32
      %dma_start3A_148 = tpu.memref_slice %arg8[%dma_start3A_146, %dma_start3A_147] : memref<10016x16xf32, #tpu.memory_space<vmem_shared>> -> memref<10016x16xf32, #tpu.memory_space<vmem_shared>>
      tpu.enqueue_indirect_dma source(%dma_start3A_142 : memref<128x16xf32, #tpu.memory_space<vmem>>) target(%dma_start3A_148 : memref<10016x16xf32, #tpu.memory_space<vmem_shared>>) offsets(%dma_start3A_145 : memref<128xi32, #tpu.memory_space<vmem>>) semaphore(%arg9 : memref<!tpu.dma_semaphore, #tpu.memory_space<semaphore_mem>>) {add = true}
      %mul3A_149 = arith.constant 8 : i32
      %mul3A_150 = arith.muli %add3A_23, %mul3A_149 : i32
      %add3A_151 = arith.constant 7 : i32
      %add3A_152 = arith.addi %mul3A_150, %add3A_151 : i32
      %mul3A_153 = arith.constant 8 : i32
      %mul3A_154 = arith.muli %add3A_23, %mul3A_153 : i32
      %add3A_155 = arith.constant 7 : i32
      %add3A_156 = arith.addi %mul3A_154, %add3A_155 : i32
      %dma_start3A_157 = arith.constant 0 : i32
      %dma_start3A_158 = arith.constant 0 : i32
      %dma_start3A_159 = tpu.memref_slice %arg6[%add3A_152, %dma_start3A_157, %dma_start3A_158] : memref<40x128x16xf32, #tpu.memory_space<vmem>> -> memref<1x128x16xf32, #tpu.memory_space<vmem>>
      %dma_start3A_160 = tpu.memref_squeeze %dma_start3A_159 : memref<1x128x16xf32, #tpu.memory_space<vmem>> -> memref<128x16xf32, #tpu.memory_space<vmem>>
      %dma_start3A_161 = arith.constant 0 : i32
      %dma_start3A_162 = tpu.memref_slice %arg5[%add3A_156, %dma_start3A_161] : memref<40x128xi32, #tpu.memory_space<vmem>> -> memref<1x128xi32, #tpu.memory_space<vmem>>
      %dma_start3A_163 = tpu.memref_squeeze %dma_start3A_162 : memref<1x128xi32, #tpu.memory_space<vmem>> -> memref<128xi32, #tpu.memory_space<vmem>>
      %dma_start3A_164 = arith.constant 0 : i32
      %dma_start3A_165 = arith.constant 0 : i32
      %dma_start3A_166 = tpu.memref_slice %arg8[%dma_start3A_164, %dma_start3A_165] : memref<10016x16xf32, #tpu.memory_space<vmem_shared>> -> memref<10016x16xf32, #tpu.memory_space<vmem_shared>>
      tpu.enqueue_indirect_dma source(%dma_start3A_160 : memref<128x16xf32, #tpu.memory_space<vmem>>) target(%dma_start3A_166 : memref<10016x16xf32, #tpu.memory_space<vmem_shared>>) offsets(%dma_start3A_163 : memref<128xi32, #tpu.memory_space<vmem>>) semaphore(%arg9 : memref<!tpu.dma_semaphore, #tpu.memory_space<semaphore_mem>>) {add = true}
      %dma_wait3A = arith.constant 0 : i32
      %dma_wait3A_167 = arith.constant 0 : i32
      %dma_wait3A_168 = tpu.memref_slice %arg6[%add3A_27, %dma_wait3A, %dma_wait3A_167] : memref<40x128x16xf32, #tpu.memory_space<vmem>> -> memref<1x128x16xf32, #tpu.memory_space<vmem>>
      %dma_wait3A_169 = tpu.memref_squeeze %dma_wait3A_168 : memref<1x128x16xf32, #tpu.memory_space<vmem>> -> memref<128x16xf32, #tpu.memory_space<vmem>>
      %dma_wait3A_170 = arith.constant 0 : i32
      %dma_wait3A_171 = tpu.memref_slice %arg5[%add3A_31, %dma_wait3A_170] : memref<40x128xi32, #tpu.memory_space<vmem>> -> memref<1x128xi32, #tpu.memory_space<vmem>>
      %dma_wait3A_172 = tpu.memref_squeeze %dma_wait3A_171 : memref<1x128xi32, #tpu.memory_space<vmem>> -> memref<128xi32, #tpu.memory_space<vmem>>
      %dma_wait3A_173 = arith.constant 0 : i32
      %dma_wait3A_174 = arith.constant 0 : i32
      %dma_wait3A_175 = tpu.memref_slice %arg8[%dma_wait3A_173, %dma_wait3A_174] : memref<10016x16xf32, #tpu.memory_space<vmem_shared>> -> memref<10016x16xf32, #tpu.memory_space<vmem_shared>>
      tpu.wait_indirect_dma semaphore(%arg9 : memref<!tpu.dma_semaphore, #tpu.memory_space<semaphore_mem>>) src(%dma_wait3A_169 : memref<128x16xf32, #tpu.memory_space<vmem>>) dst(%dma_wait3A_175 : memref<10016x16xf32, #tpu.memory_space<vmem_shared>>)
      %dma_wait3A_176 = arith.constant 0 : i32
      %dma_wait3A_177 = arith.constant 0 : i32
      %dma_wait3A_178 = tpu.memref_slice %arg6[%add3A_44, %dma_wait3A_176, %dma_wait3A_177] : memref<40x128x16xf32, #tpu.memory_space<vmem>> -> memref<1x128x16xf32, #tpu.memory_space<vmem>>
      %dma_wait3A_179 = tpu.memref_squeeze %dma_wait3A_178 : memref<1x128x16xf32, #tpu.memory_space<vmem>> -> memref<128x16xf32, #tpu.memory_space<vmem>>
      %dma_wait3A_180 = arith.constant 0 : i32
      %dma_wait3A_181 = tpu.memref_slice %arg5[%add3A_48, %dma_wait3A_180] : memref<40x128xi32, #tpu.memory_space<vmem>> -> memref<1x128xi32, #tpu.memory_space<vmem>>
      %dma_wait3A_182 = tpu.memref_squeeze %dma_wait3A_181 : memref<1x128xi32, #tpu.memory_space<vmem>> -> memref<128xi32, #tpu.memory_space<vmem>>
      %dma_wait3A_183 = arith.constant 0 : i32
      %dma_wait3A_184 = arith.constant 0 : i32
      %dma_wait3A_185 = tpu.memref_slice %arg8[%dma_wait3A_183, %dma_wait3A_184] : memref<10016x16xf32, #tpu.memory_space<vmem_shared>> -> memref<10016x16xf32, #tpu.memory_space<vmem_shared>>
      tpu.wait_indirect_dma semaphore(%arg9 : memref<!tpu.dma_semaphore, #tpu.memory_space<semaphore_mem>>) src(%dma_wait3A_179 : memref<128x16xf32, #tpu.memory_space<vmem>>) dst(%dma_wait3A_185 : memref<10016x16xf32, #tpu.memory_space<vmem_shared>>)
      %dma_wait3A_186 = arith.constant 0 : i32
      %dma_wait3A_187 = arith.constant 0 : i32
      %dma_wait3A_188 = tpu.memref_slice %arg6[%add3A_62, %dma_wait3A_186, %dma_wait3A_187] : memref<40x128x16xf32, #tpu.memory_space<vmem>> -> memref<1x128x16xf32, #tpu.memory_space<vmem>>
      %dma_wait3A_189 = tpu.memref_squeeze %dma_wait3A_188 : memref<1x128x16xf32, #tpu.memory_space<vmem>> -> memref<128x16xf32, #tpu.memory_space<vmem>>
      %dma_wait3A_190 = arith.constant 0 : i32
      %dma_wait3A_191 = tpu.memref_slice %arg5[%add3A_66, %dma_wait3A_190] : memref<40x128xi32, #tpu.memory_space<vmem>> -> memref<1x128xi32, #tpu.memory_space<vmem>>
      %dma_wait3A_192 = tpu.memref_squeeze %dma_wait3A_191 : memref<1x128xi32, #tpu.memory_space<vmem>> -> memref<128xi32, #tpu.memory_space<vmem>>
      %dma_wait3A_193 = arith.constant 0 : i32
      %dma_wait3A_194 = arith.constant 0 : i32
      %dma_wait3A_195 = tpu.memref_slice %arg8[%dma_wait3A_193, %dma_wait3A_194] : memref<10016x16xf32, #tpu.memory_space<vmem_shared>> -> memref<10016x16xf32, #tpu.memory_space<vmem_shared>>
      tpu.wait_indirect_dma semaphore(%arg9 : memref<!tpu.dma_semaphore, #tpu.memory_space<semaphore_mem>>) src(%dma_wait3A_189 : memref<128x16xf32, #tpu.memory_space<vmem>>) dst(%dma_wait3A_195 : memref<10016x16xf32, #tpu.memory_space<vmem_shared>>)
      %dma_wait3A_196 = arith.constant 0 : i32
      %dma_wait3A_197 = arith.constant 0 : i32
      %dma_wait3A_198 = tpu.memref_slice %arg6[%add3A_80, %dma_wait3A_196, %dma_wait3A_197] : memref<40x128x16xf32, #tpu.memory_space<vmem>> -> memref<1x128x16xf32, #tpu.memory_space<vmem>>
      %dma_wait3A_199 = tpu.memref_squeeze %dma_wait3A_198 : memref<1x128x16xf32, #tpu.memory_space<vmem>> -> memref<128x16xf32, #tpu.memory_space<vmem>>
      %dma_wait3A_200 = arith.constant 0 : i32
      %dma_wait3A_201 = tpu.memref_slice %arg5[%add3A_84, %dma_wait3A_200] : memref<40x128xi32, #tpu.memory_space<vmem>> -> memref<1x128xi32, #tpu.memory_space<vmem>>
      %dma_wait3A_202 = tpu.memref_squeeze %dma_wait3A_201 : memref<1x128xi32, #tpu.memory_space<vmem>> -> memref<128xi32, #tpu.memory_space<vmem>>
      %dma_wait3A_203 = arith.constant 0 : i32
      %dma_wait3A_204 = arith.constant 0 : i32
      %dma_wait3A_205 = tpu.memref_slice %arg8[%dma_wait3A_203, %dma_wait3A_204] : memref<10016x16xf32, #tpu.memory_space<vmem_shared>> -> memref<10016x16xf32, #tpu.memory_space<vmem_shared>>
      tpu.wait_indirect_dma semaphore(%arg9 : memref<!tpu.dma_semaphore, #tpu.memory_space<semaphore_mem>>) src(%dma_wait3A_199 : memref<128x16xf32, #tpu.memory_space<vmem>>) dst(%dma_wait3A_205 : memref<10016x16xf32, #tpu.memory_space<vmem_shared>>)
      %dma_wait3A_206 = arith.constant 0 : i32
      %dma_wait3A_207 = arith.constant 0 : i32
      %dma_wait3A_208 = tpu.memref_slice %arg6[%add3A_98, %dma_wait3A_206, %dma_wait3A_207] : memref<40x128x16xf32, #tpu.memory_space<vmem>> -> memref<1x128x16xf32, #tpu.memory_space<vmem>>
      %dma_wait3A_209 = tpu.memref_squeeze %dma_wait3A_208 : memref<1x128x16xf32, #tpu.memory_space<vmem>> -> memref<128x16xf32, #tpu.memory_space<vmem>>
      %dma_wait3A_210 = arith.constant 0 : i32
      %dma_wait3A_211 = tpu.memref_slice %arg5[%add3A_102, %dma_wait3A_210] : memref<40x128xi32, #tpu.memory_space<vmem>> -> memref<1x128xi32, #tpu.memory_space<vmem>>
      %dma_wait3A_212 = tpu.memref_squeeze %dma_wait3A_211 : memref<1x128xi32, #tpu.memory_space<vmem>> -> memref<128xi32, #tpu.memory_space<vmem>>
      %dma_wait3A_213 = arith.constant 0 : i32
      %dma_wait3A_214 = arith.constant 0 : i32
      %dma_wait3A_215 = tpu.memref_slice %arg8[%dma_wait3A_213, %dma_wait3A_214] : memref<10016x16xf32, #tpu.memory_space<vmem_shared>> -> memref<10016x16xf32, #tpu.memory_space<vmem_shared>>
      tpu.wait_indirect_dma semaphore(%arg9 : memref<!tpu.dma_semaphore, #tpu.memory_space<semaphore_mem>>) src(%dma_wait3A_209 : memref<128x16xf32, #tpu.memory_space<vmem>>) dst(%dma_wait3A_215 : memref<10016x16xf32, #tpu.memory_space<vmem_shared>>)
      %dma_wait3A_216 = arith.constant 0 : i32
      %dma_wait3A_217 = arith.constant 0 : i32
      %dma_wait3A_218 = tpu.memref_slice %arg6[%add3A_116, %dma_wait3A_216, %dma_wait3A_217] : memref<40x128x16xf32, #tpu.memory_space<vmem>> -> memref<1x128x16xf32, #tpu.memory_space<vmem>>
      %dma_wait3A_219 = tpu.memref_squeeze %dma_wait3A_218 : memref<1x128x16xf32, #tpu.memory_space<vmem>> -> memref<128x16xf32, #tpu.memory_space<vmem>>
      %dma_wait3A_220 = arith.constant 0 : i32
      %dma_wait3A_221 = tpu.memref_slice %arg5[%add3A_120, %dma_wait3A_220] : memref<40x128xi32, #tpu.memory_space<vmem>> -> memref<1x128xi32, #tpu.memory_space<vmem>>
      %dma_wait3A_222 = tpu.memref_squeeze %dma_wait3A_221 : memref<1x128xi32, #tpu.memory_space<vmem>> -> memref<128xi32, #tpu.memory_space<vmem>>
      %dma_wait3A_223 = arith.constant 0 : i32
      %dma_wait3A_224 = arith.constant 0 : i32
      %dma_wait3A_225 = tpu.memref_slice %arg8[%dma_wait3A_223, %dma_wait3A_224] : memref<10016x16xf32, #tpu.memory_space<vmem_shared>> -> memref<10016x16xf32, #tpu.memory_space<vmem_shared>>
      tpu.wait_indirect_dma semaphore(%arg9 : memref<!tpu.dma_semaphore, #tpu.memory_space<semaphore_mem>>) src(%dma_wait3A_219 : memref<128x16xf32, #tpu.memory_space<vmem>>) dst(%dma_wait3A_225 : memref<10016x16xf32, #tpu.memory_space<vmem_shared>>)
      %dma_wait3A_226 = arith.constant 0 : i32
      %dma_wait3A_227 = arith.constant 0 : i32
      %dma_wait3A_228 = tpu.memref_slice %arg6[%add3A_134, %dma_wait3A_226, %dma_wait3A_227] : memref<40x128x16xf32, #tpu.memory_space<vmem>> -> memref<1x128x16xf32, #tpu.memory_space<vmem>>
      %dma_wait3A_229 = tpu.memref_squeeze %dma_wait3A_228 : memref<1x128x16xf32, #tpu.memory_space<vmem>> -> memref<128x16xf32, #tpu.memory_space<vmem>>
      %dma_wait3A_230 = arith.constant 0 : i32
      %dma_wait3A_231 = tpu.memref_slice %arg5[%add3A_138, %dma_wait3A_230] : memref<40x128xi32, #tpu.memory_space<vmem>> -> memref<1x128xi32, #tpu.memory_space<vmem>>
      %dma_wait3A_232 = tpu.memref_squeeze %dma_wait3A_231 : memref<1x128xi32, #tpu.memory_space<vmem>> -> memref<128xi32, #tpu.memory_space<vmem>>
      %dma_wait3A_233 = arith.constant 0 : i32
      %dma_wait3A_234 = arith.constant 0 : i32
      %dma_wait3A_235 = tpu.memref_slice %arg8[%dma_wait3A_233, %dma_wait3A_234] : memref<10016x16xf32, #tpu.memory_space<vmem_shared>> -> memref<10016x16xf32, #tpu.memory_space<vmem_shared>>
      tpu.wait_indirect_dma semaphore(%arg9 : memref<!tpu.dma_semaphore, #tpu.memory_space<semaphore_mem>>) src(%dma_wait3A_229 : memref<128x16xf32, #tpu.memory_space<vmem>>) dst(%dma_wait3A_235 : memref<10016x16xf32, #tpu.memory_space<vmem_shared>>)
      %dma_wait3A_236 = arith.constant 0 : i32
      %dma_wait3A_237 = arith.constant 0 : i32
      %dma_wait3A_238 = tpu.memref_slice %arg6[%add3A_152, %dma_wait3A_236, %dma_wait3A_237] : memref<40x128x16xf32, #tpu.memory_space<vmem>> -> memref<1x128x16xf32, #tpu.memory_space<vmem>>
      %dma_wait3A_239 = tpu.memref_squeeze %dma_wait3A_238 : memref<1x128x16xf32, #tpu.memory_space<vmem>> -> memref<128x16xf32, #tpu.memory_space<vmem>>
      %dma_wait3A_240 = arith.constant 0 : i32
      %dma_wait3A_241 = tpu.memref_slice %arg5[%add3A_156, %dma_wait3A_240] : memref<40x128xi32, #tpu.memory_space<vmem>> -> memref<1x128xi32, #tpu.memory_space<vmem>>
      %dma_wait3A_242 = tpu.memref_squeeze %dma_wait3A_241 : memref<1x128xi32, #tpu.memory_space<vmem>> -> memref<128xi32, #tpu.memory_space<vmem>>
      %dma_wait3A_243 = arith.constant 0 : i32
      %dma_wait3A_244 = arith.constant 0 : i32
      %dma_wait3A_245 = tpu.memref_slice %arg8[%dma_wait3A_243, %dma_wait3A_244] : memref<10016x16xf32, #tpu.memory_space<vmem_shared>> -> memref<10016x16xf32, #tpu.memory_space<vmem_shared>>
      tpu.wait_indirect_dma semaphore(%arg9 : memref<!tpu.dma_semaphore, #tpu.memory_space<semaphore_mem>>) src(%dma_wait3A_239 : memref<128x16xf32, #tpu.memory_space<vmem>>) dst(%dma_wait3A_245 : memref<10016x16xf32, #tpu.memory_space<vmem_shared>>)
    }
    %scan3A_13 = arith.constant 5 : i32
    %barrier3A_14 = arith.constant 0 : index
    tpu.barrier barrier_id(%barrier3A_14)
    %mul3A_15 = arith.constant 626 : i32
    %mul3A_16 = arith.muli %arg1, %mul3A_15 : i32
    %mul3A_17 = arith.constant 626 : i32
    %mul3A_18 = arith.muli %arg1, %mul3A_17 : i32
    "tpu.region"() ({
      %run_scoped3A = tpu.sem_alloc : memref<!tpu.dma_semaphore, #tpu.memory_space<semaphore_mem>>
      %dma_start3A = arith.constant 0 : i32
      %dma_start3A_19 = tpu.memref_slice %arg4[%arg0, %mul3A_18, %dma_start3A] : memref<2x10016x16xf32, #tpu.memory_space<hbm>> -> memref<1x626x16xf32, #tpu.memory_space<hbm>>
      %dma_start3A_20 = tpu.memref_squeeze %dma_start3A_19 : memref<1x626x16xf32, #tpu.memory_space<hbm>> -> memref<626x16xf32, #tpu.memory_space<hbm>>
      %dma_start3A_21 = arith.constant 0 : i32
      %dma_start3A_22 = tpu.memref_slice %arg8[%mul3A_16, %dma_start3A_21] : memref<10016x16xf32, #tpu.memory_space<vmem_shared>> -> memref<626x16xf32, #tpu.memory_space<vmem_shared>>
      tpu.enqueue_dma source(%dma_start3A_22 : memref<626x16xf32, #tpu.memory_space<vmem_shared>>) target(%dma_start3A_20 : memref<626x16xf32, #tpu.memory_space<hbm>>) target_semaphore(%run_scoped3A : memref<!tpu.dma_semaphore, #tpu.memory_space<semaphore_mem>>)
      %dma_wait3A = arith.constant 0 : i32
      %dma_wait3A_23 = tpu.memref_slice %arg4[%arg0, %mul3A_18, %dma_wait3A] : memref<2x10016x16xf32, #tpu.memory_space<hbm>> -> memref<1x626x16xf32, #tpu.memory_space<hbm>>
      %dma_wait3A_24 = tpu.memref_squeeze %dma_wait3A_23 : memref<1x626x16xf32, #tpu.memory_space<hbm>> -> memref<626x16xf32, #tpu.memory_space<hbm>>
      %dma_wait3A_25 = arith.constant 0 : i32
      %dma_wait3A_26 = tpu.memref_slice %arg8[%mul3A_16, %dma_wait3A_25] : memref<10016x16xf32, #tpu.memory_space<vmem_shared>> -> memref<626x16xf32, #tpu.memory_space<vmem_shared>>
      tpu.wait_dma2 semaphore(%run_scoped3A : memref<!tpu.dma_semaphore, #tpu.memory_space<semaphore_mem>>) src(%dma_wait3A_26 : memref<626x16xf32, #tpu.memory_space<vmem_shared>>) dst(%dma_wait3A_24 : memref<626x16xf32, #tpu.memory_space<hbm>>)
      tpu.yield
    }) : () -> ()
    return
  }
}

#map = affine_map<(d0, d1) -> (0, 0)>
module attributes {stable_mosaic.version = 14 : i64} {
  func.func @k(%arg0: i32, %arg1: i32, %arg2: memref<10000x16xf32, #tpu.memory_space<hbm>>, %arg3: memref<1280x128xi32, #tpu.memory_space<hbm>>, %arg4: memref<163840x16xf32, #tpu.memory_space<hbm>>, %arg5: memref<40x128xi32, #tpu.memory_space<vmem>>, %arg6: memref<5120x16xf32, #tpu.memory_space<vmem>>, %arg7: memref<!tpu.dma_semaphore, #tpu.memory_space<semaphore_mem>>) attributes {dimension_semantics = [#tpu.dimension_semantics<core_parallel>, #tpu.dimension_semantics<subcore_parallel>], iteration_bounds = array<i64: 2, 16>, scalar_prefetch = 0 : i64, scratch_operands = 3 : i64, tpu.core_type = #tpu.core_type<sc_vector_subcore>, window_params = [{transform_indices = #map}, {transform_indices = #map}, {transform_indices = #map}]} {
    %mul3A = arith.constant 2 : i32
    %mul3A_0 = arith.muli %arg1, %mul3A : i32
    %add3A = arith.addi %mul3A_0, %arg0 : i32
    %mul3A_1 = arith.constant 40 : i32
    %mul3A_2 = arith.muli %add3A, %mul3A_1 : i32
    "tpu.region"() ({
      %run_scoped3A = tpu.sem_alloc : memref<!tpu.dma_semaphore, #tpu.memory_space<semaphore_mem>>
      %dma_start3A = arith.constant 0 : i32
      %dma_start3A_9 = tpu.memref_slice %arg3[%mul3A_2, %dma_start3A] : memref<1280x128xi32, #tpu.memory_space<hbm>> -> memref<40x128xi32, #tpu.memory_space<hbm>>
      %dma_start3A_10 = arith.constant 0 : i32
      %dma_start3A_11 = tpu.memref_slice %arg3[%mul3A_2, %dma_start3A_10] : memref<1280x128xi32, #tpu.memory_space<hbm>> -> memref<40x128xi32, #tpu.memory_space<hbm>>
      tpu.enqueue_dma source(%dma_start3A_11 : memref<40x128xi32, #tpu.memory_space<hbm>>) target(%arg5 : memref<40x128xi32, #tpu.memory_space<vmem>>) target_semaphore(%run_scoped3A : memref<!tpu.dma_semaphore, #tpu.memory_space<semaphore_mem>>)
      %dma_wait3A = arith.constant 0 : i32
      %dma_wait3A_12 = tpu.memref_slice %arg3[%mul3A_2, %dma_wait3A] : memref<1280x128xi32, #tpu.memory_space<hbm>> -> memref<40x128xi32, #tpu.memory_space<hbm>>
      %dma_wait3A_13 = arith.constant 0 : i32
      %dma_wait3A_14 = tpu.memref_slice %arg3[%mul3A_2, %dma_wait3A_13] : memref<1280x128xi32, #tpu.memory_space<hbm>> -> memref<40x128xi32, #tpu.memory_space<hbm>>
      tpu.wait_dma2 semaphore(%run_scoped3A : memref<!tpu.dma_semaphore, #tpu.memory_space<semaphore_mem>>) src(%dma_wait3A_14 : memref<40x128xi32, #tpu.memory_space<hbm>>) dst(%arg5 : memref<40x128xi32, #tpu.memory_space<vmem>>)
      tpu.yield
    }) : () -> ()
    %scan3A = arith.constant 0 : i32
    %scan3A_3 = arith.constant 5 : i32
    %scan3A_4 = arith.addi %scan3A, %scan3A_3 : i32
    %scan3A_5 = arith.constant 1 : i32
    scf.for %scan3A_9 = %scan3A to %scan3A_4 step %scan3A_5  : i32 {
      %mul3A_10 = arith.constant 1 : i32
      %mul3A_11 = arith.muli %scan3A_9, %mul3A_10 : i32
      %add3A_12 = arith.constant 0 : i32
      %add3A_13 = arith.addi %add3A_12, %mul3A_11 : i32
      %mul3A_14 = arith.constant 8 : i32
      %mul3A_15 = arith.muli %add3A_13, %mul3A_14 : i32
      %add3A_16 = arith.constant 0 : i32
      %add3A_17 = arith.addi %mul3A_15, %add3A_16 : i32
      %mul3A_18 = arith.constant 8 : i32
      %mul3A_19 = arith.muli %add3A_13, %mul3A_18 : i32
      %add3A_20 = arith.constant 0 : i32
      %add3A_21 = arith.addi %mul3A_19, %add3A_20 : i32
      %mul3A_22 = arith.constant 128 : i32
      %mul3A_23 = arith.muli %add3A_21, %mul3A_22 : i32
      %dma_start3A = arith.constant 0 : i32
      %dma_start3A_24 = tpu.memref_slice %arg6[%mul3A_23, %dma_start3A] : memref<5120x16xf32, #tpu.memory_space<vmem>> -> memref<128x16xf32, #tpu.memory_space<vmem>>
      %dma_start3A_25 = arith.constant 0 : i32
      %dma_start3A_26 = tpu.memref_slice %arg5[%add3A_17, %dma_start3A_25] : memref<40x128xi32, #tpu.memory_space<vmem>> -> memref<1x128xi32, #tpu.memory_space<vmem>>
      %dma_start3A_27 = tpu.memref_squeeze %dma_start3A_26 : memref<1x128xi32, #tpu.memory_space<vmem>> -> memref<128xi32, #tpu.memory_space<vmem>>
      %dma_start3A_28 = arith.constant 0 : i32
      %dma_start3A_29 = arith.constant 0 : i32
      %dma_start3A_30 = tpu.memref_slice %arg2[%dma_start3A_28, %dma_start3A_29] : memref<10000x16xf32, #tpu.memory_space<hbm>> -> memref<10000x16xf32, #tpu.memory_space<hbm>>
      tpu.enqueue_indirect_dma source(%dma_start3A_30 : memref<10000x16xf32, #tpu.memory_space<hbm>>) target(%dma_start3A_24 : memref<128x16xf32, #tpu.memory_space<vmem>>) offsets(%dma_start3A_27 : memref<128xi32, #tpu.memory_space<vmem>>) semaphore(%arg7 : memref<!tpu.dma_semaphore, #tpu.memory_space<semaphore_mem>>)
      %mul3A_31 = arith.constant 8 : i32
      %mul3A_32 = arith.muli %add3A_13, %mul3A_31 : i32
      %add3A_33 = arith.constant 1 : i32
      %add3A_34 = arith.addi %mul3A_32, %add3A_33 : i32
      %mul3A_35 = arith.constant 8 : i32
      %mul3A_36 = arith.muli %add3A_13, %mul3A_35 : i32
      %add3A_37 = arith.constant 1 : i32
      %add3A_38 = arith.addi %mul3A_36, %add3A_37 : i32
      %mul3A_39 = arith.constant 128 : i32
      %mul3A_40 = arith.muli %add3A_38, %mul3A_39 : i32
      %dma_start3A_41 = arith.constant 0 : i32
      %dma_start3A_42 = tpu.memref_slice %arg6[%mul3A_40, %dma_start3A_41] : memref<5120x16xf32, #tpu.memory_space<vmem>> -> memref<128x16xf32, #tpu.memory_space<vmem>>
      %dma_start3A_43 = arith.constant 0 : i32
      %dma_start3A_44 = tpu.memref_slice %arg5[%add3A_34, %dma_start3A_43] : memref<40x128xi32, #tpu.memory_space<vmem>> -> memref<1x128xi32, #tpu.memory_space<vmem>>
      %dma_start3A_45 = tpu.memref_squeeze %dma_start3A_44 : memref<1x128xi32, #tpu.memory_space<vmem>> -> memref<128xi32, #tpu.memory_space<vmem>>
      %dma_start3A_46 = arith.constant 0 : i32
      %dma_start3A_47 = arith.constant 0 : i32
      %dma_start3A_48 = tpu.memref_slice %arg2[%dma_start3A_46, %dma_start3A_47] : memref<10000x16xf32, #tpu.memory_space<hbm>> -> memref<10000x16xf32, #tpu.memory_space<hbm>>
      tpu.enqueue_indirect_dma source(%dma_start3A_48 : memref<10000x16xf32, #tpu.memory_space<hbm>>) target(%dma_start3A_42 : memref<128x16xf32, #tpu.memory_space<vmem>>) offsets(%dma_start3A_45 : memref<128xi32, #tpu.memory_space<vmem>>) semaphore(%arg7 : memref<!tpu.dma_semaphore, #tpu.memory_space<semaphore_mem>>)
      %mul3A_49 = arith.constant 8 : i32
      %mul3A_50 = arith.muli %add3A_13, %mul3A_49 : i32
      %add3A_51 = arith.constant 2 : i32
      %add3A_52 = arith.addi %mul3A_50, %add3A_51 : i32
      %mul3A_53 = arith.constant 8 : i32
      %mul3A_54 = arith.muli %add3A_13, %mul3A_53 : i32
      %add3A_55 = arith.constant 2 : i32
      %add3A_56 = arith.addi %mul3A_54, %add3A_55 : i32
      %mul3A_57 = arith.constant 128 : i32
      %mul3A_58 = arith.muli %add3A_56, %mul3A_57 : i32
      %dma_start3A_59 = arith.constant 0 : i32
      %dma_start3A_60 = tpu.memref_slice %arg6[%mul3A_58, %dma_start3A_59] : memref<5120x16xf32, #tpu.memory_space<vmem>> -> memref<128x16xf32, #tpu.memory_space<vmem>>
      %dma_start3A_61 = arith.constant 0 : i32
      %dma_start3A_62 = tpu.memref_slice %arg5[%add3A_52, %dma_start3A_61] : memref<40x128xi32, #tpu.memory_space<vmem>> -> memref<1x128xi32, #tpu.memory_space<vmem>>
      %dma_start3A_63 = tpu.memref_squeeze %dma_start3A_62 : memref<1x128xi32, #tpu.memory_space<vmem>> -> memref<128xi32, #tpu.memory_space<vmem>>
      %dma_start3A_64 = arith.constant 0 : i32
      %dma_start3A_65 = arith.constant 0 : i32
      %dma_start3A_66 = tpu.memref_slice %arg2[%dma_start3A_64, %dma_start3A_65] : memref<10000x16xf32, #tpu.memory_space<hbm>> -> memref<10000x16xf32, #tpu.memory_space<hbm>>
      tpu.enqueue_indirect_dma source(%dma_start3A_66 : memref<10000x16xf32, #tpu.memory_space<hbm>>) target(%dma_start3A_60 : memref<128x16xf32, #tpu.memory_space<vmem>>) offsets(%dma_start3A_63 : memref<128xi32, #tpu.memory_space<vmem>>) semaphore(%arg7 : memref<!tpu.dma_semaphore, #tpu.memory_space<semaphore_mem>>)
      %mul3A_67 = arith.constant 8 : i32
      %mul3A_68 = arith.muli %add3A_13, %mul3A_67 : i32
      %add3A_69 = arith.constant 3 : i32
      %add3A_70 = arith.addi %mul3A_68, %add3A_69 : i32
      %mul3A_71 = arith.constant 8 : i32
      %mul3A_72 = arith.muli %add3A_13, %mul3A_71 : i32
      %add3A_73 = arith.constant 3 : i32
      %add3A_74 = arith.addi %mul3A_72, %add3A_73 : i32
      %mul3A_75 = arith.constant 128 : i32
      %mul3A_76 = arith.muli %add3A_74, %mul3A_75 : i32
      %dma_start3A_77 = arith.constant 0 : i32
      %dma_start3A_78 = tpu.memref_slice %arg6[%mul3A_76, %dma_start3A_77] : memref<5120x16xf32, #tpu.memory_space<vmem>> -> memref<128x16xf32, #tpu.memory_space<vmem>>
      %dma_start3A_79 = arith.constant 0 : i32
      %dma_start3A_80 = tpu.memref_slice %arg5[%add3A_70, %dma_start3A_79] : memref<40x128xi32, #tpu.memory_space<vmem>> -> memref<1x128xi32, #tpu.memory_space<vmem>>
      %dma_start3A_81 = tpu.memref_squeeze %dma_start3A_80 : memref<1x128xi32, #tpu.memory_space<vmem>> -> memref<128xi32, #tpu.memory_space<vmem>>
      %dma_start3A_82 = arith.constant 0 : i32
      %dma_start3A_83 = arith.constant 0 : i32
      %dma_start3A_84 = tpu.memref_slice %arg2[%dma_start3A_82, %dma_start3A_83] : memref<10000x16xf32, #tpu.memory_space<hbm>> -> memref<10000x16xf32, #tpu.memory_space<hbm>>
      tpu.enqueue_indirect_dma source(%dma_start3A_84 : memref<10000x16xf32, #tpu.memory_space<hbm>>) target(%dma_start3A_78 : memref<128x16xf32, #tpu.memory_space<vmem>>) offsets(%dma_start3A_81 : memref<128xi32, #tpu.memory_space<vmem>>) semaphore(%arg7 : memref<!tpu.dma_semaphore, #tpu.memory_space<semaphore_mem>>)
      %mul3A_85 = arith.constant 8 : i32
      %mul3A_86 = arith.muli %add3A_13, %mul3A_85 : i32
      %add3A_87 = arith.constant 4 : i32
      %add3A_88 = arith.addi %mul3A_86, %add3A_87 : i32
      %mul3A_89 = arith.constant 8 : i32
      %mul3A_90 = arith.muli %add3A_13, %mul3A_89 : i32
      %add3A_91 = arith.constant 4 : i32
      %add3A_92 = arith.addi %mul3A_90, %add3A_91 : i32
      %mul3A_93 = arith.constant 128 : i32
      %mul3A_94 = arith.muli %add3A_92, %mul3A_93 : i32
      %dma_start3A_95 = arith.constant 0 : i32
      %dma_start3A_96 = tpu.memref_slice %arg6[%mul3A_94, %dma_start3A_95] : memref<5120x16xf32, #tpu.memory_space<vmem>> -> memref<128x16xf32, #tpu.memory_space<vmem>>
      %dma_start3A_97 = arith.constant 0 : i32
      %dma_start3A_98 = tpu.memref_slice %arg5[%add3A_88, %dma_start3A_97] : memref<40x128xi32, #tpu.memory_space<vmem>> -> memref<1x128xi32, #tpu.memory_space<vmem>>
      %dma_start3A_99 = tpu.memref_squeeze %dma_start3A_98 : memref<1x128xi32, #tpu.memory_space<vmem>> -> memref<128xi32, #tpu.memory_space<vmem>>
      %dma_start3A_100 = arith.constant 0 : i32
      %dma_start3A_101 = arith.constant 0 : i32
      %dma_start3A_102 = tpu.memref_slice %arg2[%dma_start3A_100, %dma_start3A_101] : memref<10000x16xf32, #tpu.memory_space<hbm>> -> memref<10000x16xf32, #tpu.memory_space<hbm>>
      tpu.enqueue_indirect_dma source(%dma_start3A_102 : memref<10000x16xf32, #tpu.memory_space<hbm>>) target(%dma_start3A_96 : memref<128x16xf32, #tpu.memory_space<vmem>>) offsets(%dma_start3A_99 : memref<128xi32, #tpu.memory_space<vmem>>) semaphore(%arg7 : memref<!tpu.dma_semaphore, #tpu.memory_space<semaphore_mem>>)
      %mul3A_103 = arith.constant 8 : i32
      %mul3A_104 = arith.muli %add3A_13, %mul3A_103 : i32
      %add3A_105 = arith.constant 5 : i32
      %add3A_106 = arith.addi %mul3A_104, %add3A_105 : i32
      %mul3A_107 = arith.constant 8 : i32
      %mul3A_108 = arith.muli %add3A_13, %mul3A_107 : i32
      %add3A_109 = arith.constant 5 : i32
      %add3A_110 = arith.addi %mul3A_108, %add3A_109 : i32
      %mul3A_111 = arith.constant 128 : i32
      %mul3A_112 = arith.muli %add3A_110, %mul3A_111 : i32
      %dma_start3A_113 = arith.constant 0 : i32
      %dma_start3A_114 = tpu.memref_slice %arg6[%mul3A_112, %dma_start3A_113] : memref<5120x16xf32, #tpu.memory_space<vmem>> -> memref<128x16xf32, #tpu.memory_space<vmem>>
      %dma_start3A_115 = arith.constant 0 : i32
      %dma_start3A_116 = tpu.memref_slice %arg5[%add3A_106, %dma_start3A_115] : memref<40x128xi32, #tpu.memory_space<vmem>> -> memref<1x128xi32, #tpu.memory_space<vmem>>
      %dma_start3A_117 = tpu.memref_squeeze %dma_start3A_116 : memref<1x128xi32, #tpu.memory_space<vmem>> -> memref<128xi32, #tpu.memory_space<vmem>>
      %dma_start3A_118 = arith.constant 0 : i32
      %dma_start3A_119 = arith.constant 0 : i32
      %dma_start3A_120 = tpu.memref_slice %arg2[%dma_start3A_118, %dma_start3A_119] : memref<10000x16xf32, #tpu.memory_space<hbm>> -> memref<10000x16xf32, #tpu.memory_space<hbm>>
      tpu.enqueue_indirect_dma source(%dma_start3A_120 : memref<10000x16xf32, #tpu.memory_space<hbm>>) target(%dma_start3A_114 : memref<128x16xf32, #tpu.memory_space<vmem>>) offsets(%dma_start3A_117 : memref<128xi32, #tpu.memory_space<vmem>>) semaphore(%arg7 : memref<!tpu.dma_semaphore, #tpu.memory_space<semaphore_mem>>)
      %mul3A_121 = arith.constant 8 : i32
      %mul3A_122 = arith.muli %add3A_13, %mul3A_121 : i32
      %add3A_123 = arith.constant 6 : i32
      %add3A_124 = arith.addi %mul3A_122, %add3A_123 : i32
      %mul3A_125 = arith.constant 8 : i32
      %mul3A_126 = arith.muli %add3A_13, %mul3A_125 : i32
      %add3A_127 = arith.constant 6 : i32
      %add3A_128 = arith.addi %mul3A_126, %add3A_127 : i32
      %mul3A_129 = arith.constant 128 : i32
      %mul3A_130 = arith.muli %add3A_128, %mul3A_129 : i32
      %dma_start3A_131 = arith.constant 0 : i32
      %dma_start3A_132 = tpu.memref_slice %arg6[%mul3A_130, %dma_start3A_131] : memref<5120x16xf32, #tpu.memory_space<vmem>> -> memref<128x16xf32, #tpu.memory_space<vmem>>
      %dma_start3A_133 = arith.constant 0 : i32
      %dma_start3A_134 = tpu.memref_slice %arg5[%add3A_124, %dma_start3A_133] : memref<40x128xi32, #tpu.memory_space<vmem>> -> memref<1x128xi32, #tpu.memory_space<vmem>>
      %dma_start3A_135 = tpu.memref_squeeze %dma_start3A_134 : memref<1x128xi32, #tpu.memory_space<vmem>> -> memref<128xi32, #tpu.memory_space<vmem>>
      %dma_start3A_136 = arith.constant 0 : i32
      %dma_start3A_137 = arith.constant 0 : i32
      %dma_start3A_138 = tpu.memref_slice %arg2[%dma_start3A_136, %dma_start3A_137] : memref<10000x16xf32, #tpu.memory_space<hbm>> -> memref<10000x16xf32, #tpu.memory_space<hbm>>
      tpu.enqueue_indirect_dma source(%dma_start3A_138 : memref<10000x16xf32, #tpu.memory_space<hbm>>) target(%dma_start3A_132 : memref<128x16xf32, #tpu.memory_space<vmem>>) offsets(%dma_start3A_135 : memref<128xi32, #tpu.memory_space<vmem>>) semaphore(%arg7 : memref<!tpu.dma_semaphore, #tpu.memory_space<semaphore_mem>>)
      %mul3A_139 = arith.constant 8 : i32
      %mul3A_140 = arith.muli %add3A_13, %mul3A_139 : i32
      %add3A_141 = arith.constant 7 : i32
      %add3A_142 = arith.addi %mul3A_140, %add3A_141 : i32
      %mul3A_143 = arith.constant 8 : i32
      %mul3A_144 = arith.muli %add3A_13, %mul3A_143 : i32
      %add3A_145 = arith.constant 7 : i32
      %add3A_146 = arith.addi %mul3A_144, %add3A_145 : i32
      %mul3A_147 = arith.constant 128 : i32
      %mul3A_148 = arith.muli %add3A_146, %mul3A_147 : i32
      %dma_start3A_149 = arith.constant 0 : i32
      %dma_start3A_150 = tpu.memref_slice %arg6[%mul3A_148, %dma_start3A_149] : memref<5120x16xf32, #tpu.memory_space<vmem>> -> memref<128x16xf32, #tpu.memory_space<vmem>>
      %dma_start3A_151 = arith.constant 0 : i32
      %dma_start3A_152 = tpu.memref_slice %arg5[%add3A_142, %dma_start3A_151] : memref<40x128xi32, #tpu.memory_space<vmem>> -> memref<1x128xi32, #tpu.memory_space<vmem>>
      %dma_start3A_153 = tpu.memref_squeeze %dma_start3A_152 : memref<1x128xi32, #tpu.memory_space<vmem>> -> memref<128xi32, #tpu.memory_space<vmem>>
      %dma_start3A_154 = arith.constant 0 : i32
      %dma_start3A_155 = arith.constant 0 : i32
      %dma_start3A_156 = tpu.memref_slice %arg2[%dma_start3A_154, %dma_start3A_155] : memref<10000x16xf32, #tpu.memory_space<hbm>> -> memref<10000x16xf32, #tpu.memory_space<hbm>>
      tpu.enqueue_indirect_dma source(%dma_start3A_156 : memref<10000x16xf32, #tpu.memory_space<hbm>>) target(%dma_start3A_150 : memref<128x16xf32, #tpu.memory_space<vmem>>) offsets(%dma_start3A_153 : memref<128xi32, #tpu.memory_space<vmem>>) semaphore(%arg7 : memref<!tpu.dma_semaphore, #tpu.memory_space<semaphore_mem>>)
      %dma_wait3A = arith.constant 0 : i32
      %dma_wait3A_157 = tpu.memref_slice %arg6[%mul3A_23, %dma_wait3A] : memref<5120x16xf32, #tpu.memory_space<vmem>> -> memref<128x16xf32, #tpu.memory_space<vmem>>
      %dma_wait3A_158 = arith.constant 0 : i32
      %dma_wait3A_159 = tpu.memref_slice %arg5[%add3A_17, %dma_wait3A_158] : memref<40x128xi32, #tpu.memory_space<vmem>> -> memref<1x128xi32, #tpu.memory_space<vmem>>
      %dma_wait3A_160 = tpu.memref_squeeze %dma_wait3A_159 : memref<1x128xi32, #tpu.memory_space<vmem>> -> memref<128xi32, #tpu.memory_space<vmem>>
      %dma_wait3A_161 = arith.constant 0 : i32
      %dma_wait3A_162 = arith.constant 0 : i32
      %dma_wait3A_163 = tpu.memref_slice %arg2[%dma_wait3A_161, %dma_wait3A_162] : memref<10000x16xf32, #tpu.memory_space<hbm>> -> memref<10000x16xf32, #tpu.memory_space<hbm>>
      tpu.wait_indirect_dma semaphore(%arg7 : memref<!tpu.dma_semaphore, #tpu.memory_space<semaphore_mem>>) src(%dma_wait3A_163 : memref<10000x16xf32, #tpu.memory_space<hbm>>) dst(%dma_wait3A_157 : memref<128x16xf32, #tpu.memory_space<vmem>>)
      %dma_wait3A_164 = arith.constant 0 : i32
      %dma_wait3A_165 = tpu.memref_slice %arg6[%mul3A_40, %dma_wait3A_164] : memref<5120x16xf32, #tpu.memory_space<vmem>> -> memref<128x16xf32, #tpu.memory_space<vmem>>
      %dma_wait3A_166 = arith.constant 0 : i32
      %dma_wait3A_167 = tpu.memref_slice %arg5[%add3A_34, %dma_wait3A_166] : memref<40x128xi32, #tpu.memory_space<vmem>> -> memref<1x128xi32, #tpu.memory_space<vmem>>
      %dma_wait3A_168 = tpu.memref_squeeze %dma_wait3A_167 : memref<1x128xi32, #tpu.memory_space<vmem>> -> memref<128xi32, #tpu.memory_space<vmem>>
      %dma_wait3A_169 = arith.constant 0 : i32
      %dma_wait3A_170 = arith.constant 0 : i32
      %dma_wait3A_171 = tpu.memref_slice %arg2[%dma_wait3A_169, %dma_wait3A_170] : memref<10000x16xf32, #tpu.memory_space<hbm>> -> memref<10000x16xf32, #tpu.memory_space<hbm>>
      tpu.wait_indirect_dma semaphore(%arg7 : memref<!tpu.dma_semaphore, #tpu.memory_space<semaphore_mem>>) src(%dma_wait3A_171 : memref<10000x16xf32, #tpu.memory_space<hbm>>) dst(%dma_wait3A_165 : memref<128x16xf32, #tpu.memory_space<vmem>>)
      %dma_wait3A_172 = arith.constant 0 : i32
      %dma_wait3A_173 = tpu.memref_slice %arg6[%mul3A_58, %dma_wait3A_172] : memref<5120x16xf32, #tpu.memory_space<vmem>> -> memref<128x16xf32, #tpu.memory_space<vmem>>
      %dma_wait3A_174 = arith.constant 0 : i32
      %dma_wait3A_175 = tpu.memref_slice %arg5[%add3A_52, %dma_wait3A_174] : memref<40x128xi32, #tpu.memory_space<vmem>> -> memref<1x128xi32, #tpu.memory_space<vmem>>
      %dma_wait3A_176 = tpu.memref_squeeze %dma_wait3A_175 : memref<1x128xi32, #tpu.memory_space<vmem>> -> memref<128xi32, #tpu.memory_space<vmem>>
      %dma_wait3A_177 = arith.constant 0 : i32
      %dma_wait3A_178 = arith.constant 0 : i32
      %dma_wait3A_179 = tpu.memref_slice %arg2[%dma_wait3A_177, %dma_wait3A_178] : memref<10000x16xf32, #tpu.memory_space<hbm>> -> memref<10000x16xf32, #tpu.memory_space<hbm>>
      tpu.wait_indirect_dma semaphore(%arg7 : memref<!tpu.dma_semaphore, #tpu.memory_space<semaphore_mem>>) src(%dma_wait3A_179 : memref<10000x16xf32, #tpu.memory_space<hbm>>) dst(%dma_wait3A_173 : memref<128x16xf32, #tpu.memory_space<vmem>>)
      %dma_wait3A_180 = arith.constant 0 : i32
      %dma_wait3A_181 = tpu.memref_slice %arg6[%mul3A_76, %dma_wait3A_180] : memref<5120x16xf32, #tpu.memory_space<vmem>> -> memref<128x16xf32, #tpu.memory_space<vmem>>
      %dma_wait3A_182 = arith.constant 0 : i32
      %dma_wait3A_183 = tpu.memref_slice %arg5[%add3A_70, %dma_wait3A_182] : memref<40x128xi32, #tpu.memory_space<vmem>> -> memref<1x128xi32, #tpu.memory_space<vmem>>
      %dma_wait3A_184 = tpu.memref_squeeze %dma_wait3A_183 : memref<1x128xi32, #tpu.memory_space<vmem>> -> memref<128xi32, #tpu.memory_space<vmem>>
      %dma_wait3A_185 = arith.constant 0 : i32
      %dma_wait3A_186 = arith.constant 0 : i32
      %dma_wait3A_187 = tpu.memref_slice %arg2[%dma_wait3A_185, %dma_wait3A_186] : memref<10000x16xf32, #tpu.memory_space<hbm>> -> memref<10000x16xf32, #tpu.memory_space<hbm>>
      tpu.wait_indirect_dma semaphore(%arg7 : memref<!tpu.dma_semaphore, #tpu.memory_space<semaphore_mem>>) src(%dma_wait3A_187 : memref<10000x16xf32, #tpu.memory_space<hbm>>) dst(%dma_wait3A_181 : memref<128x16xf32, #tpu.memory_space<vmem>>)
      %dma_wait3A_188 = arith.constant 0 : i32
      %dma_wait3A_189 = tpu.memref_slice %arg6[%mul3A_94, %dma_wait3A_188] : memref<5120x16xf32, #tpu.memory_space<vmem>> -> memref<128x16xf32, #tpu.memory_space<vmem>>
      %dma_wait3A_190 = arith.constant 0 : i32
      %dma_wait3A_191 = tpu.memref_slice %arg5[%add3A_88, %dma_wait3A_190] : memref<40x128xi32, #tpu.memory_space<vmem>> -> memref<1x128xi32, #tpu.memory_space<vmem>>
      %dma_wait3A_192 = tpu.memref_squeeze %dma_wait3A_191 : memref<1x128xi32, #tpu.memory_space<vmem>> -> memref<128xi32, #tpu.memory_space<vmem>>
      %dma_wait3A_193 = arith.constant 0 : i32
      %dma_wait3A_194 = arith.constant 0 : i32
      %dma_wait3A_195 = tpu.memref_slice %arg2[%dma_wait3A_193, %dma_wait3A_194] : memref<10000x16xf32, #tpu.memory_space<hbm>> -> memref<10000x16xf32, #tpu.memory_space<hbm>>
      tpu.wait_indirect_dma semaphore(%arg7 : memref<!tpu.dma_semaphore, #tpu.memory_space<semaphore_mem>>) src(%dma_wait3A_195 : memref<10000x16xf32, #tpu.memory_space<hbm>>) dst(%dma_wait3A_189 : memref<128x16xf32, #tpu.memory_space<vmem>>)
      %dma_wait3A_196 = arith.constant 0 : i32
      %dma_wait3A_197 = tpu.memref_slice %arg6[%mul3A_112, %dma_wait3A_196] : memref<5120x16xf32, #tpu.memory_space<vmem>> -> memref<128x16xf32, #tpu.memory_space<vmem>>
      %dma_wait3A_198 = arith.constant 0 : i32
      %dma_wait3A_199 = tpu.memref_slice %arg5[%add3A_106, %dma_wait3A_198] : memref<40x128xi32, #tpu.memory_space<vmem>> -> memref<1x128xi32, #tpu.memory_space<vmem>>
      %dma_wait3A_200 = tpu.memref_squeeze %dma_wait3A_199 : memref<1x128xi32, #tpu.memory_space<vmem>> -> memref<128xi32, #tpu.memory_space<vmem>>
      %dma_wait3A_201 = arith.constant 0 : i32
      %dma_wait3A_202 = arith.constant 0 : i32
      %dma_wait3A_203 = tpu.memref_slice %arg2[%dma_wait3A_201, %dma_wait3A_202] : memref<10000x16xf32, #tpu.memory_space<hbm>> -> memref<10000x16xf32, #tpu.memory_space<hbm>>
      tpu.wait_indirect_dma semaphore(%arg7 : memref<!tpu.dma_semaphore, #tpu.memory_space<semaphore_mem>>) src(%dma_wait3A_203 : memref<10000x16xf32, #tpu.memory_space<hbm>>) dst(%dma_wait3A_197 : memref<128x16xf32, #tpu.memory_space<vmem>>)
      %dma_wait3A_204 = arith.constant 0 : i32
      %dma_wait3A_205 = tpu.memref_slice %arg6[%mul3A_130, %dma_wait3A_204] : memref<5120x16xf32, #tpu.memory_space<vmem>> -> memref<128x16xf32, #tpu.memory_space<vmem>>
      %dma_wait3A_206 = arith.constant 0 : i32
      %dma_wait3A_207 = tpu.memref_slice %arg5[%add3A_124, %dma_wait3A_206] : memref<40x128xi32, #tpu.memory_space<vmem>> -> memref<1x128xi32, #tpu.memory_space<vmem>>
      %dma_wait3A_208 = tpu.memref_squeeze %dma_wait3A_207 : memref<1x128xi32, #tpu.memory_space<vmem>> -> memref<128xi32, #tpu.memory_space<vmem>>
      %dma_wait3A_209 = arith.constant 0 : i32
      %dma_wait3A_210 = arith.constant 0 : i32
      %dma_wait3A_211 = tpu.memref_slice %arg2[%dma_wait3A_209, %dma_wait3A_210] : memref<10000x16xf32, #tpu.memory_space<hbm>> -> memref<10000x16xf32, #tpu.memory_space<hbm>>
      tpu.wait_indirect_dma semaphore(%arg7 : memref<!tpu.dma_semaphore, #tpu.memory_space<semaphore_mem>>) src(%dma_wait3A_211 : memref<10000x16xf32, #tpu.memory_space<hbm>>) dst(%dma_wait3A_205 : memref<128x16xf32, #tpu.memory_space<vmem>>)
      %dma_wait3A_212 = arith.constant 0 : i32
      %dma_wait3A_213 = tpu.memref_slice %arg6[%mul3A_148, %dma_wait3A_212] : memref<5120x16xf32, #tpu.memory_space<vmem>> -> memref<128x16xf32, #tpu.memory_space<vmem>>
      %dma_wait3A_214 = arith.constant 0 : i32
      %dma_wait3A_215 = tpu.memref_slice %arg5[%add3A_142, %dma_wait3A_214] : memref<40x128xi32, #tpu.memory_space<vmem>> -> memref<1x128xi32, #tpu.memory_space<vmem>>
      %dma_wait3A_216 = tpu.memref_squeeze %dma_wait3A_215 : memref<1x128xi32, #tpu.memory_space<vmem>> -> memref<128xi32, #tpu.memory_space<vmem>>
      %dma_wait3A_217 = arith.constant 0 : i32
      %dma_wait3A_218 = arith.constant 0 : i32
      %dma_wait3A_219 = tpu.memref_slice %arg2[%dma_wait3A_217, %dma_wait3A_218] : memref<10000x16xf32, #tpu.memory_space<hbm>> -> memref<10000x16xf32, #tpu.memory_space<hbm>>
      tpu.wait_indirect_dma semaphore(%arg7 : memref<!tpu.dma_semaphore, #tpu.memory_space<semaphore_mem>>) src(%dma_wait3A_219 : memref<10000x16xf32, #tpu.memory_space<hbm>>) dst(%dma_wait3A_213 : memref<128x16xf32, #tpu.memory_space<vmem>>)
    }
    %scan3A_6 = arith.constant 5 : i32
    %mul3A_7 = arith.constant 128 : i32
    %mul3A_8 = arith.muli %mul3A_2, %mul3A_7 : i32
    "tpu.region"() ({
      %run_scoped3A = tpu.sem_alloc : memref<!tpu.dma_semaphore, #tpu.memory_space<semaphore_mem>>
      %dma_start3A = arith.constant 0 : i32
      %dma_start3A_9 = tpu.memref_slice %arg4[%mul3A_8, %dma_start3A] : memref<163840x16xf32, #tpu.memory_space<hbm>> -> memref<5120x16xf32, #tpu.memory_space<hbm>>
      %dma_start3A_10 = arith.constant 0 : i32
      %dma_start3A_11 = tpu.memref_slice %arg4[%mul3A_8, %dma_start3A_10] : memref<163840x16xf32, #tpu.memory_space<hbm>> -> memref<5120x16xf32, #tpu.memory_space<hbm>>
      tpu.enqueue_dma source(%arg6 : memref<5120x16xf32, #tpu.memory_space<vmem>>) target(%dma_start3A_11 : memref<5120x16xf32, #tpu.memory_space<hbm>>) target_semaphore(%run_scoped3A : memref<!tpu.dma_semaphore, #tpu.memory_space<semaphore_mem>>)
      %dma_wait3A = arith.constant 0 : i32
      %dma_wait3A_12 = tpu.memref_slice %arg4[%mul3A_8, %dma_wait3A] : memref<163840x16xf32, #tpu.memory_space<hbm>> -> memref<5120x16xf32, #tpu.memory_space<hbm>>
      %dma_wait3A_13 = arith.constant 0 : i32
      %dma_wait3A_14 = tpu.memref_slice %arg4[%mul3A_8, %dma_wait3A_13] : memref<163840x16xf32, #tpu.memory_space<hbm>> -> memref<5120x16xf32, #tpu.memory_space<hbm>>
      tpu.wait_dma2 semaphore(%run_scoped3A : memref<!tpu.dma_semaphore, #tpu.memory_space<semaphore_mem>>) src(%arg6 : memref<5120x16xf32, #tpu.memory_space<vmem>>) dst(%dma_wait3A_14 : memref<5120x16xf32, #tpu.memory_space<hbm>>)
      tpu.yield
    }) : () -> ()
    return
  }
}

#map = affine_map<(d0, d1) -> (0, 0, 0)>
#map1 = affine_map<(d0, d1) -> (0, 0)>
module attributes {stable_mosaic.version = 14 : i64} {
  func.func @k(%arg0: i32, %arg1: i32, %arg2: memref<1280x128x16xf32, #tpu.memory_space<hbm>>, %arg3: memref<1280x128xi32, #tpu.memory_space<hbm>>, %arg4: memref<2x10016x16xf32, #tpu.memory_space<hbm>>, %arg5: memref<40x128xi32, #tpu.memory_space<vmem>>, %arg6: memref<40x128x16xf32, #tpu.memory_space<vmem>>, %arg7: memref<626x16xf32, #tpu.memory_space<vmem>>, %arg8: memref<10016x16xf32, #tpu.memory_space<vmem_shared>>, %arg9: memref<!tpu.dma_semaphore, #tpu.memory_space<semaphore_mem>>) attributes {dimension_semantics = [#tpu.dimension_semantics<core_parallel>, #tpu.dimension_semantics<subcore_parallel>], iteration_bounds = array<i64: 2, 16>, scalar_prefetch = 0 : i64, scratch_operands = 5 : i64, tpu.core_type = #tpu.core_type<sc_vector_subcore>, window_params = [{transform_indices = #map}, {transform_indices = #map1}, {transform_indices = #map}]} {
    %mul3A = arith.constant 2 : i32
    %mul3A_0 = arith.muli %arg1, %mul3A : i32
    %add3A = arith.addi %mul3A_0, %arg0 : i32
    %scan3A = arith.constant 0 : i32
    %scan3A_1 = arith.constant 626 : i32
    %scan3A_2 = arith.addi %scan3A, %scan3A_1 : i32
    %scan3A_3 = arith.constant 1 : i32
    scf.for %scan3A_19 = %scan3A to %scan3A_2 step %scan3A_3  : i32 {
      %mul3A_20 = arith.constant 1 : i32
      %mul3A_21 = arith.muli %scan3A_19, %mul3A_20 : i32
      %add3A_22 = arith.constant 0 : i32
      %add3A_23 = arith.addi %add3A_22, %mul3A_21 : i32
      %broadcast_in_dim3A = arith.constant 0.000000e+00 : f32
      %broadcast_in_dim3A_24 = vector.broadcast %broadcast_in_dim3A : f32 to vector<16xf32>
      %swap3A = arith.index_cast %add3A_23 : i32 to index
      %swap3A_25 = arith.constant 0 : index
      %swap3A_26 = tpu.vector_load %arg7[%swap3A, %swap3A_25] {strides = array<i32>} : memref<626x16xf32, #tpu.memory_space<vmem>>, vector<1x16xf32>,
      %swap3A_27 = vector.shape_cast %swap3A_26 : vector<1x16xf32> to vector<16xf32>
      %swap3A_28 = vector.shape_cast %broadcast_in_dim3A_24 : vector<16xf32> to vector<1x16xf32>
      tpu.vector_store %arg7[%swap3A, %swap3A_25], %swap3A_28 {strides = array<i32>} : memref<626x16xf32, #tpu.memory_space<vmem>>, vector<1x16xf32>,
    }
    %scan3A_4 = arith.constant 626 : i32
    %mul3A_5 = arith.constant 626 : i32
    %mul3A_6 = arith.muli %arg1, %mul3A_5 : i32
    "tpu.region"() ({
      %run_scoped3A = tpu.sem_alloc : memref<!tpu.dma_semaphore, #tpu.memory_space<semaphore_mem>>
      %dma_start3A = arith.constant 0 : i32
      %dma_start3A_19 = tpu.memref_slice %arg8[%mul3A_6, %dma_start3A] : memref<10016x16xf32, #tpu.memory_space<vmem_shared>> -> memref<626x16xf32, #tpu.memory_space<vmem_shared>>
      %dma_start3A_20 = arith.constant 0 : i32
      %dma_start3A_21 = tpu.memref_slice %arg8[%mul3A_6, %dma_start3A_20] : memref<10016x16xf32, #tpu.memory_space<vmem_shared>> -> memref<626x16xf32, #tpu.memory_space<vmem_shared>>
      tpu.enqueue_dma source(%arg7 : memref<626x16xf32, #tpu.memory_space<vmem>>) target(%dma_start3A_21 : memref<626x16xf32, #tpu.memory_space<vmem_shared>>) target_semaphore(%run_scoped3A : memref<!tpu.dma_semaphore, #tpu.memory_space<semaphore_mem>>)
      %dma_wait3A = arith.constant 0 : i32
      %dma_wait3A_22 = tpu.memref_slice %arg8[%mul3A_6, %dma_wait3A] : memref<10016x16xf32, #tpu.memory_space<vmem_shared>> -> memref<626x16xf32, #tpu.memory_space<vmem_shared>>
      %dma_wait3A_23 = arith.constant 0 : i32
      %dma_wait3A_24 = tpu.memref_slice %arg8[%mul3A_6, %dma_wait3A_23] : memref<10016x16xf32, #tpu.memory_space<vmem_shared>> -> memref<626x16xf32, #tpu.memory_space<vmem_shared>>
      tpu.wait_dma2 semaphore(%run_scoped3A : memref<!tpu.dma_semaphore, #tpu.memory_space<semaphore_mem>>) src(%arg7 : memref<626x16xf32, #tpu.memory_space<vmem>>) dst(%dma_wait3A_24 : memref<626x16xf32, #tpu.memory_space<vmem_shared>>)
      tpu.yield
    }) : () -> ()
    %barrier3A = arith.constant 0 : index
    tpu.barrier barrier_id(%barrier3A)
    %mul3A_7 = arith.constant 40 : i32
    %mul3A_8 = arith.muli %add3A, %mul3A_7 : i32
    "tpu.region"() ({
      %run_scoped3A = tpu.sem_alloc : memref<!tpu.dma_semaphore, #tpu.memory_space<semaphore_mem>>
      %dma_start3A = arith.constant 0 : i32
      %dma_start3A_19 = tpu.memref_slice %arg3[%mul3A_8, %dma_start3A] : memref<1280x128xi32, #tpu.memory_space<hbm>> -> memref<40x128xi32, #tpu.memory_space<hbm>>
      %dma_start3A_20 = arith.constant 0 : i32
      %dma_start3A_21 = tpu.memref_slice %arg3[%mul3A_8, %dma_start3A_20] : memref<1280x128xi32, #tpu.memory_space<hbm>> -> memref<40x128xi32, #tpu.memory_space<hbm>>
      tpu.enqueue_dma source(%dma_start3A_21 : memref<40x128xi32, #tpu.memory_space<hbm>>) target(%arg5 : memref<40x128xi32, #tpu.memory_space<vmem>>) target_semaphore(%run_scoped3A : memref<!tpu.dma_semaphore, #tpu.memory_space<semaphore_mem>>)
      %dma_wait3A = arith.constant 0 : i32
      %dma_wait3A_22 = tpu.memref_slice %arg3[%mul3A_8, %dma_wait3A] : memref<1280x128xi32, #tpu.memory_space<hbm>> -> memref<40x128xi32, #tpu.memory_space<hbm>>
      %dma_wait3A_23 = arith.constant 0 : i32
      %dma_wait3A_24 = tpu.memref_slice %arg3[%mul3A_8, %dma_wait3A_23] : memref<1280x128xi32, #tpu.memory_space<hbm>> -> memref<40x128xi32, #tpu.memory_space<hbm>>
      tpu.wait_dma2 semaphore(%run_scoped3A : memref<!tpu.dma_semaphore, #tpu.memory_space<semaphore_mem>>) src(%dma_wait3A_24 : memref<40x128xi32, #tpu.memory_space<hbm>>) dst(%arg5 : memref<40x128xi32, #tpu.memory_space<vmem>>)
      tpu.yield
    }) : () -> ()
    "tpu.region"() ({
      %run_scoped3A = tpu.sem_alloc : memref<!tpu.dma_semaphore, #tpu.memory_space<semaphore_mem>>
      %dma_start3A = arith.constant 0 : i32
      %dma_start3A_19 = arith.constant 0 : i32
      %dma_start3A_20 = tpu.memref_slice %arg2[%mul3A_8, %dma_start3A, %dma_start3A_19] : memref<1280x128x16xf32, #tpu.memory_space<hbm>> -> memref<40x128x16xf32, #tpu.memory_space<hbm>>
      %dma_start3A_21 = arith.constant 0 : i32
      %dma_start3A_22 = arith.constant 0 : i32
      %dma_start3A_23 = tpu.memref_slice %arg2[%mul3A_8, %dma_start3A_21, %dma_start3A_22] : memref<1280x128x16xf32, #tpu.memory_space<hbm>> -> memref<40x128x16xf32, #tpu.memory_space<hbm>>
      tpu.enqueue_dma source(%dma_start3A_23 : memref<40x128x16xf32, #tpu.memory_space<hbm>>) target(%arg6 : memref<40x128x16xf32, #tpu.memory_space<vmem>>) target_semaphore(%run_scoped3A : memref<!tpu.dma_semaphore, #tpu.memory_space<semaphore_mem>>)
      %dma_wait3A = arith.constant 0 : i32
      %dma_wait3A_24 = arith.constant 0 : i32
      %dma_wait3A_25 = tpu.memref_slice %arg2[%mul3A_8, %dma_wait3A, %dma_wait3A_24] : memref<1280x128x16xf32, #tpu.memory_space<hbm>> -> memref<40x128x16xf32, #tpu.memory_space<hbm>>
      %dma_wait3A_26 = arith.constant 0 : i32
      %dma_wait3A_27 = arith.constant 0 : i32
      %dma_wait3A_28 = tpu.memref_slice %arg2[%mul3A_8, %dma_wait3A_26, %dma_wait3A_27] : memref<1280x128x16xf32, #tpu.memory_space<hbm>> -> memref<40x128x16xf32, #tpu.memory_space<hbm>>
      tpu.wait_dma2 semaphore(%run_scoped3A : memref<!tpu.dma_semaphore, #tpu.memory_space<semaphore_mem>>) src(%dma_wait3A_28 : memref<40x128x16xf32, #tpu.memory_space<hbm>>) dst(%arg6 : memref<40x128x16xf32, #tpu.memory_space<vmem>>)
      tpu.yield
    }) : () -> ()
    %scan3A_9 = arith.constant 0 : i32
    %scan3A_10 = arith.constant 5 : i32
    %scan3A_11 = arith.addi %scan3A_9, %scan3A_10 : i32
    %scan3A_12 = arith.constant 1 : i32
    scf.for %scan3A_19 = %scan3A_9 to %scan3A_11 step %scan3A_12  : i32 {
      %mul3A_20 = arith.constant 1 : i32
      %mul3A_21 = arith.muli %scan3A_19, %mul3A_20 : i32
      %add3A_22 = arith.constant 0 : i32
      %add3A_23 = arith.addi %add3A_22, %mul3A_21 : i32
      %mul3A_24 = arith.constant 8 : i32
      %mul3A_25 = arith.muli %add3A_23, %mul3A_24 : i32
      %add3A_26 = arith.constant 0 : i32
      %add3A_27 = arith.addi %mul3A_25, %add3A_26 : i32
      %mul3A_28 = arith.constant 8 : i32
      %mul3A_29 = arith.muli %add3A_23, %mul3A_28 : i32
      %add3A_30 = arith.constant 0 : i32
      %add3A_31 = arith.addi %mul3A_29, %add3A_30 : i32
      %dma_start3A = arith.constant 0 : i32
      %dma_start3A_32 = arith.constant 0 : i32
      %dma_start3A_33 = tpu.memref_slice %arg6[%add3A_27, %dma_start3A, %dma_start3A_32] : memref<40x128x16xf32, #tpu.memory_space<vmem>> -> memref<1x128x16xf32, #tpu.memory_space<vmem>>
      %dma_start3A_34 = tpu.memref_squeeze %dma_start3A_33 : memref<1x128x16xf32, #tpu.memory_space<vmem>> -> memref<128x16xf32, #tpu.memory_space<vmem>>
      %dma_start3A_35 = arith.constant 0 : i32
      %dma_start3A_36 = tpu.memref_slice %arg5[%add3A_31, %dma_start3A_35] : memref<40x128xi32, #tpu.memory_space<vmem>> -> memref<1x128xi32, #tpu.memory_space<vmem>>
      %dma_start3A_37 = tpu.memref_squeeze %dma_start3A_36 : memref<1x128xi32, #tpu.memory_space<vmem>> -> memref<128xi32, #tpu.memory_space<vmem>>
      %dma_start3A_38 = arith.constant 0 : i32
      %dma_start3A_39 = arith.constant 0 : i32
      %dma_start3A_40 = tpu.memref_slice %arg8[%dma_start3A_38, %dma_start3A_39] : memref<10016x16xf32, #tpu.memory_space<vmem_shared>> -> memref<10016x16xf32, #tpu.memory_space<vmem_shared>>
      tpu.enqueue_indirect_dma source(%dma_start3A_34 : memref<128x16xf32, #tpu.memory_space<vmem>>) target(%dma_start3A_40 : memref<10016x16xf32, #tpu.memory_space<vmem_shared>>) offsets(%dma_start3A_37 : memref<128xi32, #tpu.memory_space<vmem>>) semaphore(%arg9 : memref<!tpu.dma_semaphore, #tpu.memory_space<semaphore_mem>>) {add = true}
      %mul3A_41 = arith.constant 8 : i32
      %mul3A_42 = arith.muli %add3A_23, %mul3A_41 : i32
      %add3A_43 = arith.constant 1 : i32
      %add3A_44 = arith.addi %mul3A_42, %add3A_43 : i32
      %mul3A_45 = arith.constant 8 : i32
      %mul3A_46 = arith.muli %add3A_23, %mul3A_45 : i32
      %add3A_47 = arith.constant 1 : i32
      %add3A_48 = arith.addi %mul3A_46, %add3A_47 : i32
      %dma_start3A_49 = arith.constant 0 : i32
      %dma_start3A_50 = arith.constant 0 : i32
      %dma_start3A_51 = tpu.memref_slice %arg6[%add3A_44, %dma_start3A_49, %dma_start3A_50] : memref<40x128x16xf32, #tpu.memory_space<vmem>> -> memref<1x128x16xf32, #tpu.memory_space<vmem>>
      %dma_start3A_52 = tpu.memref_squeeze %dma_start3A_51 : memref<1x128x16xf32, #tpu.memory_space<vmem>> -> memref<128x16xf32, #tpu.memory_space<vmem>>
      %dma_start3A_53 = arith.constant 0 : i32
      %dma_start3A_54 = tpu.memref_slice %arg5[%add3A_48, %dma_start3A_53] : memref<40x128xi32, #tpu.memory_space<vmem>> -> memref<1x128xi32, #tpu.memory_space<vmem>>
      %dma_start3A_55 = tpu.memref_squeeze %dma_start3A_54 : memref<1x128xi32, #tpu.memory_space<vmem>> -> memref<128xi32, #tpu.memory_space<vmem>>
      %dma_start3A_56 = arith.constant 0 : i32
      %dma_start3A_57 = arith.constant 0 : i32
      %dma_start3A_58 = tpu.memref_slice %arg8[%dma_start3A_56, %dma_start3A_57] : memref<10016x16xf32, #tpu.memory_space<vmem_shared>> -> memref<10016x16xf32, #tpu.memory_space<vmem_shared>>
      tpu.enqueue_indirect_dma source(%dma_start3A_52 : memref<128x16xf32, #tpu.memory_space<vmem>>) target(%dma_start3A_58 : memref<10016x16xf32, #tpu.memory_space<vmem_shared>>) offsets(%dma_start3A_55 : memref<128xi32, #tpu.memory_space<vmem>>) semaphore(%arg9 : memref<!tpu.dma_semaphore, #tpu.memory_space<semaphore_mem>>) {add = true}
      %mul3A_59 = arith.constant 8 : i32
      %mul3A_60 = arith.muli %add3A_23, %mul3A_59 : i32
      %add3A_61 = arith.constant 2 : i32
      %add3A_62 = arith.addi %mul3A_60, %add3A_61 : i32
      %mul3A_63 = arith.constant 8 : i32
      %mul3A_64 = arith.muli %add3A_23, %mul3A_63 : i32
      %add3A_65 = arith.constant 2 : i32
      %add3A_66 = arith.addi %mul3A_64, %add3A_65 : i32
      %dma_start3A_67 = arith.constant 0 : i32
      %dma_start3A_68 = arith.constant 0 : i32
      %dma_start3A_69 = tpu.memref_slice %arg6[%add3A_62, %dma_start3A_67, %dma_start3A_68] : memref<40x128x16xf32, #tpu.memory_space<vmem>> -> memref<1x128x16xf32, #tpu.memory_space<vmem>>
      %dma_start3A_70 = tpu.memref_squeeze %dma_start3A_69 : memref<1x128x16xf32, #tpu.memory_space<vmem>> -> memref<128x16xf32, #tpu.memory_space<vmem>>
      %dma_start3A_71 = arith.constant 0 : i32
      %dma_start3A_72 = tpu.memref_slice %arg5[%add3A_66, %dma_start3A_71] : memref<40x128xi32, #tpu.memory_space<vmem>> -> memref<1x128xi32, #tpu.memory_space<vmem>>
      %dma_start3A_73 = tpu.memref_squeeze %dma_start3A_72 : memref<1x128xi32, #tpu.memory_space<vmem>> -> memref<128xi32, #tpu.memory_space<vmem>>
      %dma_start3A_74 = arith.constant 0 : i32
      %dma_start3A_75 = arith.constant 0 : i32
      %dma_start3A_76 = tpu.memref_slice %arg8[%dma_start3A_74, %dma_start3A_75] : memref<10016x16xf32, #tpu.memory_space<vmem_shared>> -> memref<10016x16xf32, #tpu.memory_space<vmem_shared>>
      tpu.enqueue_indirect_dma source(%dma_start3A_70 : memref<128x16xf32, #tpu.memory_space<vmem>>) target(%dma_start3A_76 : memref<10016x16xf32, #tpu.memory_space<vmem_shared>>) offsets(%dma_start3A_73 : memref<128xi32, #tpu.memory_space<vmem>>) semaphore(%arg9 : memref<!tpu.dma_semaphore, #tpu.memory_space<semaphore_mem>>) {add = true}
      %mul3A_77 = arith.constant 8 : i32
      %mul3A_78 = arith.muli %add3A_23, %mul3A_77 : i32
      %add3A_79 = arith.constant 3 : i32
      %add3A_80 = arith.addi %mul3A_78, %add3A_79 : i32
      %mul3A_81 = arith.constant 8 : i32
      %mul3A_82 = arith.muli %add3A_23, %mul3A_81 : i32
      %add3A_83 = arith.constant 3 : i32
      %add3A_84 = arith.addi %mul3A_82, %add3A_83 : i32
      %dma_start3A_85 = arith.constant 0 : i32
      %dma_start3A_86 = arith.constant 0 : i32
      %dma_start3A_87 = tpu.memref_slice %arg6[%add3A_80, %dma_start3A_85, %dma_start3A_86] : memref<40x128x16xf32, #tpu.memory_space<vmem>> -> memref<1x128x16xf32, #tpu.memory_space<vmem>>
      %dma_start3A_88 = tpu.memref_squeeze %dma_start3A_87 : memref<1x128x16xf32, #tpu.memory_space<vmem>> -> memref<128x16xf32, #tpu.memory_space<vmem>>
      %dma_start3A_89 = arith.constant 0 : i32
      %dma_start3A_90 = tpu.memref_slice %arg5[%add3A_84, %dma_start3A_89] : memref<40x128xi32, #tpu.memory_space<vmem>> -> memref<1x128xi32, #tpu.memory_space<vmem>>
      %dma_start3A_91 = tpu.memref_squeeze %dma_start3A_90 : memref<1x128xi32, #tpu.memory_space<vmem>> -> memref<128xi32, #tpu.memory_space<vmem>>
      %dma_start3A_92 = arith.constant 0 : i32
      %dma_start3A_93 = arith.constant 0 : i32
      %dma_start3A_94 = tpu.memref_slice %arg8[%dma_start3A_92, %dma_start3A_93] : memref<10016x16xf32, #tpu.memory_space<vmem_shared>> -> memref<10016x16xf32, #tpu.memory_space<vmem_shared>>
      tpu.enqueue_indirect_dma source(%dma_start3A_88 : memref<128x16xf32, #tpu.memory_space<vmem>>) target(%dma_start3A_94 : memref<10016x16xf32, #tpu.memory_space<vmem_shared>>) offsets(%dma_start3A_91 : memref<128xi32, #tpu.memory_space<vmem>>) semaphore(%arg9 : memref<!tpu.dma_semaphore, #tpu.memory_space<semaphore_mem>>) {add = true}
      %mul3A_95 = arith.constant 8 : i32
      %mul3A_96 = arith.muli %add3A_23, %mul3A_95 : i32
      %add3A_97 = arith.constant 4 : i32
      %add3A_98 = arith.addi %mul3A_96, %add3A_97 : i32
      %mul3A_99 = arith.constant 8 : i32
      %mul3A_100 = arith.muli %add3A_23, %mul3A_99 : i32
      %add3A_101 = arith.constant 4 : i32
      %add3A_102 = arith.addi %mul3A_100, %add3A_101 : i32
      %dma_start3A_103 = arith.constant 0 : i32
      %dma_start3A_104 = arith.constant 0 : i32
      %dma_start3A_105 = tpu.memref_slice %arg6[%add3A_98, %dma_start3A_103, %dma_start3A_104] : memref<40x128x16xf32, #tpu.memory_space<vmem>> -> memref<1x128x16xf32, #tpu.memory_space<vmem>>
      %dma_start3A_106 = tpu.memref_squeeze %dma_start3A_105 : memref<1x128x16xf32, #tpu.memory_space<vmem>> -> memref<128x16xf32, #tpu.memory_space<vmem>>
      %dma_start3A_107 = arith.constant 0 : i32
      %dma_start3A_108 = tpu.memref_slice %arg5[%add3A_102, %dma_start3A_107] : memref<40x128xi32, #tpu.memory_space<vmem>> -> memref<1x128xi32, #tpu.memory_space<vmem>>
      %dma_start3A_109 = tpu.memref_squeeze %dma_start3A_108 : memref<1x128xi32, #tpu.memory_space<vmem>> -> memref<128xi32, #tpu.memory_space<vmem>>
      %dma_start3A_110 = arith.constant 0 : i32
      %dma_start3A_111 = arith.constant 0 : i32
      %dma_start3A_112 = tpu.memref_slice %arg8[%dma_start3A_110, %dma_start3A_111] : memref<10016x16xf32, #tpu.memory_space<vmem_shared>> -> memref<10016x16xf32, #tpu.memory_space<vmem_shared>>
      tpu.enqueue_indirect_dma source(%dma_start3A_106 : memref<128x16xf32, #tpu.memory_space<vmem>>) target(%dma_start3A_112 : memref<10016x16xf32, #tpu.memory_space<vmem_shared>>) offsets(%dma_start3A_109 : memref<128xi32, #tpu.memory_space<vmem>>) semaphore(%arg9 : memref<!tpu.dma_semaphore, #tpu.memory_space<semaphore_mem>>) {add = true}
      %mul3A_113 = arith.constant 8 : i32
      %mul3A_114 = arith.muli %add3A_23, %mul3A_113 : i32
      %add3A_115 = arith.constant 5 : i32
      %add3A_116 = arith.addi %mul3A_114, %add3A_115 : i32
      %mul3A_117 = arith.constant 8 : i32
      %mul3A_118 = arith.muli %add3A_23, %mul3A_117 : i32
      %add3A_119 = arith.constant 5 : i32
      %add3A_120 = arith.addi %mul3A_118, %add3A_119 : i32
      %dma_start3A_121 = arith.constant 0 : i32
      %dma_start3A_122 = arith.constant 0 : i32
      %dma_start3A_123 = tpu.memref_slice %arg6[%add3A_116, %dma_start3A_121, %dma_start3A_122] : memref<40x128x16xf32, #tpu.memory_space<vmem>> -> memref<1x128x16xf32, #tpu.memory_space<vmem>>
      %dma_start3A_124 = tpu.memref_squeeze %dma_start3A_123 : memref<1x128x16xf32, #tpu.memory_space<vmem>> -> memref<128x16xf32, #tpu.memory_space<vmem>>
      %dma_start3A_125 = arith.constant 0 : i32
      %dma_start3A_126 = tpu.memref_slice %arg5[%add3A_120, %dma_start3A_125] : memref<40x128xi32, #tpu.memory_space<vmem>> -> memref<1x128xi32, #tpu.memory_space<vmem>>
      %dma_start3A_127 = tpu.memref_squeeze %dma_start3A_126 : memref<1x128xi32, #tpu.memory_space<vmem>> -> memref<128xi32, #tpu.memory_space<vmem>>
      %dma_start3A_128 = arith.constant 0 : i32
      %dma_start3A_129 = arith.constant 0 : i32
      %dma_start3A_130 = tpu.memref_slice %arg8[%dma_start3A_128, %dma_start3A_129] : memref<10016x16xf32, #tpu.memory_space<vmem_shared>> -> memref<10016x16xf32, #tpu.memory_space<vmem_shared>>
      tpu.enqueue_indirect_dma source(%dma_start3A_124 : memref<128x16xf32, #tpu.memory_space<vmem>>) target(%dma_start3A_130 : memref<10016x16xf32, #tpu.memory_space<vmem_shared>>) offsets(%dma_start3A_127 : memref<128xi32, #tpu.memory_space<vmem>>) semaphore(%arg9 : memref<!tpu.dma_semaphore, #tpu.memory_space<semaphore_mem>>) {add = true}
      %mul3A_131 = arith.constant 8 : i32
      %mul3A_132 = arith.muli %add3A_23, %mul3A_131 : i32
      %add3A_133 = arith.constant 6 : i32
      %add3A_134 = arith.addi %mul3A_132, %add3A_133 : i32
      %mul3A_135 = arith.constant 8 : i32
      %mul3A_136 = arith.muli %add3A_23, %mul3A_135 : i32
      %add3A_137 = arith.constant 6 : i32
      %add3A_138 = arith.addi %mul3A_136, %add3A_137 : i32
      %dma_start3A_139 = arith.constant 0 : i32
      %dma_start3A_140 = arith.constant 0 : i32
      %dma_start3A_141 = tpu.memref_slice %arg6[%add3A_134, %dma_start3A_139, %dma_start3A_140] : memref<40x128x16xf32, #tpu.memory_space<vmem>> -> memref<1x128x16xf32, #tpu.memory_space<vmem>>
      %dma_start3A_142 = tpu.memref_squeeze %dma_start3A_141 : memref<1x128x16xf32, #tpu.memory_space<vmem>> -> memref<128x16xf32, #tpu.memory_space<vmem>>
      %dma_start3A_143 = arith.constant 0 : i32
      %dma_start3A_144 = tpu.memref_slice %arg5[%add3A_138, %dma_start3A_143] : memref<40x128xi32, #tpu.memory_space<vmem>> -> memref<1x128xi32, #tpu.memory_space<vmem>>
      %dma_start3A_145 = tpu.memref_squeeze %dma_start3A_144 : memref<1x128xi32, #tpu.memory_space<vmem>> -> memref<128xi32, #tpu.memory_space<vmem>>
      %dma_start3A_146 = arith.constant 0 : i32
      %dma_start3A_147 = arith.constant 0 : i32
      %dma_start3A_148 = tpu.memref_slice %arg8[%dma_start3A_146, %dma_start3A_147] : memref<10016x16xf32, #tpu.memory_space<vmem_shared>> -> memref<10016x16xf32, #tpu.memory_space<vmem_shared>>
      tpu.enqueue_indirect_dma source(%dma_start3A_142 : memref<128x16xf32, #tpu.memory_space<vmem>>) target(%dma_start3A_148 : memref<10016x16xf32, #tpu.memory_space<vmem_shared>>) offsets(%dma_start3A_145 : memref<128xi32, #tpu.memory_space<vmem>>) semaphore(%arg9 : memref<!tpu.dma_semaphore, #tpu.memory_space<semaphore_mem>>) {add = true}
      %mul3A_149 = arith.constant 8 : i32
      %mul3A_150 = arith.muli %add3A_23, %mul3A_149 : i32
      %add3A_151 = arith.constant 7 : i32
      %add3A_152 = arith.addi %mul3A_150, %add3A_151 : i32
      %mul3A_153 = arith.constant 8 : i32
      %mul3A_154 = arith.muli %add3A_23, %mul3A_153 : i32
      %add3A_155 = arith.constant 7 : i32
      %add3A_156 = arith.addi %mul3A_154, %add3A_155 : i32
      %dma_start3A_157 = arith.constant 0 : i32
      %dma_start3A_158 = arith.constant 0 : i32
      %dma_start3A_159 = tpu.memref_slice %arg6[%add3A_152, %dma_start3A_157, %dma_start3A_158] : memref<40x128x16xf32, #tpu.memory_space<vmem>> -> memref<1x128x16xf32, #tpu.memory_space<vmem>>
      %dma_start3A_160 = tpu.memref_squeeze %dma_start3A_159 : memref<1x128x16xf32, #tpu.memory_space<vmem>> -> memref<128x16xf32, #tpu.memory_space<vmem>>
      %dma_start3A_161 = arith.constant 0 : i32
      %dma_start3A_162 = tpu.memref_slice %arg5[%add3A_156, %dma_start3A_161] : memref<40x128xi32, #tpu.memory_space<vmem>> -> memref<1x128xi32, #tpu.memory_space<vmem>>
      %dma_start3A_163 = tpu.memref_squeeze %dma_start3A_162 : memref<1x128xi32, #tpu.memory_space<vmem>> -> memref<128xi32, #tpu.memory_space<vmem>>
      %dma_start3A_164 = arith.constant 0 : i32
      %dma_start3A_165 = arith.constant 0 : i32
      %dma_start3A_166 = tpu.memref_slice %arg8[%dma_start3A_164, %dma_start3A_165] : memref<10016x16xf32, #tpu.memory_space<vmem_shared>> -> memref<10016x16xf32, #tpu.memory_space<vmem_shared>>
      tpu.enqueue_indirect_dma source(%dma_start3A_160 : memref<128x16xf32, #tpu.memory_space<vmem>>) target(%dma_start3A_166 : memref<10016x16xf32, #tpu.memory_space<vmem_shared>>) offsets(%dma_start3A_163 : memref<128xi32, #tpu.memory_space<vmem>>) semaphore(%arg9 : memref<!tpu.dma_semaphore, #tpu.memory_space<semaphore_mem>>) {add = true}
      %dma_wait3A = arith.constant 0 : i32
      %dma_wait3A_167 = arith.constant 0 : i32
      %dma_wait3A_168 = tpu.memref_slice %arg6[%add3A_27, %dma_wait3A, %dma_wait3A_167] : memref<40x128x16xf32, #tpu.memory_space<vmem>> -> memref<1x128x16xf32, #tpu.memory_space<vmem>>
      %dma_wait3A_169 = tpu.memref_squeeze %dma_wait3A_168 : memref<1x128x16xf32, #tpu.memory_space<vmem>> -> memref<128x16xf32, #tpu.memory_space<vmem>>
      %dma_wait3A_170 = arith.constant 0 : i32
      %dma_wait3A_171 = tpu.memref_slice %arg5[%add3A_31, %dma_wait3A_170] : memref<40x128xi32, #tpu.memory_space<vmem>> -> memref<1x128xi32, #tpu.memory_space<vmem>>
      %dma_wait3A_172 = tpu.memref_squeeze %dma_wait3A_171 : memref<1x128xi32, #tpu.memory_space<vmem>> -> memref<128xi32, #tpu.memory_space<vmem>>
      %dma_wait3A_173 = arith.constant 0 : i32
      %dma_wait3A_174 = arith.constant 0 : i32
      %dma_wait3A_175 = tpu.memref_slice %arg8[%dma_wait3A_173, %dma_wait3A_174] : memref<10016x16xf32, #tpu.memory_space<vmem_shared>> -> memref<10016x16xf32, #tpu.memory_space<vmem_shared>>
      tpu.wait_indirect_dma semaphore(%arg9 : memref<!tpu.dma_semaphore, #tpu.memory_space<semaphore_mem>>) src(%dma_wait3A_169 : memref<128x16xf32, #tpu.memory_space<vmem>>) dst(%dma_wait3A_175 : memref<10016x16xf32, #tpu.memory_space<vmem_shared>>)
      %dma_wait3A_176 = arith.constant 0 : i32
      %dma_wait3A_177 = arith.constant 0 : i32
      %dma_wait3A_178 = tpu.memref_slice %arg6[%add3A_44, %dma_wait3A_176, %dma_wait3A_177] : memref<40x128x16xf32, #tpu.memory_space<vmem>> -> memref<1x128x16xf32, #tpu.memory_space<vmem>>
      %dma_wait3A_179 = tpu.memref_squeeze %dma_wait3A_178 : memref<1x128x16xf32, #tpu.memory_space<vmem>> -> memref<128x16xf32, #tpu.memory_space<vmem>>
      %dma_wait3A_180 = arith.constant 0 : i32
      %dma_wait3A_181 = tpu.memref_slice %arg5[%add3A_48, %dma_wait3A_180] : memref<40x128xi32, #tpu.memory_space<vmem>> -> memref<1x128xi32, #tpu.memory_space<vmem>>
      %dma_wait3A_182 = tpu.memref_squeeze %dma_wait3A_181 : memref<1x128xi32, #tpu.memory_space<vmem>> -> memref<128xi32, #tpu.memory_space<vmem>>
      %dma_wait3A_183 = arith.constant 0 : i32
      %dma_wait3A_184 = arith.constant 0 : i32
      %dma_wait3A_185 = tpu.memref_slice %arg8[%dma_wait3A_183, %dma_wait3A_184] : memref<10016x16xf32, #tpu.memory_space<vmem_shared>> -> memref<10016x16xf32, #tpu.memory_space<vmem_shared>>
      tpu.wait_indirect_dma semaphore(%arg9 : memref<!tpu.dma_semaphore, #tpu.memory_space<semaphore_mem>>) src(%dma_wait3A_179 : memref<128x16xf32, #tpu.memory_space<vmem>>) dst(%dma_wait3A_185 : memref<10016x16xf32, #tpu.memory_space<vmem_shared>>)
      %dma_wait3A_186 = arith.constant 0 : i32
      %dma_wait3A_187 = arith.constant 0 : i32
      %dma_wait3A_188 = tpu.memref_slice %arg6[%add3A_62, %dma_wait3A_186, %dma_wait3A_187] : memref<40x128x16xf32, #tpu.memory_space<vmem>> -> memref<1x128x16xf32, #tpu.memory_space<vmem>>
      %dma_wait3A_189 = tpu.memref_squeeze %dma_wait3A_188 : memref<1x128x16xf32, #tpu.memory_space<vmem>> -> memref<128x16xf32, #tpu.memory_space<vmem>>
      %dma_wait3A_190 = arith.constant 0 : i32
      %dma_wait3A_191 = tpu.memref_slice %arg5[%add3A_66, %dma_wait3A_190] : memref<40x128xi32, #tpu.memory_space<vmem>> -> memref<1x128xi32, #tpu.memory_space<vmem>>
      %dma_wait3A_192 = tpu.memref_squeeze %dma_wait3A_191 : memref<1x128xi32, #tpu.memory_space<vmem>> -> memref<128xi32, #tpu.memory_space<vmem>>
      %dma_wait3A_193 = arith.constant 0 : i32
      %dma_wait3A_194 = arith.constant 0 : i32
      %dma_wait3A_195 = tpu.memref_slice %arg8[%dma_wait3A_193, %dma_wait3A_194] : memref<10016x16xf32, #tpu.memory_space<vmem_shared>> -> memref<10016x16xf32, #tpu.memory_space<vmem_shared>>
      tpu.wait_indirect_dma semaphore(%arg9 : memref<!tpu.dma_semaphore, #tpu.memory_space<semaphore_mem>>) src(%dma_wait3A_189 : memref<128x16xf32, #tpu.memory_space<vmem>>) dst(%dma_wait3A_195 : memref<10016x16xf32, #tpu.memory_space<vmem_shared>>)
      %dma_wait3A_196 = arith.constant 0 : i32
      %dma_wait3A_197 = arith.constant 0 : i32
      %dma_wait3A_198 = tpu.memref_slice %arg6[%add3A_80, %dma_wait3A_196, %dma_wait3A_197] : memref<40x128x16xf32, #tpu.memory_space<vmem>> -> memref<1x128x16xf32, #tpu.memory_space<vmem>>
      %dma_wait3A_199 = tpu.memref_squeeze %dma_wait3A_198 : memref<1x128x16xf32, #tpu.memory_space<vmem>> -> memref<128x16xf32, #tpu.memory_space<vmem>>
      %dma_wait3A_200 = arith.constant 0 : i32
      %dma_wait3A_201 = tpu.memref_slice %arg5[%add3A_84, %dma_wait3A_200] : memref<40x128xi32, #tpu.memory_space<vmem>> -> memref<1x128xi32, #tpu.memory_space<vmem>>
      %dma_wait3A_202 = tpu.memref_squeeze %dma_wait3A_201 : memref<1x128xi32, #tpu.memory_space<vmem>> -> memref<128xi32, #tpu.memory_space<vmem>>
      %dma_wait3A_203 = arith.constant 0 : i32
      %dma_wait3A_204 = arith.constant 0 : i32
      %dma_wait3A_205 = tpu.memref_slice %arg8[%dma_wait3A_203, %dma_wait3A_204] : memref<10016x16xf32, #tpu.memory_space<vmem_shared>> -> memref<10016x16xf32, #tpu.memory_space<vmem_shared>>
      tpu.wait_indirect_dma semaphore(%arg9 : memref<!tpu.dma_semaphore, #tpu.memory_space<semaphore_mem>>) src(%dma_wait3A_199 : memref<128x16xf32, #tpu.memory_space<vmem>>) dst(%dma_wait3A_205 : memref<10016x16xf32, #tpu.memory_space<vmem_shared>>)
      %dma_wait3A_206 = arith.constant 0 : i32
      %dma_wait3A_207 = arith.constant 0 : i32
      %dma_wait3A_208 = tpu.memref_slice %arg6[%add3A_98, %dma_wait3A_206, %dma_wait3A_207] : memref<40x128x16xf32, #tpu.memory_space<vmem>> -> memref<1x128x16xf32, #tpu.memory_space<vmem>>
      %dma_wait3A_209 = tpu.memref_squeeze %dma_wait3A_208 : memref<1x128x16xf32, #tpu.memory_space<vmem>> -> memref<128x16xf32, #tpu.memory_space<vmem>>
      %dma_wait3A_210 = arith.constant 0 : i32
      %dma_wait3A_211 = tpu.memref_slice %arg5[%add3A_102, %dma_wait3A_210] : memref<40x128xi32, #tpu.memory_space<vmem>> -> memref<1x128xi32, #tpu.memory_space<vmem>>
      %dma_wait3A_212 = tpu.memref_squeeze %dma_wait3A_211 : memref<1x128xi32, #tpu.memory_space<vmem>> -> memref<128xi32, #tpu.memory_space<vmem>>
      %dma_wait3A_213 = arith.constant 0 : i32
      %dma_wait3A_214 = arith.constant 0 : i32
      %dma_wait3A_215 = tpu.memref_slice %arg8[%dma_wait3A_213, %dma_wait3A_214] : memref<10016x16xf32, #tpu.memory_space<vmem_shared>> -> memref<10016x16xf32, #tpu.memory_space<vmem_shared>>
      tpu.wait_indirect_dma semaphore(%arg9 : memref<!tpu.dma_semaphore, #tpu.memory_space<semaphore_mem>>) src(%dma_wait3A_209 : memref<128x16xf32, #tpu.memory_space<vmem>>) dst(%dma_wait3A_215 : memref<10016x16xf32, #tpu.memory_space<vmem_shared>>)
      %dma_wait3A_216 = arith.constant 0 : i32
      %dma_wait3A_217 = arith.constant 0 : i32
      %dma_wait3A_218 = tpu.memref_slice %arg6[%add3A_116, %dma_wait3A_216, %dma_wait3A_217] : memref<40x128x16xf32, #tpu.memory_space<vmem>> -> memref<1x128x16xf32, #tpu.memory_space<vmem>>
      %dma_wait3A_219 = tpu.memref_squeeze %dma_wait3A_218 : memref<1x128x16xf32, #tpu.memory_space<vmem>> -> memref<128x16xf32, #tpu.memory_space<vmem>>
      %dma_wait3A_220 = arith.constant 0 : i32
      %dma_wait3A_221 = tpu.memref_slice %arg5[%add3A_120, %dma_wait3A_220] : memref<40x128xi32, #tpu.memory_space<vmem>> -> memref<1x128xi32, #tpu.memory_space<vmem>>
      %dma_wait3A_222 = tpu.memref_squeeze %dma_wait3A_221 : memref<1x128xi32, #tpu.memory_space<vmem>> -> memref<128xi32, #tpu.memory_space<vmem>>
      %dma_wait3A_223 = arith.constant 0 : i32
      %dma_wait3A_224 = arith.constant 0 : i32
      %dma_wait3A_225 = tpu.memref_slice %arg8[%dma_wait3A_223, %dma_wait3A_224] : memref<10016x16xf32, #tpu.memory_space<vmem_shared>> -> memref<10016x16xf32, #tpu.memory_space<vmem_shared>>
      tpu.wait_indirect_dma semaphore(%arg9 : memref<!tpu.dma_semaphore, #tpu.memory_space<semaphore_mem>>) src(%dma_wait3A_219 : memref<128x16xf32, #tpu.memory_space<vmem>>) dst(%dma_wait3A_225 : memref<10016x16xf32, #tpu.memory_space<vmem_shared>>)
      %dma_wait3A_226 = arith.constant 0 : i32
      %dma_wait3A_227 = arith.constant 0 : i32
      %dma_wait3A_228 = tpu.memref_slice %arg6[%add3A_134, %dma_wait3A_226, %dma_wait3A_227] : memref<40x128x16xf32, #tpu.memory_space<vmem>> -> memref<1x128x16xf32, #tpu.memory_space<vmem>>
      %dma_wait3A_229 = tpu.memref_squeeze %dma_wait3A_228 : memref<1x128x16xf32, #tpu.memory_space<vmem>> -> memref<128x16xf32, #tpu.memory_space<vmem>>
      %dma_wait3A_230 = arith.constant 0 : i32
      %dma_wait3A_231 = tpu.memref_slice %arg5[%add3A_138, %dma_wait3A_230] : memref<40x128xi32, #tpu.memory_space<vmem>> -> memref<1x128xi32, #tpu.memory_space<vmem>>
      %dma_wait3A_232 = tpu.memref_squeeze %dma_wait3A_231 : memref<1x128xi32, #tpu.memory_space<vmem>> -> memref<128xi32, #tpu.memory_space<vmem>>
      %dma_wait3A_233 = arith.constant 0 : i32
      %dma_wait3A_234 = arith.constant 0 : i32
      %dma_wait3A_235 = tpu.memref_slice %arg8[%dma_wait3A_233, %dma_wait3A_234] : memref<10016x16xf32, #tpu.memory_space<vmem_shared>> -> memref<10016x16xf32, #tpu.memory_space<vmem_shared>>
      tpu.wait_indirect_dma semaphore(%arg9 : memref<!tpu.dma_semaphore, #tpu.memory_space<semaphore_mem>>) src(%dma_wait3A_229 : memref<128x16xf32, #tpu.memory_space<vmem>>) dst(%dma_wait3A_235 : memref<10016x16xf32, #tpu.memory_space<vmem_shared>>)
      %dma_wait3A_236 = arith.constant 0 : i32
      %dma_wait3A_237 = arith.constant 0 : i32
      %dma_wait3A_238 = tpu.memref_slice %arg6[%add3A_152, %dma_wait3A_236, %dma_wait3A_237] : memref<40x128x16xf32, #tpu.memory_space<vmem>> -> memref<1x128x16xf32, #tpu.memory_space<vmem>>
      %dma_wait3A_239 = tpu.memref_squeeze %dma_wait3A_238 : memref<1x128x16xf32, #tpu.memory_space<vmem>> -> memref<128x16xf32, #tpu.memory_space<vmem>>
      %dma_wait3A_240 = arith.constant 0 : i32
      %dma_wait3A_241 = tpu.memref_slice %arg5[%add3A_156, %dma_wait3A_240] : memref<40x128xi32, #tpu.memory_space<vmem>> -> memref<1x128xi32, #tpu.memory_space<vmem>>
      %dma_wait3A_242 = tpu.memref_squeeze %dma_wait3A_241 : memref<1x128xi32, #tpu.memory_space<vmem>> -> memref<128xi32, #tpu.memory_space<vmem>>
      %dma_wait3A_243 = arith.constant 0 : i32
      %dma_wait3A_244 = arith.constant 0 : i32
      %dma_wait3A_245 = tpu.memref_slice %arg8[%dma_wait3A_243, %dma_wait3A_244] : memref<10016x16xf32, #tpu.memory_space<vmem_shared>> -> memref<10016x16xf32, #tpu.memory_space<vmem_shared>>
      tpu.wait_indirect_dma semaphore(%arg9 : memref<!tpu.dma_semaphore, #tpu.memory_space<semaphore_mem>>) src(%dma_wait3A_239 : memref<128x16xf32, #tpu.memory_space<vmem>>) dst(%dma_wait3A_245 : memref<10016x16xf32, #tpu.memory_space<vmem_shared>>)
    }
    %scan3A_13 = arith.constant 5 : i32
    %barrier3A_14 = arith.constant 0 : index
    tpu.barrier barrier_id(%barrier3A_14)
    %mul3A_15 = arith.constant 626 : i32
    %mul3A_16 = arith.muli %arg1, %mul3A_15 : i32
    %mul3A_17 = arith.constant 626 : i32
    %mul3A_18 = arith.muli %arg1, %mul3A_17 : i32
    "tpu.region"() ({
      %run_scoped3A = tpu.sem_alloc : memref<!tpu.dma_semaphore, #tpu.memory_space<semaphore_mem>>
      %dma_start3A = arith.constant 0 : i32
      %dma_start3A_19 = tpu.memref_slice %arg4[%arg0, %mul3A_18, %dma_start3A] : memref<2x10016x16xf32, #tpu.memory_space<hbm>> -> memref<1x626x16xf32, #tpu.memory_space<hbm>>
      %dma_start3A_20 = tpu.memref_squeeze %dma_start3A_19 : memref<1x626x16xf32, #tpu.memory_space<hbm>> -> memref<626x16xf32, #tpu.memory_space<hbm>>
      %dma_start3A_21 = arith.constant 0 : i32
      %dma_start3A_22 = tpu.memref_slice %arg8[%mul3A_16, %dma_start3A_21] : memref<10016x16xf32, #tpu.memory_space<vmem_shared>> -> memref<626x16xf32, #tpu.memory_space<vmem_shared>>
      tpu.enqueue_dma source(%dma_start3A_22 : memref<626x16xf32, #tpu.memory_space<vmem_shared>>) target(%dma_start3A_20 : memref<626x16xf32, #tpu.memory_space<hbm>>) target_semaphore(%run_scoped3A : memref<!tpu.dma_semaphore, #tpu.memory_space<semaphore_mem>>)
      %dma_wait3A = arith.constant 0 : i32
      %dma_wait3A_23 = tpu.memref_slice %arg4[%arg0, %mul3A_18, %dma_wait3A] : memref<2x10016x16xf32, #tpu.memory_space<hbm>> -> memref<1x626x16xf32, #tpu.memory_space<hbm>>
      %dma_wait3A_24 = tpu.memref_squeeze %dma_wait3A_23 : memref<1x626x16xf32, #tpu.memory_space<hbm>> -> memref<626x16xf32, #tpu.memory_space<hbm>>
      %dma_wait3A_25 = arith.constant 0 : i32
      %dma_wait3A_26 = tpu.memref_slice %arg8[%mul3A_16, %dma_wait3A_25] : memref<10016x16xf32, #tpu.memory_space<vmem_shared>> -> memref<626x16xf32, #tpu.memory_space<vmem_shared>>
      tpu.wait_dma2 semaphore(%run_scoped3A : memref<!tpu.dma_semaphore, #tpu.memory_space<semaphore_mem>>) src(%dma_wait3A_26 : memref<626x16xf32, #tpu.memory_space<vmem_shared>>) dst(%dma_wait3A_24 : memref<626x16xf32, #tpu.memory_space<hbm>>)
      tpu.yield
    }) : () -> ()
    return
  }
}

module attributes {stable_mosaic.version = 14 : i64} {
  func.func @_node_body(%arg0: memref<10000x128xf32, #tpu.memory_space<vmem>>, %arg1: memref<128x16xf32, #tpu.memory_space<vmem>>, %arg2: memref<1x16xf32, #tpu.memory_space<vmem>>, %arg3: memref<10000x16xf32, #tpu.memory_space<vmem>>) attributes {dimension_semantics = [], scalar_prefetch = 0 : i64, scratch_operands = 0 : i64, tpu.core_type = #tpu.core_type<tc>} {
    %get3A = arith.constant 0 : index
    %get3A_0 = arith.constant 0 : index
    %get3A_1 = vector.load %arg0[%get3A, %get3A_0] : memref<10000x128xf32, #tpu.memory_space<vmem>>, vector<10000x128xf32>
    %get3A_2 = arith.constant 0 : index
    %get3A_3 = arith.constant 0 : index
    %get3A_4 = vector.load %arg1[%get3A_2, %get3A_3] : memref<128x16xf32, #tpu.memory_space<vmem>>, vector<128x16xf32>
    %dot_general3A = arith.constant dense<0.000000e+00> : vector<10000x16xf32>
    %dot_general3A_5 = tpu.matmul %get3A_1, %get3A_4, %dot_general3A {dimension_numbers = #tpu.dot_dimension_numbers<[1], [0], [0], [1], [0, 0, 1, 1], [], []>, transpose_lhs_hint = false} : vector<10000x128xf32>, vector<128x16xf32>, vector<10000x16xf32> -> vector<10000x16xf32>
    %get3A_6 = arith.constant 0 : index
    %get3A_7 = arith.constant 0 : index
    %get3A_8 = vector.load %arg2[%get3A_6, %get3A_7] : memref<1x16xf32, #tpu.memory_space<vmem>>, vector<1x16xf32>
    %add3A = vector.broadcast %get3A_8 : vector<1x16xf32> to vector<10000x16xf32>
    %add3A_9 = arith.addf %dot_general3A_5, %add3A : vector<10000x16xf32>
    %max3A = arith.constant 0.000000e+00 : f32
    %max3A_10 = vector.broadcast %max3A : f32 to vector<10000x16xf32>
    %max3A_11 = arith.maximumf %add3A_9, %max3A_10 : vector<10000x16xf32>
    %swap3A = arith.constant 0 : index
    %swap3A_12 = arith.constant 0 : index
    %swap3A_13 = vector.load %arg3[%swap3A, %swap3A_12] : memref<10000x16xf32, #tpu.memory_space<vmem>>, vector<10000x16xf32>
    tpu.vector_store %arg3[%swap3A, %swap3A_12], %max3A_11 {strides = array<i32>} : memref<10000x16xf32, #tpu.memory_space<vmem>>, vector<10000x16xf32>,
    return
  }
}

module attributes {stable_mosaic.version = 14 : i64} {
  func.func @_msg_body(%arg0: i32, %arg1: memref<4096x17xbf16, #tpu.memory_space<vmem>>, %arg2: memref<4096x16xf32, #tpu.memory_space<vmem>>, %arg3: memref<17x272xbf16, #tpu.memory_space<vmem>>, %arg4: memref<16x272xbf16, #tpu.memory_space<vmem>>, %arg5: memref<272x16xbf16, #tpu.memory_space<vmem>>, %arg6: memref<4096x16xf32, #tpu.memory_space<vmem>>) attributes {dimension_semantics = [#tpu.dimension_semantics<arbitrary>], iteration_bounds = array<i64: 40>, scalar_prefetch = 0 : i64, scratch_operands = 0 : i64, tpu.core_type = #tpu.core_type<tc>, window_params = [{transform_indices = @transform_0, window_bounds = array<i64: 4096, 17>}, {transform_indices = @transform_1, window_bounds = array<i64: 4096, 16>}, {pipeline_mode = #tpu.pipeline_mode<synchronous>, transform_indices = @transform_2, window_bounds = array<i64: 17, 272>}, {pipeline_mode = #tpu.pipeline_mode<synchronous>, transform_indices = @transform_3, window_bounds = array<i64: 16, 272>}, {pipeline_mode = #tpu.pipeline_mode<synchronous>, transform_indices = @transform_4, window_bounds = array<i64: 272, 16>}, {transform_indices = @transform_5, window_bounds = array<i64: 4096, 16>}]} {
    %get3A = arith.constant 0 : index
    %get3A_0 = arith.constant 0 : index
    %get3A_1 = vector.load %arg1[%get3A, %get3A_0] : memref<4096x17xbf16, #tpu.memory_space<vmem>>, vector<4096x17xbf16>
    %get3A_2 = arith.constant 0 : index
    %get3A_3 = arith.constant 0 : index
    %get3A_4 = vector.load %arg2[%get3A_2, %get3A_3] : memref<4096x16xf32, #tpu.memory_space<vmem>>, vector<4096x16xf32>
    %convert_element_type3A = arith.truncf %get3A_4 : vector<4096x16xf32> to vector<4096x16xbf16>
    %get3A_5 = arith.constant 0 : index
    %get3A_6 = arith.constant 0 : index
    %get3A_7 = vector.load %arg3[%get3A_5, %get3A_6] : memref<17x272xbf16, #tpu.memory_space<vmem>>, vector<17x272xbf16>
    %dot_general3A = arith.constant dense<0.000000e+00> : vector<4096x272xf32>
    %dot_general3A_8 = tpu.matmul %get3A_1, %get3A_7, %dot_general3A {dimension_numbers = #tpu.dot_dimension_numbers<[1], [0], [0], [1], [0, 0, 1, 1], [], []>, transpose_lhs_hint = false} : vector<4096x17xbf16>, vector<17x272xbf16>, vector<4096x272xf32> -> vector<4096x272xf32>
    %get3A_9 = arith.constant 0 : index
    %get3A_10 = arith.constant 0 : index
    %get3A_11 = vector.load %arg4[%get3A_9, %get3A_10] : memref<16x272xbf16, #tpu.memory_space<vmem>>, vector<16x272xbf16>
    %dot_general3A_12 = arith.constant dense<0.000000e+00> : vector<4096x272xf32>
    %dot_general3A_13 = tpu.matmul %convert_element_type3A, %get3A_11, %dot_general3A_12 {dimension_numbers = #tpu.dot_dimension_numbers<[1], [0], [0], [1], [0, 0, 1, 1], [], []>, transpose_lhs_hint = false} : vector<4096x16xbf16>, vector<16x272xbf16>, vector<4096x272xf32> -> vector<4096x272xf32>
    %mul3A = arith.mulf %dot_general3A_8, %dot_general3A_13 : vector<4096x272xf32>
    %convert_element_type3A_14 = arith.truncf %mul3A : vector<4096x272xf32> to vector<4096x272xbf16>
    %get3A_15 = arith.constant 0 : index
    %get3A_16 = arith.constant 0 : index
    %get3A_17 = vector.load %arg5[%get3A_15, %get3A_16] : memref<272x16xbf16, #tpu.memory_space<vmem>>, vector<272x16xbf16>
    %dot_general3A_18 = arith.constant dense<0.000000e+00> : vector<4096x16xf32>
    %dot_general3A_19 = tpu.matmul %convert_element_type3A_14, %get3A_17, %dot_general3A_18 {dimension_numbers = #tpu.dot_dimension_numbers<[1], [0], [0], [1], [0, 0, 1, 1], [], []>, transpose_lhs_hint = false} : vector<4096x272xbf16>, vector<272x16xbf16>, vector<4096x16xf32> -> vector<4096x16xf32>
    %swap3A = arith.constant 0 : index
    %swap3A_20 = arith.constant 0 : index
    %swap3A_21 = vector.load %arg6[%swap3A, %swap3A_20] : memref<4096x16xf32, #tpu.memory_space<vmem>>, vector<4096x16xf32>
    tpu.vector_store %arg6[%swap3A, %swap3A_20], %dot_general3A_19 {strides = array<i32>} : memref<4096x16xf32, #tpu.memory_space<vmem>>, vector<4096x16xf32>,
    return
  }
  func.func @transform_0(%arg0: i32) -> (i32, i32) {
    %c0_i32 = arith.constant 0 : i32
    %c0_i32_0 = arith.constant 0 : i32
    return %arg0, %c0_i32 : i32, i32
  }
  func.func @transform_1(%arg0: i32) -> (i32, i32) {
    %c0_i32 = arith.constant 0 : i32
    %c0_i32_0 = arith.constant 0 : i32
    return %arg0, %c0_i32 : i32, i32
  }
  func.func @transform_2(%arg0: i32) -> (i32, i32) {
    %c0_i32 = arith.constant 0 : i32
    %c0_i32_0 = arith.constant 0 : i32
    %c0_i32_1 = arith.constant 0 : i32
    return %c0_i32, %c0_i32_0 : i32, i32
  }
  func.func @transform_3(%arg0: i32) -> (i32, i32) {
    %c0_i32 = arith.constant 0 : i32
    %c0_i32_0 = arith.constant 0 : i32
    %c0_i32_1 = arith.constant 0 : i32
    return %c0_i32, %c0_i32_0 : i32, i32
  }
  func.func @transform_4(%arg0: i32) -> (i32, i32) {
    %c0_i32 = arith.constant 0 : i32
    %c0_i32_0 = arith.constant 0 : i32
    %c0_i32_1 = arith.constant 0 : i32
    return %c0_i32, %c0_i32_0 : i32, i32
  }
  func.func @transform_5(%arg0: i32) -> (i32, i32) {
    %c0_i32 = arith.constant 0 : i32
    %c0_i32_0 = arith.constant 0 : i32
    return %arg0, %c0_i32 : i32, i32
  }
}

module attributes {stable_mosaic.version = 14 : i64} {
  func.func @_gru_body(%arg0: memref<2x10016x16xf32, #tpu.memory_space<vmem>>, %arg1: memref<10000x16xf32, #tpu.memory_space<vmem>>, %arg2: memref<10000x16xf32, #tpu.memory_space<vmem>>, %arg3: memref<16x16xf32, #tpu.memory_space<vmem>>, %arg4: memref<1x16xf32, #tpu.memory_space<vmem>>, %arg5: memref<16x48xf32, #tpu.memory_space<vmem>>, %arg6: memref<16x48xf32, #tpu.memory_space<vmem>>, %arg7: memref<1x48xf32, #tpu.memory_space<vmem>>, %arg8: memref<1x48xf32, #tpu.memory_space<vmem>>, %arg9: memref<10000x16xf32, #tpu.memory_space<vmem>>) attributes {dimension_semantics = [], scalar_prefetch = 0 : i64, scratch_operands = 0 : i64, tpu.core_type = #tpu.core_type<tc>} {
    %get3A = arith.constant 0 : index
    %get3A_0 = arith.constant 0 : index
    %get3A_1 = arith.constant 0 : index
    %get3A_2 = vector.load %arg0[%get3A, %get3A_0, %get3A_1] : memref<2x10016x16xf32, #tpu.memory_space<vmem>>, vector<1x10000x16xf32>
    %get3A_3 = vector.shape_cast %get3A_2 : vector<1x10000x16xf32> to vector<10000x16xf32>
    %get3A_4 = arith.constant 1 : index
    %get3A_5 = arith.constant 0 : index
    %get3A_6 = arith.constant 0 : index
    %get3A_7 = vector.load %arg0[%get3A_4, %get3A_5, %get3A_6] : memref<2x10016x16xf32, #tpu.memory_space<vmem>>, vector<1x10000x16xf32>
    %get3A_8 = vector.shape_cast %get3A_7 : vector<1x10000x16xf32> to vector<10000x16xf32>
    %add3A = arith.addf %get3A_3, %get3A_8 : vector<10000x16xf32>
    %get3A_9 = arith.constant 0 : index
    %get3A_10 = arith.constant 0 : index
    %get3A_11 = vector.load %arg1[%get3A_9, %get3A_10] : memref<10000x16xf32, #tpu.memory_space<vmem>>, vector<10000x16xf32>
    %get3A_12 = arith.constant 0 : index
    %get3A_13 = arith.constant 0 : index
    %get3A_14 = vector.load %arg2[%get3A_12, %get3A_13] : memref<10000x16xf32, #tpu.memory_space<vmem>>, vector<10000x16xf32>
    %get3A_15 = arith.constant 0 : index
    %get3A_16 = arith.constant 0 : index
    %get3A_17 = vector.load %arg3[%get3A_15, %get3A_16] : memref<16x16xf32, #tpu.memory_space<vmem>>, vector<16x16xf32>
    %dot_general3A = arith.constant dense<0.000000e+00> : vector<10000x16xf32>
    %dot_general3A_18 = tpu.matmul %get3A_11, %get3A_17, %dot_general3A {dimension_numbers = #tpu.dot_dimension_numbers<[1], [0], [0], [1], [0, 0, 1, 1], [], []>, transpose_lhs_hint = false} : vector<10000x16xf32>, vector<16x16xf32>, vector<10000x16xf32> -> vector<10000x16xf32>
    %add3A_19 = arith.addf %add3A, %dot_general3A_18 : vector<10000x16xf32>
    %get3A_20 = arith.constant 0 : index
    %get3A_21 = arith.constant 0 : index
    %get3A_22 = vector.load %arg4[%get3A_20, %get3A_21] : memref<1x16xf32, #tpu.memory_space<vmem>>, vector<1x16xf32>
    %add3A_23 = vector.broadcast %get3A_22 : vector<1x16xf32> to vector<10000x16xf32>
    %add3A_24 = arith.addf %add3A_19, %add3A_23 : vector<10000x16xf32>
    %max3A = arith.constant 0.000000e+00 : f32
    %max3A_25 = vector.broadcast %max3A : f32 to vector<10000x16xf32>
    %max3A_26 = arith.maximumf %add3A_24, %max3A_25 : vector<10000x16xf32>
    %get3A_27 = arith.constant 0 : index
    %get3A_28 = arith.constant 0 : index
    %get3A_29 = vector.load %arg5[%get3A_27, %get3A_28] : memref<16x48xf32, #tpu.memory_space<vmem>>, vector<16x48xf32>
    %dot_general3A_30 = arith.constant dense<0.000000e+00> : vector<10000x48xf32>
    %dot_general3A_31 = tpu.matmul %max3A_26, %get3A_29, %dot_general3A_30 {dimension_numbers = #tpu.dot_dimension_numbers<[1], [0], [0], [1], [0, 0, 1, 1], [], []>, transpose_lhs_hint = false} : vector<10000x16xf32>, vector<16x48xf32>, vector<10000x48xf32> -> vector<10000x48xf32>
    %get3A_32 = arith.constant 0 : index
    %get3A_33 = arith.constant 0 : index
    %get3A_34 = vector.load %arg7[%get3A_32, %get3A_33] : memref<1x48xf32, #tpu.memory_space<vmem>>, vector<1x48xf32>
    %add3A_35 = vector.broadcast %get3A_34 : vector<1x48xf32> to vector<10000x48xf32>
    %add3A_36 = arith.addf %dot_general3A_31, %add3A_35 : vector<10000x48xf32>
    %get3A_37 = arith.constant 0 : index
    %get3A_38 = arith.constant 0 : index
    %get3A_39 = vector.load %arg6[%get3A_37, %get3A_38] : memref<16x48xf32, #tpu.memory_space<vmem>>, vector<16x48xf32>
    %dot_general3A_40 = arith.constant dense<0.000000e+00> : vector<10000x48xf32>
    %dot_general3A_41 = tpu.matmul %get3A_14, %get3A_39, %dot_general3A_40 {dimension_numbers = #tpu.dot_dimension_numbers<[1], [0], [0], [1], [0, 0, 1, 1], [], []>, transpose_lhs_hint = false} : vector<10000x16xf32>, vector<16x48xf32>, vector<10000x48xf32> -> vector<10000x48xf32>
    %get3A_42 = arith.constant 0 : index
    %get3A_43 = arith.constant 0 : index
    %get3A_44 = vector.load %arg8[%get3A_42, %get3A_43] : memref<1x48xf32, #tpu.memory_space<vmem>>, vector<1x48xf32>
    %add3A_45 = vector.broadcast %get3A_44 : vector<1x48xf32> to vector<10000x48xf32>
    %add3A_46 = arith.addf %dot_general3A_41, %add3A_45 : vector<10000x48xf32>
    %slice3A = vector.extract_strided_slice %add3A_36 {offsets = [0, 0], sizes = [10000, 16], strides = [1, 1]} : vector<10000x48xf32> to vector<10000x16xf32>
    %slice3A_47 = vector.extract_strided_slice %add3A_46 {offsets = [0, 0], sizes = [10000, 16], strides = [1, 1]} : vector<10000x48xf32> to vector<10000x16xf32>
    %add3A_48 = arith.addf %slice3A, %slice3A_47 : vector<10000x16xf32>
    %logistic3A = arith.negf %add3A_48 : vector<10000x16xf32>
    %logistic3A_49 = math.exp %logistic3A : vector<10000x16xf32>
    %logistic3A_50 = arith.constant 1.000000e+00 : f32
    %logistic3A_51 = vector.broadcast %logistic3A_50 : f32 to vector<10000x16xf32>
    %logistic3A_52 = arith.addf %logistic3A_51, %logistic3A_49 : vector<10000x16xf32>
    %logistic3A_53 = arith.divf %logistic3A_51, %logistic3A_52 : vector<10000x16xf32>
    %slice3A_54 = vector.extract_strided_slice %add3A_36 {offsets = [0, 16], sizes = [10000, 16], strides = [1, 1]} : vector<10000x48xf32> to vector<10000x16xf32>
    %slice3A_55 = vector.extract_strided_slice %add3A_46 {offsets = [0, 16], sizes = [10000, 16], strides = [1, 1]} : vector<10000x48xf32> to vector<10000x16xf32>
    %add3A_56 = arith.addf %slice3A_54, %slice3A_55 : vector<10000x16xf32>
    %logistic3A_57 = arith.negf %add3A_56 : vector<10000x16xf32>
    %logistic3A_58 = math.exp %logistic3A_57 : vector<10000x16xf32>
    %logistic3A_59 = arith.constant 1.000000e+00 : f32
    %logistic3A_60 = vector.broadcast %logistic3A_59 : f32 to vector<10000x16xf32>
    %logistic3A_61 = arith.addf %logistic3A_60, %logistic3A_58 : vector<10000x16xf32>
    %logistic3A_62 = arith.divf %logistic3A_60, %logistic3A_61 : vector<10000x16xf32>
    %slice3A_63 = vector.extract_strided_slice %add3A_36 {offsets = [0, 32], sizes = [10000, 16], strides = [1, 1]} : vector<10000x48xf32> to vector<10000x16xf32>
    %slice3A_64 = vector.extract_strided_slice %add3A_46 {offsets = [0, 32], sizes = [10000, 16], strides = [1, 1]} : vector<10000x48xf32> to vector<10000x16xf32>
    %mul3A = arith.mulf %logistic3A_53, %slice3A_64 : vector<10000x16xf32>
    %add3A_65 = arith.addf %slice3A_63, %mul3A : vector<10000x16xf32>
    %tanh3A = math.tanh %add3A_65 : vector<10000x16xf32>
    %sub3A = arith.constant 1.000000e+00 : f32
    %sub3A_66 = vector.broadcast %sub3A : f32 to vector<10000x16xf32>
    %sub3A_67 = arith.subf %sub3A_66, %logistic3A_62 : vector<10000x16xf32>
    %mul3A_68 = arith.mulf %sub3A_67, %tanh3A : vector<10000x16xf32>
    %mul3A_69 = arith.mulf %logistic3A_62, %get3A_14 : vector<10000x16xf32>
    %add3A_70 = arith.addf %mul3A_68, %mul3A_69 : vector<10000x16xf32>
    %swap3A = arith.constant 0 : index
    %swap3A_71 = arith.constant 0 : index
    %swap3A_72 = vector.load %arg9[%swap3A, %swap3A_71] : memref<10000x16xf32, #tpu.memory_space<vmem>>, vector<10000x16xf32>
    tpu.vector_store %arg9[%swap3A, %swap3A_71], %add3A_70 {strides = array<i32>} : memref<10000x16xf32, #tpu.memory_space<vmem>>, vector<10000x16xf32>,
    return
  }
}

module attributes {stable_mosaic.version = 14 : i64} {
  func.func @_s2s_body(%arg0: memref<10000x32xf32, #tpu.memory_space<vmem>>, %arg1: memref<32x10000xf32, #tpu.memory_space<vmem>>, %arg2: memref<1x10000xi32, #tpu.memory_space<vmem>>, %arg3: memref<64x128xf32, #tpu.memory_space<vmem>>, %arg4: memref<32x128xf32, #tpu.memory_space<vmem>>, %arg5: memref<1x128xf32, #tpu.memory_space<vmem>>, %arg6: memref<64x128xf32, #tpu.memory_space<vmem>>, %arg7: memref<1x128xf32, #tpu.memory_space<vmem>>, %arg8: memref<1x128xf32, #tpu.memory_space<vmem>>, %arg9: memref<256x128xf32, #tpu.memory_space<vmem>>) attributes {dimension_semantics = [], scalar_prefetch = 0 : i64, scratch_operands = 0 : i64, tpu.core_type = #tpu.core_type<tc>} {
    %get3A = arith.constant 0 : index
    %get3A_0 = arith.constant 0 : index
    %get3A_1 = vector.load %arg0[%get3A, %get3A_0] : memref<10000x32xf32, #tpu.memory_space<vmem>>, vector<10000x32xf32>
    %get3A_2 = arith.constant 0 : index
    %get3A_3 = arith.constant 0 : index
    %get3A_4 = vector.load %arg1[%get3A_2, %get3A_3] : memref<32x10000xf32, #tpu.memory_space<vmem>>, vector<32x10000xf32>
    %get3A_5 = arith.constant 0 : index
    %get3A_6 = arith.constant 0 : index
    %get3A_7 = vector.load %arg2[%get3A_5, %get3A_6] : memref<1x10000xi32, #tpu.memory_space<vmem>>, vector<1x10000xi32>
    %iota3A = tpu.iota {dimensions = array<i32: 0>} : vector<256x1xi32>
    %eq3A = vector.broadcast %get3A_7 : vector<1x10000xi32> to vector<256x10000xi32>
    %eq3A_8 = vector.broadcast %iota3A : vector<256x1xi32> to vector<256x10000xi32>
    %eq3A_9 = arith.cmpi eq, %eq3A, %eq3A_8 : vector<256x10000xi32>
    %broadcast_in_dim3A = arith.constant 0.000000e+00 : f32
    %broadcast_in_dim3A_10 = vector.broadcast %broadcast_in_dim3A : f32 to vector<256x64xf32>
    %broadcast_in_dim3A_11 = arith.constant 0.000000e+00 : f32
    %broadcast_in_dim3A_12 = vector.broadcast %broadcast_in_dim3A_11 : f32 to vector<256x32xf32>
    %broadcast_in_dim3A_13 = arith.constant 0.000000e+00 : f32
    %broadcast_in_dim3A_14 = vector.broadcast %broadcast_in_dim3A_13 : f32 to vector<256x32xf32>
    %get3A_15 = arith.constant 0 : index
    %get3A_16 = arith.constant 0 : index
    %get3A_17 = vector.load %arg3[%get3A_15, %get3A_16] : memref<64x128xf32, #tpu.memory_space<vmem>>, vector<64x128xf32>
    %dot_general3A = arith.constant dense<0.000000e+00> : vector<256x128xf32>
    %dot_general3A_18 = tpu.matmul %broadcast_in_dim3A_10, %get3A_17, %dot_general3A {dimension_numbers = #tpu.dot_dimension_numbers<[1], [0], [0], [1], [0, 0, 1, 1], [], []>, transpose_lhs_hint = false} : vector<256x64xf32>, vector<64x128xf32>, vector<256x128xf32> -> vector<256x128xf32>
    %get3A_19 = arith.constant 0 : index
    %get3A_20 = arith.constant 0 : index
    %get3A_21 = vector.load %arg4[%get3A_19, %get3A_20] : memref<32x128xf32, #tpu.memory_space<vmem>>, vector<32x128xf32>
    %dot_general3A_22 = arith.constant dense<0.000000e+00> : vector<256x128xf32>
    %dot_general3A_23 = tpu.matmul %broadcast_in_dim3A_12, %get3A_21, %dot_general3A_22 {dimension_numbers = #tpu.dot_dimension_numbers<[1], [0], [0], [1], [0, 0, 1, 1], [], []>, transpose_lhs_hint = false} : vector<256x32xf32>, vector<32x128xf32>, vector<256x128xf32> -> vector<256x128xf32>
    %add3A = arith.addf %dot_general3A_18, %dot_general3A_23 : vector<256x128xf32>
    %get3A_24 = arith.constant 0 : index
    %get3A_25 = arith.constant 0 : index
    %get3A_26 = vector.load %arg5[%get3A_24, %get3A_25] : memref<1x128xf32, #tpu.memory_space<vmem>>, vector<1x128xf32>
    %add3A_27 = vector.broadcast %get3A_26 : vector<1x128xf32> to vector<256x128xf32>
    %add3A_28 = arith.addf %add3A, %add3A_27 : vector<256x128xf32>
    %slice3A = vector.extract_strided_slice %add3A_28 {offsets = [0, 0], sizes = [256, 32], strides = [1, 1]} : vector<256x128xf32> to vector<256x32xf32>
    %slice3A_29 = vector.extract_strided_slice %add3A_28 {offsets = [0, 32], sizes = [256, 32], strides = [1, 1]} : vector<256x128xf32> to vector<256x32xf32>
    %slice3A_30 = vector.extract_strided_slice %add3A_28 {offsets = [0, 64], sizes = [256, 32], strides = [1, 1]} : vector<256x128xf32> to vector<256x32xf32>
    %slice3A_31 = vector.extract_strided_slice %add3A_28 {offsets = [0, 96], sizes = [256, 32], strides = [1, 1]} : vector<256x128xf32> to vector<256x32xf32>
    %logistic3A = arith.negf %slice3A_29 : vector<256x32xf32>
    %logistic3A_32 = math.exp %logistic3A : vector<256x32xf32>
    %logistic3A_33 = arith.constant 1.000000e+00 : f32
    %logistic3A_34 = vector.broadcast %logistic3A_33 : f32 to vector<256x32xf32>
    %logistic3A_35 = arith.addf %logistic3A_34, %logistic3A_32 : vector<256x32xf32>
    %logistic3A_36 = arith.divf %logistic3A_34, %logistic3A_35 : vector<256x32xf32>
    %mul3A = arith.mulf %logistic3A_36, %broadcast_in_dim3A_14 : vector<256x32xf32>
    %logistic3A_37 = arith.negf %slice3A : vector<256x32xf32>
    %logistic3A_38 = math.exp %logistic3A_37 : vector<256x32xf32>
    %logistic3A_39 = arith.constant 1.000000e+00 : f32
    %logistic3A_40 = vector.broadcast %logistic3A_39 : f32 to vector<256x32xf32>
    %logistic3A_41 = arith.addf %logistic3A_40, %logistic3A_38 : vector<256x32xf32>
    %logistic3A_42 = arith.divf %logistic3A_40, %logistic3A_41 : vector<256x32xf32>
    %tanh3A = math.tanh %slice3A_30 : vector<256x32xf32>
    %mul3A_43 = arith.mulf %logistic3A_42, %tanh3A : vector<256x32xf32>
    %add3A_44 = arith.addf %mul3A, %mul3A_43 : vector<256x32xf32>
    %logistic3A_45 = arith.negf %slice3A_31 : vector<256x32xf32>
    %logistic3A_46 = math.exp %logistic3A_45 : vector<256x32xf32>
    %logistic3A_47 = arith.constant 1.000000e+00 : f32
    %logistic3A_48 = vector.broadcast %logistic3A_47 : f32 to vector<256x32xf32>
    %logistic3A_49 = arith.addf %logistic3A_48, %logistic3A_46 : vector<256x32xf32>
    %logistic3A_50 = arith.divf %logistic3A_48, %logistic3A_49 : vector<256x32xf32>
    %tanh3A_51 = math.tanh %add3A_44 : vector<256x32xf32>
    %mul3A_52 = arith.mulf %logistic3A_50, %tanh3A_51 : vector<256x32xf32>
    %dot_general3A_53 = arith.constant dense<0.000000e+00> : vector<256x10000xf32>
    %dot_general3A_54 = tpu.matmul %mul3A_52, %get3A_4, %dot_general3A_53 {dimension_numbers = #tpu.dot_dimension_numbers<[1], [0], [0], [1], [0, 0, 1, 1], [], []>, transpose_lhs_hint = false} : vector<256x32xf32>, vector<32x10000xf32>, vector<256x10000xf32> -> vector<256x10000xf32>
    %jit3A = arith.constant -1.000000e+30 : f32
    %broadcast_in_dim3A_55 = vector.broadcast %jit3A : f32 to vector<256x10000xf32>
    %select_n3A = arith.select %eq3A_9, %dot_general3A_54, %broadcast_in_dim3A_55 : vector<256x10000xi1>, vector<256x10000xf32>
    %reduce_max3A = arith.constant dense<0xFF800000> : vector<256xf32>
    %reduce_max3A_56 = vector.multi_reduction <maximumf>, %select_n3A, %reduce_max3A [1] : vector<256x10000xf32> to vector<256xf32>
    %broadcast_in_dim3A_57 = vector.shape_cast %reduce_max3A_56 : vector<256xf32> to vector<256x1xf32>
    %gt3A = arith.constant -1.000000e+29 : f32
    %gt3A_58 = vector.broadcast %gt3A : f32 to vector<256x1xf32>
    %gt3A_59 = arith.cmpf ogt, %broadcast_in_dim3A_57, %gt3A_58 : vector<256x1xf32>
    %jit3A_60 = arith.constant 0.000000e+00 : f32
    %broadcast_in_dim3A_61 = vector.broadcast %jit3A_60 : f32 to vector<256x1xf32>
    %select_n3A_62 = arith.select %gt3A_59, %broadcast_in_dim3A_57, %broadcast_in_dim3A_61 : vector<256x1xi1>, vector<256x1xf32>
    %sub3A = vector.broadcast %select_n3A_62 : vector<256x1xf32> to vector<256x10000xf32>
    %sub3A_63 = arith.subf %dot_general3A_54, %sub3A : vector<256x10000xf32>
    %jit3A_64 = arith.constant -1.000000e+30 : f32
    %broadcast_in_dim3A_65 = vector.broadcast %jit3A_64 : f32 to vector<256x10000xf32>
    %select_n3A_66 = arith.select %eq3A_9, %sub3A_63, %broadcast_in_dim3A_65 : vector<256x10000xi1>, vector<256x10000xf32>
    %exp3A = math.exp %select_n3A_66 : vector<256x10000xf32>
    %reduce_sum3A = arith.constant dense<0.000000e+00> : vector<256xf32>
    %reduce_sum3A_67 = vector.multi_reduction <add>, %exp3A, %reduce_sum3A [1] : vector<256x10000xf32> to vector<256xf32>
    %broadcast_in_dim3A_68 = vector.shape_cast %reduce_sum3A_67 : vector<256xf32> to vector<256x1xf32>
    %add3A_69 = arith.constant 1.000000e-16 : f32
    %add3A_70 = vector.broadcast %add3A_69 : f32 to vector<256x1xf32>
    %add3A_71 = arith.addf %broadcast_in_dim3A_68, %add3A_70 : vector<256x1xf32>
    %div3A = vector.broadcast %add3A_71 : vector<256x1xf32> to vector<256x10000xf32>
    %div3A_72 = arith.divf %exp3A, %div3A : vector<256x10000xf32>
    %dot_general3A_73 = arith.constant dense<0.000000e+00> : vector<256x32xf32>
    %dot_general3A_74 = tpu.matmul %div3A_72, %get3A_1, %dot_general3A_73 {dimension_numbers = #tpu.dot_dimension_numbers<[1], [0], [0], [1], [0, 0, 1, 1], [], []>, transpose_lhs_hint = false} : vector<256x10000xf32>, vector<10000x32xf32>, vector<256x32xf32> -> vector<256x32xf32>
    %concatenate3A = tpu.concatenate %mul3A_52, %dot_general3A_74 in 1 : vector<256x32xf32>, vector<256x32xf32> -> vector<256x64xf32>
    %get3A_75 = arith.constant 0 : index
    %get3A_76 = arith.constant 0 : index
    %get3A_77 = vector.load %arg3[%get3A_75, %get3A_76] : memref<64x128xf32, #tpu.memory_space<vmem>>, vector<64x128xf32>
    %dot_general3A_78 = arith.constant dense<0.000000e+00> : vector<256x128xf32>
    %dot_general3A_79 = tpu.matmul %concatenate3A, %get3A_77, %dot_general3A_78 {dimension_numbers = #tpu.dot_dimension_numbers<[1], [0], [0], [1], [0, 0, 1, 1], [], []>, transpose_lhs_hint = false} : vector<256x64xf32>, vector<64x128xf32>, vector<256x128xf32> -> vector<256x128xf32>
    %get3A_80 = arith.constant 0 : index
    %get3A_81 = arith.constant 0 : index
    %get3A_82 = vector.load %arg4[%get3A_80, %get3A_81] : memref<32x128xf32, #tpu.memory_space<vmem>>, vector<32x128xf32>
    %dot_general3A_83 = arith.constant dense<0.000000e+00> : vector<256x128xf32>
    %dot_general3A_84 = tpu.matmul %mul3A_52, %get3A_82, %dot_general3A_83 {dimension_numbers = #tpu.dot_dimension_numbers<[1], [0], [0], [1], [0, 0, 1, 1], [], []>, transpose_lhs_hint = false} : vector<256x32xf32>, vector<32x128xf32>, vector<256x128xf32> -> vector<256x128xf32>
    %add3A_85 = arith.addf %dot_general3A_79, %dot_general3A_84 : vector<256x128xf32>
    %get3A_86 = arith.constant 0 : index
    %get3A_87 = arith.constant 0 : index
    %get3A_88 = vector.load %arg5[%get3A_86, %get3A_87] : memref<1x128xf32, #tpu.memory_space<vmem>>, vector<1x128xf32>
    %add3A_89 = vector.broadcast %get3A_88 : vector<1x128xf32> to vector<256x128xf32>
    %add3A_90 = arith.addf %add3A_85, %add3A_89 : vector<256x128xf32>
    %slice3A_91 = vector.extract_strided_slice %add3A_90 {offsets = [0, 0], sizes = [256, 32], strides = [1, 1]} : vector<256x128xf32> to vector<256x32xf32>
    %slice3A_92 = vector.extract_strided_slice %add3A_90 {offsets = [0, 32], sizes = [256, 32], strides = [1, 1]} : vector<256x128xf32> to vector<256x32xf32>
    %slice3A_93 = vector.extract_strided_slice %add3A_90 {offsets = [0, 64], sizes = [256, 32], strides = [1, 1]} : vector<256x128xf32> to vector<256x32xf32>
    %slice3A_94 = vector.extract_strided_slice %add3A_90 {offsets = [0, 96], sizes = [256, 32], strides = [1, 1]} : vector<256x128xf32> to vector<256x32xf32>
    %logistic3A_95 = arith.negf %slice3A_92 : vector<256x32xf32>
    %logistic3A_96 = math.exp %logistic3A_95 : vector<256x32xf32>
    %logistic3A_97 = arith.constant 1.000000e+00 : f32
    %logistic3A_98 = vector.broadcast %logistic3A_97 : f32 to vector<256x32xf32>
    %logistic3A_99 = arith.addf %logistic3A_98, %logistic3A_96 : vector<256x32xf32>
    %logistic3A_100 = arith.divf %logistic3A_98, %logistic3A_99 : vector<256x32xf32>
    %mul3A_101 = arith.mulf %logistic3A_100, %add3A_44 : vector<256x32xf32>
    %logistic3A_102 = arith.negf %slice3A_91 : vector<256x32xf32>
    %logistic3A_103 = math.exp %logistic3A_102 : vector<256x32xf32>
    %logistic3A_104 = arith.constant 1.000000e+00 : f32
    %logistic3A_105 = vector.broadcast %logistic3A_104 : f32 to vector<256x32xf32>
    %logistic3A_106 = arith.addf %logistic3A_105, %logistic3A_103 : vector<256x32xf32>
    %logistic3A_107 = arith.divf %logistic3A_105, %logistic3A_106 : vector<256x32xf32>
    %tanh3A_108 = math.tanh %slice3A_93 : vector<256x32xf32>
    %mul3A_109 = arith.mulf %logistic3A_107, %tanh3A_108 : vector<256x32xf32>
    %add3A_110 = arith.addf %mul3A_101, %mul3A_109 : vector<256x32xf32>
    %logistic3A_111 = arith.negf %slice3A_94 : vector<256x32xf32>
    %logistic3A_112 = math.exp %logistic3A_111 : vector<256x32xf32>
    %logistic3A_113 = arith.constant 1.000000e+00 : f32
    %logistic3A_114 = vector.broadcast %logistic3A_113 : f32 to vector<256x32xf32>
    %logistic3A_115 = arith.addf %logistic3A_114, %logistic3A_112 : vector<256x32xf32>
    %logistic3A_116 = arith.divf %logistic3A_114, %logistic3A_115 : vector<256x32xf32>
    %tanh3A_117 = math.tanh %add3A_110 : vector<256x32xf32>
    %mul3A_118 = arith.mulf %logistic3A_116, %tanh3A_117 : vector<256x32xf32>
    %dot_general3A_119 = arith.constant dense<0.000000e+00> : vector<256x10000xf32>
    %dot_general3A_120 = tpu.matmul %mul3A_118, %get3A_4, %dot_general3A_119 {dimension_numbers = #tpu.dot_dimension_numbers<[1], [0], [0], [1], [0, 0, 1, 1], [], []>, transpose_lhs_hint = false} : vector<256x32xf32>, vector<32x10000xf32>, vector<256x10000xf32> -> vector<256x10000xf32>
    %jit3A_121 = arith.constant -1.000000e+30 : f32
    %broadcast_in_dim3A_122 = vector.broadcast %jit3A_121 : f32 to vector<256x10000xf32>
    %select_n3A_123 = arith.select %eq3A_9, %dot_general3A_120, %broadcast_in_dim3A_122 : vector<256x10000xi1>, vector<256x10000xf32>
    %reduce_max3A_124 = arith.constant dense<0xFF800000> : vector<256xf32>
    %reduce_max3A_125 = vector.multi_reduction <maximumf>, %select_n3A_123, %reduce_max3A_124 [1] : vector<256x10000xf32> to vector<256xf32>
    %broadcast_in_dim3A_126 = vector.shape_cast %reduce_max3A_125 : vector<256xf32> to vector<256x1xf32>
    %gt3A_127 = arith.constant -1.000000e+29 : f32
    %gt3A_128 = vector.broadcast %gt3A_127 : f32 to vector<256x1xf32>
    %gt3A_129 = arith.cmpf ogt, %broadcast_in_dim3A_126, %gt3A_128 : vector<256x1xf32>
    %jit3A_130 = arith.constant 0.000000e+00 : f32
    %broadcast_in_dim3A_131 = vector.broadcast %jit3A_130 : f32 to vector<256x1xf32>
    %select_n3A_132 = arith.select %gt3A_129, %broadcast_in_dim3A_126, %broadcast_in_dim3A_131 : vector<256x1xi1>, vector<256x1xf32>
    %sub3A_133 = vector.broadcast %select_n3A_132 : vector<256x1xf32> to vector<256x10000xf32>
    %sub3A_134 = arith.subf %dot_general3A_120, %sub3A_133 : vector<256x10000xf32>
    %jit3A_135 = arith.constant -1.000000e+30 : f32
    %broadcast_in_dim3A_136 = vector.broadcast %jit3A_135 : f32 to vector<256x10000xf32>
    %select_n3A_137 = arith.select %eq3A_9, %sub3A_134, %broadcast_in_dim3A_136 : vector<256x10000xi1>, vector<256x10000xf32>
    %exp3A_138 = math.exp %select_n3A_137 : vector<256x10000xf32>
    %reduce_sum3A_139 = arith.constant dense<0.000000e+00> : vector<256xf32>
    %reduce_sum3A_140 = vector.multi_reduction <add>, %exp3A_138, %reduce_sum3A_139 [1] : vector<256x10000xf32> to vector<256xf32>
    %broadcast_in_dim3A_141 = vector.shape_cast %reduce_sum3A_140 : vector<256xf32> to vector<256x1xf32>
    %add3A_142 = arith.constant 1.000000e-16 : f32
    %add3A_143 = vector.broadcast %add3A_142 : f32 to vector<256x1xf32>
    %add3A_144 = arith.addf %broadcast_in_dim3A_141, %add3A_143 : vector<256x1xf32>
    %div3A_145 = vector.broadcast %add3A_144 : vector<256x1xf32> to vector<256x10000xf32>
    %div3A_146 = arith.divf %exp3A_138, %div3A_145 : vector<256x10000xf32>
    %dot_general3A_147 = arith.constant dense<0.000000e+00> : vector<256x32xf32>
    %dot_general3A_148 = tpu.matmul %div3A_146, %get3A_1, %dot_general3A_147 {dimension_numbers = #tpu.dot_dimension_numbers<[1], [0], [0], [1], [0, 0, 1, 1], [], []>, transpose_lhs_hint = false} : vector<256x10000xf32>, vector<10000x32xf32>, vector<256x32xf32> -> vector<256x32xf32>
    %concatenate3A_149 = tpu.concatenate %mul3A_118, %dot_general3A_148 in 1 : vector<256x32xf32>, vector<256x32xf32> -> vector<256x64xf32>
    %get3A_150 = arith.constant 0 : index
    %get3A_151 = arith.constant 0 : index
    %get3A_152 = vector.load %arg3[%get3A_150, %get3A_151] : memref<64x128xf32, #tpu.memory_space<vmem>>, vector<64x128xf32>
    %dot_general3A_153 = arith.constant dense<0.000000e+00> : vector<256x128xf32>
    %dot_general3A_154 = tpu.matmul %concatenate3A_149, %get3A_152, %dot_general3A_153 {dimension_numbers = #tpu.dot_dimension_numbers<[1], [0], [0], [1], [0, 0, 1, 1], [], []>, transpose_lhs_hint = false} : vector<256x64xf32>, vector<64x128xf32>, vector<256x128xf32> -> vector<256x128xf32>
    %get3A_155 = arith.constant 0 : index
    %get3A_156 = arith.constant 0 : index
    %get3A_157 = vector.load %arg4[%get3A_155, %get3A_156] : memref<32x128xf32, #tpu.memory_space<vmem>>, vector<32x128xf32>
    %dot_general3A_158 = arith.constant dense<0.000000e+00> : vector<256x128xf32>
    %dot_general3A_159 = tpu.matmul %mul3A_118, %get3A_157, %dot_general3A_158 {dimension_numbers = #tpu.dot_dimension_numbers<[1], [0], [0], [1], [0, 0, 1, 1], [], []>, transpose_lhs_hint = false} : vector<256x32xf32>, vector<32x128xf32>, vector<256x128xf32> -> vector<256x128xf32>
    %add3A_160 = arith.addf %dot_general3A_154, %dot_general3A_159 : vector<256x128xf32>
    %get3A_161 = arith.constant 0 : index
    %get3A_162 = arith.constant 0 : index
    %get3A_163 = vector.load %arg5[%get3A_161, %get3A_162] : memref<1x128xf32, #tpu.memory_space<vmem>>, vector<1x128xf32>
    %add3A_164 = vector.broadcast %get3A_163 : vector<1x128xf32> to vector<256x128xf32>
    %add3A_165 = arith.addf %add3A_160, %add3A_164 : vector<256x128xf32>
    %slice3A_166 = vector.extract_strided_slice %add3A_165 {offsets = [0, 0], sizes = [256, 32], strides = [1, 1]} : vector<256x128xf32> to vector<256x32xf32>
    %slice3A_167 = vector.extract_strided_slice %add3A_165 {offsets = [0, 32], sizes = [256, 32], strides = [1, 1]} : vector<256x128xf32> to vector<256x32xf32>
    %slice3A_168 = vector.extract_strided_slice %add3A_165 {offsets = [0, 64], sizes = [256, 32], strides = [1, 1]} : vector<256x128xf32> to vector<256x32xf32>
    %slice3A_169 = vector.extract_strided_slice %add3A_165 {offsets = [0, 96], sizes = [256, 32], strides = [1, 1]} : vector<256x128xf32> to vector<256x32xf32>
    %logistic3A_170 = arith.negf %slice3A_167 : vector<256x32xf32>
    %logistic3A_171 = math.exp %logistic3A_170 : vector<256x32xf32>
    %logistic3A_172 = arith.constant 1.000000e+00 : f32
    %logistic3A_173 = vector.broadcast %logistic3A_172 : f32 to vector<256x32xf32>
    %logistic3A_174 = arith.addf %logistic3A_173, %logistic3A_171 : vector<256x32xf32>
    %logistic3A_175 = arith.divf %logistic3A_173, %logistic3A_174 : vector<256x32xf32>
    %mul3A_176 = arith.mulf %logistic3A_175, %add3A_110 : vector<256x32xf32>
    %logistic3A_177 = arith.negf %slice3A_166 : vector<256x32xf32>
    %logistic3A_178 = math.exp %logistic3A_177 : vector<256x32xf32>
    %logistic3A_179 = arith.constant 1.000000e+00 : f32
    %logistic3A_180 = vector.broadcast %logistic3A_179 : f32 to vector<256x32xf32>
    %logistic3A_181 = arith.addf %logistic3A_180, %logistic3A_178 : vector<256x32xf32>
    %logistic3A_182 = arith.divf %logistic3A_180, %logistic3A_181 : vector<256x32xf32>
    %tanh3A_183 = math.tanh %slice3A_168 : vector<256x32xf32>
    %mul3A_184 = arith.mulf %logistic3A_182, %tanh3A_183 : vector<256x32xf32>
    %add3A_185 = arith.addf %mul3A_176, %mul3A_184 : vector<256x32xf32>
    %logistic3A_186 = arith.negf %slice3A_169 : vector<256x32xf32>
    %logistic3A_187 = math.exp %logistic3A_186 : vector<256x32xf32>
    %logistic3A_188 = arith.constant 1.000000e+00 : f32
    %logistic3A_189 = vector.broadcast %logistic3A_188 : f32 to vector<256x32xf32>
    %logistic3A_190 = arith.addf %logistic3A_189, %logistic3A_187 : vector<256x32xf32>
    %logistic3A_191 = arith.divf %logistic3A_189, %logistic3A_190 : vector<256x32xf32>
    %tanh3A_192 = math.tanh %add3A_185 : vector<256x32xf32>
    %mul3A_193 = arith.mulf %logistic3A_191, %tanh3A_192 : vector<256x32xf32>
    %dot_general3A_194 = arith.constant dense<0.000000e+00> : vector<256x10000xf32>
    %dot_general3A_195 = tpu.matmul %mul3A_193, %get3A_4, %dot_general3A_194 {dimension_numbers = #tpu.dot_dimension_numbers<[1], [0], [0], [1], [0, 0, 1, 1], [], []>, transpose_lhs_hint = false} : vector<256x32xf32>, vector<32x10000xf32>, vector<256x10000xf32> -> vector<256x10000xf32>
    %jit3A_196 = arith.constant -1.000000e+30 : f32
    %broadcast_in_dim3A_197 = vector.broadcast %jit3A_196 : f32 to vector<256x10000xf32>
    %select_n3A_198 = arith.select %eq3A_9, %dot_general3A_195, %broadcast_in_dim3A_197 : vector<256x10000xi1>, vector<256x10000xf32>
    %reduce_max3A_199 = arith.constant dense<0xFF800000> : vector<256xf32>
    %reduce_max3A_200 = vector.multi_reduction <maximumf>, %select_n3A_198, %reduce_max3A_199 [1] : vector<256x10000xf32> to vector<256xf32>
    %broadcast_in_dim3A_201 = vector.shape_cast %reduce_max3A_200 : vector<256xf32> to vector<256x1xf32>
    %gt3A_202 = arith.constant -1.000000e+29 : f32
    %gt3A_203 = vector.broadcast %gt3A_202 : f32 to vector<256x1xf32>
    %gt3A_204 = arith.cmpf ogt, %broadcast_in_dim3A_201, %gt3A_203 : vector<256x1xf32>
    %jit3A_205 = arith.constant 0.000000e+00 : f32
    %broadcast_in_dim3A_206 = vector.broadcast %jit3A_205 : f32 to vector<256x1xf32>
    %select_n3A_207 = arith.select %gt3A_204, %broadcast_in_dim3A_201, %broadcast_in_dim3A_206 : vector<256x1xi1>, vector<256x1xf32>
    %sub3A_208 = vector.broadcast %select_n3A_207 : vector<256x1xf32> to vector<256x10000xf32>
    %sub3A_209 = arith.subf %dot_general3A_195, %sub3A_208 : vector<256x10000xf32>
    %jit3A_210 = arith.constant -1.000000e+30 : f32
    %broadcast_in_dim3A_211 = vector.broadcast %jit3A_210 : f32 to vector<256x10000xf32>
    %select_n3A_212 = arith.select %eq3A_9, %sub3A_209, %broadcast_in_dim3A_211 : vector<256x10000xi1>, vector<256x10000xf32>
    %exp3A_213 = math.exp %select_n3A_212 : vector<256x10000xf32>
    %reduce_sum3A_214 = arith.constant dense<0.000000e+00> : vector<256xf32>
    %reduce_sum3A_215 = vector.multi_reduction <add>, %exp3A_213, %reduce_sum3A_214 [1] : vector<256x10000xf32> to vector<256xf32>
    %broadcast_in_dim3A_216 = vector.shape_cast %reduce_sum3A_215 : vector<256xf32> to vector<256x1xf32>
    %add3A_217 = arith.constant 1.000000e-16 : f32
    %add3A_218 = vector.broadcast %add3A_217 : f32 to vector<256x1xf32>
    %add3A_219 = arith.addf %broadcast_in_dim3A_216, %add3A_218 : vector<256x1xf32>
    %div3A_220 = vector.broadcast %add3A_219 : vector<256x1xf32> to vector<256x10000xf32>
    %div3A_221 = arith.divf %exp3A_213, %div3A_220 : vector<256x10000xf32>
    %dot_general3A_222 = arith.constant dense<0.000000e+00> : vector<256x32xf32>
    %dot_general3A_223 = tpu.matmul %div3A_221, %get3A_1, %dot_general3A_222 {dimension_numbers = #tpu.dot_dimension_numbers<[1], [0], [0], [1], [0, 0, 1, 1], [], []>, transpose_lhs_hint = false} : vector<256x10000xf32>, vector<10000x32xf32>, vector<256x32xf32> -> vector<256x32xf32>
    %concatenate3A_224 = tpu.concatenate %mul3A_193, %dot_general3A_223 in 1 : vector<256x32xf32>, vector<256x32xf32> -> vector<256x64xf32>
    %get3A_225 = arith.constant 0 : index
    %get3A_226 = arith.constant 0 : index
    %get3A_227 = vector.load %arg6[%get3A_225, %get3A_226] : memref<64x128xf32, #tpu.memory_space<vmem>>, vector<64x128xf32>
    %dot_general3A_228 = arith.constant dense<0.000000e+00> : vector<256x128xf32>
    %dot_general3A_229 = tpu.matmul %concatenate3A_224, %get3A_227, %dot_general3A_228 {dimension_numbers = #tpu.dot_dimension_numbers<[1], [0], [0], [1], [0, 0, 1, 1], [], []>, transpose_lhs_hint = false} : vector<256x64xf32>, vector<64x128xf32>, vector<256x128xf32> -> vector<256x128xf32>
    %get3A_230 = arith.constant 0 : index
    %get3A_231 = arith.constant 0 : index
    %get3A_232 = vector.load %arg7[%get3A_230, %get3A_231] : memref<1x128xf32, #tpu.memory_space<vmem>>, vector<1x128xf32>
    %add3A_233 = vector.broadcast %get3A_232 : vector<1x128xf32> to vector<256x128xf32>
    %add3A_234 = arith.addf %dot_general3A_229, %add3A_233 : vector<256x128xf32>
    %gt3A_235 = arith.constant 0.000000e+00 : f32
    %gt3A_236 = vector.broadcast %gt3A_235 : f32 to vector<256x128xf32>
    %gt3A_237 = arith.cmpf ogt, %add3A_234, %gt3A_236 : vector<256x128xf32>
    %get3A_238 = arith.constant 0 : index
    %get3A_239 = arith.constant 0 : index
    %get3A_240 = vector.load %arg8[%get3A_238, %get3A_239] : memref<1x128xf32, #tpu.memory_space<vmem>>, vector<1x128xf32>
    %mul3A_241 = vector.broadcast %get3A_240 : vector<1x128xf32> to vector<256x128xf32>
    %mul3A_242 = arith.mulf %mul3A_241, %add3A_234 : vector<256x128xf32>
    %select_n3A_243 = arith.select %gt3A_237, %add3A_234, %mul3A_242 : vector<256x128xi1>, vector<256x128xf32>
    %swap3A = arith.constant 0 : index
    %swap3A_244 = arith.constant 0 : index
    %swap3A_245 = vector.load %arg9[%swap3A, %swap3A_244] : memref<256x128xf32, #tpu.memory_space<vmem>>, vector<256x128xf32>
    tpu.vector_store %arg9[%swap3A, %swap3A_244], %select_n3A_243 {strides = array<i32>} : memref<256x128xf32, #tpu.memory_space<vmem>>, vector<256x128xf32>,
    return
  }
}

</mosaic_0001>

<sc_bundles>
// kernel: kernel.16.cloned.1.call-start
scs
__scs_entry_jumppad:
0x0: {  	(pc) =	sbr.rel $0x88, $3  }
0x1: {  	(tag) =	ssettag $0x0;
	lr =	simm.s32 $0x1  }
0x2: {  	[smem:$0x3F8C] =	sst lr;
	_ =	strace $0xD0000000  }
0x3: {  	_ = 	snop  }
0x4: {  	_ = 	snop  }
0x5: {  	_ = 	snop  }
0x6: {  	_ = 	snop  }
0x7: {  	_ = 	snop  }
__scs_overlays_trampoline_lowered:
0x8: {  	[smem:$0x3F9B] =	sst s0  }
0x9: {  	[smem:$0x3F9C] =	sst s1  }
0xa: {  	[smem:$0x3F9D] =	sst s2  }
0xb: {  	[smem:$0x3F9E] =	sst s3  }
0xc: {  	[smem:$0x3F9F] =	sst s4  }
0xd: {  	[smem:$0x3FA0] =	sst s5  }
0xe: {  	[smem:$0x3FA1] =	sst s6  }
0xf: {  	[smem:$0x3FA2] =	sst s7  }
0x10: {  	[smem:$0x3FA3] =	sst s8  }
0x11: {  	[smem:$0x3FA4] =	sst s9;
	s0 =	simm.s32 @!p0 $0x0  }
0x12: {  	s1 =	sld [smem:$0x3F8A];
	s0 =	simm.s32 @p0 $0x1  }
0x13: {  	[smem:$0x3FA5] =	sst s0;
	s0 =	simm.s32 @!p1 $0x0  }
0x14: {  	s2 =	sld [smem:$0x3F89];
	s0 =	simm.s32 @p1 $0x1  }
0x15: {  	[smem:$0x3FA6] =	sst s0;
	s0 =	simm.s32 @!p2 $0x0  }
0x16: {  	s3 =	sld [smem:$0x3FDB];
	s0 =	simm.s32 @p2 $0x1  }
0x17: {  	s4 =	simm.s32 $0x1BF5;
	[smem:$0x3FA8] =	sst s0  }
0x18: {  	s0 =	sld [smem:$0x3F8B];
	_ =	swait.ge [sflag:s4], $0x0  }
0x19: {  	s7 =	sld [smem:$0x3F8C]  }
0x1a: {  	s8 =	sadd.s32 $0xFFFFE003, lr  }
0x1b: {  	s9 =	sadd.s32 $0xFFFFFEF7, lr;
	s5 =	simm.s32 $0xFFFFFFFF;
	p2 =	slt.u32 s8, $0xFFFFF086  }
0x1c: {  	p1 =	slt.u32 s9, $0xF7A;
	s5 =	simm.s32 @!p2 $0x0  }
0x1d: {  	s5 =	simm.s32 @p1 $0x1;
	p0 =	seq.s32 s7, s2  }
0x1e: {  	s7 =	smul.u32 @!p0 $0xF7A, s2;
	p2 =	seq.s32 @!p0 s5, $0x0  }
0x1f: {  	s9 =	smul.u32 $0xF7A, s1;
	s8 =	simm.s32 @!p0 $0x1BF5;
	p2 =	por !p2, p0  }
0x20: {  	[sflag:s8] =	ssyncset.s32 @!p0 $0xFFFFF086;
	s6 =	sadd.s32 @!p0 s3, s7;
	s7 =	simm.s32 @!p0 $0x108  }
0x21: {  	s3 =	sadd.s32 s3, s9;
	s6 =	sadd.s32 @!p0 $0x88, s6;
	s7 =	simm.s32 @p2 $0x1082  }
0x22: {  	[simem:s7], [sflag:s8] =	dma.local @!p0 [hbm:s6], $0xF7A  }
0x23: {  	s9 =	sor.u32 $0xD0000000, s2;
	s6 =	simm.s32 $0x108;
	_ =	swait.ge @!p0 [sflag:s8], $0x0  }
0x24: {  	s3 =	sadd.s32 $0x88, s3;
	s6 =	simm.s32 @!p1 $0x1082;
	[sflag:s4] =	ssyncset.s32 $0xFFFFF086  }
0x25: {  	[simem:s6], [sflag:s4] =	dma.local [hbm:s3], $0xF7A  }
0x26: {  	[smem:$0x3F8C] =	sst s1;
	(tag) =	ssettag s2;
	_ =	strace s9  }
0x27: {  	s1 =	sld [smem:$0x3F9C]  }
0x28: {  	s2 =	sld [smem:$0x3F9D]  }
0x29: {  	s4 =	sld [smem:$0x3F9F]  }
0x2a: {  	p0 =	seq.s32 s5, $0x0;
	s5 =	sld [smem:$0x3FA0]  }
0x2b: {  	s6 =	sld [smem:$0x3FA1]  }
0x2c: {  	s7 =	sld [smem:$0x3FA2]  }
0x2d: {  	s3 =	simm.s32 $0x108;
	s8 =	sld [smem:$0x3FA3]  }
0x2e: {  	s3 =	simm.s32 @!p0 $0x1082;
	s9 =	sld [smem:$0x3FA4]  }
0x2f: {  	lr =	sadd.s32 s0, s3;
	s0 =	sld [smem:$0x3F9B]  }
0x30: {  	s3 =	sld [smem:$0x3F9E]  }
0x31: {  	[smem:$0x3FA7] =	sst s10  }
0x32: {  	s10 =	sld [smem:$0x3FA5];
	_ =	sdelay $0x3  }
0x33: {  	p0 =	seq.s32 s10, $0x1;
	s10 =	sld [smem:$0x3FA7];
	_ =	sdelay $0x3  }
0x34: {  	[smem:$0x3FA7] =	sst s10  }
0x35: {  	s10 =	sld [smem:$0x3FA6];
	_ =	sdelay $0x3  }
0x36: {  	p1 =	seq.s32 s10, $0x1;
	s10 =	sld [smem:$0x3FA7];
	_ =	sdelay $0x3  }
0x37: {  	[smem:$0x3FA7] =	sst s10  }
0x38: {  	s10 =	sld [smem:$0x3FA8]  }
0x39: {  	_ = 	snop;
	(pc) =	sbr.ind lr, $3  }
0x3a: {  	_ = 	snop  }
0x3b: {  	_ = 	snop  }
0x3c: {  	p2 =	seq.s32 s10, $0x1;
	s10 =	sld [smem:$0x3FA7]  }
0x3d: {  	_ =	shalt  }
0x3e: {  	_ =	shalt  }
0x3f: {  	_ =	shalt  }
0x40: {  	_ =	shalt  }
0x41: {  	_ =	shalt  }
0x42: {  	_ =	shalt  }
0x43: {  	_ =	shalt  }
0x44: {  	_ =	shalt  }
0x45: {  	_ =	shalt  }
0x46: {  	_ =	shalt  }
0x47: {  	_ =	shalt  }
0x48: {  	_ =	shalt  }
0x49: {  	_ =	shalt  }
0x4a: {  	_ =	shalt  }
0x4b: {  	_ =	shalt  }
0x4c: {  	_ =	shalt  }
0x4d: {  	_ =	shalt  }
0x4e: {  	_ =	shalt  }
0x4f: {  	_ =	shalt  }
0x50: {  	_ =	shalt  }
0x51: {  	_ =	shalt  }
0x52: {  	_ =	shalt  }
0x53: {  	_ =	shalt  }
0x54: {  	_ =	shalt  }
0x55: {  	_ =	shalt  }
0x56: {  	_ =	shalt  }
0x57: {  	_ =	shalt  }
0x58: {  	_ =	shalt  }
0x59: {  	_ =	shalt  }
0x5a: {  	_ =	shalt  }
0x5b: {  	_ =	shalt  }
0x5c: {  	_ =	shalt  }
0x5d: {  	_ =	shalt  }
0x5e: {  	_ =	shalt  }
0x5f: {  	_ =	shalt  }
0x60: {  	_ =	shalt  }
0x61: {  	_ =	shalt  }
0x62: {  	_ =	shalt  }
0x63: {  	_ =	shalt  }
0x64: {  	_ =	shalt  }
0x65: {  	_ =	shalt  }
0x66: {  	_ =	shalt  }
0x67: {  	_ =	shalt  }
0x68: {  	_ =	shalt  }
0x69: {  	_ =	shalt  }
0x6a: {  	_ =	shalt  }
0x6b: {  	_ =	shalt  }
0x6c: {  	_ =	shalt  }
0x6d: {  	_ =	shalt  }
0x6e: {  	_ =	shalt  }
0x6f: {  	_ =	shalt  }
0x70: {  	_ =	shalt  }
0x71: {  	_ =	shalt  }
0x72: {  	_ =	shalt  }
0x73: {  	_ =	shalt  }
0x74: {  	_ =	shalt  }
0x75: {  	_ =	shalt  }
0x76: {  	_ =	shalt  }
0x77: {  	_ =	shalt  }
0x78: {  	_ =	shalt  }
0x79: {  	_ =	shalt  }
0x7a: {  	_ =	shalt  }
0x7b: {  	_ =	shalt  }
0x7c: {  	_ =	shalt  }
0x7d: {  	_ =	shalt  }
0x7e: {  	_ =	shalt  }
0x7f: {  	_ =	shalt  }
0x80: {  	_ =	shalt  }
0x81: {  	_ =	shalt  }
0x82: {  	_ =	shalt  }
0x83: {  	_ =	shalt  }
0x84: {  	_ =	shalt  }
0x85: {  	_ =	shalt  }
0x86: {  	_ =	shalt  }
0x87: {  	_ =	shalt  }
.Lfunc_end0:
.L_simem_size_0:
called_computation_lowered:
.L_overlay_start_0:
0x88: {  	s2 =	sld [smem:$0x3FD9]  }
0x89: {  	s3 =	sld [smem:$0x3FFE];
	_ =	sdelay $0x1  }
0x8a: {  	s1 =	srdreg.scid  }
0x8b: {  	s0 =	sand.u32 $0x1, s1  }
0x8c: {  	s16 =	sshll.u32 s0, $0xA;
	s2 =	sadd.s32 s3, s2  }
0x8d: {  	s2 =	sadd.s32 s2, s16  }
0x8e: {  	[smem:$0x3FB3] =	sst s2  }
0x8f: {  	_ = 	snop  }
0x90: {  	(tm) =	ssettm $0x1  }
0x91: {  	s17 =	sld [smem:$0x3FFB];
	_ =	sdelay $0x3  }
0x92: {  	_ =	strace s17  }
0x93: {  	s2 =	sld [smem:$0x3FFC];
	_ =	sdelay $0x3  }
0x94: {  	_ =	strace s2  }
0x95: {  	s2 =	sld [smem:$0x3FFD];
	_ =	sdelay $0x3  }
0x96: {  	_ =	strace s2  }
0x97: {  	_ =	strace $0x8FFFFFFF  }
0x98: {  	s18 =	sld [smem:$0x3FDB];
	_ =	sdelay $0x1  }
0x99: {  	s19 =	simm.s32 $_scs_section_size  }
0x9a: {  	s4 =	simm.s32 $_size__tile_overlayer_lowered;
	s5 =	simm.s32 $_tile_overlayer_lowered  }
0x9b: {  	s22 =	simm.s32 $0x1BFF;
	s21 =	sshll.u32 s5, $0x1;
	s2 =	sadd.s32 s19, s18  }
0x9c: {  	s6 =	simm.s32 $0x0;
	s20 =	sshll.u32 s4, $0x1;
	s4 =	sadd.s32 s21, s2  }
0x9d: {  	[timem:s6], [sflag:s22] =	dma.local [hbm:s4], s20  }
0x9e: {  	_ =	swait.ge [sflag:s22], s20  }
0x9f: {  	s3 =	ssub.s32 $0x0, s20;
	[sflag:s22] =	ssyncset.done $0x0  }
0xa0: {  	[sflag:s22] =	ssyncadd.s32 s3;
	_ =	sdelay $0x1  }
0xa1: {  	s23 =	simm.s32 $0x1B8B  }
0xa2: {  	_ =	swait.ge [sflag:s23], $0x1  }
0xa3: {  	[sflag:s23] =	ssyncset.done $0x0  }
0xa4: {  	s25 =	simm.s32 $0x1B8E;
	s24 =	sld [smem:$0x3FFE];
	[sflag:s23] =	ssyncadd.s32 $0xFFFFFFFF  }
0xa5: {  	s26 =	simm.s32 $execute0_lowered;
	[smem:$0x3FD2] =	sst s25  }
0xa6: {  	s4 =	sshll.u32 s26, $0x1;
	_ =	strace $0x80000046;
	[dreg:$0x1] =	wrdreg $0xFFFFFFFF  }
0xa7: {  	s28 =	simm.s32 $_size_execute0_lowered;
	s2 =	sadd.s32 s2, s4;
	[dreg:$0x0] =	wrdreg $0x0  }
0xa8: {  	s4 =	sshll.u32 s28, $0x1;
	[dreg:$0x2] =	wrdreg s2  }
0xa9: {  	[dreg:$0x3] =	wrdreg s4  }
0xaa: {  	[dreg:$0x4] =	wrdreg $0xC0  }
0xab: {  	_ =	task [dreg:s6], $0x5FFFF  }
0xac: {  	[dreg:$0x1] =	wrdreg $0xFFFFFFFF  }
0xad: {  	[dreg:$0x0] =	wrdreg $0x60  }
0xae: {  	[dreg:$0x2] =	wrdreg s24  }
0xaf: {  	[dreg:$0x3] =	wrdreg $0x9  }
0xb0: {  	_ =	task.clear_ibuf [dreg:s6], $0x4FFFF;
	_ =	strace $0x90000046  }
0xb1: {  	s29 =	simm.s32 $0x9;
	_ =	strace $0x80000048  }
0xb2: {  	_ =	swait.ge [sflag:s29], $0x1  }
0xb3: {  	[sflag:s29] =	ssyncadd.s32 $0xFFFFFFFF  }
0xb4: {  	_ =	strace $0x90000048  }
0xb5: {  	_ =	sfence  }
0xb6: {  	s30 =	sld [smem:$0x0];
	_ =	sdelay $0x2  }
0xb7: {  	s31 =	sshll.u32 s1, $0xD;
	s1 =	sshrl.u32 s1, $0x2  }
0xb8: {  	s3 =	sand.u32 $0x4000, s31;
	s1 =	sadd.s32 s1, s30  }
0xb9: {  	s0 =	sor.u32 s3, s0;
	s1 =	sshll.u32 s1, $0x11  }
0xba: {  	s0 =	sor.u32 s1, s0  }
0xbb: {  	s0 =	sadd.s32 $0x8F2B, s0  }
0xbc: {  	[sflag:s0] =	ssyncadd.remote.s32 $0x1  }
0xbd: {  	_ =	sfence.sel $0xFFFF  }
0xbe: {  	[dreg:$0x0] =	wrdreg $0xFFFFFFFF;
	(pc) =	sbr.abs _section_cstart, $3  }
0xbf: {  	[dreg:$0x1] =	wrdreg $0xFFFFFFFF  }
0xc0: {  	_ =	task.clear_ibuf [dreg:s6], $0x2FFFF;
	_ =	strace $0x9FFFFFFF  }
0xc1: {  	(tm) =	ssettm $0x7FFFFFFF  }
tec
execute0_lowered:
.L_overlay_start_1:
0x0: {  	(tag) =	ssettag $0x1  }
0x1: {  	s1 =	srdreg.scid;
	s0 =	stileid.u32  }
0x2: {  	s1 =	sand.u32 $0x1, s1;
	s2 =	sshll.u32 s0, $0x1  }
0x3: {  	s4 =	rddreg [dreg:$0x0];
	s3 =	sor.u32 s1, s2;
	s2 =	simm.s32 $0x0  }
0x4: {  	s19 =	simm.s32 $0x1C00;
	[smem:$0x7FF] =	sst s2  }
0x5: {  	s20 =	simm.s32 $0x100;
	_ =	strace $0x80000047;
	[dreg:$0x4] =	wrdreg s19  }
0x6: {  	s21 =	simm.s32 $0x2400;
	[dreg:$0x5] =	wrdreg s20  }
0x7: {  	s22 =	simm.s32 $0x180;
	[dreg:$0x6] =	wrdreg s21  }
0x8: {  	s23 =	simm.s32 $0x2C00;
	[dreg:$0x7] =	wrdreg s22  }
0x9: {  	s24 =	simm.s32 $0x200;
	[dreg:$0x8] =	wrdreg s23  }
0xa: {  	s25 =	simm.s32 $0x3400;
	[dreg:$0x9] =	wrdreg s24  }
0xb: {  	s26 =	simm.s32 $0x280;
	[dreg:$0xa] =	wrdreg s25  }
0xc: {  	s0 =	simm.s32 $0x3C00;
	[dreg:$0xb] =	wrdreg s26  }
0xd: {  	s6 =	simm.s32 $0x4400;
	[dreg:$0xc] =	wrdreg s0  }
0xe: {  	s7 =	simm.s32 $0x380;
	[dreg:$0xe] =	wrdreg s6  }
0xf: {  	s8 =	simm.s32 $0x4C00;
	[dreg:$0xf] =	wrdreg s7  }
0x10: {  	s9 =	simm.s32 $0x400;
	[dreg:$0x10] =	wrdreg s8  }
0x11: {  	s10 =	simm.s32 $0x5400;
	[dreg:$0x11] =	wrdreg s9  }
0x12: {  	s11 =	simm.s32 $0x480;
	[dreg:$0x12] =	wrdreg s10  }
0x13: {  	s12 =	simm.s32 $0x5C00;
	[dreg:$0x13] =	wrdreg s11  }
0x14: {  	s13 =	simm.s32 $0x500;
	[dreg:$0x14] =	wrdreg s12  }
0x15: {  	s14 =	simm.s32 $0x6400;
	[dreg:$0x15] =	wrdreg s13  }
0x16: {  	s15 =	simm.s32 $0x580;
	[dreg:$0x16] =	wrdreg s14  }
0x17: {  	s16 =	simm.s32 $0x6C00;
	[dreg:$0x17] =	wrdreg s15  }
0x18: {  	s17 =	simm.s32 $0x600;
	[dreg:$0x18] =	wrdreg s16  }
0x19: {  	s18 =	simm.s32 $0x7400;
	[dreg:$0x19] =	wrdreg s17  }
0x1a: {  	[dreg:$0x1a] =	wrdreg s18;
	s19 =	simm.s32 $0x680  }
0x1b: {  	s20 =	simm.s32 $0x7C00;
	[dreg:$0x1b] =	wrdreg s19  }
0x1c: {  	s21 =	simm.s32 $0x700;
	[dreg:$0x1c] =	wrdreg s20  }
0x1d: {  	s22 =	simm.s32 $0x8400;
	[dreg:$0x1d] =	wrdreg s21  }
0x1e: {  	s23 =	simm.s32 $0x780;
	[dreg:$0x1e] =	wrdreg s22  }
0x1f: {  	s24 =	simm.s32 $0x8C00;
	[dreg:$0x1f] =	wrdreg s23  }
0x20: {  	s25 =	simm.s32 $0x800;
	[smem:$0x7E4] =	sst s24  }
0x21: {  	s26 =	simm.s32 $0x9400;
	[smem:$0x7EB] =	sst s25  }
0x22: {  	s0 =	simm.s32 $0x880;
	[smem:$0x7E9] =	sst s26  }
0x23: {  	s6 =	simm.s32 $0x900;
	[smem:$0x7ED] =	sst s0  }
0x24: {  	s7 =	simm.s32 $0xA400;
	[smem:$0x7E5] =	sst s6  }
0x25: {  	s8 =	simm.s32 $0x980;
	[smem:$0x7EA] =	sst s7  }
0x26: {  	s9 =	simm.s32 $0xAC00;
	[smem:$0x7EE] =	sst s8  }
0x27: {  	s10 =	simm.s32 $0xA00;
	[smem:$0x7EC] =	sst s9  }
0x28: {  	s11 =	simm.s32 $0xB400;
	[smem:$0x7EF] =	sst s10  }
0x29: {  	s12 =	simm.s32 $0xA80;
	[smem:$0x7E8] =	sst s11  }
0x2a: {  	s13 =	simm.s32 $0xBC00;
	[smem:$0x7F1] =	sst s12  }
0x2b: {  	s14 =	simm.s32 $0xB00;
	[smem:$0x7F0] =	sst s13  }
0x2c: {  	s15 =	simm.s32 $0xC400;
	[smem:$0x7F2] =	sst s14  }
0x2d: {  	s16 =	simm.s32 $0xB80;
	[smem:$0x7E6] =	sst s15  }
0x2e: {  	s17 =	simm.s32 $0xCC00;
	[smem:$0x7F4] =	sst s16  }
0x2f: {  	s18 =	simm.s32 $0xC00;
	[smem:$0x7F3] =	sst s17  }
0x30: {  	[smem:$0x7F6] =	sst s18;
	s19 =	simm.s32 $0xD400  }
0x31: {  	s20 =	simm.s32 $0xC80;
	[smem:$0x7F8] =	sst s19  }
0x32: {  	s21 =	simm.s32 $0xDC00;
	[smem:$0x7F7] =	sst s20  }
0x33: {  	s22 =	simm.s32 $0xD00;
	[smem:$0x7F5] =	sst s21  }
0x34: {  	s23 =	simm.s32 $0xE400;
	[smem:$0x7FB] =	sst s22  }
0x35: {  	s5 =	smul.u32 $0x280, s3;
	s24 =	simm.s32 $0xD80;
	[smem:$0x7F9] =	sst s23  }
0x36: {  	s3 =	smul.u32 $0x2800, s3;
	s25 =	simm.s32 $0xEC00;
	[smem:$0x7FC] =	sst s24  }
0x37: {  	s5 =	sadd.s32 s5, s4;
	s6 =	simm.s32 $0xE00;
	[smem:$0x7FA] =	sst s25  }
0x38: {  	s3 =	sadd.s32 s3, s4;
	s5 =	sadd.s32 $0x31400, s5;
	[smem:$0x7FD] =	sst s6  }
0x39: {  	s3 =	sadd.s32 $0x36400, s3;
	[dreg:$0x2] =	wrdreg s5  }
0x3a: {  	[dreg:$0x3] =	wrdreg s3;
	s5 =	simm.s32 $0x300  }
0x3b: {  	[dreg:$0xd] =	wrdreg s5;
	s5 =	simm.s32 $0x9C00  }
0x3c: {  	[smem:$0x7E7] =	sst s5  }
0x3d: {  	s3 =	simm.s32 $0x2;
	s5 =	rddreg [dreg:$0x2]  }
0x3e: {  	[tilespmem:s2], [sflag:$0x2] =	stream.linear.gather [hbm4b:s5+s2], $0x1400, $0x38;
	[tilespmem:$0x15400] =	vst v63  }
0x3f: {  	_ =	swait.ge [sflag:s3], $0x1400  }
0x40: {  	s26 =	rddreg [dreg:$0x7]  }
0x41: {  	s8 =	rddreg [dreg:$0xa]  }
0x42: {  	s9 =	rddreg [dreg:$0xc]  }
0x43: {  	s7 =	simm.s32 $0x80;
	s10 =	rddreg [dreg:$0x5]  }
0x44: {  	s5 =	sadd.s32 $0x2C400, s4;
	[sflag:s3] =	ssyncset.done $0x0;
	s11 =	rddreg [dreg:$0x4]  }
0x45: {  	s4 =	simm.s32 $0x1400;
	s12 =	rddreg [dreg:$0x6];
	[sflag:s3] =	ssyncadd.s32 $0xFFFFEC00  }
0x46: {  	[tilespmem:s4], [sflag:$0x1] =	stream.indirect.gather [hbm4b:s5+s7], $0x10, s2, s7, $0xb8;
	[tilespmem:$0x15400] =	vst v63  }
0x47: {  	s13 =	rddreg [dreg:$0x8]  }
0x48: {  	[tilespmem:s11], [sflag:$0x1] =	stream.indirect.gather [hbm4b:s5+s7], $0x10, s7, s7, $0xb8;
	[tilespmem:$0x15400] =	vst v63  }
0x49: {  	s14 =	rddreg [dreg:$0x9]  }
0x4a: {  	[tilespmem:s12], [sflag:$0x1] =	stream.indirect.gather [hbm4b:s5+s7], $0x10, s10, s7, $0xb8;
	[tilespmem:$0x15400] =	vst v63  }
0x4b: {  	s0 =	rddreg [dreg:$0xb]  }
0x4c: {  	[tilespmem:s13], [sflag:$0x1] =	stream.indirect.gather [hbm4b:s5+s7], $0x10, s26, s7, $0xb8;
	[tilespmem:$0x15400] =	vst v63  }
0x4d: {  	s15 =	rddreg [dreg:$0xe]  }
0x4e: {  	[tilespmem:s8], [sflag:$0x1] =	stream.indirect.gather [hbm4b:s5+s7], $0x10, s14, s7, $0xb8;
	[tilespmem:$0x15400] =	vst v63  }
0x4f: {  	s16 =	rddreg [dreg:$0xd]  }
0x50: {  	[tilespmem:s9], [sflag:$0x1] =	stream.indirect.gather [hbm4b:s5+s7], $0x10, s0, s7, $0xb8;
	[tilespmem:$0x15400] =	vst v63  }
0x51: {  	s17 =	rddreg [dreg:$0xf]  }
0x52: {  	[tilespmem:s15], [sflag:$0x1] =	stream.indirect.gather [hbm4b:s5+s7], $0x10, s16, s7, $0xb8;
	[tilespmem:$0x15400] =	vst v63  }
0x53: {  	s6 =	simm.s32 $0x1;
	s18 =	rddreg [dreg:$0x10]  }
0x54: {  	[tilespmem:s18], [sflag:$0x1] =	stream.indirect.gather [hbm4b:s5+s7], $0x10, s17, s7, $0xb8;
	[tilespmem:$0x15400] =	vst v63  }
0x55: {  	_ =	swait.ge [sflag:s6], $0x800  }
0x56: {  	[sflag:s6] =	ssyncset.done $0x0  }
0x57: {  	[sflag:s6] =	ssyncadd.s32 $0xFFFFF800  }
0x58: {  	_ =	swait.ge [sflag:s6], $0x800  }
0x59: {  	[sflag:s6] =	ssyncset.done $0x0  }
0x5a: {  	[sflag:s6] =	ssyncadd.s32 $0xFFFFF800  }
0x5b: {  	_ =	swait.ge [sflag:s6], $0x800  }
0x5c: {  	[sflag:s6] =	ssyncset.done $0x0  }
0x5d: {  	[sflag:s6] =	ssyncadd.s32 $0xFFFFF800  }
0x5e: {  	_ =	swait.ge [sflag:s6], $0x800  }
0x5f: {  	[sflag:s6] =	ssyncset.done $0x0  }
0x60: {  	[sflag:s6] =	ssyncadd.s32 $0xFFFFF800  }
0x61: {  	_ =	swait.ge [sflag:s6], $0x800  }
0x62: {  	[sflag:s6] =	ssyncset.done $0x0  }
0x63: {  	[sflag:s6] =	ssyncadd.s32 $0xFFFFF800  }
0x64: {  	_ =	swait.ge [sflag:s6], $0x800  }
0x65: {  	[sflag:s6] =	ssyncset.done $0x0  }
0x66: {  	[sflag:s6] =	ssyncadd.s32 $0xFFFFF800  }
0x67: {  	_ =	swait.ge [sflag:s6], $0x800  }
0x68: {  	[sflag:s6] =	ssyncset.done $0x0  }
0x69: {  	[sflag:s6] =	ssyncadd.s32 $0xFFFFF800  }
0x6a: {  	_ =	swait.ge [sflag:s6], $0x800  }
0x6b: {  	s19 =	rddreg [dreg:$0x17]  }
0x6c: {  	s20 =	rddreg [dreg:$0x1e]  }
0x6d: {  	s21 =	rddreg [dreg:$0x15]  }
0x6e: {  	s22 =	rddreg [dreg:$0x14]  }
0x6f: {  	s23 =	rddreg [dreg:$0x11]  }
0x70: {  	s24 =	rddreg [dreg:$0x13]  }
0x71: {  	s25 =	rddreg [dreg:$0x12]  }
0x72: {  	s15 =	rddreg [dreg:$0x18];
	[sflag:s6] =	ssyncset.done $0x0  }
0x73: {  	s16 =	rddreg [dreg:$0x1a];
	[sflag:s6] =	ssyncadd.s32 $0xFFFFF800  }
0x74: {  	[tilespmem:s25], [sflag:$0x1] =	stream.indirect.gather [hbm4b:s5+s7], $0x10, s23, s7, $0xb8;
	[tilespmem:$0x15400] =	vst v63  }
0x75: {  	s17 =	rddreg [dreg:$0x16]  }
0x76: {  	[tilespmem:s22], [sflag:$0x1] =	stream.indirect.gather [hbm4b:s5+s7], $0x10, s24, s7, $0xb8;
	[tilespmem:$0x15400] =	vst v63  }
0x77: {  	s26 =	rddreg [dreg:$0x1b]  }
0x78: {  	[tilespmem:s17], [sflag:$0x1] =	stream.indirect.gather [hbm4b:s5+s7], $0x10, s21, s7, $0xb8;
	[tilespmem:$0x15400] =	vst v63  }
0x79: {  	s0 =	rddreg [dreg:$0x19]  }
0x7a: {  	[tilespmem:s15], [sflag:$0x1] =	stream.indirect.gather [hbm4b:s5+s7], $0x10, s19, s7, $0xb8;
	[tilespmem:$0x15400] =	vst v63  }
0x7b: {  	s13 =	rddreg [dreg:$0x1c]  }
0x7c: {  	[tilespmem:s16], [sflag:$0x1] =	stream.indirect.gather [hbm4b:s5+s7], $0x10, s0, s7, $0xb8;
	[tilespmem:$0x15400] =	vst v63  }
0x7d: {  	s14 =	rddreg [dreg:$0x1d]  }
0x7e: {  	[tilespmem:s13], [sflag:$0x1] =	stream.indirect.gather [hbm4b:s5+s7], $0x10, s26, s7, $0xb8;
	[tilespmem:$0x15400] =	vst v63  }
0x7f: {  	s15 =	sld [smem:$0x7E4]  }
0x80: {  	[tilespmem:s20], [sflag:$0x1] =	stream.indirect.gather [hbm4b:s5+s7], $0x10, s14, s7, $0xb8;
	[tilespmem:$0x15400] =	vst v63  }
0x81: {  	s16 =	rddreg [dreg:$0x1f]  }
0x82: {  	[tilespmem:s15], [sflag:$0x1] =	stream.indirect.gather [hbm4b:s5+s7], $0x10, s16, s7, $0xb8;
	[tilespmem:$0x15400] =	vst v63  }
0x83: {  	_ =	swait.ge [sflag:s6], $0x800  }
0x84: {  	[sflag:s6] =	ssyncset.done $0x0  }
0x85: {  	[sflag:s6] =	ssyncadd.s32 $0xFFFFF800  }
0x86: {  	_ =	swait.ge [sflag:s6], $0x800  }
0x87: {  	[sflag:s6] =	ssyncset.done $0x0  }
0x88: {  	[sflag:s6] =	ssyncadd.s32 $0xFFFFF800  }
0x89: {  	_ =	swait.ge [sflag:s6], $0x800  }
0x8a: {  	[sflag:s6] =	ssyncset.done $0x0  }
0x8b: {  	[sflag:s6] =	ssyncadd.s32 $0xFFFFF800  }
0x8c: {  	_ =	swait.ge [sflag:s6], $0x800  }
0x8d: {  	[sflag:s6] =	ssyncset.done $0x0  }
0x8e: {  	[sflag:s6] =	ssyncadd.s32 $0xFFFFF800  }
0x8f: {  	_ =	swait.ge [sflag:s6], $0x800  }
0x90: {  	[sflag:s6] =	ssyncset.done $0x0  }
0x91: {  	[sflag:s6] =	ssyncadd.s32 $0xFFFFF800  }
0x92: {  	_ =	swait.ge [sflag:s6], $0x800  }
0x93: {  	[sflag:s6] =	ssyncset.done $0x0  }
0x94: {  	[sflag:s6] =	ssyncadd.s32 $0xFFFFF800  }
0x95: {  	_ =	swait.ge [sflag:s6], $0x800  }
0x96: {  	[sflag:s6] =	ssyncset.done $0x0  }
0x97: {  	[sflag:s6] =	ssyncadd.s32 $0xFFFFF800  }
0x98: {  	_ =	swait.ge [sflag:s6], $0x800  }
0x99: {  	s17 =	sld [smem:$0x7E5]  }
0x9a: {  	s9 =	sld [smem:$0x7E6]  }
0x9b: {  	s18 =	sld [smem:$0x7E7]  }
0x9c: {  	s19 =	sld [smem:$0x7E8]  }
0x9d: {  	s20 =	sld [smem:$0x7E9]  }
0x9e: {  	s21 =	sld [smem:$0x7EA]  }
0x9f: {  	s22 =	sld [smem:$0x7EB]  }
0xa0: {  	s23 =	sld [smem:$0x7EC]  }
0xa1: {  	[sflag:s6] =	ssyncset.done $0x0;
	s24 =	sld [smem:$0x7ED]  }
0xa2: {  	s25 =	sld [smem:$0x7EE];
	[sflag:s6] =	ssyncadd.s32 $0xFFFFF800  }
0xa3: {  	[tilespmem:s20], [sflag:$0x1] =	stream.indirect.gather [hbm4b:s5+s7], $0x10, s22, s7, $0xb8;
	[tilespmem:$0x15400] =	vst v63  }
0xa4: {  	s26 =	sld [smem:$0x7EF]  }
0xa5: {  	[tilespmem:s18], [sflag:$0x1] =	stream.indirect.gather [hbm4b:s5+s7], $0x10, s24, s7, $0xb8;
	[tilespmem:$0x15400] =	vst v63  }
0xa6: {  	s0 =	sld [smem:$0x7F0]  }
0xa7: {  	[tilespmem:s21], [sflag:$0x1] =	stream.indirect.gather [hbm4b:s5+s7], $0x10, s17, s7, $0xb8;
	[tilespmem:$0x15400] =	vst v63  }
0xa8: {  	s13 =	sld [smem:$0x7F1]  }
0xa9: {  	[tilespmem:s23], [sflag:$0x1] =	stream.indirect.gather [hbm4b:s5+s7], $0x10, s25, s7, $0xb8;
	[tilespmem:$0x15400] =	vst v63  }
0xaa: {  	s14 =	sld [smem:$0x7F2]  }
0xab: {  	[tilespmem:s19], [sflag:$0x1] =	stream.indirect.gather [hbm4b:s5+s7], $0x10, s26, s7, $0xb8;
	[tilespmem:$0x15400] =	vst v63  }
0xac: {  	s15 =	sld [smem:$0x7F3]  }
0xad: {  	[tilespmem:s0], [sflag:$0x1] =	stream.indirect.gather [hbm4b:s5+s7], $0x10, s13, s7, $0xb8;
	[tilespmem:$0x15400] =	vst v63  }
0xae: {  	s16 =	sld [smem:$0x7F4]  }
0xaf: {  	[tilespmem:s9], [sflag:$0x1] =	stream.indirect.gather [hbm4b:s5+s7], $0x10, s14, s7, $0xb8;
	[tilespmem:$0x15400] =	vst v63  }
0xb0: {  	_ = 	snop  }
0xb1: {  	[tilespmem:s15], [sflag:$0x1] =	stream.indirect.gather [hbm4b:s5+s7], $0x10, s16, s7, $0xb8;
	[tilespmem:$0x15400] =	vst v63  }
0xb2: {  	_ =	swait.ge [sflag:s6], $0x800  }
0xb3: {  	[sflag:s6] =	ssyncset.done $0x0  }
0xb4: {  	[sflag:s6] =	ssyncadd.s32 $0xFFFFF800  }
0xb5: {  	_ =	swait.ge [sflag:s6], $0x800  }
0xb6: {  	[sflag:s6] =	ssyncset.done $0x0  }
0xb7: {  	[sflag:s6] =	ssyncadd.s32 $0xFFFFF800  }
0xb8: {  	_ =	swait.ge [sflag:s6], $0x800  }
0xb9: {  	[sflag:s6] =	ssyncset.done $0x0  }
0xba: {  	[sflag:s6] =	ssyncadd.s32 $0xFFFFF800  }
0xbb: {  	_ =	swait.ge [sflag:s6], $0x800  }
0xbc: {  	[sflag:s6] =	ssyncset.done $0x0  }
0xbd: {  	[sflag:s6] =	ssyncadd.s32 $0xFFFFF800  }
0xbe: {  	_ =	swait.ge [sflag:s6], $0x800  }
0xbf: {  	[sflag:s6] =	ssyncset.done $0x0  }
0xc0: {  	[sflag:s6] =	ssyncadd.s32 $0xFFFFF800  }
0xc1: {  	_ =	swait.ge [sflag:s6], $0x800  }
0xc2: {  	[sflag:s6] =	ssyncset.done $0x0  }
0xc3: {  	[sflag:s6] =	ssyncadd.s32 $0xFFFFF800  }
0xc4: {  	_ =	swait.ge [sflag:s6], $0x800  }
0xc5: {  	[sflag:s6] =	ssyncset.done $0x0  }
0xc6: {  	[sflag:s6] =	ssyncadd.s32 $0xFFFFF800  }
0xc7: {  	_ =	swait.ge [sflag:s6], $0x800  }
0xc8: {  	s17 =	sld [smem:$0x7F5]  }
0xc9: {  	s18 =	sld [smem:$0x7F6]  }
0xca: {  	s19 =	sld [smem:$0x7F7]  }
0xcb: {  	s20 =	sld [smem:$0x7F8]  }
0xcc: {  	[sflag:s6] =	ssyncset.done $0x0;
	s21 =	sld [smem:$0x7F9]  }
0xcd: {  	s22 =	sld [smem:$0x7FA];
	[sflag:s6] =	ssyncadd.s32 $0xFFFFF800  }
0xce: {  	[tilespmem:s20], [sflag:$0x1] =	stream.indirect.gather [hbm4b:s5+s7], $0x10, s18, s7, $0xb8;
	[tilespmem:$0x15400] =	vst v63  }
0xcf: {  	s23 =	sld [smem:$0x7FB]  }
0xd0: {  	[tilespmem:s17], [sflag:$0x1] =	stream.indirect.gather [hbm4b:s5+s7], $0x10, s19, s7, $0xb8;
	[tilespmem:$0x15400] =	vst v63  }
0xd1: {  	s24 =	sld [smem:$0x7FC]  }
0xd2: {  	[tilespmem:s21], [sflag:$0x1] =	stream.indirect.gather [hbm4b:s5+s7], $0x10, s23, s7, $0xb8;
	[tilespmem:$0x15400] =	vst v63  }
0xd3: {  	s25 =	sld [smem:$0x7FD]  }
0xd4: {  	[tilespmem:s22], [sflag:$0x1] =	stream.indirect.gather [hbm4b:s5+s7], $0x10, s24, s7, $0xb8;
	[tilespmem:$0x15400] =	vst v63  }
0xd5: {  	s26 =	simm.s32 $0xF400  }
0xd6: {  	[tilespmem:s26], [sflag:$0x1] =	stream.indirect.gather [hbm4b:s5+s7], $0x10, s25, s7, $0xb8;
	[tilespmem:$0x15400] =	vst v63  }
0xd7: {  	s8 =	simm.s32 $0xE80;
	s9 =	simm.s32 $0xFC00  }
0xd8: {  	[tilespmem:s9], [sflag:$0x1] =	stream.indirect.gather [hbm4b:s5+s7], $0x10, s8, s7, $0xb8;
	[tilespmem:$0x15400] =	vst v63  }
0xd9: {  	s11 =	simm.s32 $0x10400;
	s10 =	simm.s32 $0xF00  }
0xda: {  	[tilespmem:s11], [sflag:$0x1] =	stream.indirect.gather [hbm4b:s5+s7], $0x10, s10, s7, $0xb8;
	[tilespmem:$0x15400] =	vst v63  }
0xdb: {  	s12 =	simm.s32 $0xF80;
	s13 =	simm.s32 $0x10C00  }
0xdc: {  	[tilespmem:s13], [sflag:$0x1] =	stream.indirect.gather [hbm4b:s5+s7], $0x10, s12, s7, $0xb8;
	[tilespmem:$0x15400] =	vst v63  }
0xdd: {  	_ =	swait.ge [sflag:s6], $0x800  }
0xde: {  	[sflag:s6] =	ssyncset.done $0x0  }
0xdf: {  	[sflag:s6] =	ssyncadd.s32 $0xFFFFF800  }
0xe0: {  	_ =	swait.ge [sflag:s6], $0x800  }
0xe1: {  	[sflag:s6] =	ssyncset.done $0x0  }
0xe2: {  	[sflag:s6] =	ssyncadd.s32 $0xFFFFF800  }
0xe3: {  	_ =	swait.ge [sflag:s6], $0x800  }
0xe4: {  	[sflag:s6] =	ssyncset.done $0x0  }
0xe5: {  	[sflag:s6] =	ssyncadd.s32 $0xFFFFF800  }
0xe6: {  	_ =	swait.ge [sflag:s6], $0x800  }
0xe7: {  	[sflag:s6] =	ssyncset.done $0x0  }
0xe8: {  	[sflag:s6] =	ssyncadd.s32 $0xFFFFF800  }
0xe9: {  	_ =	swait.ge [sflag:s6], $0x800  }
0xea: {  	[sflag:s6] =	ssyncset.done $0x0  }
0xeb: {  	[sflag:s6] =	ssyncadd.s32 $0xFFFFF800  }
0xec: {  	_ =	swait.ge [sflag:s6], $0x800  }
0xed: {  	[sflag:s6] =	ssyncset.done $0x0  }
0xee: {  	[sflag:s6] =	ssyncadd.s32 $0xFFFFF800  }
0xef: {  	_ =	swait.ge [sflag:s6], $0x800  }
0xf0: {  	[sflag:s6] =	ssyncset.done $0x0  }
0xf1: {  	[sflag:s6] =	ssyncadd.s32 $0xFFFFF800  }
0xf2: {  	_ =	swait.ge [sflag:s6], $0x800  }
0xf3: {  	[sflag:s6] =	ssyncset.done $0x0  }
0xf4: {  	s14 =	simm.s32 $0x1000;
	s15 =	simm.s32 $0x11400;
	[sflag:s6] =	ssyncadd.s32 $0xFFFFF800  }
0xf5: {  	[tilespmem:s15], [sflag:$0x1] =	stream.indirect.gather [hbm4b:s5+s7], $0x10, s14, s7, $0xb8;
	[tilespmem:$0x15400] =	vst v63  }
0xf6: {  	s18 =	simm.s32 $0x11C00;
	s17 =	simm.s32 $0x1080  }
0xf7: {  	[tilespmem:s18], [sflag:$0x1] =	stream.indirect.gather [hbm4b:s5+s7], $0x10, s17, s7, $0xb8;
	[tilespmem:$0x15400] =	vst v63  }
0xf8: {  	s20 =	simm.s32 $0x12400;
	s19 =	simm.s32 $0x1100  }
0xf9: {  	[tilespmem:s20], [sflag:$0x1] =	stream.indirect.gather [hbm4b:s5+s7], $0x10, s19, s7, $0xb8;
	[tilespmem:$0x15400] =	vst v63  }
0xfa: {  	s1 =	ssub.s32 $0x2, s1;
	s21 =	simm.s32 $0x1180;
	s22 =	simm.s32 $0x12C00  }
0xfb: {  	[tilespmem:s22], [sflag:$0x1] =	stream.indirect.gather [hbm4b:s5+s7], $0x10, s21, s7, $0xb8;
	[tilespmem:$0x15400] =	vst v63  }
0xfc: {  	s16 =	sshrl.u32 s1, $0x1;
	s23 =	simm.s32 $0x1200;
	s24 =	simm.s32 $0x13400  }
0xfd: {  	[tilespmem:s24], [sflag:$0x1] =	stream.indirect.gather [hbm4b:s5+s7], $0x10, s23, s7, $0xb8;
	[tilespmem:$0x15400] =	vst v63  }
0xfe: {  	s0 =	ssub.s32 s1, s16;
	s25 =	simm.s32 $0x1280;
	s26 =	simm.s32 $0x13C00  }
0xff: {  	[tilespmem:s26], [sflag:$0x1] =	stream.indirect.gather [hbm4b:s5+s7], $0x10, s25, s7, $0xb8;
	[tilespmem:$0x15400] =	vst v63  }
0x100: {  	s28 =	simm.s32 $0x1300;
	s29 =	simm.s32 $0x14400;
	s0 =	smax.u32 s0, $0x1  }
0x101: {  	[tilespmem:s29], [sflag:$0x1] =	stream.indirect.gather [hbm4b:s5+s7], $0x10, s28, s7, $0xb8;
	[tilespmem:$0x15400] =	vst v63  }
0x102: {  	s30 =	simm.s32 $0x1380;
	s31 =	simm.s32 $0x14C00;
	p0 =	sne.s32 s0, $0x1  }
0x103: {  	[tilespmem:s31], [sflag:$0x1] =	stream.indirect.gather [hbm4b:s5+s7], $0x10, s30, s7, $0xb8;
	[tilespmem:$0x15400] =	vst v63  }
.Ltmp0:
0x104: {  	_ = 	snop;
	(pc) =	sbr.rel @!p0 .LBB2_2-.Ltmp0, $4  }
0x105: {  	_ =	swait.ge [sflag:s6], $0x800  }
0x106: {  	[sflag:s6] =	ssyncset.done $0x0  }
0x107: {  	[sflag:s6] =	ssyncadd.s32 $0xFFFFF800  }
0x108: {  	s1 =	sadd.s32 $0xFFFFFFFF, s0;
	_ =	swait.ge [sflag:s6], $0x800  }
.LBB2_1:
0x109: {  	[sflag:s6] =	ssyncset.done $0x0  }
0x10a: {  	[sflag:s6] =	ssyncadd.s32 $0xFFFFF800  }
0x10b: {  	_ =	swait.ge [sflag:s6], $0x800  }
0x10c: {  	[sflag:s6] =	ssyncset.done $0x0  }
0x10d: {  	[sflag:s6] =	ssyncadd.s32 $0xFFFFF800  }
0x10e: {  	_ =	swait.ge [sflag:s6], $0x800  }
0x10f: {  	[sflag:s6] =	ssyncset.done $0x0  }
0x110: {  	[sflag:s6] =	ssyncadd.s32 $0xFFFFF800  }
0x111: {  	_ =	swait.ge [sflag:s6], $0x800  }
0x112: {  	[sflag:s6] =	ssyncset.done $0x0  }
0x113: {  	[sflag:s6] =	ssyncadd.s32 $0xFFFFF800  }
0x114: {  	_ =	swait.ge [sflag:s6], $0x800  }
0x115: {  	[sflag:s6] =	ssyncset.done $0x0  }
0x116: {  	[sflag:s6] =	ssyncadd.s32 $0xFFFFF800  }
0x117: {  	_ =	swait.ge [sflag:s6], $0x800  }
0x118: {  	[sflag:s6] =	ssyncset.done $0x0  }
0x119: {  	[sflag:s6] =	ssyncadd.s32 $0xFFFFF800  }
0x11a: {  	_ =	swait.ge [sflag:s6], $0x800  }
0x11b: {  	[sflag:s6] =	ssyncset.done $0x0  }
0x11c: {  	s0 =	rddreg [dreg:$0x3];
	[sflag:s6] =	ssyncadd.s32 $0xFFFFF800  }
0x11d: {  	[hbm4b:s0+s2] =	stream.linear.scatter [tilespmem:s4], [sflag:$0x2], $0x14000, $0x38;
	[tilespmem:$0x15400] =	vst v63  }
0x11e: {  	_ =	swait.ge [sflag:s3], $0x14000  }
0x11f: {  	[sflag:s3] =	ssyncset.done $0x0  }
0x120: {  	s15 =	rddreg [dreg:$0x2];
	[sflag:s3] =	ssyncadd.s32 $0xFFFEC000  }
0x121: {  	[tilespmem:s2], [sflag:$0x2] =	stream.linear.gather [hbm4b:s15+s2], $0x1400, $0x38;
	[tilespmem:$0x15400] =	vst v63  }
0x122: {  	_ =	swait.ge [sflag:s3], $0x1400  }
0x123: {  	s16 =	rddreg [dreg:$0x7]  }
0x124: {  	s8 =	rddreg [dreg:$0xa]  }
0x125: {  	s9 =	rddreg [dreg:$0xc]  }
0x126: {  	s10 =	rddreg [dreg:$0x5]  }
0x127: {  	[sflag:s3] =	ssyncset.done $0x0;
	s11 =	rddreg [dreg:$0x4]  }
0x128: {  	s12 =	rddreg [dreg:$0x6];
	[sflag:s3] =	ssyncadd.s32 $0xFFFFEC00  }
0x129: {  	[tilespmem:s4], [sflag:$0x1] =	stream.indirect.gather [hbm4b:s5+s7], $0x10, s2, s7, $0xb8;
	[tilespmem:$0x15400] =	vst v63  }
0x12a: {  	s13 =	rddreg [dreg:$0x8]  }
0x12b: {  	[tilespmem:s11], [sflag:$0x1] =	stream.indirect.gather [hbm4b:s5+s7], $0x10, s7, s7, $0xb8;
	[tilespmem:$0x15400] =	vst v63  }
0x12c: {  	s14 =	rddreg [dreg:$0x9]  }
0x12d: {  	[tilespmem:s12], [sflag:$0x1] =	stream.indirect.gather [hbm4b:s5+s7], $0x10, s10, s7, $0xb8;
	[tilespmem:$0x15400] =	vst v63  }
0x12e: {  	s15 =	rddreg [dreg:$0xd]  }
0x12f: {  	[tilespmem:s13], [sflag:$0x1] =	stream.indirect.gather [hbm4b:s5+s7], $0x10, s16, s7, $0xb8;
	[tilespmem:$0x15400] =	vst v63  }
0x130: {  	s11 =	rddreg [dreg:$0xb]  }
0x131: {  	[tilespmem:s8], [sflag:$0x1] =	stream.indirect.gather [hbm4b:s5+s7], $0x10, s14, s7, $0xb8;
	[tilespmem:$0x15400] =	vst v63  }
0x132: {  	s12 =	rddreg [dreg:$0xe]  }
0x133: {  	[tilespmem:s9], [sflag:$0x1] =	stream.indirect.gather [hbm4b:s5+s7], $0x10, s11, s7, $0xb8;
	[tilespmem:$0x15400] =	vst v63  }
0x134: {  	s16 =	rddreg [dreg:$0xf]  }
0x135: {  	[tilespmem:s12], [sflag:$0x1] =	stream.indirect.gather [hbm4b:s5+s7], $0x10, s15, s7, $0xb8;
	[tilespmem:$0x15400] =	vst v63  }
0x136: {  	s11 =	rddreg [dreg:$0x10]  }
0x137: {  	[tilespmem:s11], [sflag:$0x1] =	stream.indirect.gather [hbm4b:s5+s7], $0x10, s16, s7, $0xb8;
	[tilespmem:$0x15400] =	vst v63  }
0x138: {  	_ =	swait.ge [sflag:s6], $0x800  }
0x139: {  	[sflag:s6] =	ssyncset.done $0x0  }
0x13a: {  	[sflag:s6] =	ssyncadd.s32 $0xFFFFF800  }
0x13b: {  	_ =	swait.ge [sflag:s6], $0x800  }
0x13c: {  	[sflag:s6] =	ssyncset.done $0x0  }
0x13d: {  	[sflag:s6] =	ssyncadd.s32 $0xFFFFF800  }
0x13e: {  	_ =	swait.ge [sflag:s6], $0x800  }
0x13f: {  	[sflag:s6] =	ssyncset.done $0x0  }
0x140: {  	[sflag:s6] =	ssyncadd.s32 $0xFFFFF800  }
0x141: {  	_ =	swait.ge [sflag:s6], $0x800  }
0x142: {  	[sflag:s6] =	ssyncset.done $0x0  }
0x143: {  	[sflag:s6] =	ssyncadd.s32 $0xFFFFF800  }
0x144: {  	_ =	swait.ge [sflag:s6], $0x800  }
0x145: {  	[sflag:s6] =	ssyncset.done $0x0  }
0x146: {  	[sflag:s6] =	ssyncadd.s32 $0xFFFFF800  }
0x147: {  	_ =	swait.ge [sflag:s6], $0x800  }
0x148: {  	[sflag:s6] =	ssyncset.done $0x0  }
0x149: {  	[sflag:s6] =	ssyncadd.s32 $0xFFFFF800  }
0x14a: {  	_ =	swait.ge [sflag:s6], $0x800  }
0x14b: {  	[sflag:s6] =	ssyncset.done $0x0  }
0x14c: {  	[sflag:s6] =	ssyncadd.s32 $0xFFFFF800  }
0x14d: {  	_ =	swait.ge [sflag:s6], $0x800  }
0x14e: {  	s0 =	rddreg [dreg:$0x17]  }
0x14f: {  	s8 =	rddreg [dreg:$0x1e]  }
0x150: {  	s9 =	rddreg [dreg:$0x15]  }
0x151: {  	s10 =	rddreg [dreg:$0x14]  }
0x152: {  	s11 =	rddreg [dreg:$0x11]  }
0x153: {  	s12 =	rddreg [dreg:$0x13]  }
0x154: {  	s13 =	rddreg [dreg:$0x12]  }
0x155: {  	[sflag:s6] =	ssyncset.done $0x0;
	s14 =	rddreg [dreg:$0x18]  }
0x156: {  	s15 =	rddreg [dreg:$0x1a];
	[sflag:s6] =	ssyncadd.s32 $0xFFFFF800  }
0x157: {  	[tilespmem:s13], [sflag:$0x1] =	stream.indirect.gather [hbm4b:s5+s7], $0x10, s11, s7, $0xb8;
	[tilespmem:$0x15400] =	vst v63  }
0x158: {  	s16 =	rddreg [dreg:$0x16]  }
0x159: {  	[tilespmem:s10], [sflag:$0x1] =	stream.indirect.gather [hbm4b:s5+s7], $0x10, s12, s7, $0xb8;
	[tilespmem:$0x15400] =	vst v63  }
0x15a: {  	s11 =	rddreg [dreg:$0x1b]  }
0x15b: {  	[tilespmem:s16], [sflag:$0x1] =	stream.indirect.gather [hbm4b:s5+s7], $0x10, s9, s7, $0xb8;
	[tilespmem:$0x15400] =	vst v63  }
0x15c: {  	s13 =	rddreg [dreg:$0x1c]  }
0x15d: {  	[tilespmem:s14], [sflag:$0x1] =	stream.indirect.gather [hbm4b:s5+s7], $0x10, s0, s7, $0xb8;
	[tilespmem:$0x15400] =	vst v63  }
0x15e: {  	s12 =	rddreg [dreg:$0x19]  }
0x15f: {  	[tilespmem:s15], [sflag:$0x1] =	stream.indirect.gather [hbm4b:s5+s7], $0x10, s12, s7, $0xb8;
	[tilespmem:$0x15400] =	vst v63  }
0x160: {  	s16 =	sld [smem:$0x7E4]  }
0x161: {  	[tilespmem:s13], [sflag:$0x1] =	stream.indirect.gather [hbm4b:s5+s7], $0x10, s11, s7, $0xb8;
	[tilespmem:$0x15400] =	vst v63  }
0x162: {  	s14 =	rddreg [dreg:$0x1d]  }
0x163: {  	[tilespmem:s8], [sflag:$0x1] =	stream.indirect.gather [hbm4b:s5+s7], $0x10, s14, s7, $0xb8;
	[tilespmem:$0x15400] =	vst v63  }
0x164: {  	s12 =	rddreg [dreg:$0x1f]  }
0x165: {  	[tilespmem:s16], [sflag:$0x1] =	stream.indirect.gather [hbm4b:s5+s7], $0x10, s12, s7, $0xb8;
	[tilespmem:$0x15400] =	vst v63  }
0x166: {  	_ =	swait.ge [sflag:s6], $0x800  }
0x167: {  	[sflag:s6] =	ssyncset.done $0x0  }
0x168: {  	[sflag:s6] =	ssyncadd.s32 $0xFFFFF800  }
0x169: {  	_ =	swait.ge [sflag:s6], $0x800  }
0x16a: {  	[sflag:s6] =	ssyncset.done $0x0  }
0x16b: {  	[sflag:s6] =	ssyncadd.s32 $0xFFFFF800  }
0x16c: {  	_ =	swait.ge [sflag:s6], $0x800  }
0x16d: {  	[sflag:s6] =	ssyncset.done $0x0  }
0x16e: {  	[sflag:s6] =	ssyncadd.s32 $0xFFFFF800  }
0x16f: {  	_ =	swait.ge [sflag:s6], $0x800  }
0x170: {  	[sflag:s6] =	ssyncset.done $0x0  }
0x171: {  	[sflag:s6] =	ssyncadd.s32 $0xFFFFF800  }
0x172: {  	_ =	swait.ge [sflag:s6], $0x800  }
0x173: {  	[sflag:s6] =	ssyncset.done $0x0  }
0x174: {  	[sflag:s6] =	ssyncadd.s32 $0xFFFFF800  }
0x175: {  	_ =	swait.ge [sflag:s6], $0x800  }
0x176: {  	[sflag:s6] =	ssyncset.done $0x0  }
0x177: {  	[sflag:s6] =	ssyncadd.s32 $0xFFFFF800  }
0x178: {  	_ =	swait.ge [sflag:s6], $0x800  }
0x179: {  	[sflag:s6] =	ssyncset.done $0x0  }
0x17a: {  	[sflag:s6] =	ssyncadd.s32 $0xFFFFF800  }
0x17b: {  	_ =	swait.ge [sflag:s6], $0x800  }
0x17c: {  	s0 =	sld [smem:$0x7E5]  }
0x17d: {  	s8 =	sld [smem:$0x7E6]  }
0x17e: {  	s9 =	sld [smem:$0x7E7]  }
0x17f: {  	s10 =	sld [smem:$0x7E8]  }
0x180: {  	s11 =	sld [smem:$0x7E9]  }
0x181: {  	s12 =	sld [smem:$0x7EA]  }
0x182: {  	s13 =	sld [smem:$0x7EB]  }
0x183: {  	s14 =	sld [smem:$0x7EC]  }
0x184: {  	[sflag:s6] =	ssyncset.done $0x0;
	s15 =	sld [smem:$0x7ED]  }
0x185: {  	s16 =	sld [smem:$0x7EE];
	[sflag:s6] =	ssyncadd.s32 $0xFFFFF800  }
0x186: {  	[tilespmem:s11], [sflag:$0x1] =	stream.indirect.gather [hbm4b:s5+s7], $0x10, s13, s7, $0xb8;
	[tilespmem:$0x15400] =	vst v63  }
0x187: {  	s11 =	sld [smem:$0x7EF]  }
0x188: {  	[tilespmem:s9], [sflag:$0x1] =	stream.indirect.gather [hbm4b:s5+s7], $0x10, s15, s7, $0xb8;
	[tilespmem:$0x15400] =	vst v63  }
0x189: {  	s13 =	sld [smem:$0x7F1]  }
0x18a: {  	[tilespmem:s12], [sflag:$0x1] =	stream.indirect.gather [hbm4b:s5+s7], $0x10, s0, s7, $0xb8;
	[tilespmem:$0x15400] =	vst v63  }
0x18b: {  	s9 =	sld [smem:$0x7F0]  }
0x18c: {  	[tilespmem:s14], [sflag:$0x1] =	stream.indirect.gather [hbm4b:s5+s7], $0x10, s16, s7, $0xb8;
	[tilespmem:$0x15400] =	vst v63  }
0x18d: {  	s15 =	sld [smem:$0x7F2]  }
0x18e: {  	[tilespmem:s10], [sflag:$0x1] =	stream.indirect.gather [hbm4b:s5+s7], $0x10, s11, s7, $0xb8;
	[tilespmem:$0x15400] =	vst v63  }
0x18f: {  	s16 =	sld [smem:$0x7F3]  }
0x190: {  	[tilespmem:s9], [sflag:$0x1] =	stream.indirect.gather [hbm4b:s5+s7], $0x10, s13, s7, $0xb8;
	[tilespmem:$0x15400] =	vst v63  }
0x191: {  	s9 =	sld [smem:$0x7F4]  }
0x192: {  	[tilespmem:s8], [sflag:$0x1] =	stream.indirect.gather [hbm4b:s5+s7], $0x10, s15, s7, $0xb8;
	[tilespmem:$0x15400] =	vst v63  }
0x193: {  	_ = 	snop  }
0x194: {  	[tilespmem:s16], [sflag:$0x1] =	stream.indirect.gather [hbm4b:s5+s7], $0x10, s9, s7, $0xb8;
	[tilespmem:$0x15400] =	vst v63  }
0x195: {  	_ =	swait.ge [sflag:s6], $0x800  }
0x196: {  	[sflag:s6] =	ssyncset.done $0x0  }
0x197: {  	[sflag:s6] =	ssyncadd.s32 $0xFFFFF800  }
0x198: {  	_ =	swait.ge [sflag:s6], $0x800  }
0x199: {  	[sflag:s6] =	ssyncset.done $0x0  }
0x19a: {  	[sflag:s6] =	ssyncadd.s32 $0xFFFFF800  }
0x19b: {  	_ =	swait.ge [sflag:s6], $0x800  }
0x19c: {  	[sflag:s6] =	ssyncset.done $0x0  }
0x19d: {  	[sflag:s6] =	ssyncadd.s32 $0xFFFFF800  }
0x19e: {  	_ =	swait.ge [sflag:s6], $0x800  }
0x19f: {  	[sflag:s6] =	ssyncset.done $0x0  }
0x1a0: {  	[sflag:s6] =	ssyncadd.s32 $0xFFFFF800  }
0x1a1: {  	_ =	swait.ge [sflag:s6], $0x800  }
0x1a2: {  	[sflag:s6] =	ssyncset.done $0x0  }
0x1a3: {  	[sflag:s6] =	ssyncadd.s32 $0xFFFFF800  }
0x1a4: {  	_ =	swait.ge [sflag:s6], $0x800  }
0x1a5: {  	[sflag:s6] =	ssyncset.done $0x0  }
0x1a6: {  	[sflag:s6] =	ssyncadd.s32 $0xFFFFF800  }
0x1a7: {  	_ =	swait.ge [sflag:s6], $0x800  }
0x1a8: {  	[sflag:s6] =	ssyncset.done $0x0  }
0x1a9: {  	[sflag:s6] =	ssyncadd.s32 $0xFFFFF800  }
0x1aa: {  	_ =	swait.ge [sflag:s6], $0x800  }
0x1ab: {  	s10 =	sld [smem:$0x7F5]  }
0x1ac: {  	s14 =	sld [smem:$0x7F6]  }
0x1ad: {  	s15 =	sld [smem:$0x7F7]  }
0x1ae: {  	s12 =	sld [smem:$0x7F8]  }
0x1af: {  	[sflag:s6] =	ssyncset.done $0x0;
	s13 =	sld [smem:$0x7F9]  }
0x1b0: {  	s16 =	sld [smem:$0x7FA];
	[sflag:s6] =	ssyncadd.s32 $0xFFFFF800  }
0x1b1: {  	[tilespmem:s12], [sflag:$0x1] =	stream.indirect.gather [hbm4b:s5+s7], $0x10, s14, s7, $0xb8;
	[tilespmem:$0x15400] =	vst v63  }
0x1b2: {  	s14 =	sld [smem:$0x7FB]  }
0x1b3: {  	[tilespmem:s10], [sflag:$0x1] =	stream.indirect.gather [hbm4b:s5+s7], $0x10, s15, s7, $0xb8;
	[tilespmem:$0x15400] =	vst v63  }
0x1b4: {  	s15 =	sld [smem:$0x7FC]  }
0x1b5: {  	[tilespmem:s13], [sflag:$0x1] =	stream.indirect.gather [hbm4b:s5+s7], $0x10, s14, s7, $0xb8;
	[tilespmem:$0x15400] =	vst v63  }
0x1b6: {  	s0 =	sld [smem:$0x7FD]  }
0x1b7: {  	[tilespmem:s16], [sflag:$0x1] =	stream.indirect.gather [hbm4b:s5+s7], $0x10, s15, s7, $0xb8;
	[tilespmem:$0x15400] =	vst v63  }
0x1b8: {  	s16 =	simm.s32 $0xF400  }
0x1b9: {  	[tilespmem:s16], [sflag:$0x1] =	stream.indirect.gather [hbm4b:s5+s7], $0x10, s0, s7, $0xb8;
	[tilespmem:$0x15400] =	vst v63  }
0x1ba: {  	s9 =	simm.s32 $0xE80;
	s10 =	simm.s32 $0xFC00  }
0x1bb: {  	[tilespmem:s10], [sflag:$0x1] =	stream.indirect.gather [hbm4b:s5+s7], $0x10, s9, s7, $0xb8;
	[tilespmem:$0x15400] =	vst v63  }
0x1bc: {  	s11 =	simm.s32 $0xF00;
	s12 =	simm.s32 $0x10400  }
0x1bd: {  	[tilespmem:s12], [sflag:$0x1] =	stream.indirect.gather [hbm4b:s5+s7], $0x10, s11, s7, $0xb8;
	[tilespmem:$0x15400] =	vst v63  }
0x1be: {  	s13 =	simm.s32 $0xF80;
	s14 =	simm.s32 $0x10C00  }
0x1bf: {  	[tilespmem:s14], [sflag:$0x1] =	stream.indirect.gather [hbm4b:s5+s7], $0x10, s13, s7, $0xb8;
	[tilespmem:$0x15400] =	vst v63  }
0x1c0: {  	_ =	swait.ge [sflag:s6], $0x800  }
0x1c1: {  	[sflag:s6] =	ssyncset.done $0x0  }
0x1c2: {  	[sflag:s6] =	ssyncadd.s32 $0xFFFFF800  }
0x1c3: {  	_ =	swait.ge [sflag:s6], $0x800  }
0x1c4: {  	[sflag:s6] =	ssyncset.done $0x0  }
0x1c5: {  	[sflag:s6] =	ssyncadd.s32 $0xFFFFF800  }
0x1c6: {  	_ =	swait.ge [sflag:s6], $0x800  }
0x1c7: {  	[sflag:s6] =	ssyncset.done $0x0  }
0x1c8: {  	[sflag:s6] =	ssyncadd.s32 $0xFFFFF800  }
0x1c9: {  	_ =	swait.ge [sflag:s6], $0x800  }
0x1ca: {  	[sflag:s6] =	ssyncset.done $0x0  }
0x1cb: {  	[sflag:s6] =	ssyncadd.s32 $0xFFFFF800  }
0x1cc: {  	_ =	swait.ge [sflag:s6], $0x800  }
0x1cd: {  	[sflag:s6] =	ssyncset.done $0x0  }
0x1ce: {  	[sflag:s6] =	ssyncadd.s32 $0xFFFFF800  }
0x1cf: {  	_ =	swait.ge [sflag:s6], $0x800  }
0x1d0: {  	[sflag:s6] =	ssyncset.done $0x0  }
0x1d1: {  	[sflag:s6] =	ssyncadd.s32 $0xFFFFF800  }
0x1d2: {  	_ =	swait.ge [sflag:s6], $0x800  }
0x1d3: {  	[sflag:s6] =	ssyncset.done $0x0  }
0x1d4: {  	[sflag:s6] =	ssyncadd.s32 $0xFFFFF800  }
0x1d5: {  	_ =	swait.ge [sflag:s6], $0x800  }
0x1d6: {  	[sflag:s6] =	ssyncset.done $0x0  }
0x1d7: {  	s15 =	simm.s32 $0x1000;
	s16 =	simm.s32 $0x11400;
	[sflag:s6] =	ssyncadd.s32 $0xFFFFF800  }
0x1d8: {  	[tilespmem:s16], [sflag:$0x1] =	stream.indirect.gather [hbm4b:s5+s7], $0x10, s15, s7, $0xb8;
	[tilespmem:$0x15400] =	vst v63  }
0x1d9: {  	_ = 	snop  }
0x1da: {  	[tilespmem:s18], [sflag:$0x1] =	stream.indirect.gather [hbm4b:s5+s7], $0x10, s17, s7, $0xb8;
	[tilespmem:$0x15400] =	vst v63  }
0x1db: {  	_ = 	snop  }
0x1dc: {  	[tilespmem:s20], [sflag:$0x1] =	stream.indirect.gather [hbm4b:s5+s7], $0x10, s19, s7, $0xb8;
	[tilespmem:$0x15400] =	vst v63  }
0x1dd: {  	_ = 	snop  }
0x1de: {  	[tilespmem:s22], [sflag:$0x1] =	stream.indirect.gather [hbm4b:s5+s7], $0x10, s21, s7, $0xb8;
	[tilespmem:$0x15400] =	vst v63  }
0x1df: {  	_ = 	snop  }
0x1e0: {  	[tilespmem:s24], [sflag:$0x1] =	stream.indirect.gather [hbm4b:s5+s7], $0x10, s23, s7, $0xb8;
	[tilespmem:$0x15400] =	vst v63  }
0x1e1: {  	_ = 	snop  }
0x1e2: {  	[tilespmem:s26], [sflag:$0x1] =	stream.indirect.gather [hbm4b:s5+s7], $0x10, s25, s7, $0xb8;
	[tilespmem:$0x15400] =	vst v63  }
0x1e3: {  	_ = 	snop  }
0x1e4: {  	[tilespmem:s29], [sflag:$0x1] =	stream.indirect.gather [hbm4b:s5+s7], $0x10, s28, s7, $0xb8;
	[tilespmem:$0x15400] =	vst v63  }
0x1e5: {  	p0 =	sne.s32 s1, $0x1  }
0x1e6: {  	[tilespmem:s31], [sflag:$0x1] =	stream.indirect.gather [hbm4b:s5+s7], $0x10, s30, s7, $0xb8;
	[tilespmem:$0x15400] =	vst v63  }
.Ltmp1:
0x1e7: {  	_ = 	snop;
	(pc) =	sbr.rel @p0 .LBB2_1-.Ltmp1, $4  }
0x1e8: {  	_ =	swait.ge [sflag:s6], $0x800  }
0x1e9: {  	[sflag:s6] =	ssyncset.done $0x0  }
0x1ea: {  	[sflag:s6] =	ssyncadd.s32 $0xFFFFF800  }
0x1eb: {  	s1 =	sadd.s32 $0xFFFFFFFF, s1;
	_ =	swait.ge [sflag:s6], $0x800  }
.LBB2_2:
0x1ec: {  	[sflag:s6] =	ssyncset.done $0x0  }
0x1ed: {  	[sflag:s6] =	ssyncadd.s32 $0xFFFFF800  }
0x1ee: {  	_ =	swait.ge [sflag:s6], $0x800  }
0x1ef: {  	[sflag:s6] =	ssyncset.done $0x0  }
0x1f0: {  	[sflag:s6] =	ssyncadd.s32 $0xFFFFF800  }
0x1f1: {  	_ =	swait.ge [sflag:s6], $0x800  }
0x1f2: {  	[sflag:s6] =	ssyncset.done $0x0  }
0x1f3: {  	[sflag:s6] =	ssyncadd.s32 $0xFFFFF800  }
0x1f4: {  	_ =	swait.ge [sflag:s6], $0x800  }
0x1f5: {  	[sflag:s6] =	ssyncset.done $0x0  }
0x1f6: {  	[sflag:s6] =	ssyncadd.s32 $0xFFFFF800  }
0x1f7: {  	_ =	swait.ge [sflag:s6], $0x800  }
0x1f8: {  	[sflag:s6] =	ssyncset.done $0x0  }
0x1f9: {  	[sflag:s6] =	ssyncadd.s32 $0xFFFFF800  }
0x1fa: {  	_ =	swait.ge [sflag:s6], $0x800  }
0x1fb: {  	[sflag:s6] =	ssyncset.done $0x0  }
0x1fc: {  	[sflag:s6] =	ssyncadd.s32 $0xFFFFF800  }
0x1fd: {  	_ =	swait.ge [sflag:s6], $0x800  }
0x1fe: {  	[sflag:s6] =	ssyncset.done $0x0  }
0x1ff: {  	s0 =	rddreg [dreg:$0x3];
	[sflag:s6] =	ssyncadd.s32 $0xFFFFF800  }
0x200: {  	[hbm4b:s0+s2] =	stream.linear.scatter [tilespmem:s4], [sflag:$0x2], $0x14000, $0x38;
	[tilespmem:$0x15400] =	vst v63  }
0x201: {  	_ =	swait.ge [sflag:s3], $0x14000  }
0x202: {  	[sflag:s3] =	ssyncset.done $0x0  }
0x203: {  	[sflag:s3] =	ssyncadd.s32 $0xFFFEC000  }
0x204: {  	_ =	sfence.sel $0x180000  }
0x205: {  	[bflag:$0x0] =	sbarrier.arrive $0xFFFF  }
0x206: {  	_ =	strace $0x90000047  }
0x207: {  	s31 =	stileid.u32;
	[bflag:$0x2] =	sbarrier.arrive $0xFFFF  }
0x208: {  	p0 =	sne.s32 s31, $0x0;
	s0 =	rddreg [dreg:$0x1]  }
0x209: {  	s0 =	sadd.s32 @!p0 $0x100000, s0  }
0x20a: {  	[sflag:s0] =	ssyncadd.tile.s32 @!p0 $0x1;
	_ =	shalt  }
.Lfunc_end2:
_tile_overlayer_lowered:
.L_overlay_start_2:
0x20b: {  	(tag) =	ssettag $0x2  }
0x20c: {  	s0 =	rddreg [dreg:$0x0];
	s2 =	stileid.u32  }
0x20d: {  	s1 =	rddreg [dreg:$0x1];
	p0 =	sne.s32 s2, $0x0  }
0x20e: {  	s3 =	rddreg [dreg:$0x2];
	[bflag:$0x3] =	sbarrier.arrive $0xFFFF;
	s2 =	simm.s32 @!p0 $0x1C02  }
0x20f: {  	[timem:s3], [sflag:s2] =	dma.local @!p0 [hbm:s0], s1  }
0x210: {  	s0 =	simm.s32 @!p0 $0x2  }
0x211: {  	_ =	swait.ge @!p0 [sflag:s0], s1  }
0x212: {  	s1 =	ssub.s32 @!p0 $0x0, s1;
	[sflag:s0] =	ssyncset.done @!p0 $0x0  }
0x213: {  	[sflag:s0] =	ssyncadd.s32 @!p0 s1  }
0x214: {  	[bflag:$0x3] =	sbarrier.arrive $0xFFFF  }
0x215: {  	_ =	shalt  }

// kernel: kernel.19.cloned.1.call-start
scs
__scs_entry_jumppad:
0x0: {  	(pc) =	sbr.rel $0x88, $3  }
0x1: {  	(tag) =	ssettag $0x0;
	lr =	simm.s32 $0x1  }
0x2: {  	[smem:$0x3F8C] =	sst lr;
	_ =	strace $0xD0000000  }
0x3: {  	_ = 	snop  }
0x4: {  	_ = 	snop  }
0x5: {  	_ = 	snop  }
0x6: {  	_ = 	snop  }
0x7: {  	_ = 	snop  }
__scs_overlays_trampoline_lowered:
0x8: {  	[smem:$0x3F9B] =	sst s0  }
0x9: {  	[smem:$0x3F9C] =	sst s1  }
0xa: {  	[smem:$0x3F9D] =	sst s2  }
0xb: {  	[smem:$0x3F9E] =	sst s3  }
0xc: {  	[smem:$0x3F9F] =	sst s4  }
0xd: {  	[smem:$0x3FA0] =	sst s5  }
0xe: {  	[smem:$0x3FA1] =	sst s6  }
0xf: {  	[smem:$0x3FA2] =	sst s7  }
0x10: {  	[smem:$0x3FA3] =	sst s8  }
0x11: {  	[smem:$0x3FA4] =	sst s9;
	s0 =	simm.s32 @!p0 $0x0  }
0x12: {  	s1 =	sld [smem:$0x3F8A];
	s0 =	simm.s32 @p0 $0x1  }
0x13: {  	[smem:$0x3FA5] =	sst s0;
	s0 =	simm.s32 @!p1 $0x0  }
0x14: {  	s2 =	sld [smem:$0x3F89];
	s0 =	simm.s32 @p1 $0x1  }
0x15: {  	[smem:$0x3FA6] =	sst s0;
	s0 =	simm.s32 @!p2 $0x0  }
0x16: {  	s3 =	sld [smem:$0x3FDB];
	s0 =	simm.s32 @p2 $0x1  }
0x17: {  	s4 =	simm.s32 $0x1BF5;
	[smem:$0x3FA8] =	sst s0  }
0x18: {  	s0 =	sld [smem:$0x3F8B];
	_ =	swait.ge [sflag:s4], $0x0  }
0x19: {  	s7 =	sld [smem:$0x3F8C]  }
0x1a: {  	s8 =	sadd.s32 $0xFFFFE003, lr  }
0x1b: {  	s9 =	sadd.s32 $0xFFFFFEF7, lr;
	s5 =	simm.s32 $0xFFFFFFFF;
	p2 =	slt.u32 s8, $0xFFFFF086  }
0x1c: {  	p1 =	slt.u32 s9, $0xF7A;
	s5 =	simm.s32 @!p2 $0x0  }
0x1d: {  	s5 =	simm.s32 @p1 $0x1;
	p0 =	seq.s32 s7, s2  }
0x1e: {  	s7 =	smul.u32 @!p0 $0xF7A, s2;
	p2 =	seq.s32 @!p0 s5, $0x0  }
0x1f: {  	s9 =	smul.u32 $0xF7A, s1;
	s8 =	simm.s32 @!p0 $0x1BF5;
	p2 =	por !p2, p0  }
0x20: {  	[sflag:s8] =	ssyncset.s32 @!p0 $0xFFFFF086;
	s6 =	sadd.s32 @!p0 s3, s7;
	s7 =	simm.s32 @!p0 $0x108  }
0x21: {  	s3 =	sadd.s32 s3, s9;
	s6 =	sadd.s32 @!p0 $0x88, s6;
	s7 =	simm.s32 @p2 $0x1082  }
0x22: {  	[simem:s7], [sflag:s8] =	dma.local @!p0 [hbm:s6], $0xF7A  }
0x23: {  	s9 =	sor.u32 $0xD0000000, s2;
	s6 =	simm.s32 $0x108;
	_ =	swait.ge @!p0 [sflag:s8], $0x0  }
0x24: {  	s3 =	sadd.s32 $0x88, s3;
	s6 =	simm.s32 @!p1 $0x1082;
	[sflag:s4] =	ssyncset.s32 $0xFFFFF086  }
0x25: {  	[simem:s6], [sflag:s4] =	dma.local [hbm:s3], $0xF7A  }
0x26: {  	[smem:$0x3F8C] =	sst s1;
	(tag) =	ssettag s2;
	_ =	strace s9  }
0x27: {  	s1 =	sld [smem:$0x3F9C]  }
0x28: {  	s2 =	sld [smem:$0x3F9D]  }
0x29: {  	s4 =	sld [smem:$0x3F9F]  }
0x2a: {  	p0 =	seq.s32 s5, $0x0;
	s5 =	sld [smem:$0x3FA0]  }
0x2b: {  	s6 =	sld [smem:$0x3FA1]  }
0x2c: {  	s7 =	sld [smem:$0x3FA2]  }
0x2d: {  	s3 =	simm.s32 $0x108;
	s8 =	sld [smem:$0x3FA3]  }
0x2e: {  	s3 =	simm.s32 @!p0 $0x1082;
	s9 =	sld [smem:$0x3FA4]  }
0x2f: {  	lr =	sadd.s32 s0, s3;
	s0 =	sld [smem:$0x3F9B]  }
0x30: {  	s3 =	sld [smem:$0x3F9E]  }
0x31: {  	[smem:$0x3FA7] =	sst s10  }
0x32: {  	s10 =	sld [smem:$0x3FA5];
	_ =	sdelay $0x3  }
0x33: {  	p0 =	seq.s32 s10, $0x1;
	s10 =	sld [smem:$0x3FA7];
	_ =	sdelay $0x3  }
0x34: {  	[smem:$0x3FA7] =	sst s10  }
0x35: {  	s10 =	sld [smem:$0x3FA6];
	_ =	sdelay $0x3  }
0x36: {  	p1 =	seq.s32 s10, $0x1;
	s10 =	sld [smem:$0x3FA7];
	_ =	sdelay $0x3  }
0x37: {  	[smem:$0x3FA7] =	sst s10  }
0x38: {  	s10 =	sld [smem:$0x3FA8]  }
0x39: {  	_ = 	snop;
	(pc) =	sbr.ind lr, $3  }
0x3a: {  	_ = 	snop  }
0x3b: {  	_ = 	snop  }
0x3c: {  	p2 =	seq.s32 s10, $0x1;
	s10 =	sld [smem:$0x3FA7]  }
0x3d: {  	_ =	shalt  }
0x3e: {  	_ =	shalt  }
0x3f: {  	_ =	shalt  }
0x40: {  	_ =	shalt  }
0x41: {  	_ =	shalt  }
0x42: {  	_ =	shalt  }
0x43: {  	_ =	shalt  }
0x44: {  	_ =	shalt  }
0x45: {  	_ =	shalt  }
0x46: {  	_ =	shalt  }
0x47: {  	_ =	shalt  }
0x48: {  	_ =	shalt  }
0x49: {  	_ =	shalt  }
0x4a: {  	_ =	shalt  }
0x4b: {  	_ =	shalt  }
0x4c: {  	_ =	shalt  }
0x4d: {  	_ =	shalt  }
0x4e: {  	_ =	shalt  }
0x4f: {  	_ =	shalt  }
0x50: {  	_ =	shalt  }
0x51: {  	_ =	shalt  }
0x52: {  	_ =	shalt  }
0x53: {  	_ =	shalt  }
0x54: {  	_ =	shalt  }
0x55: {  	_ =	shalt  }
0x56: {  	_ =	shalt  }
0x57: {  	_ =	shalt  }
0x58: {  	_ =	shalt  }
0x59: {  	_ =	shalt  }
0x5a: {  	_ =	shalt  }
0x5b: {  	_ =	shalt  }
0x5c: {  	_ =	shalt  }
0x5d: {  	_ =	shalt  }
0x5e: {  	_ =	shalt  }
0x5f: {  	_ =	shalt  }
0x60: {  	_ =	shalt  }
0x61: {  	_ =	shalt  }
0x62: {  	_ =	shalt  }
0x63: {  	_ =	shalt  }
0x64: {  	_ =	shalt  }
0x65: {  	_ =	shalt  }
0x66: {  	_ =	shalt  }
0x67: {  	_ =	shalt  }
0x68: {  	_ =	shalt  }
0x69: {  	_ =	shalt  }
0x6a: {  	_ =	shalt  }
0x6b: {  	_ =	shalt  }
0x6c: {  	_ =	shalt  }
0x6d: {  	_ =	shalt  }
0x6e: {  	_ =	shalt  }
0x6f: {  	_ =	shalt  }
0x70: {  	_ =	shalt  }
0x71: {  	_ =	shalt  }
0x72: {  	_ =	shalt  }
0x73: {  	_ =	shalt  }
0x74: {  	_ =	shalt  }
0x75: {  	_ =	shalt  }
0x76: {  	_ =	shalt  }
0x77: {  	_ =	shalt  }
0x78: {  	_ =	shalt  }
0x79: {  	_ =	shalt  }
0x7a: {  	_ =	shalt  }
0x7b: {  	_ =	shalt  }
0x7c: {  	_ =	shalt  }
0x7d: {  	_ =	shalt  }
0x7e: {  	_ =	shalt  }
0x7f: {  	_ =	shalt  }
0x80: {  	_ =	shalt  }
0x81: {  	_ =	shalt  }
0x82: {  	_ =	shalt  }
0x83: {  	_ =	shalt  }
0x84: {  	_ =	shalt  }
0x85: {  	_ =	shalt  }
0x86: {  	_ =	shalt  }
0x87: {  	_ =	shalt  }
.Lfunc_end0:
.L_simem_size_0:
called_computation.1_lowered:
.L_overlay_start_0:
0x88: {  	s2 =	sld [smem:$0x3FD9]  }
0x89: {  	s3 =	sld [smem:$0x3FFE];
	_ =	sdelay $0x1  }
0x8a: {  	s1 =	srdreg.scid  }
0x8b: {  	s0 =	sand.u32 $0x1, s1  }
0x8c: {  	s16 =	sshll.u32 s0, $0xA;
	s2 =	sadd.s32 s3, s2  }
0x8d: {  	s2 =	sadd.s32 s2, s16  }
0x8e: {  	[smem:$0x3FB3] =	sst s2  }
0x8f: {  	_ = 	snop  }
0x90: {  	(tm) =	ssettm $0x1  }
0x91: {  	s17 =	sld [smem:$0x3FFB];
	_ =	sdelay $0x3  }
0x92: {  	_ =	strace s17  }
0x93: {  	s2 =	sld [smem:$0x3FFC];
	_ =	sdelay $0x3  }
0x94: {  	_ =	strace s2  }
0x95: {  	s2 =	sld [smem:$0x3FFD];
	_ =	sdelay $0x3  }
0x96: {  	_ =	strace s2  }
0x97: {  	_ =	strace $0x8FFFFFFF  }
0x98: {  	s18 =	sld [smem:$0x3FDB];
	_ =	sdelay $0x1  }
0x99: {  	s19 =	simm.s32 $_scs_section_size  }
0x9a: {  	s4 =	simm.s32 $_size__tile_overlayer_lowered;
	s5 =	simm.s32 $_tile_overlayer_lowered  }
0x9b: {  	s22 =	simm.s32 $0x1BFF;
	s21 =	sshll.u32 s5, $0x1;
	s2 =	sadd.s32 s19, s18  }
0x9c: {  	s6 =	simm.s32 $0x0;
	s20 =	sshll.u32 s4, $0x1;
	s4 =	sadd.s32 s21, s2  }
0x9d: {  	[timem:s6], [sflag:s22] =	dma.local [hbm:s4], s20  }
0x9e: {  	_ =	swait.ge [sflag:s22], s20  }
0x9f: {  	s3 =	ssub.s32 $0x0, s20;
	[sflag:s22] =	ssyncset.done $0x0  }
0xa0: {  	[sflag:s22] =	ssyncadd.s32 s3;
	_ =	sdelay $0x1  }
0xa1: {  	s23 =	simm.s32 $0x1B8B  }
0xa2: {  	_ =	swait.ge [sflag:s23], $0x1  }
0xa3: {  	[sflag:s23] =	ssyncset.done $0x0  }
0xa4: {  	s25 =	simm.s32 $0x1B8E;
	s24 =	sld [smem:$0x3FFE];
	[sflag:s23] =	ssyncadd.s32 $0xFFFFFFFF  }
0xa5: {  	s26 =	simm.s32 $execute0_lowered;
	[smem:$0x3FD2] =	sst s25  }
0xa6: {  	s4 =	sshll.u32 s26, $0x1;
	_ =	strace $0x80000049;
	[dreg:$0x1] =	wrdreg $0xFFFFFFFF  }
0xa7: {  	s28 =	simm.s32 $_size_execute0_lowered;
	s2 =	sadd.s32 s2, s4;
	[dreg:$0x0] =	wrdreg $0x0  }
0xa8: {  	s4 =	sshll.u32 s28, $0x1;
	[dreg:$0x2] =	wrdreg s2  }
0xa9: {  	[dreg:$0x3] =	wrdreg s4  }
0xaa: {  	[dreg:$0x4] =	wrdreg $0xC0  }
0xab: {  	_ =	task [dreg:s6], $0x5FFFF  }
0xac: {  	[dreg:$0x1] =	wrdreg $0xFFFFFFFF  }
0xad: {  	[dreg:$0x0] =	wrdreg $0x60  }
0xae: {  	[dreg:$0x2] =	wrdreg s24  }
0xaf: {  	[dreg:$0x3] =	wrdreg $0x17B200  }
0xb0: {  	[dreg:$0x4] =	wrdreg $0x9  }
0xb1: {  	_ =	task.clear_ibuf [dreg:s6], $0x5FFFF;
	_ =	strace $0x90000049  }
0xb2: {  	s29 =	simm.s32 $0x9;
	_ =	strace $0x8000004B  }
0xb3: {  	_ =	swait.ge [sflag:s29], $0x1  }
0xb4: {  	[sflag:s29] =	ssyncadd.s32 $0xFFFFFFFF  }
0xb5: {  	_ =	strace $0x9000004B  }
0xb6: {  	_ =	sfence  }
0xb7: {  	s30 =	sld [smem:$0x0];
	_ =	sdelay $0x2  }
0xb8: {  	s31 =	sshll.u32 s1, $0xD;
	s1 =	sshrl.u32 s1, $0x2  }
0xb9: {  	s3 =	sand.u32 $0x4000, s31;
	s1 =	sadd.s32 s1, s30  }
0xba: {  	s0 =	sor.u32 s3, s0;
	s1 =	sshll.u32 s1, $0x11  }
0xbb: {  	s0 =	sor.u32 s1, s0  }
0xbc: {  	s0 =	sadd.s32 $0x8F2B, s0  }
0xbd: {  	[sflag:s0] =	ssyncadd.remote.s32 $0x1  }
0xbe: {  	_ =	sfence.sel $0xFFFF  }
0xbf: {  	[dreg:$0x0] =	wrdreg $0xFFFFFFFF;
	(pc) =	sbr.abs _section_cstart, $3  }
0xc0: {  	[dreg:$0x1] =	wrdreg $0xFFFFFFFF  }
0xc1: {  	_ =	task.clear_ibuf [dreg:s6], $0x2FFFF;
	_ =	strace $0x9FFFFFFF  }
0xc2: {  	(tm) =	ssettm $0x7FFFFFFF  }
0xc3: {  	_ =	shalt  }
tec
execute0_lowered:
.L_overlay_start_1:
0x0: {  	(tag) =	ssettag $0x1  }
0x1: {  	s0 =	srdreg.scid;
	s4 =	rddreg [dreg:$0x0]  }
0x2: {  	s6 =	stileid.u32;
	s2 =	rddreg [dreg:$0x1]  }
0x3: {  	s3 =	simm.s32 $0x0;
	s10 =	simm.s32 $0x2;
	s11 =	simm.s32 $0x1400  }
0x4: {  	s12 =	simm.s32 $0x80;
	s13 =	simm.s32 $0x10C00;
	s14 =	simm.s32 $0x1000  }
0x5: {  	s15 =	simm.s32 $0x11400;
	s16 =	simm.s32 $0x1080;
	s17 =	simm.s32 $0x11C00  }
0x6: {  	s18 =	simm.s32 $0x1100;
	s19 =	simm.s32 $0x12400;
	s20 =	simm.s32 $0x1180  }
0x7: {  	s21 =	simm.s32 $0x12C00;
	s22 =	simm.s32 $0x1200;
	s23 =	simm.s32 $0x13400  }
0x8: {  	s24 =	simm.s32 $0x1280;
	s28 =	simm.s32 $0x1300;
	s29 =	simm.s32 $0x14400  }
0x9: {  	s30 =	simm.s32 $0x1380;
	s31 =	simm.s32 $0x14C00;
	s0 =	sand.u32 $0x1, s0  }
0xa: {  	s1 =	sshll.u32 s6, $0x1;
	s6 =	smul.u32 $0x2720, s6;
	[smem:$0x7FF] =	sst s3  }
0xb: {  	s1 =	sor.u32 s0, s1;
	s7 =	smul.u32 $0x27200, s0;
	s0 =	ssub.s32 $0x2, s0  }
0xc: {  	_ =	strace $0x8000004A;
	s5 =	smul.u32 $0x2800, s1;
	s26 =	sshrl.u32 s0, $0x1  }
0xd: {  	s1 =	smul.u32 $0x280, s1;
	s25 =	sadd.s32 s6, s7;
	s0 =	ssub.s32 s0, s26  }
0xe: {  	s26 =	simm.s32 $0x1;
	s8 =	sadd.s32 s5, s4;
	s5 =	sshrl.u32 s25, $0x3  }
0xf: {  	s1 =	sadd.s32 s1, s4;
	s25 =	simm.s32 $0x13C00;
	s9 =	sadd.s32 s5, s4  }
0x10: {  	s4 =	sadd.s32 s6, s2;
	s5 =	sadd.s32 $0x1BEC00, s1;
	s6 =	sadd.s32 $0x36400, s8  }
0x11: {  	v0 =	vimm.f32 $0.0e+00;
	s8 =	smax.u32 s0, $0x1;
	s1 =	simm.s32 $0x0;
	s7 =	sadd.s32 $0x86400, s9  }
.LBB2_1:
0x12: {  	s0 =	simm.s32 $0x40;
	s9 =	simm.s32 $0x0  }
.LBB2_2:
0x13: {  	p0 =	sne.s32 s0, $0x9C40;
	[tilespmem:s9+$0x15400] =	vst v0;
	s9 =	smov.u32 s0;
	s0 =	sadd.s32 $0x40, s0  }
.Ltmp0:
0x14: {  	(pc) =	sbr.rel @p0 .LBB2_2-.Ltmp0, $2  }
0x15: {  	_ =	sdelay $0x2  }
0x16: {  	s9 =	sshra.s32 s9, $0x2  }
0x17: {  	[tilespmem:s9+$0x15400] =	vst v0;
	s0 =	simm.s32 $0x15400  }
0x18: {  	[spmem:s4] =	stream.linear.scatter [tilespmem:s0], [sflag:$0x2], $0x2720, $0x38;
	[tilespmem:$0x1A240] =	vst v63  }
0x19: {  	_ =	swait.ge [sflag:s10], $0x2720  }
0x1a: {  	[sflag:s10] =	ssyncset.done $0x0  }
0x1b: {  	[sflag:s10] =	ssyncadd.s32 $0xFFFFD8E0  }
0x1c: {  	[bflag:$0x0] =	sbarrier.arrive $0xFFFF  }
0x1d: {  	[tilespmem:s3], [sflag:$0x2] =	stream.linear.gather [hbm4b:s5+s3], $0x1400, $0x38;
	[tilespmem:$0x1A240] =	vst v63  }
0x1e: {  	_ =	swait.ge [sflag:s10], $0x1400  }
0x1f: {  	[sflag:s10] =	ssyncset.done $0x0  }
0x20: {  	[sflag:s10] =	ssyncadd.s32 $0xFFFFEC00  }
0x21: {  	[tilespmem:s11], [sflag:$0x2] =	stream.linear.gather [hbm4b:s6+s3], $0x14000, $0x38;
	[tilespmem:$0x1A240] =	vst v63  }
0x22: {  	_ =	swait.ge [sflag:s10], $0x14000  }
0x23: {  	[sflag:s10] =	ssyncset.done $0x0  }
0x24: {  	[sflag:s10] =	ssyncadd.s32 $0xFFFEC000  }
0x25: {  	[spmem:s2] =	stream.indirect.scatter.add.f32 [tilespmem:s11], [sflag:$0x1], $0x10, s3, s12, $0xb8;
	[tilespmem:$0x1A240] =	vst v63  }
0x26: {  	s9 =	simm.s32 $0x1C00  }
0x27: {  	[spmem:s2] =	stream.indirect.scatter.add.f32 [tilespmem:s9], [sflag:$0x1], $0x10, s12, s12, $0xb8;
	[tilespmem:$0x1A240] =	vst v63  }
0x28: {  	s0 =	simm.s32 $0x100;
	s9 =	simm.s32 $0x2400  }
0x29: {  	[spmem:s2] =	stream.indirect.scatter.add.f32 [tilespmem:s9], [sflag:$0x1], $0x10, s0, s12, $0xb8;
	[tilespmem:$0x1A240] =	vst v63  }
0x2a: {  	s0 =	simm.s32 $0x180;
	s9 =	simm.s32 $0x2C00  }
0x2b: {  	[spmem:s2] =	stream.indirect.scatter.add.f32 [tilespmem:s9], [sflag:$0x1], $0x10, s0, s12, $0xb8;
	[tilespmem:$0x1A240] =	vst v63  }
0x2c: {  	s0 =	simm.s32 $0x200;
	s9 =	simm.s32 $0x3400  }
0x2d: {  	[spmem:s2] =	stream.indirect.scatter.add.f32 [tilespmem:s9], [sflag:$0x1], $0x10, s0, s12, $0xb8;
	[tilespmem:$0x1A240] =	vst v63  }
0x2e: {  	s0 =	simm.s32 $0x280;
	s9 =	simm.s32 $0x3C00  }
0x2f: {  	[spmem:s2] =	stream.indirect.scatter.add.f32 [tilespmem:s9], [sflag:$0x1], $0x10, s0, s12, $0xb8;
	[tilespmem:$0x1A240] =	vst v63  }
0x30: {  	s0 =	simm.s32 $0x300;
	s9 =	simm.s32 $0x4400  }
0x31: {  	[spmem:s2] =	stream.indirect.scatter.add.f32 [tilespmem:s9], [sflag:$0x1], $0x10, s0, s12, $0xb8;
	[tilespmem:$0x1A240] =	vst v63  }
0x32: {  	s0 =	simm.s32 $0x380;
	s9 =	simm.s32 $0x4C00  }
0x33: {  	[spmem:s2] =	stream.indirect.scatter.add.f32 [tilespmem:s9], [sflag:$0x1], $0x10, s0, s12, $0xb8;
	[tilespmem:$0x1A240] =	vst v63  }
0x34: {  	_ =	swait.ge [sflag:s26], $0x800  }
0x35: {  	[sflag:s26] =	ssyncset.done $0x0  }
0x36: {  	[sflag:s26] =	ssyncadd.s32 $0xFFFFF800  }
0x37: {  	_ =	swait.ge [sflag:s26], $0x800  }
0x38: {  	[sflag:s26] =	ssyncset.done $0x0  }
0x39: {  	[sflag:s26] =	ssyncadd.s32 $0xFFFFF800  }
0x3a: {  	_ =	swait.ge [sflag:s26], $0x800  }
0x3b: {  	[sflag:s26] =	ssyncset.done $0x0  }
0x3c: {  	[sflag:s26] =	ssyncadd.s32 $0xFFFFF800  }
0x3d: {  	_ =	swait.ge [sflag:s26], $0x800  }
0x3e: {  	[sflag:s26] =	ssyncset.done $0x0  }
0x3f: {  	[sflag:s26] =	ssyncadd.s32 $0xFFFFF800  }
0x40: {  	_ =	swait.ge [sflag:s26], $0x800  }
0x41: {  	[sflag:s26] =	ssyncset.done $0x0  }
0x42: {  	[sflag:s26] =	ssyncadd.s32 $0xFFFFF800  }
0x43: {  	_ =	swait.ge [sflag:s26], $0x800  }
0x44: {  	[sflag:s26] =	ssyncset.done $0x0  }
0x45: {  	[sflag:s26] =	ssyncadd.s32 $0xFFFFF800  }
0x46: {  	_ =	swait.ge [sflag:s26], $0x800  }
0x47: {  	[sflag:s26] =	ssyncset.done $0x0  }
0x48: {  	[sflag:s26] =	ssyncadd.s32 $0xFFFFF800  }
0x49: {  	_ =	swait.ge [sflag:s26], $0x800  }
0x4a: {  	[sflag:s26] =	ssyncset.done $0x0  }
0x4b: {  	s0 =	simm.s32 $0x400;
	s9 =	simm.s32 $0x5400;
	[sflag:s26] =	ssyncadd.s32 $0xFFFFF800  }
0x4c: {  	[spmem:s2] =	stream.indirect.scatter.add.f32 [tilespmem:s9], [sflag:$0x1], $0x10, s0, s12, $0xb8;
	[tilespmem:$0x1A240] =	vst v63  }
0x4d: {  	s0 =	simm.s32 $0x480;
	s9 =	simm.s32 $0x5C00  }
0x4e: {  	[spmem:s2] =	stream.indirect.scatter.add.f32 [tilespmem:s9], [sflag:$0x1], $0x10, s0, s12, $0xb8;
	[tilespmem:$0x1A240] =	vst v63  }
0x4f: {  	s0 =	simm.s32 $0x500;
	s9 =	simm.s32 $0x6400  }
0x50: {  	[spmem:s2] =	stream.indirect.scatter.add.f32 [tilespmem:s9], [sflag:$0x1], $0x10, s0, s12, $0xb8;
	[tilespmem:$0x1A240] =	vst v63  }
0x51: {  	s0 =	simm.s32 $0x580;
	s9 =	simm.s32 $0x6C00  }
0x52: {  	[spmem:s2] =	stream.indirect.scatter.add.f32 [tilespmem:s9], [sflag:$0x1], $0x10, s0, s12, $0xb8;
	[tilespmem:$0x1A240] =	vst v63  }
0x53: {  	s0 =	simm.s32 $0x600;
	s9 =	simm.s32 $0x7400  }
0x54: {  	[spmem:s2] =	stream.indirect.scatter.add.f32 [tilespmem:s9], [sflag:$0x1], $0x10, s0, s12, $0xb8;
	[tilespmem:$0x1A240] =	vst v63  }
0x55: {  	s0 =	simm.s32 $0x680;
	s9 =	simm.s32 $0x7C00  }
0x56: {  	[spmem:s2] =	stream.indirect.scatter.add.f32 [tilespmem:s9], [sflag:$0x1], $0x10, s0, s12, $0xb8;
	[tilespmem:$0x1A240] =	vst v63  }
0x57: {  	s0 =	simm.s32 $0x700;
	s9 =	simm.s32 $0x8400  }
0x58: {  	[spmem:s2] =	stream.indirect.scatter.add.f32 [tilespmem:s9], [sflag:$0x1], $0x10, s0, s12, $0xb8;
	[tilespmem:$0x1A240] =	vst v63  }
0x59: {  	s0 =	simm.s32 $0x780;
	s9 =	simm.s32 $0x8C00  }
0x5a: {  	[spmem:s2] =	stream.indirect.scatter.add.f32 [tilespmem:s9], [sflag:$0x1], $0x10, s0, s12, $0xb8;
	[tilespmem:$0x1A240] =	vst v63  }
0x5b: {  	_ =	swait.ge [sflag:s26], $0x800  }
0x5c: {  	[sflag:s26] =	ssyncset.done $0x0  }
0x5d: {  	[sflag:s26] =	ssyncadd.s32 $0xFFFFF800  }
0x5e: {  	_ =	swait.ge [sflag:s26], $0x800  }
0x5f: {  	[sflag:s26] =	ssyncset.done $0x0  }
0x60: {  	[sflag:s26] =	ssyncadd.s32 $0xFFFFF800  }
0x61: {  	_ =	swait.ge [sflag:s26], $0x800  }
0x62: {  	[sflag:s26] =	ssyncset.done $0x0  }
0x63: {  	[sflag:s26] =	ssyncadd.s32 $0xFFFFF800  }
0x64: {  	_ =	swait.ge [sflag:s26], $0x800  }
0x65: {  	[sflag:s26] =	ssyncset.done $0x0  }
0x66: {  	[sflag:s26] =	ssyncadd.s32 $0xFFFFF800  }
0x67: {  	_ =	swait.ge [sflag:s26], $0x800  }
0x68: {  	[sflag:s26] =	ssyncset.done $0x0  }
0x69: {  	[sflag:s26] =	ssyncadd.s32 $0xFFFFF800  }
0x6a: {  	_ =	swait.ge [sflag:s26], $0x800  }
0x6b: {  	[sflag:s26] =	ssyncset.done $0x0  }
0x6c: {  	[sflag:s26] =	ssyncadd.s32 $0xFFFFF800  }
0x6d: {  	_ =	swait.ge [sflag:s26], $0x800  }
0x6e: {  	[sflag:s26] =	ssyncset.done $0x0  }
0x6f: {  	[sflag:s26] =	ssyncadd.s32 $0xFFFFF800  }
0x70: {  	_ =	swait.ge [sflag:s26], $0x800  }
0x71: {  	[sflag:s26] =	ssyncset.done $0x0  }
0x72: {  	s0 =	simm.s32 $0x800;
	s9 =	simm.s32 $0x9400;
	[sflag:s26] =	ssyncadd.s32 $0xFFFFF800  }
0x73: {  	[spmem:s2] =	stream.indirect.scatter.add.f32 [tilespmem:s9], [sflag:$0x1], $0x10, s0, s12, $0xb8;
	[tilespmem:$0x1A240] =	vst v63  }
0x74: {  	s0 =	simm.s32 $0x880;
	s9 =	simm.s32 $0x9C00  }
0x75: {  	[spmem:s2] =	stream.indirect.scatter.add.f32 [tilespmem:s9], [sflag:$0x1], $0x10, s0, s12, $0xb8;
	[tilespmem:$0x1A240] =	vst v63  }
0x76: {  	s0 =	simm.s32 $0x900;
	s9 =	simm.s32 $0xA400  }
0x77: {  	[spmem:s2] =	stream.indirect.scatter.add.f32 [tilespmem:s9], [sflag:$0x1], $0x10, s0, s12, $0xb8;
	[tilespmem:$0x1A240] =	vst v63  }
0x78: {  	s0 =	simm.s32 $0x980;
	s9 =	simm.s32 $0xAC00  }
0x79: {  	[spmem:s2] =	stream.indirect.scatter.add.f32 [tilespmem:s9], [sflag:$0x1], $0x10, s0, s12, $0xb8;
	[tilespmem:$0x1A240] =	vst v63  }
0x7a: {  	s0 =	simm.s32 $0xA00;
	s9 =	simm.s32 $0xB400  }
0x7b: {  	[spmem:s2] =	stream.indirect.scatter.add.f32 [tilespmem:s9], [sflag:$0x1], $0x10, s0, s12, $0xb8;
	[tilespmem:$0x1A240] =	vst v63  }
0x7c: {  	s0 =	simm.s32 $0xA80;
	s9 =	simm.s32 $0xBC00  }
0x7d: {  	[spmem:s2] =	stream.indirect.scatter.add.f32 [tilespmem:s9], [sflag:$0x1], $0x10, s0, s12, $0xb8;
	[tilespmem:$0x1A240] =	vst v63  }
0x7e: {  	s0 =	simm.s32 $0xB00;
	s9 =	simm.s32 $0xC400  }
0x7f: {  	[spmem:s2] =	stream.indirect.scatter.add.f32 [tilespmem:s9], [sflag:$0x1], $0x10, s0, s12, $0xb8;
	[tilespmem:$0x1A240] =	vst v63  }
0x80: {  	s0 =	simm.s32 $0xB80;
	s9 =	simm.s32 $0xCC00  }
0x81: {  	[spmem:s2] =	stream.indirect.scatter.add.f32 [tilespmem:s9], [sflag:$0x1], $0x10, s0, s12, $0xb8;
	[tilespmem:$0x1A240] =	vst v63  }
0x82: {  	_ =	swait.ge [sflag:s26], $0x800  }
0x83: {  	[sflag:s26] =	ssyncset.done $0x0  }
0x84: {  	[sflag:s26] =	ssyncadd.s32 $0xFFFFF800  }
0x85: {  	_ =	swait.ge [sflag:s26], $0x800  }
0x86: {  	[sflag:s26] =	ssyncset.done $0x0  }
0x87: {  	[sflag:s26] =	ssyncadd.s32 $0xFFFFF800  }
0x88: {  	_ =	swait.ge [sflag:s26], $0x800  }
0x89: {  	[sflag:s26] =	ssyncset.done $0x0  }
0x8a: {  	[sflag:s26] =	ssyncadd.s32 $0xFFFFF800  }
0x8b: {  	_ =	swait.ge [sflag:s26], $0x800  }
0x8c: {  	[sflag:s26] =	ssyncset.done $0x0  }
0x8d: {  	[sflag:s26] =	ssyncadd.s32 $0xFFFFF800  }
0x8e: {  	_ =	swait.ge [sflag:s26], $0x800  }
0x8f: {  	[sflag:s26] =	ssyncset.done $0x0  }
0x90: {  	[sflag:s26] =	ssyncadd.s32 $0xFFFFF800  }
0x91: {  	_ =	swait.ge [sflag:s26], $0x800  }
0x92: {  	[sflag:s26] =	ssyncset.done $0x0  }
0x93: {  	[sflag:s26] =	ssyncadd.s32 $0xFFFFF800  }
0x94: {  	_ =	swait.ge [sflag:s26], $0x800  }
0x95: {  	[sflag:s26] =	ssyncset.done $0x0  }
0x96: {  	[sflag:s26] =	ssyncadd.s32 $0xFFFFF800  }
0x97: {  	_ =	swait.ge [sflag:s26], $0x800  }
0x98: {  	[sflag:s26] =	ssyncset.done $0x0  }
0x99: {  	s0 =	simm.s32 $0xC00;
	s9 =	simm.s32 $0xD400;
	[sflag:s26] =	ssyncadd.s32 $0xFFFFF800  }
0x9a: {  	[spmem:s2] =	stream.indirect.scatter.add.f32 [tilespmem:s9], [sflag:$0x1], $0x10, s0, s12, $0xb8;
	[tilespmem:$0x1A240] =	vst v63  }
0x9b: {  	s0 =	simm.s32 $0xC80;
	s9 =	simm.s32 $0xDC00  }
0x9c: {  	[spmem:s2] =	stream.indirect.scatter.add.f32 [tilespmem:s9], [sflag:$0x1], $0x10, s0, s12, $0xb8;
	[tilespmem:$0x1A240] =	vst v63  }
0x9d: {  	s0 =	simm.s32 $0xD00;
	s9 =	simm.s32 $0xE400  }
0x9e: {  	[spmem:s2] =	stream.indirect.scatter.add.f32 [tilespmem:s9], [sflag:$0x1], $0x10, s0, s12, $0xb8;
	[tilespmem:$0x1A240] =	vst v63  }
0x9f: {  	s0 =	simm.s32 $0xD80;
	s9 =	simm.s32 $0xEC00  }
0xa0: {  	[spmem:s2] =	stream.indirect.scatter.add.f32 [tilespmem:s9], [sflag:$0x1], $0x10, s0, s12, $0xb8;
	[tilespmem:$0x1A240] =	vst v63  }
0xa1: {  	s0 =	simm.s32 $0xE00;
	s9 =	simm.s32 $0xF400  }
0xa2: {  	[spmem:s2] =	stream.indirect.scatter.add.f32 [tilespmem:s9], [sflag:$0x1], $0x10, s0, s12, $0xb8;
	[tilespmem:$0x1A240] =	vst v63  }
0xa3: {  	s0 =	simm.s32 $0xE80;
	s9 =	simm.s32 $0xFC00  }
0xa4: {  	[spmem:s2] =	stream.indirect.scatter.add.f32 [tilespmem:s9], [sflag:$0x1], $0x10, s0, s12, $0xb8;
	[tilespmem:$0x1A240] =	vst v63  }
0xa5: {  	s0 =	simm.s32 $0xF00;
	s9 =	simm.s32 $0x10400  }
0xa6: {  	[spmem:s2] =	stream.indirect.scatter.add.f32 [tilespmem:s9], [sflag:$0x1], $0x10, s0, s12, $0xb8;
	[tilespmem:$0x1A240] =	vst v63  }
0xa7: {  	s9 =	simm.s32 $0xF80  }
0xa8: {  	[spmem:s2] =	stream.indirect.scatter.add.f32 [tilespmem:s13], [sflag:$0x1], $0x10, s9, s12, $0xb8;
	[tilespmem:$0x1A240] =	vst v63  }
0xa9: {  	_ =	swait.ge [sflag:s26], $0x800  }
0xaa: {  	[sflag:s26] =	ssyncset.done $0x0  }
0xab: {  	[sflag:s26] =	ssyncadd.s32 $0xFFFFF800  }
0xac: {  	_ =	swait.ge [sflag:s26], $0x800  }
0xad: {  	[sflag:s26] =	ssyncset.done $0x0  }
0xae: {  	[sflag:s26] =	ssyncadd.s32 $0xFFFFF800  }
0xaf: {  	_ =	swait.ge [sflag:s26], $0x800  }
0xb0: {  	[sflag:s26] =	ssyncset.done $0x0  }
0xb1: {  	[sflag:s26] =	ssyncadd.s32 $0xFFFFF800  }
0xb2: {  	_ =	swait.ge [sflag:s26], $0x800  }
0xb3: {  	[sflag:s26] =	ssyncset.done $0x0  }
0xb4: {  	[sflag:s26] =	ssyncadd.s32 $0xFFFFF800  }
0xb5: {  	_ =	swait.ge [sflag:s26], $0x800  }
0xb6: {  	[sflag:s26] =	ssyncset.done $0x0  }
0xb7: {  	[sflag:s26] =	ssyncadd.s32 $0xFFFFF800  }
0xb8: {  	_ =	swait.ge [sflag:s26], $0x800  }
0xb9: {  	[sflag:s26] =	ssyncset.done $0x0  }
0xba: {  	[sflag:s26] =	ssyncadd.s32 $0xFFFFF800  }
0xbb: {  	_ =	swait.ge [sflag:s26], $0x800  }
0xbc: {  	[sflag:s26] =	ssyncset.done $0x0  }
0xbd: {  	[sflag:s26] =	ssyncadd.s32 $0xFFFFF800  }
0xbe: {  	_ =	swait.ge [sflag:s26], $0x800  }
0xbf: {  	[sflag:s26] =	ssyncset.done $0x0  }
0xc0: {  	[sflag:s26] =	ssyncadd.s32 $0xFFFFF800  }
0xc1: {  	[spmem:s2] =	stream.indirect.scatter.add.f32 [tilespmem:s15], [sflag:$0x1], $0x10, s14, s12, $0xb8;
	[tilespmem:$0x1A240] =	vst v63  }
0xc2: {  	_ = 	snop  }
0xc3: {  	[spmem:s2] =	stream.indirect.scatter.add.f32 [tilespmem:s17], [sflag:$0x1], $0x10, s16, s12, $0xb8;
	[tilespmem:$0x1A240] =	vst v63  }
0xc4: {  	_ = 	snop  }
0xc5: {  	[spmem:s2] =	stream.indirect.scatter.add.f32 [tilespmem:s19], [sflag:$0x1], $0x10, s18, s12, $0xb8;
	[tilespmem:$0x1A240] =	vst v63  }
0xc6: {  	_ = 	snop  }
0xc7: {  	[spmem:s2] =	stream.indirect.scatter.add.f32 [tilespmem:s21], [sflag:$0x1], $0x10, s20, s12, $0xb8;
	[tilespmem:$0x1A240] =	vst v63  }
0xc8: {  	_ = 	snop  }
0xc9: {  	[spmem:s2] =	stream.indirect.scatter.add.f32 [tilespmem:s23], [sflag:$0x1], $0x10, s22, s12, $0xb8;
	[tilespmem:$0x1A240] =	vst v63  }
0xca: {  	_ = 	snop  }
0xcb: {  	[spmem:s2] =	stream.indirect.scatter.add.f32 [tilespmem:s25], [sflag:$0x1], $0x10, s24, s12, $0xb8;
	[tilespmem:$0x1A240] =	vst v63  }
0xcc: {  	_ = 	snop  }
0xcd: {  	[spmem:s2] =	stream.indirect.scatter.add.f32 [tilespmem:s29], [sflag:$0x1], $0x10, s28, s12, $0xb8;
	[tilespmem:$0x1A240] =	vst v63  }
0xce: {  	_ = 	snop  }
0xcf: {  	[spmem:s2] =	stream.indirect.scatter.add.f32 [tilespmem:s31], [sflag:$0x1], $0x10, s30, s12, $0xb8;
	[tilespmem:$0x1A240] =	vst v63  }
0xd0: {  	_ =	swait.ge [sflag:s26], $0x800  }
0xd1: {  	[sflag:s26] =	ssyncset.done $0x0  }
0xd2: {  	[sflag:s26] =	ssyncadd.s32 $0xFFFFF800  }
0xd3: {  	_ =	swait.ge [sflag:s26], $0x800  }
0xd4: {  	[sflag:s26] =	ssyncset.done $0x0  }
0xd5: {  	[sflag:s26] =	ssyncadd.s32 $0xFFFFF800  }
0xd6: {  	_ =	swait.ge [sflag:s26], $0x800  }
0xd7: {  	[sflag:s26] =	ssyncset.done $0x0  }
0xd8: {  	[sflag:s26] =	ssyncadd.s32 $0xFFFFF800  }
0xd9: {  	_ =	swait.ge [sflag:s26], $0x800  }
0xda: {  	[sflag:s26] =	ssyncset.done $0x0  }
0xdb: {  	[sflag:s26] =	ssyncadd.s32 $0xFFFFF800  }
0xdc: {  	_ =	swait.ge [sflag:s26], $0x800  }
0xdd: {  	[sflag:s26] =	ssyncset.done $0x0  }
0xde: {  	[sflag:s26] =	ssyncadd.s32 $0xFFFFF800  }
0xdf: {  	_ =	swait.ge [sflag:s26], $0x800  }
0xe0: {  	[sflag:s26] =	ssyncset.done $0x0  }
0xe1: {  	[sflag:s26] =	ssyncadd.s32 $0xFFFFF800  }
0xe2: {  	_ =	swait.ge [sflag:s26], $0x800  }
0xe3: {  	[sflag:s26] =	ssyncset.done $0x0  }
0xe4: {  	[sflag:s26] =	ssyncadd.s32 $0xFFFFF800  }
0xe5: {  	s1 =	sadd.s32 $0x1, s1;
	_ =	swait.ge [sflag:s26], $0x800  }
0xe6: {  	p0 =	sne.s32 s1, s8;
	s9 =	stileid.u32;
	[sflag:s26] =	ssyncset.done $0x0  }
0xe7: {  	s0 =	sshll.u32 s9, $0x6;
	s9 =	sshrl.u32 s4, $0x3;
	[sflag:s26] =	ssyncadd.s32 $0xFFFFF800  }
.Ltmp1:
0xe8: {  	s0 =	sor.u32 $0x1C02, s0;
	[bflag:$0x0] =	sbarrier.arrive $0xFFFF;
	(pc) =	sbr.rel @p0 .LBB2_1-.Ltmp1, $4  }
0xe9: {  	[hbm:s7], [sflag:s0] =	dma.local [spmem:s9], $0x4E4  }
0xea: {  	_ =	swait.ge [sflag:s10], $0x4E4  }
0xeb: {  	[sflag:s10] =	ssyncset.done $0x0  }
0xec: {  	[sflag:s10] =	ssyncadd.s32 $0xFFFFFB1C  }
0xed: {  	_ =	sfence.sel $0x180000  }
0xee: {  	[bflag:$0x0] =	sbarrier.arrive $0xFFFF  }
0xef: {  	_ =	strace $0x9000004A  }
0xf0: {  	s0 =	stileid.u32;
	[bflag:$0x2] =	sbarrier.arrive $0xFFFF  }
0xf1: {  	p0 =	sne.s32 s0, $0x0;
	s0 =	rddreg [dreg:$0x2]  }
0xf2: {  	s0 =	sadd.s32 @!p0 $0x100000, s0  }
0xf3: {  	[sflag:s0] =	ssyncadd.tile.s32 @!p0 $0x1;
	_ =	shalt  }
.Lfunc_end2:
_tile_overlayer_lowered:
.L_overlay_start_2:
0xf4: {  	(tag) =	ssettag $0x2  }
0xf5: {  	s0 =	rddreg [dreg:$0x0];
	s2 =	stileid.u32  }
0xf6: {  	s1 =	rddreg [dreg:$0x1];
	p0 =	sne.s32 s2, $0x0  }
0xf7: {  	s3 =	rddreg [dreg:$0x2];
	[bflag:$0x3] =	sbarrier.arrive $0xFFFF;
	s2 =	simm.s32 @!p0 $0x1C02  }
0xf8: {  	[timem:s3], [sflag:s2] =	dma.local @!p0 [hbm:s0], s1  }
0xf9: {  	s0 =	simm.s32 @!p0 $0x2  }
0xfa: {  	_ =	swait.ge @!p0 [sflag:s0], s1  }
0xfb: {  	s1 =	ssub.s32 @!p0 $0x0, s1;
	[sflag:s0] =	ssyncset.done @!p0 $0x0  }
0xfc: {  	[sflag:s0] =	ssyncadd.s32 @!p0 s1  }
0xfd: {  	[bflag:$0x3] =	sbarrier.arrive $0xFFFF  }
0xfe: {  	_ =	shalt  }

// kernel: kernel.22.cloned.1.call-start
scs
__scs_entry_jumppad:
0x0: {  	(pc) =	sbr.rel $0x88, $3  }
0x1: {  	(tag) =	ssettag $0x0;
	lr =	simm.s32 $0x1  }
0x2: {  	[smem:$0x3F8C] =	sst lr;
	_ =	strace $0xD0000000  }
0x3: {  	_ = 	snop  }
0x4: {  	_ = 	snop  }
0x5: {  	_ = 	snop  }
0x6: {  	_ = 	snop  }
0x7: {  	_ = 	snop  }
__scs_overlays_trampoline_lowered:
0x8: {  	[smem:$0x3F9B] =	sst s0  }
0x9: {  	[smem:$0x3F9C] =	sst s1  }
0xa: {  	[smem:$0x3F9D] =	sst s2  }
0xb: {  	[smem:$0x3F9E] =	sst s3  }
0xc: {  	[smem:$0x3F9F] =	sst s4  }
0xd: {  	[smem:$0x3FA0] =	sst s5  }
0xe: {  	[smem:$0x3FA1] =	sst s6  }
0xf: {  	[smem:$0x3FA2] =	sst s7  }
0x10: {  	[smem:$0x3FA3] =	sst s8  }
0x11: {  	[smem:$0x3FA4] =	sst s9;
	s0 =	simm.s32 @!p0 $0x0  }
0x12: {  	s1 =	sld [smem:$0x3F8A];
	s0 =	simm.s32 @p0 $0x1  }
0x13: {  	[smem:$0x3FA5] =	sst s0;
	s0 =	simm.s32 @!p1 $0x0  }
0x14: {  	s2 =	sld [smem:$0x3F89];
	s0 =	simm.s32 @p1 $0x1  }
0x15: {  	[smem:$0x3FA6] =	sst s0;
	s0 =	simm.s32 @!p2 $0x0  }
0x16: {  	s3 =	sld [smem:$0x3FDB];
	s0 =	simm.s32 @p2 $0x1  }
0x17: {  	s4 =	simm.s32 $0x1BF5;
	[smem:$0x3FA8] =	sst s0  }
0x18: {  	s0 =	sld [smem:$0x3F8B];
	_ =	swait.ge [sflag:s4], $0x0  }
0x19: {  	s7 =	sld [smem:$0x3F8C]  }
0x1a: {  	s8 =	sadd.s32 $0xFFFFE003, lr  }
0x1b: {  	s9 =	sadd.s32 $0xFFFFFEF7, lr;
	s5 =	simm.s32 $0xFFFFFFFF;
	p2 =	slt.u32 s8, $0xFFFFF086  }
0x1c: {  	p1 =	slt.u32 s9, $0xF7A;
	s5 =	simm.s32 @!p2 $0x0  }
0x1d: {  	s5 =	simm.s32 @p1 $0x1;
	p0 =	seq.s32 s7, s2  }
0x1e: {  	s7 =	smul.u32 @!p0 $0xF7A, s2;
	p2 =	seq.s32 @!p0 s5, $0x0  }
0x1f: {  	s9 =	smul.u32 $0xF7A, s1;
	s8 =	simm.s32 @!p0 $0x1BF5;
	p2 =	por !p2, p0  }
0x20: {  	[sflag:s8] =	ssyncset.s32 @!p0 $0xFFFFF086;
	s6 =	sadd.s32 @!p0 s3, s7;
	s7 =	simm.s32 @!p0 $0x108  }
0x21: {  	s3 =	sadd.s32 s3, s9;
	s6 =	sadd.s32 @!p0 $0x88, s6;
	s7 =	simm.s32 @p2 $0x1082  }
0x22: {  	[simem:s7], [sflag:s8] =	dma.local @!p0 [hbm:s6], $0xF7A  }
0x23: {  	s9 =	sor.u32 $0xD0000000, s2;
	s6 =	simm.s32 $0x108;
	_ =	swait.ge @!p0 [sflag:s8], $0x0  }
0x24: {  	s3 =	sadd.s32 $0x88, s3;
	s6 =	simm.s32 @!p1 $0x1082;
	[sflag:s4] =	ssyncset.s32 $0xFFFFF086  }
0x25: {  	[simem:s6], [sflag:s4] =	dma.local [hbm:s3], $0xF7A  }
0x26: {  	[smem:$0x3F8C] =	sst s1;
	(tag) =	ssettag s2;
	_ =	strace s9  }
0x27: {  	s1 =	sld [smem:$0x3F9C]  }
0x28: {  	s2 =	sld [smem:$0x3F9D]  }
0x29: {  	s4 =	sld [smem:$0x3F9F]  }
0x2a: {  	p0 =	seq.s32 s5, $0x0;
	s5 =	sld [smem:$0x3FA0]  }
0x2b: {  	s6 =	sld [smem:$0x3FA1]  }
0x2c: {  	s7 =	sld [smem:$0x3FA2]  }
0x2d: {  	s3 =	simm.s32 $0x108;
	s8 =	sld [smem:$0x3FA3]  }
0x2e: {  	s3 =	simm.s32 @!p0 $0x1082;
	s9 =	sld [smem:$0x3FA4]  }
0x2f: {  	lr =	sadd.s32 s0, s3;
	s0 =	sld [smem:$0x3F9B]  }
0x30: {  	s3 =	sld [smem:$0x3F9E]  }
0x31: {  	[smem:$0x3FA7] =	sst s10  }
0x32: {  	s10 =	sld [smem:$0x3FA5];
	_ =	sdelay $0x3  }
0x33: {  	p0 =	seq.s32 s10, $0x1;
	s10 =	sld [smem:$0x3FA7];
	_ =	sdelay $0x3  }
0x34: {  	[smem:$0x3FA7] =	sst s10  }
0x35: {  	s10 =	sld [smem:$0x3FA6];
	_ =	sdelay $0x3  }
0x36: {  	p1 =	seq.s32 s10, $0x1;
	s10 =	sld [smem:$0x3FA7];
	_ =	sdelay $0x3  }
0x37: {  	[smem:$0x3FA7] =	sst s10  }
0x38: {  	s10 =	sld [smem:$0x3FA8]  }
0x39: {  	_ = 	snop;
	(pc) =	sbr.ind lr, $3  }
0x3a: {  	_ = 	snop  }
0x3b: {  	_ = 	snop  }
0x3c: {  	p2 =	seq.s32 s10, $0x1;
	s10 =	sld [smem:$0x3FA7]  }
0x3d: {  	_ =	shalt  }
0x3e: {  	_ =	shalt  }
0x3f: {  	_ =	shalt  }
0x40: {  	_ =	shalt  }
0x41: {  	_ =	shalt  }
0x42: {  	_ =	shalt  }
0x43: {  	_ =	shalt  }
0x44: {  	_ =	shalt  }
0x45: {  	_ =	shalt  }
0x46: {  	_ =	shalt  }
0x47: {  	_ =	shalt  }
0x48: {  	_ =	shalt  }
0x49: {  	_ =	shalt  }
0x4a: {  	_ =	shalt  }
0x4b: {  	_ =	shalt  }
0x4c: {  	_ =	shalt  }
0x4d: {  	_ =	shalt  }
0x4e: {  	_ =	shalt  }
0x4f: {  	_ =	shalt  }
0x50: {  	_ =	shalt  }
0x51: {  	_ =	shalt  }
0x52: {  	_ =	shalt  }
0x53: {  	_ =	shalt  }
0x54: {  	_ =	shalt  }
0x55: {  	_ =	shalt  }
0x56: {  	_ =	shalt  }
0x57: {  	_ =	shalt  }
0x58: {  	_ =	shalt  }
0x59: {  	_ =	shalt  }
0x5a: {  	_ =	shalt  }
0x5b: {  	_ =	shalt  }
0x5c: {  	_ =	shalt  }
0x5d: {  	_ =	shalt  }
0x5e: {  	_ =	shalt  }
0x5f: {  	_ =	shalt  }
0x60: {  	_ =	shalt  }
0x61: {  	_ =	shalt  }
0x62: {  	_ =	shalt  }
0x63: {  	_ =	shalt  }
0x64: {  	_ =	shalt  }
0x65: {  	_ =	shalt  }
0x66: {  	_ =	shalt  }
0x67: {  	_ =	shalt  }
0x68: {  	_ =	shalt  }
0x69: {  	_ =	shalt  }
0x6a: {  	_ =	shalt  }
0x6b: {  	_ =	shalt  }
0x6c: {  	_ =	shalt  }
0x6d: {  	_ =	shalt  }
0x6e: {  	_ =	shalt  }
0x6f: {  	_ =	shalt  }
0x70: {  	_ =	shalt  }
0x71: {  	_ =	shalt  }
0x72: {  	_ =	shalt  }
0x73: {  	_ =	shalt  }
0x74: {  	_ =	shalt  }
0x75: {  	_ =	shalt  }
0x76: {  	_ =	shalt  }
0x77: {  	_ =	shalt  }
0x78: {  	_ =	shalt  }
0x79: {  	_ =	shalt  }
0x7a: {  	_ =	shalt  }
0x7b: {  	_ =	shalt  }
0x7c: {  	_ =	shalt  }
0x7d: {  	_ =	shalt  }
0x7e: {  	_ =	shalt  }
0x7f: {  	_ =	shalt  }
0x80: {  	_ =	shalt  }
0x81: {  	_ =	shalt  }
0x82: {  	_ =	shalt  }
0x83: {  	_ =	shalt  }
0x84: {  	_ =	shalt  }
0x85: {  	_ =	shalt  }
0x86: {  	_ =	shalt  }
0x87: {  	_ =	shalt  }
.Lfunc_end0:
.L_simem_size_0:
called_computation.2_lowered:
.L_overlay_start_0:
0x88: {  	s2 =	sld [smem:$0x3FD9]  }
0x89: {  	s3 =	sld [smem:$0x3FFE];
	_ =	sdelay $0x1  }
0x8a: {  	s1 =	srdreg.scid  }
0x8b: {  	s0 =	sand.u32 $0x1, s1  }
0x8c: {  	s16 =	sshll.u32 s0, $0xA;
	s2 =	sadd.s32 s3, s2  }
0x8d: {  	s2 =	sadd.s32 s2, s16  }
0x8e: {  	[smem:$0x3FB3] =	sst s2  }
0x8f: {  	_ = 	snop  }
0x90: {  	(tm) =	ssettm $0x1  }
0x91: {  	s17 =	sld [smem:$0x3FFB];
	_ =	sdelay $0x3  }
0x92: {  	_ =	strace s17  }
0x93: {  	s2 =	sld [smem:$0x3FFC];
	_ =	sdelay $0x3  }
0x94: {  	_ =	strace s2  }
0x95: {  	s2 =	sld [smem:$0x3FFD];
	_ =	sdelay $0x3  }
0x96: {  	_ =	strace s2  }
0x97: {  	_ =	strace $0x8FFFFFFF  }
0x98: {  	s18 =	sld [smem:$0x3FDB];
	_ =	sdelay $0x1  }
0x99: {  	s19 =	simm.s32 $_scs_section_size  }
0x9a: {  	s4 =	simm.s32 $_size__tile_overlayer_lowered;
	s5 =	simm.s32 $_tile_overlayer_lowered  }
0x9b: {  	s22 =	simm.s32 $0x1BFF;
	s21 =	sshll.u32 s5, $0x1;
	s2 =	sadd.s32 s19, s18  }
0x9c: {  	s6 =	simm.s32 $0x0;
	s20 =	sshll.u32 s4, $0x1;
	s4 =	sadd.s32 s21, s2  }
0x9d: {  	[timem:s6], [sflag:s22] =	dma.local [hbm:s4], s20  }
0x9e: {  	_ =	swait.ge [sflag:s22], s20  }
0x9f: {  	s3 =	ssub.s32 $0x0, s20;
	[sflag:s22] =	ssyncset.done $0x0  }
0xa0: {  	[sflag:s22] =	ssyncadd.s32 s3;
	_ =	sdelay $0x1  }
0xa1: {  	s23 =	simm.s32 $0x1B8B  }
0xa2: {  	_ =	swait.ge [sflag:s23], $0x1  }
0xa3: {  	[sflag:s23] =	ssyncset.done $0x0  }
0xa4: {  	s25 =	simm.s32 $0x1B8E;
	s24 =	sld [smem:$0x3FFE];
	[sflag:s23] =	ssyncadd.s32 $0xFFFFFFFF  }
0xa5: {  	s26 =	simm.s32 $execute0_lowered;
	[smem:$0x3FD2] =	sst s25  }
0xa6: {  	s4 =	sshll.u32 s26, $0x1;
	_ =	strace $0x8000004C;
	[dreg:$0x1] =	wrdreg $0xFFFFFFFF  }
0xa7: {  	s28 =	simm.s32 $_size_execute0_lowered;
	s2 =	sadd.s32 s2, s4;
	[dreg:$0x0] =	wrdreg $0x0  }
0xa8: {  	s4 =	sshll.u32 s28, $0x1;
	[dreg:$0x2] =	wrdreg s2  }
0xa9: {  	[dreg:$0x3] =	wrdreg s4  }
0xaa: {  	[dreg:$0x4] =	wrdreg $0xC0  }
0xab: {  	_ =	task [dreg:s6], $0x5FFFF  }
0xac: {  	[dreg:$0x1] =	wrdreg $0xFFFFFFFF  }
0xad: {  	[dreg:$0x0] =	wrdreg $0x60  }
0xae: {  	[dreg:$0x2] =	wrdreg s24  }
0xaf: {  	[dreg:$0x3] =	wrdreg $0x9  }
0xb0: {  	_ =	task.clear_ibuf [dreg:s6], $0x4FFFF;
	_ =	strace $0x9000004C  }
0xb1: {  	s29 =	simm.s32 $0x9;
	_ =	strace $0x8000004E  }
0xb2: {  	_ =	swait.ge [sflag:s29], $0x1  }
0xb3: {  	[sflag:s29] =	ssyncadd.s32 $0xFFFFFFFF  }
0xb4: {  	_ =	strace $0x9000004E  }
0xb5: {  	_ =	sfence  }
0xb6: {  	s30 =	sld [smem:$0x0];
	_ =	sdelay $0x2  }
0xb7: {  	s31 =	sshll.u32 s1, $0xD;
	s1 =	sshrl.u32 s1, $0x2  }
0xb8: {  	s3 =	sand.u32 $0x4000, s31;
	s1 =	sadd.s32 s1, s30  }
0xb9: {  	s0 =	sor.u32 s3, s0;
	s1 =	sshll.u32 s1, $0x11  }
0xba: {  	s0 =	sor.u32 s1, s0  }
0xbb: {  	s0 =	sadd.s32 $0x8F2B, s0  }
0xbc: {  	[sflag:s0] =	ssyncadd.remote.s32 $0x1  }
0xbd: {  	_ =	sfence.sel $0xFFFF  }
0xbe: {  	[dreg:$0x0] =	wrdreg $0xFFFFFFFF;
	(pc) =	sbr.abs _section_cstart, $3  }
0xbf: {  	[dreg:$0x1] =	wrdreg $0xFFFFFFFF  }
0xc0: {  	_ =	task.clear_ibuf [dreg:s6], $0x2FFFF;
	_ =	strace $0x9FFFFFFF  }
0xc1: {  	(tm) =	ssettm $0x7FFFFFFF  }
tec
execute0_lowered:
.L_overlay_start_1:
0x0: {  	(tag) =	ssettag $0x1  }
0x1: {  	s1 =	srdreg.scid;
	s0 =	stileid.u32  }
0x2: {  	s1 =	sand.u32 $0x1, s1;
	s2 =	sshll.u32 s0, $0x1  }
0x3: {  	s4 =	rddreg [dreg:$0x0];
	s3 =	sor.u32 s1, s2;
	s2 =	simm.s32 $0x0  }
0x4: {  	s19 =	simm.s32 $0x1C00;
	[smem:$0x7FF] =	sst s2  }
0x5: {  	s20 =	simm.s32 $0x100;
	_ =	strace $0x8000004D;
	[dreg:$0x4] =	wrdreg s19  }
0x6: {  	s21 =	simm.s32 $0x2400;
	[dreg:$0x5] =	wrdreg s20  }
0x7: {  	s22 =	simm.s32 $0x180;
	[dreg:$0x6] =	wrdreg s21  }
0x8: {  	s23 =	simm.s32 $0x2C00;
	[dreg:$0x7] =	wrdreg s22  }
0x9: {  	s24 =	simm.s32 $0x200;
	[dreg:$0x8] =	wrdreg s23  }
0xa: {  	s25 =	simm.s32 $0x3400;
	[dreg:$0x9] =	wrdreg s24  }
0xb: {  	s26 =	simm.s32 $0x280;
	[dreg:$0xa] =	wrdreg s25  }
0xc: {  	s0 =	simm.s32 $0x3C00;
	[dreg:$0xb] =	wrdreg s26  }
0xd: {  	s6 =	simm.s32 $0x4400;
	[dreg:$0xc] =	wrdreg s0  }
0xe: {  	s7 =	simm.s32 $0x380;
	[dreg:$0xe] =	wrdreg s6  }
0xf: {  	s8 =	simm.s32 $0x4C00;
	[dreg:$0xf] =	wrdreg s7  }
0x10: {  	s9 =	simm.s32 $0x400;
	[dreg:$0x10] =	wrdreg s8  }
0x11: {  	s10 =	simm.s32 $0x5400;
	[dreg:$0x11] =	wrdreg s9  }
0x12: {  	s11 =	simm.s32 $0x480;
	[dreg:$0x12] =	wrdreg s10  }
0x13: {  	s12 =	simm.s32 $0x5C00;
	[dreg:$0x13] =	wrdreg s11  }
0x14: {  	s13 =	simm.s32 $0x500;
	[dreg:$0x14] =	wrdreg s12  }
0x15: {  	s14 =	simm.s32 $0x6400;
	[dreg:$0x15] =	wrdreg s13  }
0x16: {  	s15 =	simm.s32 $0x580;
	[dreg:$0x16] =	wrdreg s14  }
0x17: {  	s16 =	simm.s32 $0x6C00;
	[dreg:$0x17] =	wrdreg s15  }
0x18: {  	s17 =	simm.s32 $0x600;
	[dreg:$0x18] =	wrdreg s16  }
0x19: {  	s18 =	simm.s32 $0x7400;
	[dreg:$0x19] =	wrdreg s17  }
0x1a: {  	[dreg:$0x1a] =	wrdreg s18;
	s19 =	simm.s32 $0x680  }
0x1b: {  	s20 =	simm.s32 $0x7C00;
	[dreg:$0x1b] =	wrdreg s19  }
0x1c: {  	s21 =	simm.s32 $0x700;
	[dreg:$0x1c] =	wrdreg s20  }
0x1d: {  	s22 =	simm.s32 $0x8400;
	[dreg:$0x1d] =	wrdreg s21  }
0x1e: {  	s23 =	simm.s32 $0x780;
	[dreg:$0x1e] =	wrdreg s22  }
0x1f: {  	s24 =	simm.s32 $0x8C00;
	[dreg:$0x1f] =	wrdreg s23  }
0x20: {  	s25 =	simm.s32 $0x800;
	[smem:$0x7E4] =	sst s24  }
0x21: {  	s26 =	simm.s32 $0x9400;
	[smem:$0x7EB] =	sst s25  }
0x22: {  	s0 =	simm.s32 $0x880;
	[smem:$0x7E9] =	sst s26  }
0x23: {  	s6 =	simm.s32 $0x900;
	[smem:$0x7ED] =	sst s0  }
0x24: {  	s7 =	simm.s32 $0xA400;
	[smem:$0x7E5] =	sst s6  }
0x25: {  	s8 =	simm.s32 $0x980;
	[smem:$0x7EA] =	sst s7  }
0x26: {  	s9 =	simm.s32 $0xAC00;
	[smem:$0x7EE] =	sst s8  }
0x27: {  	s10 =	simm.s32 $0xA00;
	[smem:$0x7EC] =	sst s9  }
0x28: {  	s11 =	simm.s32 $0xB400;
	[smem:$0x7EF] =	sst s10  }
0x29: {  	s12 =	simm.s32 $0xA80;
	[smem:$0x7E8] =	sst s11  }
0x2a: {  	s13 =	simm.s32 $0xBC00;
	[smem:$0x7F1] =	sst s12  }
0x2b: {  	s14 =	simm.s32 $0xB00;
	[smem:$0x7F0] =	sst s13  }
0x2c: {  	s15 =	simm.s32 $0xC400;
	[smem:$0x7F2] =	sst s14  }
0x2d: {  	s16 =	simm.s32 $0xB80;
	[smem:$0x7E6] =	sst s15  }
0x2e: {  	s17 =	simm.s32 $0xCC00;
	[smem:$0x7F4] =	sst s16  }
0x2f: {  	s18 =	simm.s32 $0xC00;
	[smem:$0x7F3] =	sst s17  }
0x30: {  	[smem:$0x7F6] =	sst s18;
	s19 =	simm.s32 $0xD400  }
0x31: {  	s20 =	simm.s32 $0xC80;
	[smem:$0x7F8] =	sst s19  }
0x32: {  	s21 =	simm.s32 $0xDC00;
	[smem:$0x7F7] =	sst s20  }
0x33: {  	s22 =	simm.s32 $0xD00;
	[smem:$0x7F5] =	sst s21  }
0x34: {  	s23 =	simm.s32 $0xE400;
	[smem:$0x7FB] =	sst s22  }
0x35: {  	s5 =	smul.u32 $0x280, s3;
	s24 =	simm.s32 $0xD80;
	[smem:$0x7F9] =	sst s23  }
0x36: {  	s3 =	smul.u32 $0x2800, s3;
	s25 =	simm.s32 $0xEC00;
	[smem:$0x7FC] =	sst s24  }
0x37: {  	s5 =	sadd.s32 s5, s4;
	s6 =	simm.s32 $0xE00;
	[smem:$0x7FA] =	sst s25  }
0x38: {  	s3 =	sadd.s32 s3, s4;
	s5 =	sadd.s32 $0x31400, s5;
	[smem:$0x7FD] =	sst s6  }
0x39: {  	s3 =	sadd.s32 $0x36400, s3;
	[dreg:$0x2] =	wrdreg s5  }
0x3a: {  	[dreg:$0x3] =	wrdreg s3;
	s5 =	simm.s32 $0x300  }
0x3b: {  	[dreg:$0xd] =	wrdreg s5;
	s5 =	simm.s32 $0x9C00  }
0x3c: {  	[smem:$0x7E7] =	sst s5  }
0x3d: {  	s3 =	simm.s32 $0x2;
	s5 =	rddreg [dreg:$0x2]  }
0x3e: {  	[tilespmem:s2], [sflag:$0x2] =	stream.linear.gather [hbm4b:s5+s2], $0x1400, $0x38;
	[tilespmem:$0x15400] =	vst v63  }
0x3f: {  	_ =	swait.ge [sflag:s3], $0x1400  }
0x40: {  	s26 =	rddreg [dreg:$0x7]  }
0x41: {  	s8 =	rddreg [dreg:$0xa]  }
0x42: {  	s9 =	rddreg [dreg:$0xc]  }
0x43: {  	s7 =	simm.s32 $0x80;
	s10 =	rddreg [dreg:$0x5]  }
0x44: {  	s5 =	sadd.s32 $0x2C400, s4;
	[sflag:s3] =	ssyncset.done $0x0;
	s11 =	rddreg [dreg:$0x4]  }
0x45: {  	s4 =	simm.s32 $0x1400;
	s12 =	rddreg [dreg:$0x6];
	[sflag:s3] =	ssyncadd.s32 $0xFFFFEC00  }
0x46: {  	[tilespmem:s4], [sflag:$0x1] =	stream.indirect.gather [hbm4b:s5+s7], $0x10, s2, s7, $0xb8;
	[tilespmem:$0x15400] =	vst v63  }
0x47: {  	s13 =	rddreg [dreg:$0x8]  }
0x48: {  	[tilespmem:s11], [sflag:$0x1] =	stream.indirect.gather [hbm4b:s5+s7], $0x10, s7, s7, $0xb8;
	[tilespmem:$0x15400] =	vst v63  }
0x49: {  	s14 =	rddreg [dreg:$0x9]  }
0x4a: {  	[tilespmem:s12], [sflag:$0x1] =	stream.indirect.gather [hbm4b:s5+s7], $0x10, s10, s7, $0xb8;
	[tilespmem:$0x15400] =	vst v63  }
0x4b: {  	s0 =	rddreg [dreg:$0xb]  }
0x4c: {  	[tilespmem:s13], [sflag:$0x1] =	stream.indirect.gather [hbm4b:s5+s7], $0x10, s26, s7, $0xb8;
	[tilespmem:$0x15400] =	vst v63  }
0x4d: {  	s15 =	rddreg [dreg:$0xe]  }
0x4e: {  	[tilespmem:s8], [sflag:$0x1] =	stream.indirect.gather [hbm4b:s5+s7], $0x10, s14, s7, $0xb8;
	[tilespmem:$0x15400] =	vst v63  }
0x4f: {  	s16 =	rddreg [dreg:$0xd]  }
0x50: {  	[tilespmem:s9], [sflag:$0x1] =	stream.indirect.gather [hbm4b:s5+s7], $0x10, s0, s7, $0xb8;
	[tilespmem:$0x15400] =	vst v63  }
0x51: {  	s17 =	rddreg [dreg:$0xf]  }
0x52: {  	[tilespmem:s15], [sflag:$0x1] =	stream.indirect.gather [hbm4b:s5+s7], $0x10, s16, s7, $0xb8;
	[tilespmem:$0x15400] =	vst v63  }
0x53: {  	s6 =	simm.s32 $0x1;
	s18 =	rddreg [dreg:$0x10]  }
0x54: {  	[tilespmem:s18], [sflag:$0x1] =	stream.indirect.gather [hbm4b:s5+s7], $0x10, s17, s7, $0xb8;
	[tilespmem:$0x15400] =	vst v63  }
0x55: {  	_ =	swait.ge [sflag:s6], $0x800  }
0x56: {  	[sflag:s6] =	ssyncset.done $0x0  }
0x57: {  	[sflag:s6] =	ssyncadd.s32 $0xFFFFF800  }
0x58: {  	_ =	swait.ge [sflag:s6], $0x800  }
0x59: {  	[sflag:s6] =	ssyncset.done $0x0  }
0x5a: {  	[sflag:s6] =	ssyncadd.s32 $0xFFFFF800  }
0x5b: {  	_ =	swait.ge [sflag:s6], $0x800  }
0x5c: {  	[sflag:s6] =	ssyncset.done $0x0  }
0x5d: {  	[sflag:s6] =	ssyncadd.s32 $0xFFFFF800  }
0x5e: {  	_ =	swait.ge [sflag:s6], $0x800  }
0x5f: {  	[sflag:s6] =	ssyncset.done $0x0  }
0x60: {  	[sflag:s6] =	ssyncadd.s32 $0xFFFFF800  }
0x61: {  	_ =	swait.ge [sflag:s6], $0x800  }
0x62: {  	[sflag:s6] =	ssyncset.done $0x0  }
0x63: {  	[sflag:s6] =	ssyncadd.s32 $0xFFFFF800  }
0x64: {  	_ =	swait.ge [sflag:s6], $0x800  }
0x65: {  	[sflag:s6] =	ssyncset.done $0x0  }
0x66: {  	[sflag:s6] =	ssyncadd.s32 $0xFFFFF800  }
0x67: {  	_ =	swait.ge [sflag:s6], $0x800  }
0x68: {  	[sflag:s6] =	ssyncset.done $0x0  }
0x69: {  	[sflag:s6] =	ssyncadd.s32 $0xFFFFF800  }
0x6a: {  	_ =	swait.ge [sflag:s6], $0x800  }
0x6b: {  	s19 =	rddreg [dreg:$0x17]  }
0x6c: {  	s20 =	rddreg [dreg:$0x1e]  }
0x6d: {  	s21 =	rddreg [dreg:$0x15]  }
0x6e: {  	s22 =	rddreg [dreg:$0x14]  }
0x6f: {  	s23 =	rddreg [dreg:$0x11]  }
0x70: {  	s24 =	rddreg [dreg:$0x13]  }
0x71: {  	s25 =	rddreg [dreg:$0x12]  }
0x72: {  	s15 =	rddreg [dreg:$0x18];
	[sflag:s6] =	ssyncset.done $0x0  }
0x73: {  	s16 =	rddreg [dreg:$0x1a];
	[sflag:s6] =	ssyncadd.s32 $0xFFFFF800  }
0x74: {  	[tilespmem:s25], [sflag:$0x1] =	stream.indirect.gather [hbm4b:s5+s7], $0x10, s23, s7, $0xb8;
	[tilespmem:$0x15400] =	vst v63  }
0x75: {  	s17 =	rddreg [dreg:$0x16]  }
0x76: {  	[tilespmem:s22], [sflag:$0x1] =	stream.indirect.gather [hbm4b:s5+s7], $0x10, s24, s7, $0xb8;
	[tilespmem:$0x15400] =	vst v63  }
0x77: {  	s26 =	rddreg [dreg:$0x1b]  }
0x78: {  	[tilespmem:s17], [sflag:$0x1] =	stream.indirect.gather [hbm4b:s5+s7], $0x10, s21, s7, $0xb8;
	[tilespmem:$0x15400] =	vst v63  }
0x79: {  	s0 =	rddreg [dreg:$0x19]  }
0x7a: {  	[tilespmem:s15], [sflag:$0x1] =	stream.indirect.gather [hbm4b:s5+s7], $0x10, s19, s7, $0xb8;
	[tilespmem:$0x15400] =	vst v63  }
0x7b: {  	s13 =	rddreg [dreg:$0x1c]  }
0x7c: {  	[tilespmem:s16], [sflag:$0x1] =	stream.indirect.gather [hbm4b:s5+s7], $0x10, s0, s7, $0xb8;
	[tilespmem:$0x15400] =	vst v63  }
0x7d: {  	s14 =	rddreg [dreg:$0x1d]  }
0x7e: {  	[tilespmem:s13], [sflag:$0x1] =	stream.indirect.gather [hbm4b:s5+s7], $0x10, s26, s7, $0xb8;
	[tilespmem:$0x15400] =	vst v63  }
0x7f: {  	s15 =	sld [smem:$0x7E4]  }
0x80: {  	[tilespmem:s20], [sflag:$0x1] =	stream.indirect.gather [hbm4b:s5+s7], $0x10, s14, s7, $0xb8;
	[tilespmem:$0x15400] =	vst v63  }
0x81: {  	s16 =	rddreg [dreg:$0x1f]  }
0x82: {  	[tilespmem:s15], [sflag:$0x1] =	stream.indirect.gather [hbm4b:s5+s7], $0x10, s16, s7, $0xb8;
	[tilespmem:$0x15400] =	vst v63  }
0x83: {  	_ =	swait.ge [sflag:s6], $0x800  }
0x84: {  	[sflag:s6] =	ssyncset.done $0x0  }
0x85: {  	[sflag:s6] =	ssyncadd.s32 $0xFFFFF800  }
0x86: {  	_ =	swait.ge [sflag:s6], $0x800  }
0x87: {  	[sflag:s6] =	ssyncset.done $0x0  }
0x88: {  	[sflag:s6] =	ssyncadd.s32 $0xFFFFF800  }
0x89: {  	_ =	swait.ge [sflag:s6], $0x800  }
0x8a: {  	[sflag:s6] =	ssyncset.done $0x0  }
0x8b: {  	[sflag:s6] =	ssyncadd.s32 $0xFFFFF800  }
0x8c: {  	_ =	swait.ge [sflag:s6], $0x800  }
0x8d: {  	[sflag:s6] =	ssyncset.done $0x0  }
0x8e: {  	[sflag:s6] =	ssyncadd.s32 $0xFFFFF800  }
0x8f: {  	_ =	swait.ge [sflag:s6], $0x800  }
0x90: {  	[sflag:s6] =	ssyncset.done $0x0  }
0x91: {  	[sflag:s6] =	ssyncadd.s32 $0xFFFFF800  }
0x92: {  	_ =	swait.ge [sflag:s6], $0x800  }
0x93: {  	[sflag:s6] =	ssyncset.done $0x0  }
0x94: {  	[sflag:s6] =	ssyncadd.s32 $0xFFFFF800  }
0x95: {  	_ =	swait.ge [sflag:s6], $0x800  }
0x96: {  	[sflag:s6] =	ssyncset.done $0x0  }
0x97: {  	[sflag:s6] =	ssyncadd.s32 $0xFFFFF800  }
0x98: {  	_ =	swait.ge [sflag:s6], $0x800  }
0x99: {  	s17 =	sld [smem:$0x7E5]  }
0x9a: {  	s9 =	sld [smem:$0x7E6]  }
0x9b: {  	s18 =	sld [smem:$0x7E7]  }
0x9c: {  	s19 =	sld [smem:$0x7E8]  }
0x9d: {  	s20 =	sld [smem:$0x7E9]  }
0x9e: {  	s21 =	sld [smem:$0x7EA]  }
0x9f: {  	s22 =	sld [smem:$0x7EB]  }
0xa0: {  	s23 =	sld [smem:$0x7EC]  }
0xa1: {  	[sflag:s6] =	ssyncset.done $0x0;
	s24 =	sld [smem:$0x7ED]  }
0xa2: {  	s25 =	sld [smem:$0x7EE];
	[sflag:s6] =	ssyncadd.s32 $0xFFFFF800  }
0xa3: {  	[tilespmem:s20], [sflag:$0x1] =	stream.indirect.gather [hbm4b:s5+s7], $0x10, s22, s7, $0xb8;
	[tilespmem:$0x15400] =	vst v63  }
0xa4: {  	s26 =	sld [smem:$0x7EF]  }
0xa5: {  	[tilespmem:s18], [sflag:$0x1] =	stream.indirect.gather [hbm4b:s5+s7], $0x10, s24, s7, $0xb8;
	[tilespmem:$0x15400] =	vst v63  }
0xa6: {  	s0 =	sld [smem:$0x7F0]  }
0xa7: {  	[tilespmem:s21], [sflag:$0x1] =	stream.indirect.gather [hbm4b:s5+s7], $0x10, s17, s7, $0xb8;
	[tilespmem:$0x15400] =	vst v63  }
0xa8: {  	s13 =	sld [smem:$0x7F1]  }
0xa9: {  	[tilespmem:s23], [sflag:$0x1] =	stream.indirect.gather [hbm4b:s5+s7], $0x10, s25, s7, $0xb8;
	[tilespmem:$0x15400] =	vst v63  }
0xaa: {  	s14 =	sld [smem:$0x7F2]  }
0xab: {  	[tilespmem:s19], [sflag:$0x1] =	stream.indirect.gather [hbm4b:s5+s7], $0x10, s26, s7, $0xb8;
	[tilespmem:$0x15400] =	vst v63  }
0xac: {  	s15 =	sld [smem:$0x7F3]  }
0xad: {  	[tilespmem:s0], [sflag:$0x1] =	stream.indirect.gather [hbm4b:s5+s7], $0x10, s13, s7, $0xb8;
	[tilespmem:$0x15400] =	vst v63  }
0xae: {  	s16 =	sld [smem:$0x7F4]  }
0xaf: {  	[tilespmem:s9], [sflag:$0x1] =	stream.indirect.gather [hbm4b:s5+s7], $0x10, s14, s7, $0xb8;
	[tilespmem:$0x15400] =	vst v63  }
0xb0: {  	_ = 	snop  }
0xb1: {  	[tilespmem:s15], [sflag:$0x1] =	stream.indirect.gather [hbm4b:s5+s7], $0x10, s16, s7, $0xb8;
	[tilespmem:$0x15400] =	vst v63  }
0xb2: {  	_ =	swait.ge [sflag:s6], $0x800  }
0xb3: {  	[sflag:s6] =	ssyncset.done $0x0  }
0xb4: {  	[sflag:s6] =	ssyncadd.s32 $0xFFFFF800  }
0xb5: {  	_ =	swait.ge [sflag:s6], $0x800  }
0xb6: {  	[sflag:s6] =	ssyncset.done $0x0  }
0xb7: {  	[sflag:s6] =	ssyncadd.s32 $0xFFFFF800  }
0xb8: {  	_ =	swait.ge [sflag:s6], $0x800  }
0xb9: {  	[sflag:s6] =	ssyncset.done $0x0  }
0xba: {  	[sflag:s6] =	ssyncadd.s32 $0xFFFFF800  }
0xbb: {  	_ =	swait.ge [sflag:s6], $0x800  }
0xbc: {  	[sflag:s6] =	ssyncset.done $0x0  }
0xbd: {  	[sflag:s6] =	ssyncadd.s32 $0xFFFFF800  }
0xbe: {  	_ =	swait.ge [sflag:s6], $0x800  }
0xbf: {  	[sflag:s6] =	ssyncset.done $0x0  }
0xc0: {  	[sflag:s6] =	ssyncadd.s32 $0xFFFFF800  }
0xc1: {  	_ =	swait.ge [sflag:s6], $0x800  }
0xc2: {  	[sflag:s6] =	ssyncset.done $0x0  }
0xc3: {  	[sflag:s6] =	ssyncadd.s32 $0xFFFFF800  }
0xc4: {  	_ =	swait.ge [sflag:s6], $0x800  }
0xc5: {  	[sflag:s6] =	ssyncset.done $0x0  }
0xc6: {  	[sflag:s6] =	ssyncadd.s32 $0xFFFFF800  }
0xc7: {  	_ =	swait.ge [sflag:s6], $0x800  }
0xc8: {  	s17 =	sld [smem:$0x7F5]  }
0xc9: {  	s18 =	sld [smem:$0x7F6]  }
0xca: {  	s19 =	sld [smem:$0x7F7]  }
0xcb: {  	s20 =	sld [smem:$0x7F8]  }
0xcc: {  	[sflag:s6] =	ssyncset.done $0x0;
	s21 =	sld [smem:$0x7F9]  }
0xcd: {  	s22 =	sld [smem:$0x7FA];
	[sflag:s6] =	ssyncadd.s32 $0xFFFFF800  }
0xce: {  	[tilespmem:s20], [sflag:$0x1] =	stream.indirect.gather [hbm4b:s5+s7], $0x10, s18, s7, $0xb8;
	[tilespmem:$0x15400] =	vst v63  }
0xcf: {  	s23 =	sld [smem:$0x7FB]  }
0xd0: {  	[tilespmem:s17], [sflag:$0x1] =	stream.indirect.gather [hbm4b:s5+s7], $0x10, s19, s7, $0xb8;
	[tilespmem:$0x15400] =	vst v63  }
0xd1: {  	s24 =	sld [smem:$0x7FC]  }
0xd2: {  	[tilespmem:s21], [sflag:$0x1] =	stream.indirect.gather [hbm4b:s5+s7], $0x10, s23, s7, $0xb8;
	[tilespmem:$0x15400] =	vst v63  }
0xd3: {  	s25 =	sld [smem:$0x7FD]  }
0xd4: {  	[tilespmem:s22], [sflag:$0x1] =	stream.indirect.gather [hbm4b:s5+s7], $0x10, s24, s7, $0xb8;
	[tilespmem:$0x15400] =	vst v63  }
0xd5: {  	s26 =	simm.s32 $0xF400  }
0xd6: {  	[tilespmem:s26], [sflag:$0x1] =	stream.indirect.gather [hbm4b:s5+s7], $0x10, s25, s7, $0xb8;
	[tilespmem:$0x15400] =	vst v63  }
0xd7: {  	s8 =	simm.s32 $0xE80;
	s9 =	simm.s32 $0xFC00  }
0xd8: {  	[tilespmem:s9], [sflag:$0x1] =	stream.indirect.gather [hbm4b:s5+s7], $0x10, s8, s7, $0xb8;
	[tilespmem:$0x15400] =	vst v63  }
0xd9: {  	s11 =	simm.s32 $0x10400;
	s10 =	simm.s32 $0xF00  }
0xda: {  	[tilespmem:s11], [sflag:$0x1] =	stream.indirect.gather [hbm4b:s5+s7], $0x10, s10, s7, $0xb8;
	[tilespmem:$0x15400] =	vst v63  }
0xdb: {  	s12 =	simm.s32 $0xF80;
	s13 =	simm.s32 $0x10C00  }
0xdc: {  	[tilespmem:s13], [sflag:$0x1] =	stream.indirect.gather [hbm4b:s5+s7], $0x10, s12, s7, $0xb8;
	[tilespmem:$0x15400] =	vst v63  }
0xdd: {  	_ =	swait.ge [sflag:s6], $0x800  }
0xde: {  	[sflag:s6] =	ssyncset.done $0x0  }
0xdf: {  	[sflag:s6] =	ssyncadd.s32 $0xFFFFF800  }
0xe0: {  	_ =	swait.ge [sflag:s6], $0x800  }
0xe1: {  	[sflag:s6] =	ssyncset.done $0x0  }
0xe2: {  	[sflag:s6] =	ssyncadd.s32 $0xFFFFF800  }
0xe3: {  	_ =	swait.ge [sflag:s6], $0x800  }
0xe4: {  	[sflag:s6] =	ssyncset.done $0x0  }
0xe5: {  	[sflag:s6] =	ssyncadd.s32 $0xFFFFF800  }
0xe6: {  	_ =	swait.ge [sflag:s6], $0x800  }
0xe7: {  	[sflag:s6] =	ssyncset.done $0x0  }
0xe8: {  	[sflag:s6] =	ssyncadd.s32 $0xFFFFF800  }
0xe9: {  	_ =	swait.ge [sflag:s6], $0x800  }
0xea: {  	[sflag:s6] =	ssyncset.done $0x0  }
0xeb: {  	[sflag:s6] =	ssyncadd.s32 $0xFFFFF800  }
0xec: {  	_ =	swait.ge [sflag:s6], $0x800  }
0xed: {  	[sflag:s6] =	ssyncset.done $0x0  }
0xee: {  	[sflag:s6] =	ssyncadd.s32 $0xFFFFF800  }
0xef: {  	_ =	swait.ge [sflag:s6], $0x800  }
0xf0: {  	[sflag:s6] =	ssyncset.done $0x0  }
0xf1: {  	[sflag:s6] =	ssyncadd.s32 $0xFFFFF800  }
0xf2: {  	_ =	swait.ge [sflag:s6], $0x800  }
0xf3: {  	[sflag:s6] =	ssyncset.done $0x0  }
0xf4: {  	s14 =	simm.s32 $0x1000;
	s15 =	simm.s32 $0x11400;
	[sflag:s6] =	ssyncadd.s32 $0xFFFFF800  }
0xf5: {  	[tilespmem:s15], [sflag:$0x1] =	stream.indirect.gather [hbm4b:s5+s7], $0x10, s14, s7, $0xb8;
	[tilespmem:$0x15400] =	vst v63  }
0xf6: {  	s18 =	simm.s32 $0x11C00;
	s17 =	simm.s32 $0x1080  }
0xf7: {  	[tilespmem:s18], [sflag:$0x1] =	stream.indirect.gather [hbm4b:s5+s7], $0x10, s17, s7, $0xb8;
	[tilespmem:$0x15400] =	vst v63  }
0xf8: {  	s20 =	simm.s32 $0x12400;
	s19 =	simm.s32 $0x1100  }
0xf9: {  	[tilespmem:s20], [sflag:$0x1] =	stream.indirect.gather [hbm4b:s5+s7], $0x10, s19, s7, $0xb8;
	[tilespmem:$0x15400] =	vst v63  }
0xfa: {  	s1 =	ssub.s32 $0x2, s1;
	s21 =	simm.s32 $0x1180;
	s22 =	simm.s32 $0x12C00  }
0xfb: {  	[tilespmem:s22], [sflag:$0x1] =	stream.indirect.gather [hbm4b:s5+s7], $0x10, s21, s7, $0xb8;
	[tilespmem:$0x15400] =	vst v63  }
0xfc: {  	s16 =	sshrl.u32 s1, $0x1;
	s23 =	simm.s32 $0x1200;
	s24 =	simm.s32 $0x13400  }
0xfd: {  	[tilespmem:s24], [sflag:$0x1] =	stream.indirect.gather [hbm4b:s5+s7], $0x10, s23, s7, $0xb8;
	[tilespmem:$0x15400] =	vst v63  }
0xfe: {  	s0 =	ssub.s32 s1, s16;
	s25 =	simm.s32 $0x1280;
	s26 =	simm.s32 $0x13C00  }
0xff: {  	[tilespmem:s26], [sflag:$0x1] =	stream.indirect.gather [hbm4b:s5+s7], $0x10, s25, s7, $0xb8;
	[tilespmem:$0x15400] =	vst v63  }
0x100: {  	s28 =	simm.s32 $0x1300;
	s29 =	simm.s32 $0x14400;
	s0 =	smax.u32 s0, $0x1  }
0x101: {  	[tilespmem:s29], [sflag:$0x1] =	stream.indirect.gather [hbm4b:s5+s7], $0x10, s28, s7, $0xb8;
	[tilespmem:$0x15400] =	vst v63  }
0x102: {  	s30 =	simm.s32 $0x1380;
	s31 =	simm.s32 $0x14C00;
	p0 =	sne.s32 s0, $0x1  }
0x103: {  	[tilespmem:s31], [sflag:$0x1] =	stream.indirect.gather [hbm4b:s5+s7], $0x10, s30, s7, $0xb8;
	[tilespmem:$0x15400] =	vst v63  }
.Ltmp0:
0x104: {  	_ = 	snop;
	(pc) =	sbr.rel @!p0 .LBB2_2-.Ltmp0, $4  }
0x105: {  	_ =	swait.ge [sflag:s6], $0x800  }
0x106: {  	[sflag:s6] =	ssyncset.done $0x0  }
0x107: {  	[sflag:s6] =	ssyncadd.s32 $0xFFFFF800  }
0x108: {  	s1 =	sadd.s32 $0xFFFFFFFF, s0;
	_ =	swait.ge [sflag:s6], $0x800  }
.LBB2_1:
0x109: {  	[sflag:s6] =	ssyncset.done $0x0  }
0x10a: {  	[sflag:s6] =	ssyncadd.s32 $0xFFFFF800  }
0x10b: {  	_ =	swait.ge [sflag:s6], $0x800  }
0x10c: {  	[sflag:s6] =	ssyncset.done $0x0  }
0x10d: {  	[sflag:s6] =	ssyncadd.s32 $0xFFFFF800  }
0x10e: {  	_ =	swait.ge [sflag:s6], $0x800  }
0x10f: {  	[sflag:s6] =	ssyncset.done $0x0  }
0x110: {  	[sflag:s6] =	ssyncadd.s32 $0xFFFFF800  }
0x111: {  	_ =	swait.ge [sflag:s6], $0x800  }
0x112: {  	[sflag:s6] =	ssyncset.done $0x0  }
0x113: {  	[sflag:s6] =	ssyncadd.s32 $0xFFFFF800  }
0x114: {  	_ =	swait.ge [sflag:s6], $0x800  }
0x115: {  	[sflag:s6] =	ssyncset.done $0x0  }
0x116: {  	[sflag:s6] =	ssyncadd.s32 $0xFFFFF800  }
0x117: {  	_ =	swait.ge [sflag:s6], $0x800  }
0x118: {  	[sflag:s6] =	ssyncset.done $0x0  }
0x119: {  	[sflag:s6] =	ssyncadd.s32 $0xFFFFF800  }
0x11a: {  	_ =	swait.ge [sflag:s6], $0x800  }
0x11b: {  	[sflag:s6] =	ssyncset.done $0x0  }
0x11c: {  	s0 =	rddreg [dreg:$0x3];
	[sflag:s6] =	ssyncadd.s32 $0xFFFFF800  }
0x11d: {  	[hbm4b:s0+s2] =	stream.linear.scatter [tilespmem:s4], [sflag:$0x2], $0x14000, $0x38;
	[tilespmem:$0x15400] =	vst v63  }
0x11e: {  	_ =	swait.ge [sflag:s3], $0x14000  }
0x11f: {  	[sflag:s3] =	ssyncset.done $0x0  }
0x120: {  	s15 =	rddreg [dreg:$0x2];
	[sflag:s3] =	ssyncadd.s32 $0xFFFEC000  }
0x121: {  	[tilespmem:s2], [sflag:$0x2] =	stream.linear.gather [hbm4b:s15+s2], $0x1400, $0x38;
	[tilespmem:$0x15400] =	vst v63  }
0x122: {  	_ =	swait.ge [sflag:s3], $0x1400  }
0x123: {  	s16 =	rddreg [dreg:$0x7]  }
0x124: {  	s8 =	rddreg [dreg:$0xa]  }
0x125: {  	s9 =	rddreg [dreg:$0xc]  }
0x126: {  	s10 =	rddreg [dreg:$0x5]  }
0x127: {  	[sflag:s3] =	ssyncset.done $0x0;
	s11 =	rddreg [dreg:$0x4]  }
0x128: {  	s12 =	rddreg [dreg:$0x6];
	[sflag:s3] =	ssyncadd.s32 $0xFFFFEC00  }
0x129: {  	[tilespmem:s4], [sflag:$0x1] =	stream.indirect.gather [hbm4b:s5+s7], $0x10, s2, s7, $0xb8;
	[tilespmem:$0x15400] =	vst v63  }
0x12a: {  	s13 =	rddreg [dreg:$0x8]  }
0x12b: {  	[tilespmem:s11], [sflag:$0x1] =	stream.indirect.gather [hbm4b:s5+s7], $0x10, s7, s7, $0xb8;
	[tilespmem:$0x15400] =	vst v63  }
0x12c: {  	s14 =	rddreg [dreg:$0x9]  }
0x12d: {  	[tilespmem:s12], [sflag:$0x1] =	stream.indirect.gather [hbm4b:s5+s7], $0x10, s10, s7, $0xb8;
	[tilespmem:$0x15400] =	vst v63  }
0x12e: {  	s15 =	rddreg [dreg:$0xd]  }
0x12f: {  	[tilespmem:s13], [sflag:$0x1] =	stream.indirect.gather [hbm4b:s5+s7], $0x10, s16, s7, $0xb8;
	[tilespmem:$0x15400] =	vst v63  }
0x130: {  	s11 =	rddreg [dreg:$0xb]  }
0x131: {  	[tilespmem:s8], [sflag:$0x1] =	stream.indirect.gather [hbm4b:s5+s7], $0x10, s14, s7, $0xb8;
	[tilespmem:$0x15400] =	vst v63  }
0x132: {  	s12 =	rddreg [dreg:$0xe]  }
0x133: {  	[tilespmem:s9], [sflag:$0x1] =	stream.indirect.gather [hbm4b:s5+s7], $0x10, s11, s7, $0xb8;
	[tilespmem:$0x15400] =	vst v63  }
0x134: {  	s16 =	rddreg [dreg:$0xf]  }
0x135: {  	[tilespmem:s12], [sflag:$0x1] =	stream.indirect.gather [hbm4b:s5+s7], $0x10, s15, s7, $0xb8;
	[tilespmem:$0x15400] =	vst v63  }
0x136: {  	s11 =	rddreg [dreg:$0x10]  }
0x137: {  	[tilespmem:s11], [sflag:$0x1] =	stream.indirect.gather [hbm4b:s5+s7], $0x10, s16, s7, $0xb8;
	[tilespmem:$0x15400] =	vst v63  }
0x138: {  	_ =	swait.ge [sflag:s6], $0x800  }
0x139: {  	[sflag:s6] =	ssyncset.done $0x0  }
0x13a: {  	[sflag:s6] =	ssyncadd.s32 $0xFFFFF800  }
0x13b: {  	_ =	swait.ge [sflag:s6], $0x800  }
0x13c: {  	[sflag:s6] =	ssyncset.done $0x0  }
0x13d: {  	[sflag:s6] =	ssyncadd.s32 $0xFFFFF800  }
0x13e: {  	_ =	swait.ge [sflag:s6], $0x800  }
0x13f: {  	[sflag:s6] =	ssyncset.done $0x0  }
0x140: {  	[sflag:s6] =	ssyncadd.s32 $0xFFFFF800  }
0x141: {  	_ =	swait.ge [sflag:s6], $0x800  }
0x142: {  	[sflag:s6] =	ssyncset.done $0x0  }
0x143: {  	[sflag:s6] =	ssyncadd.s32 $0xFFFFF800  }
0x144: {  	_ =	swait.ge [sflag:s6], $0x800  }
0x145: {  	[sflag:s6] =	ssyncset.done $0x0  }
0x146: {  	[sflag:s6] =	ssyncadd.s32 $0xFFFFF800  }
0x147: {  	_ =	swait.ge [sflag:s6], $0x800  }
0x148: {  	[sflag:s6] =	ssyncset.done $0x0  }
0x149: {  	[sflag:s6] =	ssyncadd.s32 $0xFFFFF800  }
0x14a: {  	_ =	swait.ge [sflag:s6], $0x800  }
0x14b: {  	[sflag:s6] =	ssyncset.done $0x0  }
0x14c: {  	[sflag:s6] =	ssyncadd.s32 $0xFFFFF800  }
0x14d: {  	_ =	swait.ge [sflag:s6], $0x800  }
0x14e: {  	s0 =	rddreg [dreg:$0x17]  }
0x14f: {  	s8 =	rddreg [dreg:$0x1e]  }
0x150: {  	s9 =	rddreg [dreg:$0x15]  }
0x151: {  	s10 =	rddreg [dreg:$0x14]  }
0x152: {  	s11 =	rddreg [dreg:$0x11]  }
0x153: {  	s12 =	rddreg [dreg:$0x13]  }
0x154: {  	s13 =	rddreg [dreg:$0x12]  }
0x155: {  	[sflag:s6] =	ssyncset.done $0x0;
	s14 =	rddreg [dreg:$0x18]  }
0x156: {  	s15 =	rddreg [dreg:$0x1a];
	[sflag:s6] =	ssyncadd.s32 $0xFFFFF800  }
0x157: {  	[tilespmem:s13], [sflag:$0x1] =	stream.indirect.gather [hbm4b:s5+s7], $0x10, s11, s7, $0xb8;
	[tilespmem:$0x15400] =	vst v63  }
0x158: {  	s16 =	rddreg [dreg:$0x16]  }
0x159: {  	[tilespmem:s10], [sflag:$0x1] =	stream.indirect.gather [hbm4b:s5+s7], $0x10, s12, s7, $0xb8;
	[tilespmem:$0x15400] =	vst v63  }
0x15a: {  	s11 =	rddreg [dreg:$0x1b]  }
0x15b: {  	[tilespmem:s16], [sflag:$0x1] =	stream.indirect.gather [hbm4b:s5+s7], $0x10, s9, s7, $0xb8;
	[tilespmem:$0x15400] =	vst v63  }
0x15c: {  	s13 =	rddreg [dreg:$0x1c]  }
0x15d: {  	[tilespmem:s14], [sflag:$0x1] =	stream.indirect.gather [hbm4b:s5+s7], $0x10, s0, s7, $0xb8;
	[tilespmem:$0x15400] =	vst v63  }
0x15e: {  	s12 =	rddreg [dreg:$0x19]  }
0x15f: {  	[tilespmem:s15], [sflag:$0x1] =	stream.indirect.gather [hbm4b:s5+s7], $0x10, s12, s7, $0xb8;
	[tilespmem:$0x15400] =	vst v63  }
0x160: {  	s16 =	sld [smem:$0x7E4]  }
0x161: {  	[tilespmem:s13], [sflag:$0x1] =	stream.indirect.gather [hbm4b:s5+s7], $0x10, s11, s7, $0xb8;
	[tilespmem:$0x15400] =	vst v63  }
0x162: {  	s14 =	rddreg [dreg:$0x1d]  }
0x163: {  	[tilespmem:s8], [sflag:$0x1] =	stream.indirect.gather [hbm4b:s5+s7], $0x10, s14, s7, $0xb8;
	[tilespmem:$0x15400] =	vst v63  }
0x164: {  	s12 =	rddreg [dreg:$0x1f]  }
0x165: {  	[tilespmem:s16], [sflag:$0x1] =	stream.indirect.gather [hbm4b:s5+s7], $0x10, s12, s7, $0xb8;
	[tilespmem:$0x15400] =	vst v63  }
0x166: {  	_ =	swait.ge [sflag:s6], $0x800  }
0x167: {  	[sflag:s6] =	ssyncset.done $0x0  }
0x168: {  	[sflag:s6] =	ssyncadd.s32 $0xFFFFF800  }
0x169: {  	_ =	swait.ge [sflag:s6], $0x800  }
0x16a: {  	[sflag:s6] =	ssyncset.done $0x0  }
0x16b: {  	[sflag:s6] =	ssyncadd.s32 $0xFFFFF800  }
0x16c: {  	_ =	swait.ge [sflag:s6], $0x800  }
0x16d: {  	[sflag:s6] =	ssyncset.done $0x0  }
0x16e: {  	[sflag:s6] =	ssyncadd.s32 $0xFFFFF800  }
0x16f: {  	_ =	swait.ge [sflag:s6], $0x800  }
0x170: {  	[sflag:s6] =	ssyncset.done $0x0  }
0x171: {  	[sflag:s6] =	ssyncadd.s32 $0xFFFFF800  }
0x172: {  	_ =	swait.ge [sflag:s6], $0x800  }
0x173: {  	[sflag:s6] =	ssyncset.done $0x0  }
0x174: {  	[sflag:s6] =	ssyncadd.s32 $0xFFFFF800  }
0x175: {  	_ =	swait.ge [sflag:s6], $0x800  }
0x176: {  	[sflag:s6] =	ssyncset.done $0x0  }
0x177: {  	[sflag:s6] =	ssyncadd.s32 $0xFFFFF800  }
0x178: {  	_ =	swait.ge [sflag:s6], $0x800  }
0x179: {  	[sflag:s6] =	ssyncset.done $0x0  }
0x17a: {  	[sflag:s6] =	ssyncadd.s32 $0xFFFFF800  }
0x17b: {  	_ =	swait.ge [sflag:s6], $0x800  }
0x17c: {  	s0 =	sld [smem:$0x7E5]  }
0x17d: {  	s8 =	sld [smem:$0x7E6]  }
0x17e: {  	s9 =	sld [smem:$0x7E7]  }
0x17f: {  	s10 =	sld [smem:$0x7E8]  }
0x180: {  	s11 =	sld [smem:$0x7E9]  }
0x181: {  	s12 =	sld [smem:$0x7EA]  }
0x182: {  	s13 =	sld [smem:$0x7EB]  }
0x183: {  	s14 =	sld [smem:$0x7EC]  }
0x184: {  	[sflag:s6] =	ssyncset.done $0x0;
	s15 =	sld [smem:$0x7ED]  }
0x185: {  	s16 =	sld [smem:$0x7EE];
	[sflag:s6] =	ssyncadd.s32 $0xFFFFF800  }
0x186: {  	[tilespmem:s11], [sflag:$0x1] =	stream.indirect.gather [hbm4b:s5+s7], $0x10, s13, s7, $0xb8;
	[tilespmem:$0x15400] =	vst v63  }
0x187: {  	s11 =	sld [smem:$0x7EF]  }
0x188: {  	[tilespmem:s9], [sflag:$0x1] =	stream.indirect.gather [hbm4b:s5+s7], $0x10, s15, s7, $0xb8;
	[tilespmem:$0x15400] =	vst v63  }
0x189: {  	s13 =	sld [smem:$0x7F1]  }
0x18a: {  	[tilespmem:s12], [sflag:$0x1] =	stream.indirect.gather [hbm4b:s5+s7], $0x10, s0, s7, $0xb8;
	[tilespmem:$0x15400] =	vst v63  }
0x18b: {  	s9 =	sld [smem:$0x7F0]  }
0x18c: {  	[tilespmem:s14], [sflag:$0x1] =	stream.indirect.gather [hbm4b:s5+s7], $0x10, s16, s7, $0xb8;
	[tilespmem:$0x15400] =	vst v63  }
0x18d: {  	s15 =	sld [smem:$0x7F2]  }
0x18e: {  	[tilespmem:s10], [sflag:$0x1] =	stream.indirect.gather [hbm4b:s5+s7], $0x10, s11, s7, $0xb8;
	[tilespmem:$0x15400] =	vst v63  }
0x18f: {  	s16 =	sld [smem:$0x7F3]  }
0x190: {  	[tilespmem:s9], [sflag:$0x1] =	stream.indirect.gather [hbm4b:s5+s7], $0x10, s13, s7, $0xb8;
	[tilespmem:$0x15400] =	vst v63  }
0x191: {  	s9 =	sld [smem:$0x7F4]  }
0x192: {  	[tilespmem:s8], [sflag:$0x1] =	stream.indirect.gather [hbm4b:s5+s7], $0x10, s15, s7, $0xb8;
	[tilespmem:$0x15400] =	vst v63  }
0x193: {  	_ = 	snop  }
0x194: {  	[tilespmem:s16], [sflag:$0x1] =	stream.indirect.gather [hbm4b:s5+s7], $0x10, s9, s7, $0xb8;
	[tilespmem:$0x15400] =	vst v63  }
0x195: {  	_ =	swait.ge [sflag:s6], $0x800  }
0x196: {  	[sflag:s6] =	ssyncset.done $0x0  }
0x197: {  	[sflag:s6] =	ssyncadd.s32 $0xFFFFF800  }
0x198: {  	_ =	swait.ge [sflag:s6], $0x800  }
0x199: {  	[sflag:s6] =	ssyncset.done $0x0  }
0x19a: {  	[sflag:s6] =	ssyncadd.s32 $0xFFFFF800  }
0x19b: {  	_ =	swait.ge [sflag:s6], $0x800  }
0x19c: {  	[sflag:s6] =	ssyncset.done $0x0  }
0x19d: {  	[sflag:s6] =	ssyncadd.s32 $0xFFFFF800  }
0x19e: {  	_ =	swait.ge [sflag:s6], $0x800  }
0x19f: {  	[sflag:s6] =	ssyncset.done $0x0  }
0x1a0: {  	[sflag:s6] =	ssyncadd.s32 $0xFFFFF800  }
0x1a1: {  	_ =	swait.ge [sflag:s6], $0x800  }
0x1a2: {  	[sflag:s6] =	ssyncset.done $0x0  }
0x1a3: {  	[sflag:s6] =	ssyncadd.s32 $0xFFFFF800  }
0x1a4: {  	_ =	swait.ge [sflag:s6], $0x800  }
0x1a5: {  	[sflag:s6] =	ssyncset.done $0x0  }
0x1a6: {  	[sflag:s6] =	ssyncadd.s32 $0xFFFFF800  }
0x1a7: {  	_ =	swait.ge [sflag:s6], $0x800  }
0x1a8: {  	[sflag:s6] =	ssyncset.done $0x0  }
0x1a9: {  	[sflag:s6] =	ssyncadd.s32 $0xFFFFF800  }
0x1aa: {  	_ =	swait.ge [sflag:s6], $0x800  }
0x1ab: {  	s10 =	sld [smem:$0x7F5]  }
0x1ac: {  	s14 =	sld [smem:$0x7F6]  }
0x1ad: {  	s15 =	sld [smem:$0x7F7]  }
0x1ae: {  	s12 =	sld [smem:$0x7F8]  }
0x1af: {  	[sflag:s6] =	ssyncset.done $0x0;
	s13 =	sld [smem:$0x7F9]  }
0x1b0: {  	s16 =	sld [smem:$0x7FA];
	[sflag:s6] =	ssyncadd.s32 $0xFFFFF800  }
0x1b1: {  	[tilespmem:s12], [sflag:$0x1] =	stream.indirect.gather [hbm4b:s5+s7], $0x10, s14, s7, $0xb8;
	[tilespmem:$0x15400] =	vst v63  }
0x1b2: {  	s14 =	sld [smem:$0x7FB]  }
0x1b3: {  	[tilespmem:s10], [sflag:$0x1] =	stream.indirect.gather [hbm4b:s5+s7], $0x10, s15, s7, $0xb8;
	[tilespmem:$0x15400] =	vst v63  }
0x1b4: {  	s15 =	sld [smem:$0x7FC]  }
0x1b5: {  	[tilespmem:s13], [sflag:$0x1] =	stream.indirect.gather [hbm4b:s5+s7], $0x10, s14, s7, $0xb8;
	[tilespmem:$0x15400] =	vst v63  }
0x1b6: {  	s0 =	sld [smem:$0x7FD]  }
0x1b7: {  	[tilespmem:s16], [sflag:$0x1] =	stream.indirect.gather [hbm4b:s5+s7], $0x10, s15, s7, $0xb8;
	[tilespmem:$0x15400] =	vst v63  }
0x1b8: {  	s16 =	simm.s32 $0xF400  }
0x1b9: {  	[tilespmem:s16], [sflag:$0x1] =	stream.indirect.gather [hbm4b:s5+s7], $0x10, s0, s7, $0xb8;
	[tilespmem:$0x15400] =	vst v63  }
0x1ba: {  	s9 =	simm.s32 $0xE80;
	s10 =	simm.s32 $0xFC00  }
0x1bb: {  	[tilespmem:s10], [sflag:$0x1] =	stream.indirect.gather [hbm4b:s5+s7], $0x10, s9, s7, $0xb8;
	[tilespmem:$0x15400] =	vst v63  }
0x1bc: {  	s11 =	simm.s32 $0xF00;
	s12 =	simm.s32 $0x10400  }
0x1bd: {  	[tilespmem:s12], [sflag:$0x1] =	stream.indirect.gather [hbm4b:s5+s7], $0x10, s11, s7, $0xb8;
	[tilespmem:$0x15400] =	vst v63  }
0x1be: {  	s13 =	simm.s32 $0xF80;
	s14 =	simm.s32 $0x10C00  }
0x1bf: {  	[tilespmem:s14], [sflag:$0x1] =	stream.indirect.gather [hbm4b:s5+s7], $0x10, s13, s7, $0xb8;
	[tilespmem:$0x15400] =	vst v63  }
0x1c0: {  	_ =	swait.ge [sflag:s6], $0x800  }
0x1c1: {  	[sflag:s6] =	ssyncset.done $0x0  }
0x1c2: {  	[sflag:s6] =	ssyncadd.s32 $0xFFFFF800  }
0x1c3: {  	_ =	swait.ge [sflag:s6], $0x800  }
0x1c4: {  	[sflag:s6] =	ssyncset.done $0x0  }
0x1c5: {  	[sflag:s6] =	ssyncadd.s32 $0xFFFFF800  }
0x1c6: {  	_ =	swait.ge [sflag:s6], $0x800  }
0x1c7: {  	[sflag:s6] =	ssyncset.done $0x0  }
0x1c8: {  	[sflag:s6] =	ssyncadd.s32 $0xFFFFF800  }
0x1c9: {  	_ =	swait.ge [sflag:s6], $0x800  }
0x1ca: {  	[sflag:s6] =	ssyncset.done $0x0  }
0x1cb: {  	[sflag:s6] =	ssyncadd.s32 $0xFFFFF800  }
0x1cc: {  	_ =	swait.ge [sflag:s6], $0x800  }
0x1cd: {  	[sflag:s6] =	ssyncset.done $0x0  }
0x1ce: {  	[sflag:s6] =	ssyncadd.s32 $0xFFFFF800  }
0x1cf: {  	_ =	swait.ge [sflag:s6], $0x800  }
0x1d0: {  	[sflag:s6] =	ssyncset.done $0x0  }
0x1d1: {  	[sflag:s6] =	ssyncadd.s32 $0xFFFFF800  }
0x1d2: {  	_ =	swait.ge [sflag:s6], $0x800  }
0x1d3: {  	[sflag:s6] =	ssyncset.done $0x0  }
0x1d4: {  	[sflag:s6] =	ssyncadd.s32 $0xFFFFF800  }
0x1d5: {  	_ =	swait.ge [sflag:s6], $0x800  }
0x1d6: {  	[sflag:s6] =	ssyncset.done $0x0  }
0x1d7: {  	s15 =	simm.s32 $0x1000;
	s16 =	simm.s32 $0x11400;
	[sflag:s6] =	ssyncadd.s32 $0xFFFFF800  }
0x1d8: {  	[tilespmem:s16], [sflag:$0x1] =	stream.indirect.gather [hbm4b:s5+s7], $0x10, s15, s7, $0xb8;
	[tilespmem:$0x15400] =	vst v63  }
0x1d9: {  	_ = 	snop  }
0x1da: {  	[tilespmem:s18], [sflag:$0x1] =	stream.indirect.gather [hbm4b:s5+s7], $0x10, s17, s7, $0xb8;
	[tilespmem:$0x15400] =	vst v63  }
0x1db: {  	_ = 	snop  }
0x1dc: {  	[tilespmem:s20], [sflag:$0x1] =	stream.indirect.gather [hbm4b:s5+s7], $0x10, s19, s7, $0xb8;
	[tilespmem:$0x15400] =	vst v63  }
0x1dd: {  	_ = 	snop  }
0x1de: {  	[tilespmem:s22], [sflag:$0x1] =	stream.indirect.gather [hbm4b:s5+s7], $0x10, s21, s7, $0xb8;
	[tilespmem:$0x15400] =	vst v63  }
0x1df: {  	_ = 	snop  }
0x1e0: {  	[tilespmem:s24], [sflag:$0x1] =	stream.indirect.gather [hbm4b:s5+s7], $0x10, s23, s7, $0xb8;
	[tilespmem:$0x15400] =	vst v63  }
0x1e1: {  	_ = 	snop  }
0x1e2: {  	[tilespmem:s26], [sflag:$0x1] =	stream.indirect.gather [hbm4b:s5+s7], $0x10, s25, s7, $0xb8;
	[tilespmem:$0x15400] =	vst v63  }
0x1e3: {  	_ = 	snop  }
0x1e4: {  	[tilespmem:s29], [sflag:$0x1] =	stream.indirect.gather [hbm4b:s5+s7], $0x10, s28, s7, $0xb8;
	[tilespmem:$0x15400] =	vst v63  }
0x1e5: {  	p0 =	sne.s32 s1, $0x1  }
0x1e6: {  	[tilespmem:s31], [sflag:$0x1] =	stream.indirect.gather [hbm4b:s5+s7], $0x10, s30, s7, $0xb8;
	[tilespmem:$0x15400] =	vst v63  }
.Ltmp1:
0x1e7: {  	_ = 	snop;
	(pc) =	sbr.rel @p0 .LBB2_1-.Ltmp1, $4  }
0x1e8: {  	_ =	swait.ge [sflag:s6], $0x800  }
0x1e9: {  	[sflag:s6] =	ssyncset.done $0x0  }
0x1ea: {  	[sflag:s6] =	ssyncadd.s32 $0xFFFFF800  }
0x1eb: {  	s1 =	sadd.s32 $0xFFFFFFFF, s1;
	_ =	swait.ge [sflag:s6], $0x800  }
.LBB2_2:
0x1ec: {  	[sflag:s6] =	ssyncset.done $0x0  }
0x1ed: {  	[sflag:s6] =	ssyncadd.s32 $0xFFFFF800  }
0x1ee: {  	_ =	swait.ge [sflag:s6], $0x800  }
0x1ef: {  	[sflag:s6] =	ssyncset.done $0x0  }
0x1f0: {  	[sflag:s6] =	ssyncadd.s32 $0xFFFFF800  }
0x1f1: {  	_ =	swait.ge [sflag:s6], $0x800  }
0x1f2: {  	[sflag:s6] =	ssyncset.done $0x0  }
0x1f3: {  	[sflag:s6] =	ssyncadd.s32 $0xFFFFF800  }
0x1f4: {  	_ =	swait.ge [sflag:s6], $0x800  }
0x1f5: {  	[sflag:s6] =	ssyncset.done $0x0  }
0x1f6: {  	[sflag:s6] =	ssyncadd.s32 $0xFFFFF800  }
0x1f7: {  	_ =	swait.ge [sflag:s6], $0x800  }
0x1f8: {  	[sflag:s6] =	ssyncset.done $0x0  }
0x1f9: {  	[sflag:s6] =	ssyncadd.s32 $0xFFFFF800  }
0x1fa: {  	_ =	swait.ge [sflag:s6], $0x800  }
0x1fb: {  	[sflag:s6] =	ssyncset.done $0x0  }
0x1fc: {  	[sflag:s6] =	ssyncadd.s32 $0xFFFFF800  }
0x1fd: {  	_ =	swait.ge [sflag:s6], $0x800  }
0x1fe: {  	[sflag:s6] =	ssyncset.done $0x0  }
0x1ff: {  	s0 =	rddreg [dreg:$0x3];
	[sflag:s6] =	ssyncadd.s32 $0xFFFFF800  }
0x200: {  	[hbm4b:s0+s2] =	stream.linear.scatter [tilespmem:s4], [sflag:$0x2], $0x14000, $0x38;
	[tilespmem:$0x15400] =	vst v63  }
0x201: {  	_ =	swait.ge [sflag:s3], $0x14000  }
0x202: {  	[sflag:s3] =	ssyncset.done $0x0  }
0x203: {  	[sflag:s3] =	ssyncadd.s32 $0xFFFEC000  }
0x204: {  	_ =	sfence.sel $0x180000  }
0x205: {  	[bflag:$0x0] =	sbarrier.arrive $0xFFFF  }
0x206: {  	_ =	strace $0x9000004D  }
0x207: {  	s31 =	stileid.u32;
	[bflag:$0x2] =	sbarrier.arrive $0xFFFF  }
0x208: {  	p0 =	sne.s32 s31, $0x0;
	s0 =	rddreg [dreg:$0x1]  }
0x209: {  	s0 =	sadd.s32 @!p0 $0x100000, s0  }
0x20a: {  	[sflag:s0] =	ssyncadd.tile.s32 @!p0 $0x1;
	_ =	shalt  }
.Lfunc_end2:
_tile_overlayer_lowered:
.L_overlay_start_2:
0x20b: {  	(tag) =	ssettag $0x2  }
0x20c: {  	s0 =	rddreg [dreg:$0x0];
	s2 =	stileid.u32  }
0x20d: {  	s1 =	rddreg [dreg:$0x1];
	p0 =	sne.s32 s2, $0x0  }
0x20e: {  	s3 =	rddreg [dreg:$0x2];
	[bflag:$0x3] =	sbarrier.arrive $0xFFFF;
	s2 =	simm.s32 @!p0 $0x1C02  }
0x20f: {  	[timem:s3], [sflag:s2] =	dma.local @!p0 [hbm:s0], s1  }
0x210: {  	s0 =	simm.s32 @!p0 $0x2  }
0x211: {  	_ =	swait.ge @!p0 [sflag:s0], s1  }
0x212: {  	s1 =	ssub.s32 @!p0 $0x0, s1;
	[sflag:s0] =	ssyncset.done @!p0 $0x0  }
0x213: {  	[sflag:s0] =	ssyncadd.s32 @!p0 s1  }
0x214: {  	[bflag:$0x3] =	sbarrier.arrive $0xFFFF  }
0x215: {  	_ =	shalt  }

// kernel: kernel.25.cloned.1.call-start
scs
__scs_entry_jumppad:
0x0: {  	(pc) =	sbr.rel $0x88, $3  }
0x1: {  	(tag) =	ssettag $0x0;
	lr =	simm.s32 $0x1  }
0x2: {  	[smem:$0x3F8C] =	sst lr;
	_ =	strace $0xD0000000  }
0x3: {  	_ = 	snop  }
0x4: {  	_ = 	snop  }
0x5: {  	_ = 	snop  }
0x6: {  	_ = 	snop  }
0x7: {  	_ = 	snop  }
__scs_overlays_trampoline_lowered:
0x8: {  	[smem:$0x3F9B] =	sst s0  }
0x9: {  	[smem:$0x3F9C] =	sst s1  }
0xa: {  	[smem:$0x3F9D] =	sst s2  }
0xb: {  	[smem:$0x3F9E] =	sst s3  }
0xc: {  	[smem:$0x3F9F] =	sst s4  }
0xd: {  	[smem:$0x3FA0] =	sst s5  }
0xe: {  	[smem:$0x3FA1] =	sst s6  }
0xf: {  	[smem:$0x3FA2] =	sst s7  }
0x10: {  	[smem:$0x3FA3] =	sst s8  }
0x11: {  	[smem:$0x3FA4] =	sst s9;
	s0 =	simm.s32 @!p0 $0x0  }
0x12: {  	s1 =	sld [smem:$0x3F8A];
	s0 =	simm.s32 @p0 $0x1  }
0x13: {  	[smem:$0x3FA5] =	sst s0;
	s0 =	simm.s32 @!p1 $0x0  }
0x14: {  	s2 =	sld [smem:$0x3F89];
	s0 =	simm.s32 @p1 $0x1  }
0x15: {  	[smem:$0x3FA6] =	sst s0;
	s0 =	simm.s32 @!p2 $0x0  }
0x16: {  	s3 =	sld [smem:$0x3FDB];
	s0 =	simm.s32 @p2 $0x1  }
0x17: {  	s4 =	simm.s32 $0x1BF5;
	[smem:$0x3FA8] =	sst s0  }
0x18: {  	s0 =	sld [smem:$0x3F8B];
	_ =	swait.ge [sflag:s4], $0x0  }
0x19: {  	s7 =	sld [smem:$0x3F8C]  }
0x1a: {  	s8 =	sadd.s32 $0xFFFFE003, lr  }
0x1b: {  	s9 =	sadd.s32 $0xFFFFFEF7, lr;
	s5 =	simm.s32 $0xFFFFFFFF;
	p2 =	slt.u32 s8, $0xFFFFF086  }
0x1c: {  	p1 =	slt.u32 s9, $0xF7A;
	s5 =	simm.s32 @!p2 $0x0  }
0x1d: {  	s5 =	simm.s32 @p1 $0x1;
	p0 =	seq.s32 s7, s2  }
0x1e: {  	s7 =	smul.u32 @!p0 $0xF7A, s2;
	p2 =	seq.s32 @!p0 s5, $0x0  }
0x1f: {  	s9 =	smul.u32 $0xF7A, s1;
	s8 =	simm.s32 @!p0 $0x1BF5;
	p2 =	por !p2, p0  }
0x20: {  	[sflag:s8] =	ssyncset.s32 @!p0 $0xFFFFF086;
	s6 =	sadd.s32 @!p0 s3, s7;
	s7 =	simm.s32 @!p0 $0x108  }
0x21: {  	s3 =	sadd.s32 s3, s9;
	s6 =	sadd.s32 @!p0 $0x88, s6;
	s7 =	simm.s32 @p2 $0x1082  }
0x22: {  	[simem:s7], [sflag:s8] =	dma.local @!p0 [hbm:s6], $0xF7A  }
0x23: {  	s9 =	sor.u32 $0xD0000000, s2;
	s6 =	simm.s32 $0x108;
	_ =	swait.ge @!p0 [sflag:s8], $0x0  }
0x24: {  	s3 =	sadd.s32 $0x88, s3;
	s6 =	simm.s32 @!p1 $0x1082;
	[sflag:s4] =	ssyncset.s32 $0xFFFFF086  }
0x25: {  	[simem:s6], [sflag:s4] =	dma.local [hbm:s3], $0xF7A  }
0x26: {  	[smem:$0x3F8C] =	sst s1;
	(tag) =	ssettag s2;
	_ =	strace s9  }
0x27: {  	s1 =	sld [smem:$0x3F9C]  }
0x28: {  	s2 =	sld [smem:$0x3F9D]  }
0x29: {  	s4 =	sld [smem:$0x3F9F]  }
0x2a: {  	p0 =	seq.s32 s5, $0x0;
	s5 =	sld [smem:$0x3FA0]  }
0x2b: {  	s6 =	sld [smem:$0x3FA1]  }
0x2c: {  	s7 =	sld [smem:$0x3FA2]  }
0x2d: {  	s3 =	simm.s32 $0x108;
	s8 =	sld [smem:$0x3FA3]  }
0x2e: {  	s3 =	simm.s32 @!p0 $0x1082;
	s9 =	sld [smem:$0x3FA4]  }
0x2f: {  	lr =	sadd.s32 s0, s3;
	s0 =	sld [smem:$0x3F9B]  }
0x30: {  	s3 =	sld [smem:$0x3F9E]  }
0x31: {  	[smem:$0x3FA7] =	sst s10  }
0x32: {  	s10 =	sld [smem:$0x3FA5];
	_ =	sdelay $0x3  }
0x33: {  	p0 =	seq.s32 s10, $0x1;
	s10 =	sld [smem:$0x3FA7];
	_ =	sdelay $0x3  }
0x34: {  	[smem:$0x3FA7] =	sst s10  }
0x35: {  	s10 =	sld [smem:$0x3FA6];
	_ =	sdelay $0x3  }
0x36: {  	p1 =	seq.s32 s10, $0x1;
	s10 =	sld [smem:$0x3FA7];
	_ =	sdelay $0x3  }
0x37: {  	[smem:$0x3FA7] =	sst s10  }
0x38: {  	s10 =	sld [smem:$0x3FA8]  }
0x39: {  	_ = 	snop;
	(pc) =	sbr.ind lr, $3  }
0x3a: {  	_ = 	snop  }
0x3b: {  	_ = 	snop  }
0x3c: {  	p2 =	seq.s32 s10, $0x1;
	s10 =	sld [smem:$0x3FA7]  }
0x3d: {  	_ =	shalt  }
0x3e: {  	_ =	shalt  }
0x3f: {  	_ =	shalt  }
0x40: {  	_ =	shalt  }
0x41: {  	_ =	shalt  }
0x42: {  	_ =	shalt  }
0x43: {  	_ =	shalt  }
0x44: {  	_ =	shalt  }
0x45: {  	_ =	shalt  }
0x46: {  	_ =	shalt  }
0x47: {  	_ =	shalt  }
0x48: {  	_ =	shalt  }
0x49: {  	_ =	shalt  }
0x4a: {  	_ =	shalt  }
0x4b: {  	_ =	shalt  }
0x4c: {  	_ =	shalt  }
0x4d: {  	_ =	shalt  }
0x4e: {  	_ =	shalt  }
0x4f: {  	_ =	shalt  }
0x50: {  	_ =	shalt  }
0x51: {  	_ =	shalt  }
0x52: {  	_ =	shalt  }
0x53: {  	_ =	shalt  }
0x54: {  	_ =	shalt  }
0x55: {  	_ =	shalt  }
0x56: {  	_ =	shalt  }
0x57: {  	_ =	shalt  }
0x58: {  	_ =	shalt  }
0x59: {  	_ =	shalt  }
0x5a: {  	_ =	shalt  }
0x5b: {  	_ =	shalt  }
0x5c: {  	_ =	shalt  }
0x5d: {  	_ =	shalt  }
0x5e: {  	_ =	shalt  }
0x5f: {  	_ =	shalt  }
0x60: {  	_ =	shalt  }
0x61: {  	_ =	shalt  }
0x62: {  	_ =	shalt  }
0x63: {  	_ =	shalt  }
0x64: {  	_ =	shalt  }
0x65: {  	_ =	shalt  }
0x66: {  	_ =	shalt  }
0x67: {  	_ =	shalt  }
0x68: {  	_ =	shalt  }
0x69: {  	_ =	shalt  }
0x6a: {  	_ =	shalt  }
0x6b: {  	_ =	shalt  }
0x6c: {  	_ =	shalt  }
0x6d: {  	_ =	shalt  }
0x6e: {  	_ =	shalt  }
0x6f: {  	_ =	shalt  }
0x70: {  	_ =	shalt  }
0x71: {  	_ =	shalt  }
0x72: {  	_ =	shalt  }
0x73: {  	_ =	shalt  }
0x74: {  	_ =	shalt  }
0x75: {  	_ =	shalt  }
0x76: {  	_ =	shalt  }
0x77: {  	_ =	shalt  }
0x78: {  	_ =	shalt  }
0x79: {  	_ =	shalt  }
0x7a: {  	_ =	shalt  }
0x7b: {  	_ =	shalt  }
0x7c: {  	_ =	shalt  }
0x7d: {  	_ =	shalt  }
0x7e: {  	_ =	shalt  }
0x7f: {  	_ =	shalt  }
0x80: {  	_ =	shalt  }
0x81: {  	_ =	shalt  }
0x82: {  	_ =	shalt  }
0x83: {  	_ =	shalt  }
0x84: {  	_ =	shalt  }
0x85: {  	_ =	shalt  }
0x86: {  	_ =	shalt  }
0x87: {  	_ =	shalt  }
.Lfunc_end0:
.L_simem_size_0:
called_computation.3_lowered:
.L_overlay_start_0:
0x88: {  	s2 =	sld [smem:$0x3FD9]  }
0x89: {  	s3 =	sld [smem:$0x3FFE];
	_ =	sdelay $0x1  }
0x8a: {  	s1 =	srdreg.scid  }
0x8b: {  	s0 =	sand.u32 $0x1, s1  }
0x8c: {  	s16 =	sshll.u32 s0, $0xA;
	s2 =	sadd.s32 s3, s2  }
0x8d: {  	s2 =	sadd.s32 s2, s16  }
0x8e: {  	[smem:$0x3FB3] =	sst s2  }
0x8f: {  	_ = 	snop  }
0x90: {  	(tm) =	ssettm $0x1  }
0x91: {  	s17 =	sld [smem:$0x3FFB];
	_ =	sdelay $0x3  }
0x92: {  	_ =	strace s17  }
0x93: {  	s2 =	sld [smem:$0x3FFC];
	_ =	sdelay $0x3  }
0x94: {  	_ =	strace s2  }
0x95: {  	s2 =	sld [smem:$0x3FFD];
	_ =	sdelay $0x3  }
0x96: {  	_ =	strace s2  }
0x97: {  	_ =	strace $0x8FFFFFFF  }
0x98: {  	s18 =	sld [smem:$0x3FDB];
	_ =	sdelay $0x1  }
0x99: {  	s19 =	simm.s32 $_scs_section_size  }
0x9a: {  	s4 =	simm.s32 $_size__tile_overlayer_lowered;
	s5 =	simm.s32 $_tile_overlayer_lowered  }
0x9b: {  	s22 =	simm.s32 $0x1BFF;
	s21 =	sshll.u32 s5, $0x1;
	s2 =	sadd.s32 s19, s18  }
0x9c: {  	s6 =	simm.s32 $0x0;
	s20 =	sshll.u32 s4, $0x1;
	s4 =	sadd.s32 s21, s2  }
0x9d: {  	[timem:s6], [sflag:s22] =	dma.local [hbm:s4], s20  }
0x9e: {  	_ =	swait.ge [sflag:s22], s20  }
0x9f: {  	s3 =	ssub.s32 $0x0, s20;
	[sflag:s22] =	ssyncset.done $0x0  }
0xa0: {  	[sflag:s22] =	ssyncadd.s32 s3;
	_ =	sdelay $0x1  }
0xa1: {  	s23 =	simm.s32 $0x1B8B  }
0xa2: {  	_ =	swait.ge [sflag:s23], $0x1  }
0xa3: {  	[sflag:s23] =	ssyncset.done $0x0  }
0xa4: {  	s25 =	simm.s32 $0x1B8E;
	s24 =	sld [smem:$0x3FFE];
	[sflag:s23] =	ssyncadd.s32 $0xFFFFFFFF  }
0xa5: {  	s26 =	simm.s32 $execute0_lowered;
	[smem:$0x3FD2] =	sst s25  }
0xa6: {  	s4 =	sshll.u32 s26, $0x1;
	_ =	strace $0x8000004F;
	[dreg:$0x1] =	wrdreg $0xFFFFFFFF  }
0xa7: {  	s28 =	simm.s32 $_size_execute0_lowered;
	s2 =	sadd.s32 s2, s4;
	[dreg:$0x0] =	wrdreg $0x0  }
0xa8: {  	s4 =	sshll.u32 s28, $0x1;
	[dreg:$0x2] =	wrdreg s2  }
0xa9: {  	[dreg:$0x3] =	wrdreg s4  }
0xaa: {  	[dreg:$0x4] =	wrdreg $0xC0  }
0xab: {  	_ =	task [dreg:s6], $0x5FFFF  }
0xac: {  	[dreg:$0x1] =	wrdreg $0xFFFFFFFF  }
0xad: {  	[dreg:$0x0] =	wrdreg $0x60  }
0xae: {  	[dreg:$0x2] =	wrdreg s24  }
0xaf: {  	[dreg:$0x3] =	wrdreg $0x17B200  }
0xb0: {  	[dreg:$0x4] =	wrdreg $0x9  }
0xb1: {  	_ =	task.clear_ibuf [dreg:s6], $0x5FFFF;
	_ =	strace $0x9000004F  }
0xb2: {  	s29 =	simm.s32 $0x9;
	_ =	strace $0x80000051  }
0xb3: {  	_ =	swait.ge [sflag:s29], $0x1  }
0xb4: {  	[sflag:s29] =	ssyncadd.s32 $0xFFFFFFFF  }
0xb5: {  	_ =	strace $0x90000051  }
0xb6: {  	_ =	sfence  }
0xb7: {  	s30 =	sld [smem:$0x0];
	_ =	sdelay $0x2  }
0xb8: {  	s31 =	sshll.u32 s1, $0xD;
	s1 =	sshrl.u32 s1, $0x2  }
0xb9: {  	s3 =	sand.u32 $0x4000, s31;
	s1 =	sadd.s32 s1, s30  }
0xba: {  	s0 =	sor.u32 s3, s0;
	s1 =	sshll.u32 s1, $0x11  }
0xbb: {  	s0 =	sor.u32 s1, s0  }
0xbc: {  	s0 =	sadd.s32 $0x8F2B, s0  }
0xbd: {  	[sflag:s0] =	ssyncadd.remote.s32 $0x1  }
0xbe: {  	_ =	sfence.sel $0xFFFF  }
0xbf: {  	[dreg:$0x0] =	wrdreg $0xFFFFFFFF;
	(pc) =	sbr.abs _section_cstart, $3  }
0xc0: {  	[dreg:$0x1] =	wrdreg $0xFFFFFFFF  }
0xc1: {  	_ =	task.clear_ibuf [dreg:s6], $0x2FFFF;
	_ =	strace $0x9FFFFFFF  }
0xc2: {  	(tm) =	ssettm $0x7FFFFFFF  }
0xc3: {  	_ =	shalt  }
tec
execute0_lowered:
.L_overlay_start_1:
0x0: {  	(tag) =	ssettag $0x1  }
0x1: {  	s0 =	srdreg.scid;
	s4 =	rddreg [dreg:$0x0]  }
0x2: {  	s6 =	stileid.u32;
	s2 =	rddreg [dreg:$0x1]  }
0x3: {  	s3 =	simm.s32 $0x0;
	s10 =	simm.s32 $0x2;
	s11 =	simm.s32 $0x1400  }
0x4: {  	s12 =	simm.s32 $0x80;
	s13 =	simm.s32 $0x10C00;
	s14 =	simm.s32 $0x1000  }
0x5: {  	s15 =	simm.s32 $0x11400;
	s16 =	simm.s32 $0x1080;
	s17 =	simm.s32 $0x11C00  }
0x6: {  	s18 =	simm.s32 $0x1100;
	s19 =	simm.s32 $0x12400;
	s20 =	simm.s32 $0x1180  }
0x7: {  	s21 =	simm.s32 $0x12C00;
	s22 =	simm.s32 $0x1200;
	s23 =	simm.s32 $0x13400  }
0x8: {  	s24 =	simm.s32 $0x1280;
	s28 =	simm.s32 $0x1300;
	s29 =	simm.s32 $0x14400  }
0x9: {  	s30 =	simm.s32 $0x1380;
	s31 =	simm.s32 $0x14C00;
	s0 =	sand.u32 $0x1, s0  }
0xa: {  	s1 =	sshll.u32 s6, $0x1;
	s6 =	smul.u32 $0x2720, s6;
	[smem:$0x7FF] =	sst s3  }
0xb: {  	s1 =	sor.u32 s0, s1;
	s7 =	smul.u32 $0x27200, s0;
	s0 =	ssub.s32 $0x2, s0  }
0xc: {  	_ =	strace $0x80000050;
	s5 =	smul.u32 $0x2800, s1;
	s26 =	sshrl.u32 s0, $0x1  }
0xd: {  	s1 =	smul.u32 $0x280, s1;
	s25 =	sadd.s32 s6, s7;
	s0 =	ssub.s32 s0, s26  }
0xe: {  	s26 =	simm.s32 $0x1;
	s8 =	sadd.s32 s5, s4;
	s5 =	sshrl.u32 s25, $0x3  }
0xf: {  	s1 =	sadd.s32 s1, s4;
	s25 =	simm.s32 $0x13C00;
	s9 =	sadd.s32 s5, s4  }
0x10: {  	s4 =	sadd.s32 s6, s2;
	s5 =	sadd.s32 $0x1BEC00, s1;
	s6 =	sadd.s32 $0x36400, s8  }
0x11: {  	v0 =	vimm.f32 $0.0e+00;
	s8 =	smax.u32 s0, $0x1;
	s1 =	simm.s32 $0x0;
	s7 =	sadd.s32 $0x86400, s9  }
.LBB2_1:
0x12: {  	s0 =	simm.s32 $0x40;
	s9 =	simm.s32 $0x0  }
.LBB2_2:
0x13: {  	p0 =	sne.s32 s0, $0x9C40;
	[tilespmem:s9+$0x15400] =	vst v0;
	s9 =	smov.u32 s0;
	s0 =	sadd.s32 $0x40, s0  }
.Ltmp0:
0x14: {  	(pc) =	sbr.rel @p0 .LBB2_2-.Ltmp0, $2  }
0x15: {  	_ =	sdelay $0x2  }
0x16: {  	s9 =	sshra.s32 s9, $0x2  }
0x17: {  	[tilespmem:s9+$0x15400] =	vst v0;
	s0 =	simm.s32 $0x15400  }
0x18: {  	[spmem:s4] =	stream.linear.scatter [tilespmem:s0], [sflag:$0x2], $0x2720, $0x38;
	[tilespmem:$0x1A240] =	vst v63  }
0x19: {  	_ =	swait.ge [sflag:s10], $0x2720  }
0x1a: {  	[sflag:s10] =	ssyncset.done $0x0  }
0x1b: {  	[sflag:s10] =	ssyncadd.s32 $0xFFFFD8E0  }
0x1c: {  	[bflag:$0x0] =	sbarrier.arrive $0xFFFF  }
0x1d: {  	[tilespmem:s3], [sflag:$0x2] =	stream.linear.gather [hbm4b:s5+s3], $0x1400, $0x38;
	[tilespmem:$0x1A240] =	vst v63  }
0x1e: {  	_ =	swait.ge [sflag:s10], $0x1400  }
0x1f: {  	[sflag:s10] =	ssyncset.done $0x0  }
0x20: {  	[sflag:s10] =	ssyncadd.s32 $0xFFFFEC00  }
0x21: {  	[tilespmem:s11], [sflag:$0x2] =	stream.linear.gather [hbm4b:s6+s3], $0x14000, $0x38;
	[tilespmem:$0x1A240] =	vst v63  }
0x22: {  	_ =	swait.ge [sflag:s10], $0x14000  }
0x23: {  	[sflag:s10] =	ssyncset.done $0x0  }
0x24: {  	[sflag:s10] =	ssyncadd.s32 $0xFFFEC000  }
0x25: {  	[spmem:s2] =	stream.indirect.scatter.add.f32 [tilespmem:s11], [sflag:$0x1], $0x10, s3, s12, $0xb8;
	[tilespmem:$0x1A240] =	vst v63  }
0x26: {  	s9 =	simm.s32 $0x1C00  }
0x27: {  	[spmem:s2] =	stream.indirect.scatter.add.f32 [tilespmem:s9], [sflag:$0x1], $0x10, s12, s12, $0xb8;
	[tilespmem:$0x1A240] =	vst v63  }
0x28: {  	s0 =	simm.s32 $0x100;
	s9 =	simm.s32 $0x2400  }
0x29: {  	[spmem:s2] =	stream.indirect.scatter.add.f32 [tilespmem:s9], [sflag:$0x1], $0x10, s0, s12, $0xb8;
	[tilespmem:$0x1A240] =	vst v63  }
0x2a: {  	s0 =	simm.s32 $0x180;
	s9 =	simm.s32 $0x2C00  }
0x2b: {  	[spmem:s2] =	stream.indirect.scatter.add.f32 [tilespmem:s9], [sflag:$0x1], $0x10, s0, s12, $0xb8;
	[tilespmem:$0x1A240] =	vst v63  }
0x2c: {  	s0 =	simm.s32 $0x200;
	s9 =	simm.s32 $0x3400  }
0x2d: {  	[spmem:s2] =	stream.indirect.scatter.add.f32 [tilespmem:s9], [sflag:$0x1], $0x10, s0, s12, $0xb8;
	[tilespmem:$0x1A240] =	vst v63  }
0x2e: {  	s0 =	simm.s32 $0x280;
	s9 =	simm.s32 $0x3C00  }
0x2f: {  	[spmem:s2] =	stream.indirect.scatter.add.f32 [tilespmem:s9], [sflag:$0x1], $0x10, s0, s12, $0xb8;
	[tilespmem:$0x1A240] =	vst v63  }
0x30: {  	s0 =	simm.s32 $0x300;
	s9 =	simm.s32 $0x4400  }
0x31: {  	[spmem:s2] =	stream.indirect.scatter.add.f32 [tilespmem:s9], [sflag:$0x1], $0x10, s0, s12, $0xb8;
	[tilespmem:$0x1A240] =	vst v63  }
0x32: {  	s0 =	simm.s32 $0x380;
	s9 =	simm.s32 $0x4C00  }
0x33: {  	[spmem:s2] =	stream.indirect.scatter.add.f32 [tilespmem:s9], [sflag:$0x1], $0x10, s0, s12, $0xb8;
	[tilespmem:$0x1A240] =	vst v63  }
0x34: {  	_ =	swait.ge [sflag:s26], $0x800  }
0x35: {  	[sflag:s26] =	ssyncset.done $0x0  }
0x36: {  	[sflag:s26] =	ssyncadd.s32 $0xFFFFF800  }
0x37: {  	_ =	swait.ge [sflag:s26], $0x800  }
0x38: {  	[sflag:s26] =	ssyncset.done $0x0  }
0x39: {  	[sflag:s26] =	ssyncadd.s32 $0xFFFFF800  }
0x3a: {  	_ =	swait.ge [sflag:s26], $0x800  }
0x3b: {  	[sflag:s26] =	ssyncset.done $0x0  }
0x3c: {  	[sflag:s26] =	ssyncadd.s32 $0xFFFFF800  }
0x3d: {  	_ =	swait.ge [sflag:s26], $0x800  }
0x3e: {  	[sflag:s26] =	ssyncset.done $0x0  }
0x3f: {  	[sflag:s26] =	ssyncadd.s32 $0xFFFFF800  }
0x40: {  	_ =	swait.ge [sflag:s26], $0x800  }
0x41: {  	[sflag:s26] =	ssyncset.done $0x0  }
0x42: {  	[sflag:s26] =	ssyncadd.s32 $0xFFFFF800  }
0x43: {  	_ =	swait.ge [sflag:s26], $0x800  }
0x44: {  	[sflag:s26] =	ssyncset.done $0x0  }
0x45: {  	[sflag:s26] =	ssyncadd.s32 $0xFFFFF800  }
0x46: {  	_ =	swait.ge [sflag:s26], $0x800  }
0x47: {  	[sflag:s26] =	ssyncset.done $0x0  }
0x48: {  	[sflag:s26] =	ssyncadd.s32 $0xFFFFF800  }
0x49: {  	_ =	swait.ge [sflag:s26], $0x800  }
0x4a: {  	[sflag:s26] =	ssyncset.done $0x0  }
0x4b: {  	s0 =	simm.s32 $0x400;
	s9 =	simm.s32 $0x5400;
	[sflag:s26] =	ssyncadd.s32 $0xFFFFF800  }
0x4c: {  	[spmem:s2] =	stream.indirect.scatter.add.f32 [tilespmem:s9], [sflag:$0x1], $0x10, s0, s12, $0xb8;
	[tilespmem:$0x1A240] =	vst v63  }
0x4d: {  	s0 =	simm.s32 $0x480;
	s9 =	simm.s32 $0x5C00  }
0x4e: {  	[spmem:s2] =	stream.indirect.scatter.add.f32 [tilespmem:s9], [sflag:$0x1], $0x10, s0, s12, $0xb8;
	[tilespmem:$0x1A240] =	vst v63  }
0x4f: {  	s0 =	simm.s32 $0x500;
	s9 =	simm.s32 $0x6400  }
0x50: {  	[spmem:s2] =	stream.indirect.scatter.add.f32 [tilespmem:s9], [sflag:$0x1], $0x10, s0, s12, $0xb8;
	[tilespmem:$0x1A240] =	vst v63  }
0x51: {  	s0 =	simm.s32 $0x580;
	s9 =	simm.s32 $0x6C00  }
0x52: {  	[spmem:s2] =	stream.indirect.scatter.add.f32 [tilespmem:s9], [sflag:$0x1], $0x10, s0, s12, $0xb8;
	[tilespmem:$0x1A240] =	vst v63  }
0x53: {  	s0 =	simm.s32 $0x600;
	s9 =	simm.s32 $0x7400  }
0x54: {  	[spmem:s2] =	stream.indirect.scatter.add.f32 [tilespmem:s9], [sflag:$0x1], $0x10, s0, s12, $0xb8;
	[tilespmem:$0x1A240] =	vst v63  }
0x55: {  	s0 =	simm.s32 $0x680;
	s9 =	simm.s32 $0x7C00  }
0x56: {  	[spmem:s2] =	stream.indirect.scatter.add.f32 [tilespmem:s9], [sflag:$0x1], $0x10, s0, s12, $0xb8;
	[tilespmem:$0x1A240] =	vst v63  }
0x57: {  	s0 =	simm.s32 $0x700;
	s9 =	simm.s32 $0x8400  }
0x58: {  	[spmem:s2] =	stream.indirect.scatter.add.f32 [tilespmem:s9], [sflag:$0x1], $0x10, s0, s12, $0xb8;
	[tilespmem:$0x1A240] =	vst v63  }
0x59: {  	s0 =	simm.s32 $0x780;
	s9 =	simm.s32 $0x8C00  }
0x5a: {  	[spmem:s2] =	stream.indirect.scatter.add.f32 [tilespmem:s9], [sflag:$0x1], $0x10, s0, s12, $0xb8;
	[tilespmem:$0x1A240] =	vst v63  }
0x5b: {  	_ =	swait.ge [sflag:s26], $0x800  }
0x5c: {  	[sflag:s26] =	ssyncset.done $0x0  }
0x5d: {  	[sflag:s26] =	ssyncadd.s32 $0xFFFFF800  }
0x5e: {  	_ =	swait.ge [sflag:s26], $0x800  }
0x5f: {  	[sflag:s26] =	ssyncset.done $0x0  }
0x60: {  	[sflag:s26] =	ssyncadd.s32 $0xFFFFF800  }
0x61: {  	_ =	swait.ge [sflag:s26], $0x800  }
0x62: {  	[sflag:s26] =	ssyncset.done $0x0  }
0x63: {  	[sflag:s26] =	ssyncadd.s32 $0xFFFFF800  }
0x64: {  	_ =	swait.ge [sflag:s26], $0x800  }
0x65: {  	[sflag:s26] =	ssyncset.done $0x0  }
0x66: {  	[sflag:s26] =	ssyncadd.s32 $0xFFFFF800  }
0x67: {  	_ =	swait.ge [sflag:s26], $0x800  }
0x68: {  	[sflag:s26] =	ssyncset.done $0x0  }
0x69: {  	[sflag:s26] =	ssyncadd.s32 $0xFFFFF800  }
0x6a: {  	_ =	swait.ge [sflag:s26], $0x800  }
0x6b: {  	[sflag:s26] =	ssyncset.done $0x0  }
0x6c: {  	[sflag:s26] =	ssyncadd.s32 $0xFFFFF800  }
0x6d: {  	_ =	swait.ge [sflag:s26], $0x800  }
0x6e: {  	[sflag:s26] =	ssyncset.done $0x0  }
0x6f: {  	[sflag:s26] =	ssyncadd.s32 $0xFFFFF800  }
0x70: {  	_ =	swait.ge [sflag:s26], $0x800  }
0x71: {  	[sflag:s26] =	ssyncset.done $0x0  }
0x72: {  	s0 =	simm.s32 $0x800;
	s9 =	simm.s32 $0x9400;
	[sflag:s26] =	ssyncadd.s32 $0xFFFFF800  }
0x73: {  	[spmem:s2] =	stream.indirect.scatter.add.f32 [tilespmem:s9], [sflag:$0x1], $0x10, s0, s12, $0xb8;
	[tilespmem:$0x1A240] =	vst v63  }
0x74: {  	s0 =	simm.s32 $0x880;
	s9 =	simm.s32 $0x9C00  }
0x75: {  	[spmem:s2] =	stream.indirect.scatter.add.f32 [tilespmem:s9], [sflag:$0x1], $0x10, s0, s12, $0xb8;
	[tilespmem:$0x1A240] =	vst v63  }
0x76: {  	s0 =	simm.s32 $0x900;
	s9 =	simm.s32 $0xA400  }
0x77: {  	[spmem:s2] =	stream.indirect.scatter.add.f32 [tilespmem:s9], [sflag:$0x1], $0x10, s0, s12, $0xb8;
	[tilespmem:$0x1A240] =	vst v63  }
0x78: {  	s0 =	simm.s32 $0x980;
	s9 =	simm.s32 $0xAC00  }
0x79: {  	[spmem:s2] =	stream.indirect.scatter.add.f32 [tilespmem:s9], [sflag:$0x1], $0x10, s0, s12, $0xb8;
	[tilespmem:$0x1A240] =	vst v63  }
0x7a: {  	s0 =	simm.s32 $0xA00;
	s9 =	simm.s32 $0xB400  }
0x7b: {  	[spmem:s2] =	stream.indirect.scatter.add.f32 [tilespmem:s9], [sflag:$0x1], $0x10, s0, s12, $0xb8;
	[tilespmem:$0x1A240] =	vst v63  }
0x7c: {  	s0 =	simm.s32 $0xA80;
	s9 =	simm.s32 $0xBC00  }
0x7d: {  	[spmem:s2] =	stream.indirect.scatter.add.f32 [tilespmem:s9], [sflag:$0x1], $0x10, s0, s12, $0xb8;
	[tilespmem:$0x1A240] =	vst v63  }
0x7e: {  	s0 =	simm.s32 $0xB00;
	s9 =	simm.s32 $0xC400  }
0x7f: {  	[spmem:s2] =	stream.indirect.scatter.add.f32 [tilespmem:s9], [sflag:$0x1], $0x10, s0, s12, $0xb8;
	[tilespmem:$0x1A240] =	vst v63  }
0x80: {  	s0 =	simm.s32 $0xB80;
	s9 =	simm.s32 $0xCC00  }
0x81: {  	[spmem:s2] =	stream.indirect.scatter.add.f32 [tilespmem:s9], [sflag:$0x1], $0x10, s0, s12, $0xb8;
	[tilespmem:$0x1A240] =	vst v63  }
0x82: {  	_ =	swait.ge [sflag:s26], $0x800  }
0x83: {  	[sflag:s26] =	ssyncset.done $0x0  }
0x84: {  	[sflag:s26] =	ssyncadd.s32 $0xFFFFF800  }
0x85: {  	_ =	swait.ge [sflag:s26], $0x800  }
0x86: {  	[sflag:s26] =	ssyncset.done $0x0  }
0x87: {  	[sflag:s26] =	ssyncadd.s32 $0xFFFFF800  }
0x88: {  	_ =	swait.ge [sflag:s26], $0x800  }
0x89: {  	[sflag:s26] =	ssyncset.done $0x0  }
0x8a: {  	[sflag:s26] =	ssyncadd.s32 $0xFFFFF800  }
0x8b: {  	_ =	swait.ge [sflag:s26], $0x800  }
0x8c: {  	[sflag:s26] =	ssyncset.done $0x0  }
0x8d: {  	[sflag:s26] =	ssyncadd.s32 $0xFFFFF800  }
0x8e: {  	_ =	swait.ge [sflag:s26], $0x800  }
0x8f: {  	[sflag:s26] =	ssyncset.done $0x0  }
0x90: {  	[sflag:s26] =	ssyncadd.s32 $0xFFFFF800  }
0x91: {  	_ =	swait.ge [sflag:s26], $0x800  }
0x92: {  	[sflag:s26] =	ssyncset.done $0x0  }
0x93: {  	[sflag:s26] =	ssyncadd.s32 $0xFFFFF800  }
0x94: {  	_ =	swait.ge [sflag:s26], $0x800  }
0x95: {  	[sflag:s26] =	ssyncset.done $0x0  }
0x96: {  	[sflag:s26] =	ssyncadd.s32 $0xFFFFF800  }
0x97: {  	_ =	swait.ge [sflag:s26], $0x800  }
0x98: {  	[sflag:s26] =	ssyncset.done $0x0  }
0x99: {  	s0 =	simm.s32 $0xC00;
	s9 =	simm.s32 $0xD400;
	[sflag:s26] =	ssyncadd.s32 $0xFFFFF800  }
0x9a: {  	[spmem:s2] =	stream.indirect.scatter.add.f32 [tilespmem:s9], [sflag:$0x1], $0x10, s0, s12, $0xb8;
	[tilespmem:$0x1A240] =	vst v63  }
0x9b: {  	s0 =	simm.s32 $0xC80;
	s9 =	simm.s32 $0xDC00  }
0x9c: {  	[spmem:s2] =	stream.indirect.scatter.add.f32 [tilespmem:s9], [sflag:$0x1], $0x10, s0, s12, $0xb8;
	[tilespmem:$0x1A240] =	vst v63  }
0x9d: {  	s0 =	simm.s32 $0xD00;
	s9 =	simm.s32 $0xE400  }
0x9e: {  	[spmem:s2] =	stream.indirect.scatter.add.f32 [tilespmem:s9], [sflag:$0x1], $0x10, s0, s12, $0xb8;
	[tilespmem:$0x1A240] =	vst v63  }
0x9f: {  	s0 =	simm.s32 $0xD80;
	s9 =	simm.s32 $0xEC00  }
0xa0: {  	[spmem:s2] =	stream.indirect.scatter.add.f32 [tilespmem:s9], [sflag:$0x1], $0x10, s0, s12, $0xb8;
	[tilespmem:$0x1A240] =	vst v63  }
0xa1: {  	s0 =	simm.s32 $0xE00;
	s9 =	simm.s32 $0xF400  }
0xa2: {  	[spmem:s2] =	stream.indirect.scatter.add.f32 [tilespmem:s9], [sflag:$0x1], $0x10, s0, s12, $0xb8;
	[tilespmem:$0x1A240] =	vst v63  }
0xa3: {  	s0 =	simm.s32 $0xE80;
	s9 =	simm.s32 $0xFC00  }
0xa4: {  	[spmem:s2] =	stream.indirect.scatter.add.f32 [tilespmem:s9], [sflag:$0x1], $0x10, s0, s12, $0xb8;
	[tilespmem:$0x1A240] =	vst v63  }
0xa5: {  	s0 =	simm.s32 $0xF00;
	s9 =	simm.s32 $0x10400  }
0xa6: {  	[spmem:s2] =	stream.indirect.scatter.add.f32 [tilespmem:s9], [sflag:$0x1], $0x10, s0, s12, $0xb8;
	[tilespmem:$0x1A240] =	vst v63  }
0xa7: {  	s9 =	simm.s32 $0xF80  }
0xa8: {  	[spmem:s2] =	stream.indirect.scatter.add.f32 [tilespmem:s13], [sflag:$0x1], $0x10, s9, s12, $0xb8;
	[tilespmem:$0x1A240] =	vst v63  }
0xa9: {  	_ =	swait.ge [sflag:s26], $0x800  }
0xaa: {  	[sflag:s26] =	ssyncset.done $0x0  }
0xab: {  	[sflag:s26] =	ssyncadd.s32 $0xFFFFF800  }
0xac: {  	_ =	swait.ge [sflag:s26], $0x800  }
0xad: {  	[sflag:s26] =	ssyncset.done $0x0  }
0xae: {  	[sflag:s26] =	ssyncadd.s32 $0xFFFFF800  }
0xaf: {  	_ =	swait.ge [sflag:s26], $0x800  }
0xb0: {  	[sflag:s26] =	ssyncset.done $0x0  }
0xb1: {  	[sflag:s26] =	ssyncadd.s32 $0xFFFFF800  }
0xb2: {  	_ =	swait.ge [sflag:s26], $0x800  }
0xb3: {  	[sflag:s26] =	ssyncset.done $0x0  }
0xb4: {  	[sflag:s26] =	ssyncadd.s32 $0xFFFFF800  }
0xb5: {  	_ =	swait.ge [sflag:s26], $0x800  }
0xb6: {  	[sflag:s26] =	ssyncset.done $0x0  }
0xb7: {  	[sflag:s26] =	ssyncadd.s32 $0xFFFFF800  }
0xb8: {  	_ =	swait.ge [sflag:s26], $0x800  }
0xb9: {  	[sflag:s26] =	ssyncset.done $0x0  }
0xba: {  	[sflag:s26] =	ssyncadd.s32 $0xFFFFF800  }
0xbb: {  	_ =	swait.ge [sflag:s26], $0x800  }
0xbc: {  	[sflag:s26] =	ssyncset.done $0x0  }
0xbd: {  	[sflag:s26] =	ssyncadd.s32 $0xFFFFF800  }
0xbe: {  	_ =	swait.ge [sflag:s26], $0x800  }
0xbf: {  	[sflag:s26] =	ssyncset.done $0x0  }
0xc0: {  	[sflag:s26] =	ssyncadd.s32 $0xFFFFF800  }
0xc1: {  	[spmem:s2] =	stream.indirect.scatter.add.f32 [tilespmem:s15], [sflag:$0x1], $0x10, s14, s12, $0xb8;
	[tilespmem:$0x1A240] =	vst v63  }
0xc2: {  	_ = 	snop  }
0xc3: {  	[spmem:s2] =	stream.indirect.scatter.add.f32 [tilespmem:s17], [sflag:$0x1], $0x10, s16, s12, $0xb8;
	[tilespmem:$0x1A240] =	vst v63  }
0xc4: {  	_ = 	snop  }
0xc5: {  	[spmem:s2] =	stream.indirect.scatter.add.f32 [tilespmem:s19], [sflag:$0x1], $0x10, s18, s12, $0xb8;
	[tilespmem:$0x1A240] =	vst v63  }
0xc6: {  	_ = 	snop  }
0xc7: {  	[spmem:s2] =	stream.indirect.scatter.add.f32 [tilespmem:s21], [sflag:$0x1], $0x10, s20, s12, $0xb8;
	[tilespmem:$0x1A240] =	vst v63  }
0xc8: {  	_ = 	snop  }
0xc9: {  	[spmem:s2] =	stream.indirect.scatter.add.f32 [tilespmem:s23], [sflag:$0x1], $0x10, s22, s12, $0xb8;
	[tilespmem:$0x1A240] =	vst v63  }
0xca: {  	_ = 	snop  }
0xcb: {  	[spmem:s2] =	stream.indirect.scatter.add.f32 [tilespmem:s25], [sflag:$0x1], $0x10, s24, s12, $0xb8;
	[tilespmem:$0x1A240] =	vst v63  }
0xcc: {  	_ = 	snop  }
0xcd: {  	[spmem:s2] =	stream.indirect.scatter.add.f32 [tilespmem:s29], [sflag:$0x1], $0x10, s28, s12, $0xb8;
	[tilespmem:$0x1A240] =	vst v63  }
0xce: {  	_ = 	snop  }
0xcf: {  	[spmem:s2] =	stream.indirect.scatter.add.f32 [tilespmem:s31], [sflag:$0x1], $0x10, s30, s12, $0xb8;
	[tilespmem:$0x1A240] =	vst v63  }
0xd0: {  	_ =	swait.ge [sflag:s26], $0x800  }
0xd1: {  	[sflag:s26] =	ssyncset.done $0x0  }
0xd2: {  	[sflag:s26] =	ssyncadd.s32 $0xFFFFF800  }
0xd3: {  	_ =	swait.ge [sflag:s26], $0x800  }
0xd4: {  	[sflag:s26] =	ssyncset.done $0x0  }
0xd5: {  	[sflag:s26] =	ssyncadd.s32 $0xFFFFF800  }
0xd6: {  	_ =	swait.ge [sflag:s26], $0x800  }
0xd7: {  	[sflag:s26] =	ssyncset.done $0x0  }
0xd8: {  	[sflag:s26] =	ssyncadd.s32 $0xFFFFF800  }
0xd9: {  	_ =	swait.ge [sflag:s26], $0x800  }
0xda: {  	[sflag:s26] =	ssyncset.done $0x0  }
0xdb: {  	[sflag:s26] =	ssyncadd.s32 $0xFFFFF800  }
0xdc: {  	_ =	swait.ge [sflag:s26], $0x800  }
0xdd: {  	[sflag:s26] =	ssyncset.done $0x0  }
0xde: {  	[sflag:s26] =	ssyncadd.s32 $0xFFFFF800  }
0xdf: {  	_ =	swait.ge [sflag:s26], $0x800  }
0xe0: {  	[sflag:s26] =	ssyncset.done $0x0  }
0xe1: {  	[sflag:s26] =	ssyncadd.s32 $0xFFFFF800  }
0xe2: {  	_ =	swait.ge [sflag:s26], $0x800  }
0xe3: {  	[sflag:s26] =	ssyncset.done $0x0  }
0xe4: {  	[sflag:s26] =	ssyncadd.s32 $0xFFFFF800  }
0xe5: {  	s1 =	sadd.s32 $0x1, s1;
	_ =	swait.ge [sflag:s26], $0x800  }
0xe6: {  	p0 =	sne.s32 s1, s8;
	s9 =	stileid.u32;
	[sflag:s26] =	ssyncset.done $0x0  }
0xe7: {  	s0 =	sshll.u32 s9, $0x6;
	s9 =	sshrl.u32 s4, $0x3;
	[sflag:s26] =	ssyncadd.s32 $0xFFFFF800  }
.Ltmp1:
0xe8: {  	s0 =	sor.u32 $0x1C02, s0;
	[bflag:$0x0] =	sbarrier.arrive $0xFFFF;
	(pc) =	sbr.rel @p0 .LBB2_1-.Ltmp1, $4  }
0xe9: {  	[hbm:s7], [sflag:s0] =	dma.local [spmem:s9], $0x4E4  }
0xea: {  	_ =	swait.ge [sflag:s10], $0x4E4  }
0xeb: {  	[sflag:s10] =	ssyncset.done $0x0  }
0xec: {  	[sflag:s10] =	ssyncadd.s32 $0xFFFFFB1C  }
0xed: {  	_ =	sfence.sel $0x180000  }
0xee: {  	[bflag:$0x0] =	sbarrier.arrive $0xFFFF  }
0xef: {  	_ =	strace $0x90000050  }
0xf0: {  	s0 =	stileid.u32;
	[bflag:$0x2] =	sbarrier.arrive $0xFFFF  }
0xf1: {  	p0 =	sne.s32 s0, $0x0;
	s0 =	rddreg [dreg:$0x2]  }
0xf2: {  	s0 =	sadd.s32 @!p0 $0x100000, s0  }
0xf3: {  	[sflag:s0] =	ssyncadd.tile.s32 @!p0 $0x1;
	_ =	shalt  }
.Lfunc_end2:
_tile_overlayer_lowered:
.L_overlay_start_2:
0xf4: {  	(tag) =	ssettag $0x2  }
0xf5: {  	s0 =	rddreg [dreg:$0x0];
	s2 =	stileid.u32  }
0xf6: {  	s1 =	rddreg [dreg:$0x1];
	p0 =	sne.s32 s2, $0x0  }
0xf7: {  	s3 =	rddreg [dreg:$0x2];
	[bflag:$0x3] =	sbarrier.arrive $0xFFFF;
	s2 =	simm.s32 @!p0 $0x1C02  }
0xf8: {  	[timem:s3], [sflag:s2] =	dma.local @!p0 [hbm:s0], s1  }
0xf9: {  	s0 =	simm.s32 @!p0 $0x2  }
0xfa: {  	_ =	swait.ge @!p0 [sflag:s0], s1  }
0xfb: {  	s1 =	ssub.s32 @!p0 $0x0, s1;
	[sflag:s0] =	ssyncset.done @!p0 $0x0  }
0xfc: {  	[sflag:s0] =	ssyncadd.s32 @!p0 s1  }
0xfd: {  	[bflag:$0x3] =	sbarrier.arrive $0xFFFF  }
0xfe: {  	_ =	shalt  }

// kernel: kernel.28.cloned.1.call-start
scs
__scs_entry_jumppad:
0x0: {  	(pc) =	sbr.rel $0x88, $3  }
0x1: {  	(tag) =	ssettag $0x0;
	lr =	simm.s32 $0x1  }
0x2: {  	[smem:$0x3F8C] =	sst lr;
	_ =	strace $0xD0000000  }
0x3: {  	_ = 	snop  }
0x4: {  	_ = 	snop  }
0x5: {  	_ = 	snop  }
0x6: {  	_ = 	snop  }
0x7: {  	_ = 	snop  }
__scs_overlays_trampoline_lowered:
0x8: {  	[smem:$0x3F9B] =	sst s0  }
0x9: {  	[smem:$0x3F9C] =	sst s1  }
0xa: {  	[smem:$0x3F9D] =	sst s2  }
0xb: {  	[smem:$0x3F9E] =	sst s3  }
0xc: {  	[smem:$0x3F9F] =	sst s4  }
0xd: {  	[smem:$0x3FA0] =	sst s5  }
0xe: {  	[smem:$0x3FA1] =	sst s6  }
0xf: {  	[smem:$0x3FA2] =	sst s7  }
0x10: {  	[smem:$0x3FA3] =	sst s8  }
0x11: {  	[smem:$0x3FA4] =	sst s9;
	s0 =	simm.s32 @!p0 $0x0  }
0x12: {  	s1 =	sld [smem:$0x3F8A];
	s0 =	simm.s32 @p0 $0x1  }
0x13: {  	[smem:$0x3FA5] =	sst s0;
	s0 =	simm.s32 @!p1 $0x0  }
0x14: {  	s2 =	sld [smem:$0x3F89];
	s0 =	simm.s32 @p1 $0x1  }
0x15: {  	[smem:$0x3FA6] =	sst s0;
	s0 =	simm.s32 @!p2 $0x0  }
0x16: {  	s3 =	sld [smem:$0x3FDB];
	s0 =	simm.s32 @p2 $0x1  }
0x17: {  	s4 =	simm.s32 $0x1BF5;
	[smem:$0x3FA8] =	sst s0  }
0x18: {  	s0 =	sld [smem:$0x3F8B];
	_ =	swait.ge [sflag:s4], $0x0  }
0x19: {  	s7 =	sld [smem:$0x3F8C]  }
0x1a: {  	s8 =	sadd.s32 $0xFFFFE003, lr  }
0x1b: {  	s9 =	sadd.s32 $0xFFFFFEF7, lr;
	s5 =	simm.s32 $0xFFFFFFFF;
	p2 =	slt.u32 s8, $0xFFFFF086  }
0x1c: {  	p1 =	slt.u32 s9, $0xF7A;
	s5 =	simm.s32 @!p2 $0x0  }
0x1d: {  	s5 =	simm.s32 @p1 $0x1;
	p0 =	seq.s32 s7, s2  }
0x1e: {  	s7 =	smul.u32 @!p0 $0xF7A, s2;
	p2 =	seq.s32 @!p0 s5, $0x0  }
0x1f: {  	s9 =	smul.u32 $0xF7A, s1;
	s8 =	simm.s32 @!p0 $0x1BF5;
	p2 =	por !p2, p0  }
0x20: {  	[sflag:s8] =	ssyncset.s32 @!p0 $0xFFFFF086;
	s6 =	sadd.s32 @!p0 s3, s7;
	s7 =	simm.s32 @!p0 $0x108  }
0x21: {  	s3 =	sadd.s32 s3, s9;
	s6 =	sadd.s32 @!p0 $0x88, s6;
	s7 =	simm.s32 @p2 $0x1082  }
0x22: {  	[simem:s7], [sflag:s8] =	dma.local @!p0 [hbm:s6], $0xF7A  }
0x23: {  	s9 =	sor.u32 $0xD0000000, s2;
	s6 =	simm.s32 $0x108;
	_ =	swait.ge @!p0 [sflag:s8], $0x0  }
0x24: {  	s3 =	sadd.s32 $0x88, s3;
	s6 =	simm.s32 @!p1 $0x1082;
	[sflag:s4] =	ssyncset.s32 $0xFFFFF086  }
0x25: {  	[simem:s6], [sflag:s4] =	dma.local [hbm:s3], $0xF7A  }
0x26: {  	[smem:$0x3F8C] =	sst s1;
	(tag) =	ssettag s2;
	_ =	strace s9  }
0x27: {  	s1 =	sld [smem:$0x3F9C]  }
0x28: {  	s2 =	sld [smem:$0x3F9D]  }
0x29: {  	s4 =	sld [smem:$0x3F9F]  }
0x2a: {  	p0 =	seq.s32 s5, $0x0;
	s5 =	sld [smem:$0x3FA0]  }
0x2b: {  	s6 =	sld [smem:$0x3FA1]  }
0x2c: {  	s7 =	sld [smem:$0x3FA2]  }
0x2d: {  	s3 =	simm.s32 $0x108;
	s8 =	sld [smem:$0x3FA3]  }
0x2e: {  	s3 =	simm.s32 @!p0 $0x1082;
	s9 =	sld [smem:$0x3FA4]  }
0x2f: {  	lr =	sadd.s32 s0, s3;
	s0 =	sld [smem:$0x3F9B]  }
0x30: {  	s3 =	sld [smem:$0x3F9E]  }
0x31: {  	[smem:$0x3FA7] =	sst s10  }
0x32: {  	s10 =	sld [smem:$0x3FA5];
	_ =	sdelay $0x3  }
0x33: {  	p0 =	seq.s32 s10, $0x1;
	s10 =	sld [smem:$0x3FA7];
	_ =	sdelay $0x3  }
0x34: {  	[smem:$0x3FA7] =	sst s10  }
0x35: {  	s10 =	sld [smem:$0x3FA6];
	_ =	sdelay $0x3  }
0x36: {  	p1 =	seq.s32 s10, $0x1;
	s10 =	sld [smem:$0x3FA7];
	_ =	sdelay $0x3  }
0x37: {  	[smem:$0x3FA7] =	sst s10  }
0x38: {  	s10 =	sld [smem:$0x3FA8]  }
0x39: {  	_ = 	snop;
	(pc) =	sbr.ind lr, $3  }
0x3a: {  	_ = 	snop  }
0x3b: {  	_ = 	snop  }
0x3c: {  	p2 =	seq.s32 s10, $0x1;
	s10 =	sld [smem:$0x3FA7]  }
0x3d: {  	_ =	shalt  }
0x3e: {  	_ =	shalt  }
0x3f: {  	_ =	shalt  }
0x40: {  	_ =	shalt  }
0x41: {  	_ =	shalt  }
0x42: {  	_ =	shalt  }
0x43: {  	_ =	shalt  }
0x44: {  	_ =	shalt  }
0x45: {  	_ =	shalt  }
0x46: {  	_ =	shalt  }
0x47: {  	_ =	shalt  }
0x48: {  	_ =	shalt  }
0x49: {  	_ =	shalt  }
0x4a: {  	_ =	shalt  }
0x4b: {  	_ =	shalt  }
0x4c: {  	_ =	shalt  }
0x4d: {  	_ =	shalt  }
0x4e: {  	_ =	shalt  }
0x4f: {  	_ =	shalt  }
0x50: {  	_ =	shalt  }
0x51: {  	_ =	shalt  }
0x52: {  	_ =	shalt  }
0x53: {  	_ =	shalt  }
0x54: {  	_ =	shalt  }
0x55: {  	_ =	shalt  }
0x56: {  	_ =	shalt  }
0x57: {  	_ =	shalt  }
0x58: {  	_ =	shalt  }
0x59: {  	_ =	shalt  }
0x5a: {  	_ =	shalt  }
0x5b: {  	_ =	shalt  }
0x5c: {  	_ =	shalt  }
0x5d: {  	_ =	shalt  }
0x5e: {  	_ =	shalt  }
0x5f: {  	_ =	shalt  }
0x60: {  	_ =	shalt  }
0x61: {  	_ =	shalt  }
0x62: {  	_ =	shalt  }
0x63: {  	_ =	shalt  }
0x64: {  	_ =	shalt  }
0x65: {  	_ =	shalt  }
0x66: {  	_ =	shalt  }
0x67: {  	_ =	shalt  }
0x68: {  	_ =	shalt  }
0x69: {  	_ =	shalt  }
0x6a: {  	_ =	shalt  }
0x6b: {  	_ =	shalt  }
0x6c: {  	_ =	shalt  }
0x6d: {  	_ =	shalt  }
0x6e: {  	_ =	shalt  }
0x6f: {  	_ =	shalt  }
0x70: {  	_ =	shalt  }
0x71: {  	_ =	shalt  }
0x72: {  	_ =	shalt  }
0x73: {  	_ =	shalt  }
0x74: {  	_ =	shalt  }
0x75: {  	_ =	shalt  }
0x76: {  	_ =	shalt  }
0x77: {  	_ =	shalt  }
0x78: {  	_ =	shalt  }
0x79: {  	_ =	shalt  }
0x7a: {  	_ =	shalt  }
0x7b: {  	_ =	shalt  }
0x7c: {  	_ =	shalt  }
0x7d: {  	_ =	shalt  }
0x7e: {  	_ =	shalt  }
0x7f: {  	_ =	shalt  }
0x80: {  	_ =	shalt  }
0x81: {  	_ =	shalt  }
0x82: {  	_ =	shalt  }
0x83: {  	_ =	shalt  }
0x84: {  	_ =	shalt  }
0x85: {  	_ =	shalt  }
0x86: {  	_ =	shalt  }
0x87: {  	_ =	shalt  }
.Lfunc_end0:
.L_simem_size_0:
called_computation.4_lowered:
.L_overlay_start_0:
0x88: {  	s2 =	sld [smem:$0x3FD9]  }
0x89: {  	s3 =	sld [smem:$0x3FFE];
	_ =	sdelay $0x1  }
0x8a: {  	s1 =	srdreg.scid  }
0x8b: {  	s0 =	sand.u32 $0x1, s1  }
0x8c: {  	s16 =	sshll.u32 s0, $0xA;
	s2 =	sadd.s32 s3, s2  }
0x8d: {  	s2 =	sadd.s32 s2, s16  }
0x8e: {  	[smem:$0x3FB3] =	sst s2  }
0x8f: {  	_ = 	snop  }
0x90: {  	(tm) =	ssettm $0x1  }
0x91: {  	s17 =	sld [smem:$0x3FFB];
	_ =	sdelay $0x3  }
0x92: {  	_ =	strace s17  }
0x93: {  	s2 =	sld [smem:$0x3FFC];
	_ =	sdelay $0x3  }
0x94: {  	_ =	strace s2  }
0x95: {  	s2 =	sld [smem:$0x3FFD];
	_ =	sdelay $0x3  }
0x96: {  	_ =	strace s2  }
0x97: {  	_ =	strace $0x8FFFFFFF  }
0x98: {  	s18 =	sld [smem:$0x3FDB];
	_ =	sdelay $0x1  }
0x99: {  	s19 =	simm.s32 $_scs_section_size  }
0x9a: {  	s4 =	simm.s32 $_size__tile_overlayer_lowered;
	s5 =	simm.s32 $_tile_overlayer_lowered  }
0x9b: {  	s22 =	simm.s32 $0x1BFF;
	s21 =	sshll.u32 s5, $0x1;
	s2 =	sadd.s32 s19, s18  }
0x9c: {  	s6 =	simm.s32 $0x0;
	s20 =	sshll.u32 s4, $0x1;
	s4 =	sadd.s32 s21, s2  }
0x9d: {  	[timem:s6], [sflag:s22] =	dma.local [hbm:s4], s20  }
0x9e: {  	_ =	swait.ge [sflag:s22], s20  }
0x9f: {  	s3 =	ssub.s32 $0x0, s20;
	[sflag:s22] =	ssyncset.done $0x0  }
0xa0: {  	[sflag:s22] =	ssyncadd.s32 s3;
	_ =	sdelay $0x1  }
0xa1: {  	s23 =	simm.s32 $0x1B8B  }
0xa2: {  	_ =	swait.ge [sflag:s23], $0x1  }
0xa3: {  	[sflag:s23] =	ssyncset.done $0x0  }
0xa4: {  	s25 =	simm.s32 $0x1B8E;
	s24 =	sld [smem:$0x3FFE];
	[sflag:s23] =	ssyncadd.s32 $0xFFFFFFFF  }
0xa5: {  	s26 =	simm.s32 $execute0_lowered;
	[smem:$0x3FD2] =	sst s25  }
0xa6: {  	s4 =	sshll.u32 s26, $0x1;
	_ =	strace $0x80000052;
	[dreg:$0x1] =	wrdreg $0xFFFFFFFF  }
0xa7: {  	s28 =	simm.s32 $_size_execute0_lowered;
	s2 =	sadd.s32 s2, s4;
	[dreg:$0x0] =	wrdreg $0x0  }
0xa8: {  	s4 =	sshll.u32 s28, $0x1;
	[dreg:$0x2] =	wrdreg s2  }
0xa9: {  	[dreg:$0x3] =	wrdreg s4  }
0xaa: {  	[dreg:$0x4] =	wrdreg $0xC0  }
0xab: {  	_ =	task [dreg:s6], $0x5FFFF  }
0xac: {  	[dreg:$0x1] =	wrdreg $0xFFFFFFFF  }
0xad: {  	[dreg:$0x0] =	wrdreg $0x60  }
0xae: {  	[dreg:$0x2] =	wrdreg s24  }
0xaf: {  	[dreg:$0x3] =	wrdreg $0x9  }
0xb0: {  	_ =	task.clear_ibuf [dreg:s6], $0x4FFFF;
	_ =	strace $0x90000052  }
0xb1: {  	s29 =	simm.s32 $0x9;
	_ =	strace $0x80000054  }
0xb2: {  	_ =	swait.ge [sflag:s29], $0x1  }
0xb3: {  	[sflag:s29] =	ssyncadd.s32 $0xFFFFFFFF  }
0xb4: {  	_ =	strace $0x90000054  }
0xb5: {  	_ =	sfence  }
0xb6: {  	s30 =	sld [smem:$0x0];
	_ =	sdelay $0x2  }
0xb7: {  	s31 =	sshll.u32 s1, $0xD;
	s1 =	sshrl.u32 s1, $0x2  }
0xb8: {  	s3 =	sand.u32 $0x4000, s31;
	s1 =	sadd.s32 s1, s30  }
0xb9: {  	s0 =	sor.u32 s3, s0;
	s1 =	sshll.u32 s1, $0x11  }
0xba: {  	s0 =	sor.u32 s1, s0  }
0xbb: {  	s0 =	sadd.s32 $0x8F2B, s0  }
0xbc: {  	[sflag:s0] =	ssyncadd.remote.s32 $0x1  }
0xbd: {  	_ =	sfence.sel $0xFFFF  }
0xbe: {  	[dreg:$0x0] =	wrdreg $0xFFFFFFFF;
	(pc) =	sbr.abs _section_cstart, $3  }
0xbf: {  	[dreg:$0x1] =	wrdreg $0xFFFFFFFF  }
0xc0: {  	_ =	task.clear_ibuf [dreg:s6], $0x2FFFF;
	_ =	strace $0x9FFFFFFF  }
0xc1: {  	(tm) =	ssettm $0x7FFFFFFF  }
tec
execute0_lowered:
.L_overlay_start_1:
0x0: {  	(tag) =	ssettag $0x1  }
0x1: {  	s1 =	srdreg.scid;
	s0 =	stileid.u32  }
0x2: {  	s1 =	sand.u32 $0x1, s1;
	s2 =	sshll.u32 s0, $0x1  }
0x3: {  	s4 =	rddreg [dreg:$0x0];
	s3 =	sor.u32 s1, s2;
	s2 =	simm.s32 $0x0  }
0x4: {  	s19 =	simm.s32 $0x1C00;
	[smem:$0x7FF] =	sst s2  }
0x5: {  	s20 =	simm.s32 $0x100;
	_ =	strace $0x80000053;
	[dreg:$0x4] =	wrdreg s19  }
0x6: {  	s21 =	simm.s32 $0x2400;
	[dreg:$0x5] =	wrdreg s20  }
0x7: {  	s22 =	simm.s32 $0x180;
	[dreg:$0x6] =	wrdreg s21  }
0x8: {  	s23 =	simm.s32 $0x2C00;
	[dreg:$0x7] =	wrdreg s22  }
0x9: {  	s24 =	simm.s32 $0x200;
	[dreg:$0x8] =	wrdreg s23  }
0xa: {  	s25 =	simm.s32 $0x3400;
	[dreg:$0x9] =	wrdreg s24  }
0xb: {  	s26 =	simm.s32 $0x280;
	[dreg:$0xa] =	wrdreg s25  }
0xc: {  	s0 =	simm.s32 $0x3C00;
	[dreg:$0xb] =	wrdreg s26  }
0xd: {  	s6 =	simm.s32 $0x4400;
	[dreg:$0xc] =	wrdreg s0  }
0xe: {  	s7 =	simm.s32 $0x380;
	[dreg:$0xe] =	wrdreg s6  }
0xf: {  	s8 =	simm.s32 $0x4C00;
	[dreg:$0xf] =	wrdreg s7  }
0x10: {  	s9 =	simm.s32 $0x400;
	[dreg:$0x10] =	wrdreg s8  }
0x11: {  	s10 =	simm.s32 $0x5400;
	[dreg:$0x11] =	wrdreg s9  }
0x12: {  	s11 =	simm.s32 $0x480;
	[dreg:$0x12] =	wrdreg s10  }
0x13: {  	s12 =	simm.s32 $0x5C00;
	[dreg:$0x13] =	wrdreg s11  }
0x14: {  	s13 =	simm.s32 $0x500;
	[dreg:$0x14] =	wrdreg s12  }
0x15: {  	s14 =	simm.s32 $0x6400;
	[dreg:$0x15] =	wrdreg s13  }
0x16: {  	s15 =	simm.s32 $0x580;
	[dreg:$0x16] =	wrdreg s14  }
0x17: {  	s16 =	simm.s32 $0x6C00;
	[dreg:$0x17] =	wrdreg s15  }
0x18: {  	s17 =	simm.s32 $0x600;
	[dreg:$0x18] =	wrdreg s16  }
0x19: {  	s18 =	simm.s32 $0x7400;
	[dreg:$0x19] =	wrdreg s17  }
0x1a: {  	[dreg:$0x1a] =	wrdreg s18;
	s19 =	simm.s32 $0x680  }
0x1b: {  	s20 =	simm.s32 $0x7C00;
	[dreg:$0x1b] =	wrdreg s19  }
0x1c: {  	s21 =	simm.s32 $0x700;
	[dreg:$0x1c] =	wrdreg s20  }
0x1d: {  	s22 =	simm.s32 $0x8400;
	[dreg:$0x1d] =	wrdreg s21  }
0x1e: {  	s23 =	simm.s32 $0x780;
	[dreg:$0x1e] =	wrdreg s22  }
0x1f: {  	s24 =	simm.s32 $0x8C00;
	[dreg:$0x1f] =	wrdreg s23  }
0x20: {  	s25 =	simm.s32 $0x800;
	[smem:$0x7E4] =	sst s24  }
0x21: {  	s26 =	simm.s32 $0x9400;
	[smem:$0x7EB] =	sst s25  }
0x22: {  	s0 =	simm.s32 $0x880;
	[smem:$0x7E9] =	sst s26  }
0x23: {  	s6 =	simm.s32 $0x900;
	[smem:$0x7ED] =	sst s0  }
0x24: {  	s7 =	simm.s32 $0xA400;
	[smem:$0x7E5] =	sst s6  }
0x25: {  	s8 =	simm.s32 $0x980;
	[smem:$0x7EA] =	sst s7  }
0x26: {  	s9 =	simm.s32 $0xAC00;
	[smem:$0x7EE] =	sst s8  }
0x27: {  	s10 =	simm.s32 $0xA00;
	[smem:$0x7EC] =	sst s9  }
0x28: {  	s11 =	simm.s32 $0xB400;
	[smem:$0x7EF] =	sst s10  }
0x29: {  	s12 =	simm.s32 $0xA80;
	[smem:$0x7E8] =	sst s11  }
0x2a: {  	s13 =	simm.s32 $0xBC00;
	[smem:$0x7F1] =	sst s12  }
0x2b: {  	s14 =	simm.s32 $0xB00;
	[smem:$0x7F0] =	sst s13  }
0x2c: {  	s15 =	simm.s32 $0xC400;
	[smem:$0x7F2] =	sst s14  }
0x2d: {  	s16 =	simm.s32 $0xB80;
	[smem:$0x7E6] =	sst s15  }
0x2e: {  	s17 =	simm.s32 $0xCC00;
	[smem:$0x7F4] =	sst s16  }
0x2f: {  	s18 =	simm.s32 $0xC00;
	[smem:$0x7F3] =	sst s17  }
0x30: {  	[smem:$0x7F6] =	sst s18;
	s19 =	simm.s32 $0xD400  }
0x31: {  	s20 =	simm.s32 $0xC80;
	[smem:$0x7F8] =	sst s19  }
0x32: {  	s21 =	simm.s32 $0xDC00;
	[smem:$0x7F7] =	sst s20  }
0x33: {  	s22 =	simm.s32 $0xD00;
	[smem:$0x7F5] =	sst s21  }
0x34: {  	s23 =	simm.s32 $0xE400;
	[smem:$0x7FB] =	sst s22  }
0x35: {  	s5 =	smul.u32 $0x280, s3;
	s24 =	simm.s32 $0xD80;
	[smem:$0x7F9] =	sst s23  }
0x36: {  	s3 =	smul.u32 $0x2800, s3;
	s25 =	simm.s32 $0xEC00;
	[smem:$0x7FC] =	sst s24  }
0x37: {  	s5 =	sadd.s32 s5, s4;
	s6 =	simm.s32 $0xE00;
	[smem:$0x7FA] =	sst s25  }
0x38: {  	s3 =	sadd.s32 s3, s4;
	s5 =	sadd.s32 $0x31400, s5;
	[smem:$0x7FD] =	sst s6  }
0x39: {  	s3 =	sadd.s32 $0x36400, s3;
	[dreg:$0x2] =	wrdreg s5  }
0x3a: {  	[dreg:$0x3] =	wrdreg s3;
	s5 =	simm.s32 $0x300  }
0x3b: {  	[dreg:$0xd] =	wrdreg s5;
	s5 =	simm.s32 $0x9C00  }
0x3c: {  	[smem:$0x7E7] =	sst s5  }
0x3d: {  	s3 =	simm.s32 $0x2;
	s5 =	rddreg [dreg:$0x2]  }
0x3e: {  	[tilespmem:s2], [sflag:$0x2] =	stream.linear.gather [hbm4b:s5+s2], $0x1400, $0x38;
	[tilespmem:$0x15400] =	vst v63  }
0x3f: {  	_ =	swait.ge [sflag:s3], $0x1400  }
0x40: {  	s26 =	rddreg [dreg:$0x7]  }
0x41: {  	s8 =	rddreg [dreg:$0xa]  }
0x42: {  	s9 =	rddreg [dreg:$0xc]  }
0x43: {  	s7 =	simm.s32 $0x80;
	s10 =	rddreg [dreg:$0x5]  }
0x44: {  	s5 =	sadd.s32 $0x2C400, s4;
	[sflag:s3] =	ssyncset.done $0x0;
	s11 =	rddreg [dreg:$0x4]  }
0x45: {  	s4 =	simm.s32 $0x1400;
	s12 =	rddreg [dreg:$0x6];
	[sflag:s3] =	ssyncadd.s32 $0xFFFFEC00  }
0x46: {  	[tilespmem:s4], [sflag:$0x1] =	stream.indirect.gather [hbm4b:s5+s7], $0x10, s2, s7, $0xb8;
	[tilespmem:$0x15400] =	vst v63  }
0x47: {  	s13 =	rddreg [dreg:$0x8]  }
0x48: {  	[tilespmem:s11], [sflag:$0x1] =	stream.indirect.gather [hbm4b:s5+s7], $0x10, s7, s7, $0xb8;
	[tilespmem:$0x15400] =	vst v63  }
0x49: {  	s14 =	rddreg [dreg:$0x9]  }
0x4a: {  	[tilespmem:s12], [sflag:$0x1] =	stream.indirect.gather [hbm4b:s5+s7], $0x10, s10, s7, $0xb8;
	[tilespmem:$0x15400] =	vst v63  }
0x4b: {  	s0 =	rddreg [dreg:$0xb]  }
0x4c: {  	[tilespmem:s13], [sflag:$0x1] =	stream.indirect.gather [hbm4b:s5+s7], $0x10, s26, s7, $0xb8;
	[tilespmem:$0x15400] =	vst v63  }
0x4d: {  	s15 =	rddreg [dreg:$0xe]  }
0x4e: {  	[tilespmem:s8], [sflag:$0x1] =	stream.indirect.gather [hbm4b:s5+s7], $0x10, s14, s7, $0xb8;
	[tilespmem:$0x15400] =	vst v63  }
0x4f: {  	s16 =	rddreg [dreg:$0xd]  }
0x50: {  	[tilespmem:s9], [sflag:$0x1] =	stream.indirect.gather [hbm4b:s5+s7], $0x10, s0, s7, $0xb8;
	[tilespmem:$0x15400] =	vst v63  }
0x51: {  	s17 =	rddreg [dreg:$0xf]  }
0x52: {  	[tilespmem:s15], [sflag:$0x1] =	stream.indirect.gather [hbm4b:s5+s7], $0x10, s16, s7, $0xb8;
	[tilespmem:$0x15400] =	vst v63  }
0x53: {  	s6 =	simm.s32 $0x1;
	s18 =	rddreg [dreg:$0x10]  }
0x54: {  	[tilespmem:s18], [sflag:$0x1] =	stream.indirect.gather [hbm4b:s5+s7], $0x10, s17, s7, $0xb8;
	[tilespmem:$0x15400] =	vst v63  }
0x55: {  	_ =	swait.ge [sflag:s6], $0x800  }
0x56: {  	[sflag:s6] =	ssyncset.done $0x0  }
0x57: {  	[sflag:s6] =	ssyncadd.s32 $0xFFFFF800  }
0x58: {  	_ =	swait.ge [sflag:s6], $0x800  }
0x59: {  	[sflag:s6] =	ssyncset.done $0x0  }
0x5a: {  	[sflag:s6] =	ssyncadd.s32 $0xFFFFF800  }
0x5b: {  	_ =	swait.ge [sflag:s6], $0x800  }
0x5c: {  	[sflag:s6] =	ssyncset.done $0x0  }
0x5d: {  	[sflag:s6] =	ssyncadd.s32 $0xFFFFF800  }
0x5e: {  	_ =	swait.ge [sflag:s6], $0x800  }
0x5f: {  	[sflag:s6] =	ssyncset.done $0x0  }
0x60: {  	[sflag:s6] =	ssyncadd.s32 $0xFFFFF800  }
0x61: {  	_ =	swait.ge [sflag:s6], $0x800  }
0x62: {  	[sflag:s6] =	ssyncset.done $0x0  }
0x63: {  	[sflag:s6] =	ssyncadd.s32 $0xFFFFF800  }
0x64: {  	_ =	swait.ge [sflag:s6], $0x800  }
0x65: {  	[sflag:s6] =	ssyncset.done $0x0  }
0x66: {  	[sflag:s6] =	ssyncadd.s32 $0xFFFFF800  }
0x67: {  	_ =	swait.ge [sflag:s6], $0x800  }
0x68: {  	[sflag:s6] =	ssyncset.done $0x0  }
0x69: {  	[sflag:s6] =	ssyncadd.s32 $0xFFFFF800  }
0x6a: {  	_ =	swait.ge [sflag:s6], $0x800  }
0x6b: {  	s19 =	rddreg [dreg:$0x17]  }
0x6c: {  	s20 =	rddreg [dreg:$0x1e]  }
0x6d: {  	s21 =	rddreg [dreg:$0x15]  }
0x6e: {  	s22 =	rddreg [dreg:$0x14]  }
0x6f: {  	s23 =	rddreg [dreg:$0x11]  }
0x70: {  	s24 =	rddreg [dreg:$0x13]  }
0x71: {  	s25 =	rddreg [dreg:$0x12]  }
0x72: {  	s15 =	rddreg [dreg:$0x18];
	[sflag:s6] =	ssyncset.done $0x0  }
0x73: {  	s16 =	rddreg [dreg:$0x1a];
	[sflag:s6] =	ssyncadd.s32 $0xFFFFF800  }
0x74: {  	[tilespmem:s25], [sflag:$0x1] =	stream.indirect.gather [hbm4b:s5+s7], $0x10, s23, s7, $0xb8;
	[tilespmem:$0x15400] =	vst v63  }
0x75: {  	s17 =	rddreg [dreg:$0x16]  }
0x76: {  	[tilespmem:s22], [sflag:$0x1] =	stream.indirect.gather [hbm4b:s5+s7], $0x10, s24, s7, $0xb8;
	[tilespmem:$0x15400] =	vst v63  }
0x77: {  	s26 =	rddreg [dreg:$0x1b]  }
0x78: {  	[tilespmem:s17], [sflag:$0x1] =	stream.indirect.gather [hbm4b:s5+s7], $0x10, s21, s7, $0xb8;
	[tilespmem:$0x15400] =	vst v63  }
0x79: {  	s0 =	rddreg [dreg:$0x19]  }
0x7a: {  	[tilespmem:s15], [sflag:$0x1] =	stream.indirect.gather [hbm4b:s5+s7], $0x10, s19, s7, $0xb8;
	[tilespmem:$0x15400] =	vst v63  }
0x7b: {  	s13 =	rddreg [dreg:$0x1c]  }
0x7c: {  	[tilespmem:s16], [sflag:$0x1] =	stream.indirect.gather [hbm4b:s5+s7], $0x10, s0, s7, $0xb8;
	[tilespmem:$0x15400] =	vst v63  }
0x7d: {  	s14 =	rddreg [dreg:$0x1d]  }
0x7e: {  	[tilespmem:s13], [sflag:$0x1] =	stream.indirect.gather [hbm4b:s5+s7], $0x10, s26, s7, $0xb8;
	[tilespmem:$0x15400] =	vst v63  }
0x7f: {  	s15 =	sld [smem:$0x7E4]  }
0x80: {  	[tilespmem:s20], [sflag:$0x1] =	stream.indirect.gather [hbm4b:s5+s7], $0x10, s14, s7, $0xb8;
	[tilespmem:$0x15400] =	vst v63  }
0x81: {  	s16 =	rddreg [dreg:$0x1f]  }
0x82: {  	[tilespmem:s15], [sflag:$0x1] =	stream.indirect.gather [hbm4b:s5+s7], $0x10, s16, s7, $0xb8;
	[tilespmem:$0x15400] =	vst v63  }
0x83: {  	_ =	swait.ge [sflag:s6], $0x800  }
0x84: {  	[sflag:s6] =	ssyncset.done $0x0  }
0x85: {  	[sflag:s6] =	ssyncadd.s32 $0xFFFFF800  }
0x86: {  	_ =	swait.ge [sflag:s6], $0x800  }
0x87: {  	[sflag:s6] =	ssyncset.done $0x0  }
0x88: {  	[sflag:s6] =	ssyncadd.s32 $0xFFFFF800  }
0x89: {  	_ =	swait.ge [sflag:s6], $0x800  }
0x8a: {  	[sflag:s6] =	ssyncset.done $0x0  }
0x8b: {  	[sflag:s6] =	ssyncadd.s32 $0xFFFFF800  }
0x8c: {  	_ =	swait.ge [sflag:s6], $0x800  }
0x8d: {  	[sflag:s6] =	ssyncset.done $0x0  }
0x8e: {  	[sflag:s6] =	ssyncadd.s32 $0xFFFFF800  }
0x8f: {  	_ =	swait.ge [sflag:s6], $0x800  }
0x90: {  	[sflag:s6] =	ssyncset.done $0x0  }
0x91: {  	[sflag:s6] =	ssyncadd.s32 $0xFFFFF800  }
0x92: {  	_ =	swait.ge [sflag:s6], $0x800  }
0x93: {  	[sflag:s6] =	ssyncset.done $0x0  }
0x94: {  	[sflag:s6] =	ssyncadd.s32 $0xFFFFF800  }
0x95: {  	_ =	swait.ge [sflag:s6], $0x800  }
0x96: {  	[sflag:s6] =	ssyncset.done $0x0  }
0x97: {  	[sflag:s6] =	ssyncadd.s32 $0xFFFFF800  }
0x98: {  	_ =	swait.ge [sflag:s6], $0x800  }
0x99: {  	s17 =	sld [smem:$0x7E5]  }
0x9a: {  	s9 =	sld [smem:$0x7E6]  }
0x9b: {  	s18 =	sld [smem:$0x7E7]  }
0x9c: {  	s19 =	sld [smem:$0x7E8]  }
0x9d: {  	s20 =	sld [smem:$0x7E9]  }
0x9e: {  	s21 =	sld [smem:$0x7EA]  }
0x9f: {  	s22 =	sld [smem:$0x7EB]  }
0xa0: {  	s23 =	sld [smem:$0x7EC]  }
0xa1: {  	[sflag:s6] =	ssyncset.done $0x0;
	s24 =	sld [smem:$0x7ED]  }
0xa2: {  	s25 =	sld [smem:$0x7EE];
	[sflag:s6] =	ssyncadd.s32 $0xFFFFF800  }
0xa3: {  	[tilespmem:s20], [sflag:$0x1] =	stream.indirect.gather [hbm4b:s5+s7], $0x10, s22, s7, $0xb8;
	[tilespmem:$0x15400] =	vst v63  }
0xa4: {  	s26 =	sld [smem:$0x7EF]  }
0xa5: {  	[tilespmem:s18], [sflag:$0x1] =	stream.indirect.gather [hbm4b:s5+s7], $0x10, s24, s7, $0xb8;
	[tilespmem:$0x15400] =	vst v63  }
0xa6: {  	s0 =	sld [smem:$0x7F0]  }
0xa7: {  	[tilespmem:s21], [sflag:$0x1] =	stream.indirect.gather [hbm4b:s5+s7], $0x10, s17, s7, $0xb8;
	[tilespmem:$0x15400] =	vst v63  }
0xa8: {  	s13 =	sld [smem:$0x7F1]  }
0xa9: {  	[tilespmem:s23], [sflag:$0x1] =	stream.indirect.gather [hbm4b:s5+s7], $0x10, s25, s7, $0xb8;
	[tilespmem:$0x15400] =	vst v63  }
0xaa: {  	s14 =	sld [smem:$0x7F2]  }
0xab: {  	[tilespmem:s19], [sflag:$0x1] =	stream.indirect.gather [hbm4b:s5+s7], $0x10, s26, s7, $0xb8;
	[tilespmem:$0x15400] =	vst v63  }
0xac: {  	s15 =	sld [smem:$0x7F3]  }
0xad: {  	[tilespmem:s0], [sflag:$0x1] =	stream.indirect.gather [hbm4b:s5+s7], $0x10, s13, s7, $0xb8;
	[tilespmem:$0x15400] =	vst v63  }
0xae: {  	s16 =	sld [smem:$0x7F4]  }
0xaf: {  	[tilespmem:s9], [sflag:$0x1] =	stream.indirect.gather [hbm4b:s5+s7], $0x10, s14, s7, $0xb8;
	[tilespmem:$0x15400] =	vst v63  }
0xb0: {  	_ = 	snop  }
0xb1: {  	[tilespmem:s15], [sflag:$0x1] =	stream.indirect.gather [hbm4b:s5+s7], $0x10, s16, s7, $0xb8;
	[tilespmem:$0x15400] =	vst v63  }
0xb2: {  	_ =	swait.ge [sflag:s6], $0x800  }
0xb3: {  	[sflag:s6] =	ssyncset.done $0x0  }
0xb4: {  	[sflag:s6] =	ssyncadd.s32 $0xFFFFF800  }
0xb5: {  	_ =	swait.ge [sflag:s6], $0x800  }
0xb6: {  	[sflag:s6] =	ssyncset.done $0x0  }
0xb7: {  	[sflag:s6] =	ssyncadd.s32 $0xFFFFF800  }
0xb8: {  	_ =	swait.ge [sflag:s6], $0x800  }
0xb9: {  	[sflag:s6] =	ssyncset.done $0x0  }
0xba: {  	[sflag:s6] =	ssyncadd.s32 $0xFFFFF800  }
0xbb: {  	_ =	swait.ge [sflag:s6], $0x800  }
0xbc: {  	[sflag:s6] =	ssyncset.done $0x0  }
0xbd: {  	[sflag:s6] =	ssyncadd.s32 $0xFFFFF800  }
0xbe: {  	_ =	swait.ge [sflag:s6], $0x800  }
0xbf: {  	[sflag:s6] =	ssyncset.done $0x0  }
0xc0: {  	[sflag:s6] =	ssyncadd.s32 $0xFFFFF800  }
0xc1: {  	_ =	swait.ge [sflag:s6], $0x800  }
0xc2: {  	[sflag:s6] =	ssyncset.done $0x0  }
0xc3: {  	[sflag:s6] =	ssyncadd.s32 $0xFFFFF800  }
0xc4: {  	_ =	swait.ge [sflag:s6], $0x800  }
0xc5: {  	[sflag:s6] =	ssyncset.done $0x0  }
0xc6: {  	[sflag:s6] =	ssyncadd.s32 $0xFFFFF800  }
0xc7: {  	_ =	swait.ge [sflag:s6], $0x800  }
0xc8: {  	s17 =	sld [smem:$0x7F5]  }
0xc9: {  	s18 =	sld [smem:$0x7F6]  }
0xca: {  	s19 =	sld [smem:$0x7F7]  }
0xcb: {  	s20 =	sld [smem:$0x7F8]  }
0xcc: {  	[sflag:s6] =	ssyncset.done $0x0;
	s21 =	sld [smem:$0x7F9]  }
0xcd: {  	s22 =	sld [smem:$0x7FA];
	[sflag:s6] =	ssyncadd.s32 $0xFFFFF800  }
0xce: {  	[tilespmem:s20], [sflag:$0x1] =	stream.indirect.gather [hbm4b:s5+s7], $0x10, s18, s7, $0xb8;
	[tilespmem:$0x15400] =	vst v63  }
0xcf: {  	s23 =	sld [smem:$0x7FB]  }
0xd0: {  	[tilespmem:s17], [sflag:$0x1] =	stream.indirect.gather [hbm4b:s5+s7], $0x10, s19, s7, $0xb8;
	[tilespmem:$0x15400] =	vst v63  }
0xd1: {  	s24 =	sld [smem:$0x7FC]  }
0xd2: {  	[tilespmem:s21], [sflag:$0x1] =	stream.indirect.gather [hbm4b:s5+s7], $0x10, s23, s7, $0xb8;
	[tilespmem:$0x15400] =	vst v63  }
0xd3: {  	s25 =	sld [smem:$0x7FD]  }
0xd4: {  	[tilespmem:s22], [sflag:$0x1] =	stream.indirect.gather [hbm4b:s5+s7], $0x10, s24, s7, $0xb8;
	[tilespmem:$0x15400] =	vst v63  }
0xd5: {  	s26 =	simm.s32 $0xF400  }
0xd6: {  	[tilespmem:s26], [sflag:$0x1] =	stream.indirect.gather [hbm4b:s5+s7], $0x10, s25, s7, $0xb8;
	[tilespmem:$0x15400] =	vst v63  }
0xd7: {  	s8 =	simm.s32 $0xE80;
	s9 =	simm.s32 $0xFC00  }
0xd8: {  	[tilespmem:s9], [sflag:$0x1] =	stream.indirect.gather [hbm4b:s5+s7], $0x10, s8, s7, $0xb8;
	[tilespmem:$0x15400] =	vst v63  }
0xd9: {  	s11 =	simm.s32 $0x10400;
	s10 =	simm.s32 $0xF00  }
0xda: {  	[tilespmem:s11], [sflag:$0x1] =	stream.indirect.gather [hbm4b:s5+s7], $0x10, s10, s7, $0xb8;
	[tilespmem:$0x15400] =	vst v63  }
0xdb: {  	s12 =	simm.s32 $0xF80;
	s13 =	simm.s32 $0x10C00  }
0xdc: {  	[tilespmem:s13], [sflag:$0x1] =	stream.indirect.gather [hbm4b:s5+s7], $0x10, s12, s7, $0xb8;
	[tilespmem:$0x15400] =	vst v63  }
0xdd: {  	_ =	swait.ge [sflag:s6], $0x800  }
0xde: {  	[sflag:s6] =	ssyncset.done $0x0  }
0xdf: {  	[sflag:s6] =	ssyncadd.s32 $0xFFFFF800  }
0xe0: {  	_ =	swait.ge [sflag:s6], $0x800  }
0xe1: {  	[sflag:s6] =	ssyncset.done $0x0  }
0xe2: {  	[sflag:s6] =	ssyncadd.s32 $0xFFFFF800  }
0xe3: {  	_ =	swait.ge [sflag:s6], $0x800  }
0xe4: {  	[sflag:s6] =	ssyncset.done $0x0  }
0xe5: {  	[sflag:s6] =	ssyncadd.s32 $0xFFFFF800  }
0xe6: {  	_ =	swait.ge [sflag:s6], $0x800  }
0xe7: {  	[sflag:s6] =	ssyncset.done $0x0  }
0xe8: {  	[sflag:s6] =	ssyncadd.s32 $0xFFFFF800  }
0xe9: {  	_ =	swait.ge [sflag:s6], $0x800  }
0xea: {  	[sflag:s6] =	ssyncset.done $0x0  }
0xeb: {  	[sflag:s6] =	ssyncadd.s32 $0xFFFFF800  }
0xec: {  	_ =	swait.ge [sflag:s6], $0x800  }
0xed: {  	[sflag:s6] =	ssyncset.done $0x0  }
0xee: {  	[sflag:s6] =	ssyncadd.s32 $0xFFFFF800  }
0xef: {  	_ =	swait.ge [sflag:s6], $0x800  }
0xf0: {  	[sflag:s6] =	ssyncset.done $0x0  }
0xf1: {  	[sflag:s6] =	ssyncadd.s32 $0xFFFFF800  }
0xf2: {  	_ =	swait.ge [sflag:s6], $0x800  }
0xf3: {  	[sflag:s6] =	ssyncset.done $0x0  }
0xf4: {  	s14 =	simm.s32 $0x1000;
	s15 =	simm.s32 $0x11400;
	[sflag:s6] =	ssyncadd.s32 $0xFFFFF800  }
0xf5: {  	[tilespmem:s15], [sflag:$0x1] =	stream.indirect.gather [hbm4b:s5+s7], $0x10, s14, s7, $0xb8;
	[tilespmem:$0x15400] =	vst v63  }
0xf6: {  	s18 =	simm.s32 $0x11C00;
	s17 =	simm.s32 $0x1080  }
0xf7: {  	[tilespmem:s18], [sflag:$0x1] =	stream.indirect.gather [hbm4b:s5+s7], $0x10, s17, s7, $0xb8;
	[tilespmem:$0x15400] =	vst v63  }
0xf8: {  	s20 =	simm.s32 $0x12400;
	s19 =	simm.s32 $0x1100  }
0xf9: {  	[tilespmem:s20], [sflag:$0x1] =	stream.indirect.gather [hbm4b:s5+s7], $0x10, s19, s7, $0xb8;
	[tilespmem:$0x15400] =	vst v63  }
0xfa: {  	s1 =	ssub.s32 $0x2, s1;
	s21 =	simm.s32 $0x1180;
	s22 =	simm.s32 $0x12C00  }
0xfb: {  	[tilespmem:s22], [sflag:$0x1] =	stream.indirect.gather [hbm4b:s5+s7], $0x10, s21, s7, $0xb8;
	[tilespmem:$0x15400] =	vst v63  }
0xfc: {  	s16 =	sshrl.u32 s1, $0x1;
	s23 =	simm.s32 $0x1200;
	s24 =	simm.s32 $0x13400  }
0xfd: {  	[tilespmem:s24], [sflag:$0x1] =	stream.indirect.gather [hbm4b:s5+s7], $0x10, s23, s7, $0xb8;
	[tilespmem:$0x15400] =	vst v63  }
0xfe: {  	s0 =	ssub.s32 s1, s16;
	s25 =	simm.s32 $0x1280;
	s26 =	simm.s32 $0x13C00  }
0xff: {  	[tilespmem:s26], [sflag:$0x1] =	stream.indirect.gather [hbm4b:s5+s7], $0x10, s25, s7, $0xb8;
	[tilespmem:$0x15400] =	vst v63  }
0x100: {  	s28 =	simm.s32 $0x1300;
	s29 =	simm.s32 $0x14400;
	s0 =	smax.u32 s0, $0x1  }
0x101: {  	[tilespmem:s29], [sflag:$0x1] =	stream.indirect.gather [hbm4b:s5+s7], $0x10, s28, s7, $0xb8;
	[tilespmem:$0x15400] =	vst v63  }
0x102: {  	s30 =	simm.s32 $0x1380;
	s31 =	simm.s32 $0x14C00;
	p0 =	sne.s32 s0, $0x1  }
0x103: {  	[tilespmem:s31], [sflag:$0x1] =	stream.indirect.gather [hbm4b:s5+s7], $0x10, s30, s7, $0xb8;
	[tilespmem:$0x15400] =	vst v63  }
.Ltmp0:
0x104: {  	_ = 	snop;
	(pc) =	sbr.rel @!p0 .LBB2_2-.Ltmp0, $4  }
0x105: {  	_ =	swait.ge [sflag:s6], $0x800  }
0x106: {  	[sflag:s6] =	ssyncset.done $0x0  }
0x107: {  	[sflag:s6] =	ssyncadd.s32 $0xFFFFF800  }
0x108: {  	s1 =	sadd.s32 $0xFFFFFFFF, s0;
	_ =	swait.ge [sflag:s6], $0x800  }
.LBB2_1:
0x109: {  	[sflag:s6] =	ssyncset.done $0x0  }
0x10a: {  	[sflag:s6] =	ssyncadd.s32 $0xFFFFF800  }
0x10b: {  	_ =	swait.ge [sflag:s6], $0x800  }
0x10c: {  	[sflag:s6] =	ssyncset.done $0x0  }
0x10d: {  	[sflag:s6] =	ssyncadd.s32 $0xFFFFF800  }
0x10e: {  	_ =	swait.ge [sflag:s6], $0x800  }
0x10f: {  	[sflag:s6] =	ssyncset.done $0x0  }
0x110: {  	[sflag:s6] =	ssyncadd.s32 $0xFFFFF800  }
0x111: {  	_ =	swait.ge [sflag:s6], $0x800  }
0x112: {  	[sflag:s6] =	ssyncset.done $0x0  }
0x113: {  	[sflag:s6] =	ssyncadd.s32 $0xFFFFF800  }
0x114: {  	_ =	swait.ge [sflag:s6], $0x800  }
0x115: {  	[sflag:s6] =	ssyncset.done $0x0  }
0x116: {  	[sflag:s6] =	ssyncadd.s32 $0xFFFFF800  }
0x117: {  	_ =	swait.ge [sflag:s6], $0x800  }
0x118: {  	[sflag:s6] =	ssyncset.done $0x0  }
0x119: {  	[sflag:s6] =	ssyncadd.s32 $0xFFFFF800  }
0x11a: {  	_ =	swait.ge [sflag:s6], $0x800  }
0x11b: {  	[sflag:s6] =	ssyncset.done $0x0  }
0x11c: {  	s0 =	rddreg [dreg:$0x3];
	[sflag:s6] =	ssyncadd.s32 $0xFFFFF800  }
0x11d: {  	[hbm4b:s0+s2] =	stream.linear.scatter [tilespmem:s4], [sflag:$0x2], $0x14000, $0x38;
	[tilespmem:$0x15400] =	vst v63  }
0x11e: {  	_ =	swait.ge [sflag:s3], $0x14000  }
0x11f: {  	[sflag:s3] =	ssyncset.done $0x0  }
0x120: {  	s15 =	rddreg [dreg:$0x2];
	[sflag:s3] =	ssyncadd.s32 $0xFFFEC000  }
0x121: {  	[tilespmem:s2], [sflag:$0x2] =	stream.linear.gather [hbm4b:s15+s2], $0x1400, $0x38;
	[tilespmem:$0x15400] =	vst v63  }
0x122: {  	_ =	swait.ge [sflag:s3], $0x1400  }
0x123: {  	s16 =	rddreg [dreg:$0x7]  }
0x124: {  	s8 =	rddreg [dreg:$0xa]  }
0x125: {  	s9 =	rddreg [dreg:$0xc]  }
0x126: {  	s10 =	rddreg [dreg:$0x5]  }
0x127: {  	[sflag:s3] =	ssyncset.done $0x0;
	s11 =	rddreg [dreg:$0x4]  }
0x128: {  	s12 =	rddreg [dreg:$0x6];
	[sflag:s3] =	ssyncadd.s32 $0xFFFFEC00  }
0x129: {  	[tilespmem:s4], [sflag:$0x1] =	stream.indirect.gather [hbm4b:s5+s7], $0x10, s2, s7, $0xb8;
	[tilespmem:$0x15400] =	vst v63  }
0x12a: {  	s13 =	rddreg [dreg:$0x8]  }
0x12b: {  	[tilespmem:s11], [sflag:$0x1] =	stream.indirect.gather [hbm4b:s5+s7], $0x10, s7, s7, $0xb8;
	[tilespmem:$0x15400] =	vst v63  }
0x12c: {  	s14 =	rddreg [dreg:$0x9]  }
0x12d: {  	[tilespmem:s12], [sflag:$0x1] =	stream.indirect.gather [hbm4b:s5+s7], $0x10, s10, s7, $0xb8;
	[tilespmem:$0x15400] =	vst v63  }
0x12e: {  	s15 =	rddreg [dreg:$0xd]  }
0x12f: {  	[tilespmem:s13], [sflag:$0x1] =	stream.indirect.gather [hbm4b:s5+s7], $0x10, s16, s7, $0xb8;
	[tilespmem:$0x15400] =	vst v63  }
0x130: {  	s11 =	rddreg [dreg:$0xb]  }
0x131: {  	[tilespmem:s8], [sflag:$0x1] =	stream.indirect.gather [hbm4b:s5+s7], $0x10, s14, s7, $0xb8;
	[tilespmem:$0x15400] =	vst v63  }
0x132: {  	s12 =	rddreg [dreg:$0xe]  }
0x133: {  	[tilespmem:s9], [sflag:$0x1] =	stream.indirect.gather [hbm4b:s5+s7], $0x10, s11, s7, $0xb8;
	[tilespmem:$0x15400] =	vst v63  }
0x134: {  	s16 =	rddreg [dreg:$0xf]  }
0x135: {  	[tilespmem:s12], [sflag:$0x1] =	stream.indirect.gather [hbm4b:s5+s7], $0x10, s15, s7, $0xb8;
	[tilespmem:$0x15400] =	vst v63  }
0x136: {  	s11 =	rddreg [dreg:$0x10]  }
0x137: {  	[tilespmem:s11], [sflag:$0x1] =	stream.indirect.gather [hbm4b:s5+s7], $0x10, s16, s7, $0xb8;
	[tilespmem:$0x15400] =	vst v63  }
0x138: {  	_ =	swait.ge [sflag:s6], $0x800  }
0x139: {  	[sflag:s6] =	ssyncset.done $0x0  }
0x13a: {  	[sflag:s6] =	ssyncadd.s32 $0xFFFFF800  }
0x13b: {  	_ =	swait.ge [sflag:s6], $0x800  }
0x13c: {  	[sflag:s6] =	ssyncset.done $0x0  }
0x13d: {  	[sflag:s6] =	ssyncadd.s32 $0xFFFFF800  }
0x13e: {  	_ =	swait.ge [sflag:s6], $0x800  }
0x13f: {  	[sflag:s6] =	ssyncset.done $0x0  }
0x140: {  	[sflag:s6] =	ssyncadd.s32 $0xFFFFF800  }
0x141: {  	_ =	swait.ge [sflag:s6], $0x800  }
0x142: {  	[sflag:s6] =	ssyncset.done $0x0  }
0x143: {  	[sflag:s6] =	ssyncadd.s32 $0xFFFFF800  }
0x144: {  	_ =	swait.ge [sflag:s6], $0x800  }
0x145: {  	[sflag:s6] =	ssyncset.done $0x0  }
0x146: {  	[sflag:s6] =	ssyncadd.s32 $0xFFFFF800  }
0x147: {  	_ =	swait.ge [sflag:s6], $0x800  }
0x148: {  	[sflag:s6] =	ssyncset.done $0x0  }
0x149: {  	[sflag:s6] =	ssyncadd.s32 $0xFFFFF800  }
0x14a: {  	_ =	swait.ge [sflag:s6], $0x800  }
0x14b: {  	[sflag:s6] =	ssyncset.done $0x0  }
0x14c: {  	[sflag:s6] =	ssyncadd.s32 $0xFFFFF800  }
0x14d: {  	_ =	swait.ge [sflag:s6], $0x800  }
0x14e: {  	s0 =	rddreg [dreg:$0x17]  }
0x14f: {  	s8 =	rddreg [dreg:$0x1e]  }
0x150: {  	s9 =	rddreg [dreg:$0x15]  }
0x151: {  	s10 =	rddreg [dreg:$0x14]  }
0x152: {  	s11 =	rddreg [dreg:$0x11]  }
0x153: {  	s12 =	rddreg [dreg:$0x13]  }
0x154: {  	s13 =	rddreg [dreg:$0x12]  }
0x155: {  	[sflag:s6] =	ssyncset.done $0x0;
	s14 =	rddreg [dreg:$0x18]  }
0x156: {  	s15 =	rddreg [dreg:$0x1a];
	[sflag:s6] =	ssyncadd.s32 $0xFFFFF800  }
0x157: {  	[tilespmem:s13], [sflag:$0x1] =	stream.indirect.gather [hbm4b:s5+s7], $0x10, s11, s7, $0xb8;
	[tilespmem:$0x15400] =	vst v63  }
0x158: {  	s16 =	rddreg [dreg:$0x16]  }
0x159: {  	[tilespmem:s10], [sflag:$0x1] =	stream.indirect.gather [hbm4b:s5+s7], $0x10, s12, s7, $0xb8;
	[tilespmem:$0x15400] =	vst v63  }
0x15a: {  	s11 =	rddreg [dreg:$0x1b]  }
0x15b: {  	[tilespmem:s16], [sflag:$0x1] =	stream.indirect.gather [hbm4b:s5+s7], $0x10, s9, s7, $0xb8;
	[tilespmem:$0x15400] =	vst v63  }
0x15c: {  	s13 =	rddreg [dreg:$0x1c]  }
0x15d: {  	[tilespmem:s14], [sflag:$0x1] =	stream.indirect.gather [hbm4b:s5+s7], $0x10, s0, s7, $0xb8;
	[tilespmem:$0x15400] =	vst v63  }
0x15e: {  	s12 =	rddreg [dreg:$0x19]  }
0x15f: {  	[tilespmem:s15], [sflag:$0x1] =	stream.indirect.gather [hbm4b:s5+s7], $0x10, s12, s7, $0xb8;
	[tilespmem:$0x15400] =	vst v63  }
0x160: {  	s16 =	sld [smem:$0x7E4]  }
0x161: {  	[tilespmem:s13], [sflag:$0x1] =	stream.indirect.gather [hbm4b:s5+s7], $0x10, s11, s7, $0xb8;
	[tilespmem:$0x15400] =	vst v63  }
0x162: {  	s14 =	rddreg [dreg:$0x1d]  }
0x163: {  	[tilespmem:s8], [sflag:$0x1] =	stream.indirect.gather [hbm4b:s5+s7], $0x10, s14, s7, $0xb8;
	[tilespmem:$0x15400] =	vst v63  }
0x164: {  	s12 =	rddreg [dreg:$0x1f]  }
0x165: {  	[tilespmem:s16], [sflag:$0x1] =	stream.indirect.gather [hbm4b:s5+s7], $0x10, s12, s7, $0xb8;
	[tilespmem:$0x15400] =	vst v63  }
0x166: {  	_ =	swait.ge [sflag:s6], $0x800  }
0x167: {  	[sflag:s6] =	ssyncset.done $0x0  }
0x168: {  	[sflag:s6] =	ssyncadd.s32 $0xFFFFF800  }
0x169: {  	_ =	swait.ge [sflag:s6], $0x800  }
0x16a: {  	[sflag:s6] =	ssyncset.done $0x0  }
0x16b: {  	[sflag:s6] =	ssyncadd.s32 $0xFFFFF800  }
0x16c: {  	_ =	swait.ge [sflag:s6], $0x800  }
0x16d: {  	[sflag:s6] =	ssyncset.done $0x0  }
0x16e: {  	[sflag:s6] =	ssyncadd.s32 $0xFFFFF800  }
0x16f: {  	_ =	swait.ge [sflag:s6], $0x800  }
0x170: {  	[sflag:s6] =	ssyncset.done $0x0  }
0x171: {  	[sflag:s6] =	ssyncadd.s32 $0xFFFFF800  }
0x172: {  	_ =	swait.ge [sflag:s6], $0x800  }
0x173: {  	[sflag:s6] =	ssyncset.done $0x0  }
0x174: {  	[sflag:s6] =	ssyncadd.s32 $0xFFFFF800  }
0x175: {  	_ =	swait.ge [sflag:s6], $0x800  }
0x176: {  	[sflag:s6] =	ssyncset.done $0x0  }
0x177: {  	[sflag:s6] =	ssyncadd.s32 $0xFFFFF800  }
0x178: {  	_ =	swait.ge [sflag:s6], $0x800  }
0x179: {  	[sflag:s6] =	ssyncset.done $0x0  }
0x17a: {  	[sflag:s6] =	ssyncadd.s32 $0xFFFFF800  }
0x17b: {  	_ =	swait.ge [sflag:s6], $0x800  }
0x17c: {  	s0 =	sld [smem:$0x7E5]  }
0x17d: {  	s8 =	sld [smem:$0x7E6]  }
0x17e: {  	s9 =	sld [smem:$0x7E7]  }
0x17f: {  	s10 =	sld [smem:$0x7E8]  }
0x180: {  	s11 =	sld [smem:$0x7E9]  }
0x181: {  	s12 =	sld [smem:$0x7EA]  }
0x182: {  	s13 =	sld [smem:$0x7EB]  }
0x183: {  	s14 =	sld [smem:$0x7EC]  }
0x184: {  	[sflag:s6] =	ssyncset.done $0x0;
	s15 =	sld [smem:$0x7ED]  }
0x185: {  	s16 =	sld [smem:$0x7EE];
	[sflag:s6] =	ssyncadd.s32 $0xFFFFF800  }
0x186: {  	[tilespmem:s11], [sflag:$0x1] =	stream.indirect.gather [hbm4b:s5+s7], $0x10, s13, s7, $0xb8;
	[tilespmem:$0x15400] =	vst v63  }
0x187: {  	s11 =	sld [smem:$0x7EF]  }
0x188: {  	[tilespmem:s9], [sflag:$0x1] =	stream.indirect.gather [hbm4b:s5+s7], $0x10, s15, s7, $0xb8;
	[tilespmem:$0x15400] =	vst v63  }
0x189: {  	s13 =	sld [smem:$0x7F1]  }
0x18a: {  	[tilespmem:s12], [sflag:$0x1] =	stream.indirect.gather [hbm4b:s5+s7], $0x10, s0, s7, $0xb8;
	[tilespmem:$0x15400] =	vst v63  }
0x18b: {  	s9 =	sld [smem:$0x7F0]  }
0x18c: {  	[tilespmem:s14], [sflag:$0x1] =	stream.indirect.gather [hbm4b:s5+s7], $0x10, s16, s7, $0xb8;
	[tilespmem:$0x15400] =	vst v63  }
0x18d: {  	s15 =	sld [smem:$0x7F2]  }
0x18e: {  	[tilespmem:s10], [sflag:$0x1] =	stream.indirect.gather [hbm4b:s5+s7], $0x10, s11, s7, $0xb8;
	[tilespmem:$0x15400] =	vst v63  }
0x18f: {  	s16 =	sld [smem:$0x7F3]  }
0x190: {  	[tilespmem:s9], [sflag:$0x1] =	stream.indirect.gather [hbm4b:s5+s7], $0x10, s13, s7, $0xb8;
	[tilespmem:$0x15400] =	vst v63  }
0x191: {  	s9 =	sld [smem:$0x7F4]  }
0x192: {  	[tilespmem:s8], [sflag:$0x1] =	stream.indirect.gather [hbm4b:s5+s7], $0x10, s15, s7, $0xb8;
	[tilespmem:$0x15400] =	vst v63  }
0x193: {  	_ = 	snop  }
0x194: {  	[tilespmem:s16], [sflag:$0x1] =	stream.indirect.gather [hbm4b:s5+s7], $0x10, s9, s7, $0xb8;
	[tilespmem:$0x15400] =	vst v63  }
0x195: {  	_ =	swait.ge [sflag:s6], $0x800  }
0x196: {  	[sflag:s6] =	ssyncset.done $0x0  }
0x197: {  	[sflag:s6] =	ssyncadd.s32 $0xFFFFF800  }
0x198: {  	_ =	swait.ge [sflag:s6], $0x800  }
0x199: {  	[sflag:s6] =	ssyncset.done $0x0  }
0x19a: {  	[sflag:s6] =	ssyncadd.s32 $0xFFFFF800  }
0x19b: {  	_ =	swait.ge [sflag:s6], $0x800  }
0x19c: {  	[sflag:s6] =	ssyncset.done $0x0  }
0x19d: {  	[sflag:s6] =	ssyncadd.s32 $0xFFFFF800  }
0x19e: {  	_ =	swait.ge [sflag:s6], $0x800  }
0x19f: {  	[sflag:s6] =	ssyncset.done $0x0  }
0x1a0: {  	[sflag:s6] =	ssyncadd.s32 $0xFFFFF800  }
0x1a1: {  	_ =	swait.ge [sflag:s6], $0x800  }
0x1a2: {  	[sflag:s6] =	ssyncset.done $0x0  }
0x1a3: {  	[sflag:s6] =	ssyncadd.s32 $0xFFFFF800  }
0x1a4: {  	_ =	swait.ge [sflag:s6], $0x800  }
0x1a5: {  	[sflag:s6] =	ssyncset.done $0x0  }
0x1a6: {  	[sflag:s6] =	ssyncadd.s32 $0xFFFFF800  }
0x1a7: {  	_ =	swait.ge [sflag:s6], $0x800  }
0x1a8: {  	[sflag:s6] =	ssyncset.done $0x0  }
0x1a9: {  	[sflag:s6] =	ssyncadd.s32 $0xFFFFF800  }
0x1aa: {  	_ =	swait.ge [sflag:s6], $0x800  }
0x1ab: {  	s10 =	sld [smem:$0x7F5]  }
0x1ac: {  	s14 =	sld [smem:$0x7F6]  }
0x1ad: {  	s15 =	sld [smem:$0x7F7]  }
0x1ae: {  	s12 =	sld [smem:$0x7F8]  }
0x1af: {  	[sflag:s6] =	ssyncset.done $0x0;
	s13 =	sld [smem:$0x7F9]  }
0x1b0: {  	s16 =	sld [smem:$0x7FA];
	[sflag:s6] =	ssyncadd.s32 $0xFFFFF800  }
0x1b1: {  	[tilespmem:s12], [sflag:$0x1] =	stream.indirect.gather [hbm4b:s5+s7], $0x10, s14, s7, $0xb8;
	[tilespmem:$0x15400] =	vst v63  }
0x1b2: {  	s14 =	sld [smem:$0x7FB]  }
0x1b3: {  	[tilespmem:s10], [sflag:$0x1] =	stream.indirect.gather [hbm4b:s5+s7], $0x10, s15, s7, $0xb8;
	[tilespmem:$0x15400] =	vst v63  }
0x1b4: {  	s15 =	sld [smem:$0x7FC]  }
0x1b5: {  	[tilespmem:s13], [sflag:$0x1] =	stream.indirect.gather [hbm4b:s5+s7], $0x10, s14, s7, $0xb8;
	[tilespmem:$0x15400] =	vst v63  }
0x1b6: {  	s0 =	sld [smem:$0x7FD]  }
0x1b7: {  	[tilespmem:s16], [sflag:$0x1] =	stream.indirect.gather [hbm4b:s5+s7], $0x10, s15, s7, $0xb8;
	[tilespmem:$0x15400] =	vst v63  }
0x1b8: {  	s16 =	simm.s32 $0xF400  }
0x1b9: {  	[tilespmem:s16], [sflag:$0x1] =	stream.indirect.gather [hbm4b:s5+s7], $0x10, s0, s7, $0xb8;
	[tilespmem:$0x15400] =	vst v63  }
0x1ba: {  	s9 =	simm.s32 $0xE80;
	s10 =	simm.s32 $0xFC00  }
0x1bb: {  	[tilespmem:s10], [sflag:$0x1] =	stream.indirect.gather [hbm4b:s5+s7], $0x10, s9, s7, $0xb8;
	[tilespmem:$0x15400] =	vst v63  }
0x1bc: {  	s11 =	simm.s32 $0xF00;
	s12 =	simm.s32 $0x10400  }
0x1bd: {  	[tilespmem:s12], [sflag:$0x1] =	stream.indirect.gather [hbm4b:s5+s7], $0x10, s11, s7, $0xb8;
	[tilespmem:$0x15400] =	vst v63  }
0x1be: {  	s13 =	simm.s32 $0xF80;
	s14 =	simm.s32 $0x10C00  }
0x1bf: {  	[tilespmem:s14], [sflag:$0x1] =	stream.indirect.gather [hbm4b:s5+s7], $0x10, s13, s7, $0xb8;
	[tilespmem:$0x15400] =	vst v63  }
0x1c0: {  	_ =	swait.ge [sflag:s6], $0x800  }
0x1c1: {  	[sflag:s6] =	ssyncset.done $0x0  }
0x1c2: {  	[sflag:s6] =	ssyncadd.s32 $0xFFFFF800  }
0x1c3: {  	_ =	swait.ge [sflag:s6], $0x800  }
0x1c4: {  	[sflag:s6] =	ssyncset.done $0x0  }
0x1c5: {  	[sflag:s6] =	ssyncadd.s32 $0xFFFFF800  }
0x1c6: {  	_ =	swait.ge [sflag:s6], $0x800  }
0x1c7: {  	[sflag:s6] =	ssyncset.done $0x0  }
0x1c8: {  	[sflag:s6] =	ssyncadd.s32 $0xFFFFF800  }
0x1c9: {  	_ =	swait.ge [sflag:s6], $0x800  }
0x1ca: {  	[sflag:s6] =	ssyncset.done $0x0  }
0x1cb: {  	[sflag:s6] =	ssyncadd.s32 $0xFFFFF800  }
0x1cc: {  	_ =	swait.ge [sflag:s6], $0x800  }
0x1cd: {  	[sflag:s6] =	ssyncset.done $0x0  }
0x1ce: {  	[sflag:s6] =	ssyncadd.s32 $0xFFFFF800  }
0x1cf: {  	_ =	swait.ge [sflag:s6], $0x800  }
0x1d0: {  	[sflag:s6] =	ssyncset.done $0x0  }
0x1d1: {  	[sflag:s6] =	ssyncadd.s32 $0xFFFFF800  }
0x1d2: {  	_ =	swait.ge [sflag:s6], $0x800  }
0x1d3: {  	[sflag:s6] =	ssyncset.done $0x0  }
0x1d4: {  	[sflag:s6] =	ssyncadd.s32 $0xFFFFF800  }
0x1d5: {  	_ =	swait.ge [sflag:s6], $0x800  }
0x1d6: {  	[sflag:s6] =	ssyncset.done $0x0  }
0x1d7: {  	s15 =	simm.s32 $0x1000;
	s16 =	simm.s32 $0x11400;
	[sflag:s6] =	ssyncadd.s32 $0xFFFFF800  }
0x1d8: {  	[tilespmem:s16], [sflag:$0x1] =	stream.indirect.gather [hbm4b:s5+s7], $0x10, s15, s7, $0xb8;
	[tilespmem:$0x15400] =	vst v63  }
0x1d9: {  	_ = 	snop  }
0x1da: {  	[tilespmem:s18], [sflag:$0x1] =	stream.indirect.gather [hbm4b:s5+s7], $0x10, s17, s7, $0xb8;
	[tilespmem:$0x15400] =	vst v63  }
0x1db: {  	_ = 	snop  }
0x1dc: {  	[tilespmem:s20], [sflag:$0x1] =	stream.indirect.gather [hbm4b:s5+s7], $0x10, s19, s7, $0xb8;
	[tilespmem:$0x15400] =	vst v63  }
0x1dd: {  	_ = 	snop  }
0x1de: {  	[tilespmem:s22], [sflag:$0x1] =	stream.indirect.gather [hbm4b:s5+s7], $0x10, s21, s7, $0xb8;
	[tilespmem:$0x15400] =	vst v63  }
0x1df: {  	_ = 	snop  }
0x1e0: {  	[tilespmem:s24], [sflag:$0x1] =	stream.indirect.gather [hbm4b:s5+s7], $0x10, s23, s7, $0xb8;
	[tilespmem:$0x15400] =	vst v63  }
0x1e1: {  	_ = 	snop  }
0x1e2: {  	[tilespmem:s26], [sflag:$0x1] =	stream.indirect.gather [hbm4b:s5+s7], $0x10, s25, s7, $0xb8;
	[tilespmem:$0x15400] =	vst v63  }
0x1e3: {  	_ = 	snop  }
0x1e4: {  	[tilespmem:s29], [sflag:$0x1] =	stream.indirect.gather [hbm4b:s5+s7], $0x10, s28, s7, $0xb8;
	[tilespmem:$0x15400] =	vst v63  }
0x1e5: {  	p0 =	sne.s32 s1, $0x1  }
0x1e6: {  	[tilespmem:s31], [sflag:$0x1] =	stream.indirect.gather [hbm4b:s5+s7], $0x10, s30, s7, $0xb8;
	[tilespmem:$0x15400] =	vst v63  }
.Ltmp1:
0x1e7: {  	_ = 	snop;
	(pc) =	sbr.rel @p0 .LBB2_1-.Ltmp1, $4  }
0x1e8: {  	_ =	swait.ge [sflag:s6], $0x800  }
0x1e9: {  	[sflag:s6] =	ssyncset.done $0x0  }
0x1ea: {  	[sflag:s6] =	ssyncadd.s32 $0xFFFFF800  }
0x1eb: {  	s1 =	sadd.s32 $0xFFFFFFFF, s1;
	_ =	swait.ge [sflag:s6], $0x800  }
.LBB2_2:
0x1ec: {  	[sflag:s6] =	ssyncset.done $0x0  }
0x1ed: {  	[sflag:s6] =	ssyncadd.s32 $0xFFFFF800  }
0x1ee: {  	_ =	swait.ge [sflag:s6], $0x800  }
0x1ef: {  	[sflag:s6] =	ssyncset.done $0x0  }
0x1f0: {  	[sflag:s6] =	ssyncadd.s32 $0xFFFFF800  }
0x1f1: {  	_ =	swait.ge [sflag:s6], $0x800  }
0x1f2: {  	[sflag:s6] =	ssyncset.done $0x0  }
0x1f3: {  	[sflag:s6] =	ssyncadd.s32 $0xFFFFF800  }
0x1f4: {  	_ =	swait.ge [sflag:s6], $0x800  }
0x1f5: {  	[sflag:s6] =	ssyncset.done $0x0  }
0x1f6: {  	[sflag:s6] =	ssyncadd.s32 $0xFFFFF800  }
0x1f7: {  	_ =	swait.ge [sflag:s6], $0x800  }
0x1f8: {  	[sflag:s6] =	ssyncset.done $0x0  }
0x1f9: {  	[sflag:s6] =	ssyncadd.s32 $0xFFFFF800  }
0x1fa: {  	_ =	swait.ge [sflag:s6], $0x800  }
0x1fb: {  	[sflag:s6] =	ssyncset.done $0x0  }
0x1fc: {  	[sflag:s6] =	ssyncadd.s32 $0xFFFFF800  }
0x1fd: {  	_ =	swait.ge [sflag:s6], $0x800  }
0x1fe: {  	[sflag:s6] =	ssyncset.done $0x0  }
0x1ff: {  	s0 =	rddreg [dreg:$0x3];
	[sflag:s6] =	ssyncadd.s32 $0xFFFFF800  }
0x200: {  	[hbm4b:s0+s2] =	stream.linear.scatter [tilespmem:s4], [sflag:$0x2], $0x14000, $0x38;
	[tilespmem:$0x15400] =	vst v63  }
0x201: {  	_ =	swait.ge [sflag:s3], $0x14000  }
0x202: {  	[sflag:s3] =	ssyncset.done $0x0  }
0x203: {  	[sflag:s3] =	ssyncadd.s32 $0xFFFEC000  }
0x204: {  	_ =	sfence.sel $0x180000  }
0x205: {  	[bflag:$0x0] =	sbarrier.arrive $0xFFFF  }
0x206: {  	_ =	strace $0x90000053  }
0x207: {  	s31 =	stileid.u32;
	[bflag:$0x2] =	sbarrier.arrive $0xFFFF  }
0x208: {  	p0 =	sne.s32 s31, $0x0;
	s0 =	rddreg [dreg:$0x1]  }
0x209: {  	s0 =	sadd.s32 @!p0 $0x100000, s0  }
0x20a: {  	[sflag:s0] =	ssyncadd.tile.s32 @!p0 $0x1;
	_ =	shalt  }
.Lfunc_end2:
_tile_overlayer_lowered:
.L_overlay_start_2:
0x20b: {  	(tag) =	ssettag $0x2  }
0x20c: {  	s0 =	rddreg [dreg:$0x0];
	s2 =	stileid.u32  }
0x20d: {  	s1 =	rddreg [dreg:$0x1];
	p0 =	sne.s32 s2, $0x0  }
0x20e: {  	s3 =	rddreg [dreg:$0x2];
	[bflag:$0x3] =	sbarrier.arrive $0xFFFF;
	s2 =	simm.s32 @!p0 $0x1C02  }
0x20f: {  	[timem:s3], [sflag:s2] =	dma.local @!p0 [hbm:s0], s1  }
0x210: {  	s0 =	simm.s32 @!p0 $0x2  }
0x211: {  	_ =	swait.ge @!p0 [sflag:s0], s1  }
0x212: {  	s1 =	ssub.s32 @!p0 $0x0, s1;
	[sflag:s0] =	ssyncset.done @!p0 $0x0  }
0x213: {  	[sflag:s0] =	ssyncadd.s32 @!p0 s1  }
0x214: {  	[bflag:$0x3] =	sbarrier.arrive $0xFFFF  }
0x215: {  	_ =	shalt  }

// kernel: kernel.31.cloned.1.call-start
scs
__scs_entry_jumppad:
0x0: {  	(pc) =	sbr.rel $0x88, $3  }
0x1: {  	(tag) =	ssettag $0x0;
	lr =	simm.s32 $0x1  }
0x2: {  	[smem:$0x3F8C] =	sst lr;
	_ =	strace $0xD0000000  }
0x3: {  	_ = 	snop  }
0x4: {  	_ = 	snop  }
0x5: {  	_ = 	snop  }
0x6: {  	_ = 	snop  }
0x7: {  	_ = 	snop  }
__scs_overlays_trampoline_lowered:
0x8: {  	[smem:$0x3F9B] =	sst s0  }
0x9: {  	[smem:$0x3F9C] =	sst s1  }
0xa: {  	[smem:$0x3F9D] =	sst s2  }
0xb: {  	[smem:$0x3F9E] =	sst s3  }
0xc: {  	[smem:$0x3F9F] =	sst s4  }
0xd: {  	[smem:$0x3FA0] =	sst s5  }
0xe: {  	[smem:$0x3FA1] =	sst s6  }
0xf: {  	[smem:$0x3FA2] =	sst s7  }
0x10: {  	[smem:$0x3FA3] =	sst s8  }
0x11: {  	[smem:$0x3FA4] =	sst s9;
	s0 =	simm.s32 @!p0 $0x0  }
0x12: {  	s1 =	sld [smem:$0x3F8A];
	s0 =	simm.s32 @p0 $0x1  }
0x13: {  	[smem:$0x3FA5] =	sst s0;
	s0 =	simm.s32 @!p1 $0x0  }
0x14: {  	s2 =	sld [smem:$0x3F89];
	s0 =	simm.s32 @p1 $0x1  }
0x15: {  	[smem:$0x3FA6] =	sst s0;
	s0 =	simm.s32 @!p2 $0x0  }
0x16: {  	s3 =	sld [smem:$0x3FDB];
	s0 =	simm.s32 @p2 $0x1  }
0x17: {  	s4 =	simm.s32 $0x1BF5;
	[smem:$0x3FA8] =	sst s0  }
0x18: {  	s0 =	sld [smem:$0x3F8B];
	_ =	swait.ge [sflag:s4], $0x0  }
0x19: {  	s7 =	sld [smem:$0x3F8C]  }
0x1a: {  	s8 =	sadd.s32 $0xFFFFE003, lr  }
0x1b: {  	s9 =	sadd.s32 $0xFFFFFEF7, lr;
	s5 =	simm.s32 $0xFFFFFFFF;
	p2 =	slt.u32 s8, $0xFFFFF086  }
0x1c: {  	p1 =	slt.u32 s9, $0xF7A;
	s5 =	simm.s32 @!p2 $0x0  }
0x1d: {  	s5 =	simm.s32 @p1 $0x1;
	p0 =	seq.s32 s7, s2  }
0x1e: {  	s7 =	smul.u32 @!p0 $0xF7A, s2;
	p2 =	seq.s32 @!p0 s5, $0x0  }
0x1f: {  	s9 =	smul.u32 $0xF7A, s1;
	s8 =	simm.s32 @!p0 $0x1BF5;
	p2 =	por !p2, p0  }
0x20: {  	[sflag:s8] =	ssyncset.s32 @!p0 $0xFFFFF086;
	s6 =	sadd.s32 @!p0 s3, s7;
	s7 =	simm.s32 @!p0 $0x108  }
0x21: {  	s3 =	sadd.s32 s3, s9;
	s6 =	sadd.s32 @!p0 $0x88, s6;
	s7 =	simm.s32 @p2 $0x1082  }
0x22: {  	[simem:s7], [sflag:s8] =	dma.local @!p0 [hbm:s6], $0xF7A  }
0x23: {  	s9 =	sor.u32 $0xD0000000, s2;
	s6 =	simm.s32 $0x108;
	_ =	swait.ge @!p0 [sflag:s8], $0x0  }
0x24: {  	s3 =	sadd.s32 $0x88, s3;
	s6 =	simm.s32 @!p1 $0x1082;
	[sflag:s4] =	ssyncset.s32 $0xFFFFF086  }
0x25: {  	[simem:s6], [sflag:s4] =	dma.local [hbm:s3], $0xF7A  }
0x26: {  	[smem:$0x3F8C] =	sst s1;
	(tag) =	ssettag s2;
	_ =	strace s9  }
0x27: {  	s1 =	sld [smem:$0x3F9C]  }
0x28: {  	s2 =	sld [smem:$0x3F9D]  }
0x29: {  	s4 =	sld [smem:$0x3F9F]  }
0x2a: {  	p0 =	seq.s32 s5, $0x0;
	s5 =	sld [smem:$0x3FA0]  }
0x2b: {  	s6 =	sld [smem:$0x3FA1]  }
0x2c: {  	s7 =	sld [smem:$0x3FA2]  }
0x2d: {  	s3 =	simm.s32 $0x108;
	s8 =	sld [smem:$0x3FA3]  }
0x2e: {  	s3 =	simm.s32 @!p0 $0x1082;
	s9 =	sld [smem:$0x3FA4]  }
0x2f: {  	lr =	sadd.s32 s0, s3;
	s0 =	sld [smem:$0x3F9B]  }
0x30: {  	s3 =	sld [smem:$0x3F9E]  }
0x31: {  	[smem:$0x3FA7] =	sst s10  }
0x32: {  	s10 =	sld [smem:$0x3FA5];
	_ =	sdelay $0x3  }
0x33: {  	p0 =	seq.s32 s10, $0x1;
	s10 =	sld [smem:$0x3FA7];
	_ =	sdelay $0x3  }
0x34: {  	[smem:$0x3FA7] =	sst s10  }
0x35: {  	s10 =	sld [smem:$0x3FA6];
	_ =	sdelay $0x3  }
0x36: {  	p1 =	seq.s32 s10, $0x1;
	s10 =	sld [smem:$0x3FA7];
	_ =	sdelay $0x3  }
0x37: {  	[smem:$0x3FA7] =	sst s10  }
0x38: {  	s10 =	sld [smem:$0x3FA8]  }
0x39: {  	_ = 	snop;
	(pc) =	sbr.ind lr, $3  }
0x3a: {  	_ = 	snop  }
0x3b: {  	_ = 	snop  }
0x3c: {  	p2 =	seq.s32 s10, $0x1;
	s10 =	sld [smem:$0x3FA7]  }
0x3d: {  	_ =	shalt  }
0x3e: {  	_ =	shalt  }
0x3f: {  	_ =	shalt  }
0x40: {  	_ =	shalt  }
0x41: {  	_ =	shalt  }
0x42: {  	_ =	shalt  }
0x43: {  	_ =	shalt  }
0x44: {  	_ =	shalt  }
0x45: {  	_ =	shalt  }
0x46: {  	_ =	shalt  }
0x47: {  	_ =	shalt  }
0x48: {  	_ =	shalt  }
0x49: {  	_ =	shalt  }
0x4a: {  	_ =	shalt  }
0x4b: {  	_ =	shalt  }
0x4c: {  	_ =	shalt  }
0x4d: {  	_ =	shalt  }
0x4e: {  	_ =	shalt  }
0x4f: {  	_ =	shalt  }
0x50: {  	_ =	shalt  }
0x51: {  	_ =	shalt  }
0x52: {  	_ =	shalt  }
0x53: {  	_ =	shalt  }
0x54: {  	_ =	shalt  }
0x55: {  	_ =	shalt  }
0x56: {  	_ =	shalt  }
0x57: {  	_ =	shalt  }
0x58: {  	_ =	shalt  }
0x59: {  	_ =	shalt  }
0x5a: {  	_ =	shalt  }
0x5b: {  	_ =	shalt  }
0x5c: {  	_ =	shalt  }
0x5d: {  	_ =	shalt  }
0x5e: {  	_ =	shalt  }
0x5f: {  	_ =	shalt  }
0x60: {  	_ =	shalt  }
0x61: {  	_ =	shalt  }
0x62: {  	_ =	shalt  }
0x63: {  	_ =	shalt  }
0x64: {  	_ =	shalt  }
0x65: {  	_ =	shalt  }
0x66: {  	_ =	shalt  }
0x67: {  	_ =	shalt  }
0x68: {  	_ =	shalt  }
0x69: {  	_ =	shalt  }
0x6a: {  	_ =	shalt  }
0x6b: {  	_ =	shalt  }
0x6c: {  	_ =	shalt  }
0x6d: {  	_ =	shalt  }
0x6e: {  	_ =	shalt  }
0x6f: {  	_ =	shalt  }
0x70: {  	_ =	shalt  }
0x71: {  	_ =	shalt  }
0x72: {  	_ =	shalt  }
0x73: {  	_ =	shalt  }
0x74: {  	_ =	shalt  }
0x75: {  	_ =	shalt  }
0x76: {  	_ =	shalt  }
0x77: {  	_ =	shalt  }
0x78: {  	_ =	shalt  }
0x79: {  	_ =	shalt  }
0x7a: {  	_ =	shalt  }
0x7b: {  	_ =	shalt  }
0x7c: {  	_ =	shalt  }
0x7d: {  	_ =	shalt  }
0x7e: {  	_ =	shalt  }
0x7f: {  	_ =	shalt  }
0x80: {  	_ =	shalt  }
0x81: {  	_ =	shalt  }
0x82: {  	_ =	shalt  }
0x83: {  	_ =	shalt  }
0x84: {  	_ =	shalt  }
0x85: {  	_ =	shalt  }
0x86: {  	_ =	shalt  }
0x87: {  	_ =	shalt  }
.Lfunc_end0:
.L_simem_size_0:
called_computation.5_lowered:
.L_overlay_start_0:
0x88: {  	s2 =	sld [smem:$0x3FD9]  }
0x89: {  	s3 =	sld [smem:$0x3FFE];
	_ =	sdelay $0x1  }
0x8a: {  	s1 =	srdreg.scid  }
0x8b: {  	s0 =	sand.u32 $0x1, s1  }
0x8c: {  	s16 =	sshll.u32 s0, $0xA;
	s2 =	sadd.s32 s3, s2  }
0x8d: {  	s2 =	sadd.s32 s2, s16  }
0x8e: {  	[smem:$0x3FB3] =	sst s2  }
0x8f: {  	_ = 	snop  }
0x90: {  	(tm) =	ssettm $0x1  }
0x91: {  	s17 =	sld [smem:$0x3FFB];
	_ =	sdelay $0x3  }
0x92: {  	_ =	strace s17  }
0x93: {  	s2 =	sld [smem:$0x3FFC];
	_ =	sdelay $0x3  }
0x94: {  	_ =	strace s2  }
0x95: {  	s2 =	sld [smem:$0x3FFD];
	_ =	sdelay $0x3  }
0x96: {  	_ =	strace s2  }
0x97: {  	_ =	strace $0x8FFFFFFF  }
0x98: {  	s18 =	sld [smem:$0x3FDB];
	_ =	sdelay $0x1  }
0x99: {  	s19 =	simm.s32 $_scs_section_size  }
0x9a: {  	s4 =	simm.s32 $_size__tile_overlayer_lowered;
	s5 =	simm.s32 $_tile_overlayer_lowered  }
0x9b: {  	s22 =	simm.s32 $0x1BFF;
	s21 =	sshll.u32 s5, $0x1;
	s2 =	sadd.s32 s19, s18  }
0x9c: {  	s6 =	simm.s32 $0x0;
	s20 =	sshll.u32 s4, $0x1;
	s4 =	sadd.s32 s21, s2  }
0x9d: {  	[timem:s6], [sflag:s22] =	dma.local [hbm:s4], s20  }
0x9e: {  	_ =	swait.ge [sflag:s22], s20  }
0x9f: {  	s3 =	ssub.s32 $0x0, s20;
	[sflag:s22] =	ssyncset.done $0x0  }
0xa0: {  	[sflag:s22] =	ssyncadd.s32 s3;
	_ =	sdelay $0x1  }
0xa1: {  	s23 =	simm.s32 $0x1B8B  }
0xa2: {  	_ =	swait.ge [sflag:s23], $0x1  }
0xa3: {  	[sflag:s23] =	ssyncset.done $0x0  }
0xa4: {  	s25 =	simm.s32 $0x1B8E;
	s24 =	sld [smem:$0x3FFE];
	[sflag:s23] =	ssyncadd.s32 $0xFFFFFFFF  }
0xa5: {  	s26 =	simm.s32 $execute0_lowered;
	[smem:$0x3FD2] =	sst s25  }
0xa6: {  	s4 =	sshll.u32 s26, $0x1;
	_ =	strace $0x80000055;
	[dreg:$0x1] =	wrdreg $0xFFFFFFFF  }
0xa7: {  	s28 =	simm.s32 $_size_execute0_lowered;
	s2 =	sadd.s32 s2, s4;
	[dreg:$0x0] =	wrdreg $0x0  }
0xa8: {  	s4 =	sshll.u32 s28, $0x1;
	[dreg:$0x2] =	wrdreg s2  }
0xa9: {  	[dreg:$0x3] =	wrdreg s4  }
0xaa: {  	[dreg:$0x4] =	wrdreg $0xC0  }
0xab: {  	_ =	task [dreg:s6], $0x5FFFF  }
0xac: {  	[dreg:$0x1] =	wrdreg $0xFFFFFFFF  }
0xad: {  	[dreg:$0x0] =	wrdreg $0x60  }
0xae: {  	[dreg:$0x2] =	wrdreg s24  }
0xaf: {  	[dreg:$0x3] =	wrdreg $0x17B200  }
0xb0: {  	[dreg:$0x4] =	wrdreg $0x9  }
0xb1: {  	_ =	task.clear_ibuf [dreg:s6], $0x5FFFF;
	_ =	strace $0x90000055  }
0xb2: {  	s29 =	simm.s32 $0x9;
	_ =	strace $0x80000057  }
0xb3: {  	_ =	swait.ge [sflag:s29], $0x1  }
0xb4: {  	[sflag:s29] =	ssyncadd.s32 $0xFFFFFFFF  }
0xb5: {  	_ =	strace $0x90000057  }
0xb6: {  	_ =	sfence  }
0xb7: {  	s30 =	sld [smem:$0x0];
	_ =	sdelay $0x2  }
0xb8: {  	s31 =	sshll.u32 s1, $0xD;
	s1 =	sshrl.u32 s1, $0x2  }
0xb9: {  	s3 =	sand.u32 $0x4000, s31;
	s1 =	sadd.s32 s1, s30  }
0xba: {  	s0 =	sor.u32 s3, s0;
	s1 =	sshll.u32 s1, $0x11  }
0xbb: {  	s0 =	sor.u32 s1, s0  }
0xbc: {  	s0 =	sadd.s32 $0x8F2B, s0  }
0xbd: {  	[sflag:s0] =	ssyncadd.remote.s32 $0x1  }
0xbe: {  	_ =	sfence.sel $0xFFFF  }
0xbf: {  	[dreg:$0x0] =	wrdreg $0xFFFFFFFF;
	(pc) =	sbr.abs _section_cstart, $3  }
0xc0: {  	[dreg:$0x1] =	wrdreg $0xFFFFFFFF  }
0xc1: {  	_ =	task.clear_ibuf [dreg:s6], $0x2FFFF;
	_ =	strace $0x9FFFFFFF  }
0xc2: {  	(tm) =	ssettm $0x7FFFFFFF  }
0xc3: {  	_ =	shalt  }
tec
execute0_lowered:
.L_overlay_start_1:
0x0: {  	(tag) =	ssettag $0x1  }
0x1: {  	s0 =	srdreg.scid;
	s4 =	rddreg [dreg:$0x0]  }
0x2: {  	s6 =	stileid.u32;
	s2 =	rddreg [dreg:$0x1]  }
0x3: {  	s3 =	simm.s32 $0x0;
	s10 =	simm.s32 $0x2;
	s11 =	simm.s32 $0x1400  }
0x4: {  	s12 =	simm.s32 $0x80;
	s13 =	simm.s32 $0x10C00;
	s14 =	simm.s32 $0x1000  }
0x5: {  	s15 =	simm.s32 $0x11400;
	s16 =	simm.s32 $0x1080;
	s17 =	simm.s32 $0x11C00  }
0x6: {  	s18 =	simm.s32 $0x1100;
	s19 =	simm.s32 $0x12400;
	s20 =	simm.s32 $0x1180  }
0x7: {  	s21 =	simm.s32 $0x12C00;
	s22 =	simm.s32 $0x1200;
	s23 =	simm.s32 $0x13400  }
0x8: {  	s24 =	simm.s32 $0x1280;
	s28 =	simm.s32 $0x1300;
	s29 =	simm.s32 $0x14400  }
0x9: {  	s30 =	simm.s32 $0x1380;
	s31 =	simm.s32 $0x14C00;
	s0 =	sand.u32 $0x1, s0  }
0xa: {  	s1 =	sshll.u32 s6, $0x1;
	s6 =	smul.u32 $0x2720, s6;
	[smem:$0x7FF] =	sst s3  }
0xb: {  	s1 =	sor.u32 s0, s1;
	s7 =	smul.u32 $0x27200, s0;
	s0 =	ssub.s32 $0x2, s0  }
0xc: {  	_ =	strace $0x80000056;
	s5 =	smul.u32 $0x2800, s1;
	s26 =	sshrl.u32 s0, $0x1  }
0xd: {  	s1 =	smul.u32 $0x280, s1;
	s25 =	sadd.s32 s6, s7;
	s0 =	ssub.s32 s0, s26  }
0xe: {  	s26 =	simm.s32 $0x1;
	s8 =	sadd.s32 s5, s4;
	s5 =	sshrl.u32 s25, $0x3  }
0xf: {  	s1 =	sadd.s32 s1, s4;
	s25 =	simm.s32 $0x13C00;
	s9 =	sadd.s32 s5, s4  }
0x10: {  	s4 =	sadd.s32 s6, s2;
	s5 =	sadd.s32 $0x1BEC00, s1;
	s6 =	sadd.s32 $0x2C400, s8  }
0x11: {  	v0 =	vimm.f32 $0.0e+00;
	s8 =	smax.u32 s0, $0x1;
	s1 =	simm.s32 $0x0;
	s7 =	sadd.s32 $0x7C400, s9  }
.LBB2_1:
0x12: {  	s0 =	simm.s32 $0x40;
	s9 =	simm.s32 $0x0  }
.LBB2_2:
0x13: {  	p0 =	sne.s32 s0, $0x9C40;
	[tilespmem:s9+$0x15400] =	vst v0;
	s9 =	smov.u32 s0;
	s0 =	sadd.s32 $0x40, s0  }
.Ltmp0:
0x14: {  	(pc) =	sbr.rel @p0 .LBB2_2-.Ltmp0, $2  }
0x15: {  	_ =	sdelay $0x2  }
0x16: {  	s9 =	sshra.s32 s9, $0x2  }
0x17: {  	[tilespmem:s9+$0x15400] =	vst v0;
	s0 =	simm.s32 $0x15400  }
0x18: {  	[spmem:s4] =	stream.linear.scatter [tilespmem:s0], [sflag:$0x2], $0x2720, $0x38;
	[tilespmem:$0x1A240] =	vst v63  }
0x19: {  	_ =	swait.ge [sflag:s10], $0x2720  }
0x1a: {  	[sflag:s10] =	ssyncset.done $0x0  }
0x1b: {  	[sflag:s10] =	ssyncadd.s32 $0xFFFFD8E0  }
0x1c: {  	[bflag:$0x0] =	sbarrier.arrive $0xFFFF  }
0x1d: {  	[tilespmem:s3], [sflag:$0x2] =	stream.linear.gather [hbm4b:s5+s3], $0x1400, $0x38;
	[tilespmem:$0x1A240] =	vst v63  }
0x1e: {  	_ =	swait.ge [sflag:s10], $0x1400  }
0x1f: {  	[sflag:s10] =	ssyncset.done $0x0  }
0x20: {  	[sflag:s10] =	ssyncadd.s32 $0xFFFFEC00  }
0x21: {  	[tilespmem:s11], [sflag:$0x2] =	stream.linear.gather [hbm4b:s6+s3], $0x14000, $0x38;
	[tilespmem:$0x1A240] =	vst v63  }
0x22: {  	_ =	swait.ge [sflag:s10], $0x14000  }
0x23: {  	[sflag:s10] =	ssyncset.done $0x0  }
0x24: {  	[sflag:s10] =	ssyncadd.s32 $0xFFFEC000  }
0x25: {  	[spmem:s2] =	stream.indirect.scatter.add.f32 [tilespmem:s11], [sflag:$0x1], $0x10, s3, s12, $0xb8;
	[tilespmem:$0x1A240] =	vst v63  }
0x26: {  	s9 =	simm.s32 $0x1C00  }
0x27: {  	[spmem:s2] =	stream.indirect.scatter.add.f32 [tilespmem:s9], [sflag:$0x1], $0x10, s12, s12, $0xb8;
	[tilespmem:$0x1A240] =	vst v63  }
0x28: {  	s0 =	simm.s32 $0x100;
	s9 =	simm.s32 $0x2400  }
0x29: {  	[spmem:s2] =	stream.indirect.scatter.add.f32 [tilespmem:s9], [sflag:$0x1], $0x10, s0, s12, $0xb8;
	[tilespmem:$0x1A240] =	vst v63  }
0x2a: {  	s0 =	simm.s32 $0x180;
	s9 =	simm.s32 $0x2C00  }
0x2b: {  	[spmem:s2] =	stream.indirect.scatter.add.f32 [tilespmem:s9], [sflag:$0x1], $0x10, s0, s12, $0xb8;
	[tilespmem:$0x1A240] =	vst v63  }
0x2c: {  	s0 =	simm.s32 $0x200;
	s9 =	simm.s32 $0x3400  }
0x2d: {  	[spmem:s2] =	stream.indirect.scatter.add.f32 [tilespmem:s9], [sflag:$0x1], $0x10, s0, s12, $0xb8;
	[tilespmem:$0x1A240] =	vst v63  }
0x2e: {  	s0 =	simm.s32 $0x280;
	s9 =	simm.s32 $0x3C00  }
0x2f: {  	[spmem:s2] =	stream.indirect.scatter.add.f32 [tilespmem:s9], [sflag:$0x1], $0x10, s0, s12, $0xb8;
	[tilespmem:$0x1A240] =	vst v63  }
0x30: {  	s0 =	simm.s32 $0x300;
	s9 =	simm.s32 $0x4400  }
0x31: {  	[spmem:s2] =	stream.indirect.scatter.add.f32 [tilespmem:s9], [sflag:$0x1], $0x10, s0, s12, $0xb8;
	[tilespmem:$0x1A240] =	vst v63  }
0x32: {  	s0 =	simm.s32 $0x380;
	s9 =	simm.s32 $0x4C00  }
0x33: {  	[spmem:s2] =	stream.indirect.scatter.add.f32 [tilespmem:s9], [sflag:$0x1], $0x10, s0, s12, $0xb8;
	[tilespmem:$0x1A240] =	vst v63  }
0x34: {  	_ =	swait.ge [sflag:s26], $0x800  }
0x35: {  	[sflag:s26] =	ssyncset.done $0x0  }
0x36: {  	[sflag:s26] =	ssyncadd.s32 $0xFFFFF800  }
0x37: {  	_ =	swait.ge [sflag:s26], $0x800  }
0x38: {  	[sflag:s26] =	ssyncset.done $0x0  }
0x39: {  	[sflag:s26] =	ssyncadd.s32 $0xFFFFF800  }
0x3a: {  	_ =	swait.ge [sflag:s26], $0x800  }
0x3b: {  	[sflag:s26] =	ssyncset.done $0x0  }
0x3c: {  	[sflag:s26] =	ssyncadd.s32 $0xFFFFF800  }
0x3d: {  	_ =	swait.ge [sflag:s26], $0x800  }
0x3e: {  	[sflag:s26] =	ssyncset.done $0x0  }
0x3f: {  	[sflag:s26] =	ssyncadd.s32 $0xFFFFF800  }
0x40: {  	_ =	swait.ge [sflag:s26], $0x800  }
0x41: {  	[sflag:s26] =	ssyncset.done $0x0  }
0x42: {  	[sflag:s26] =	ssyncadd.s32 $0xFFFFF800  }
0x43: {  	_ =	swait.ge [sflag:s26], $0x800  }
0x44: {  	[sflag:s26] =	ssyncset.done $0x0  }
0x45: {  	[sflag:s26] =	ssyncadd.s32 $0xFFFFF800  }
0x46: {  	_ =	swait.ge [sflag:s26], $0x800  }
0x47: {  	[sflag:s26] =	ssyncset.done $0x0  }
0x48: {  	[sflag:s26] =	ssyncadd.s32 $0xFFFFF800  }
0x49: {  	_ =	swait.ge [sflag:s26], $0x800  }
0x4a: {  	[sflag:s26] =	ssyncset.done $0x0  }
0x4b: {  	s0 =	simm.s32 $0x400;
	s9 =	simm.s32 $0x5400;
	[sflag:s26] =	ssyncadd.s32 $0xFFFFF800  }
0x4c: {  	[spmem:s2] =	stream.indirect.scatter.add.f32 [tilespmem:s9], [sflag:$0x1], $0x10, s0, s12, $0xb8;
	[tilespmem:$0x1A240] =	vst v63  }
0x4d: {  	s0 =	simm.s32 $0x480;
	s9 =	simm.s32 $0x5C00  }
0x4e: {  	[spmem:s2] =	stream.indirect.scatter.add.f32 [tilespmem:s9], [sflag:$0x1], $0x10, s0, s12, $0xb8;
	[tilespmem:$0x1A240] =	vst v63  }
0x4f: {  	s0 =	simm.s32 $0x500;
	s9 =	simm.s32 $0x6400  }
0x50: {  	[spmem:s2] =	stream.indirect.scatter.add.f32 [tilespmem:s9], [sflag:$0x1], $0x10, s0, s12, $0xb8;
	[tilespmem:$0x1A240] =	vst v63  }
0x51: {  	s0 =	simm.s32 $0x580;
	s9 =	simm.s32 $0x6C00  }
0x52: {  	[spmem:s2] =	stream.indirect.scatter.add.f32 [tilespmem:s9], [sflag:$0x1], $0x10, s0, s12, $0xb8;
	[tilespmem:$0x1A240] =	vst v63  }
0x53: {  	s0 =	simm.s32 $0x600;
	s9 =	simm.s32 $0x7400  }
0x54: {  	[spmem:s2] =	stream.indirect.scatter.add.f32 [tilespmem:s9], [sflag:$0x1], $0x10, s0, s12, $0xb8;
	[tilespmem:$0x1A240] =	vst v63  }
0x55: {  	s0 =	simm.s32 $0x680;
	s9 =	simm.s32 $0x7C00  }
0x56: {  	[spmem:s2] =	stream.indirect.scatter.add.f32 [tilespmem:s9], [sflag:$0x1], $0x10, s0, s12, $0xb8;
	[tilespmem:$0x1A240] =	vst v63  }
0x57: {  	s0 =	simm.s32 $0x700;
	s9 =	simm.s32 $0x8400  }
0x58: {  	[spmem:s2] =	stream.indirect.scatter.add.f32 [tilespmem:s9], [sflag:$0x1], $0x10, s0, s12, $0xb8;
	[tilespmem:$0x1A240] =	vst v63  }
0x59: {  	s0 =	simm.s32 $0x780;
	s9 =	simm.s32 $0x8C00  }
0x5a: {  	[spmem:s2] =	stream.indirect.scatter.add.f32 [tilespmem:s9], [sflag:$0x1], $0x10, s0, s12, $0xb8;
	[tilespmem:$0x1A240] =	vst v63  }
0x5b: {  	_ =	swait.ge [sflag:s26], $0x800  }
0x5c: {  	[sflag:s26] =	ssyncset.done $0x0  }
0x5d: {  	[sflag:s26] =	ssyncadd.s32 $0xFFFFF800  }
0x5e: {  	_ =	swait.ge [sflag:s26], $0x800  }
0x5f: {  	[sflag:s26] =	ssyncset.done $0x0  }
0x60: {  	[sflag:s26] =	ssyncadd.s32 $0xFFFFF800  }
0x61: {  	_ =	swait.ge [sflag:s26], $0x800  }
0x62: {  	[sflag:s26] =	ssyncset.done $0x0  }
0x63: {  	[sflag:s26] =	ssyncadd.s32 $0xFFFFF800  }
0x64: {  	_ =	swait.ge [sflag:s26], $0x800  }
0x65: {  	[sflag:s26] =	ssyncset.done $0x0  }
0x66: {  	[sflag:s26] =	ssyncadd.s32 $0xFFFFF800  }
0x67: {  	_ =	swait.ge [sflag:s26], $0x800  }
0x68: {  	[sflag:s26] =	ssyncset.done $0x0  }
0x69: {  	[sflag:s26] =	ssyncadd.s32 $0xFFFFF800  }
0x6a: {  	_ =	swait.ge [sflag:s26], $0x800  }
0x6b: {  	[sflag:s26] =	ssyncset.done $0x0  }
0x6c: {  	[sflag:s26] =	ssyncadd.s32 $0xFFFFF800  }
0x6d: {  	_ =	swait.ge [sflag:s26], $0x800  }
0x6e: {  	[sflag:s26] =	ssyncset.done $0x0  }
0x6f: {  	[sflag:s26] =	ssyncadd.s32 $0xFFFFF800  }
0x70: {  	_ =	swait.ge [sflag:s26], $0x800  }
0x71: {  	[sflag:s26] =	ssyncset.done $0x0  }
0x72: {  	s0 =	simm.s32 $0x800;
	s9 =	simm.s32 $0x9400;
	[sflag:s26] =	ssyncadd.s32 $0xFFFFF800  }
0x73: {  	[spmem:s2] =	stream.indirect.scatter.add.f32 [tilespmem:s9], [sflag:$0x1], $0x10, s0, s12, $0xb8;
	[tilespmem:$0x1A240] =	vst v63  }
0x74: {  	s0 =	simm.s32 $0x880;
	s9 =	simm.s32 $0x9C00  }
0x75: {  	[spmem:s2] =	stream.indirect.scatter.add.f32 [tilespmem:s9], [sflag:$0x1], $0x10, s0, s12, $0xb8;
	[tilespmem:$0x1A240] =	vst v63  }
0x76: {  	s0 =	simm.s32 $0x900;
	s9 =	simm.s32 $0xA400  }
0x77: {  	[spmem:s2] =	stream.indirect.scatter.add.f32 [tilespmem:s9], [sflag:$0x1], $0x10, s0, s12, $0xb8;
	[tilespmem:$0x1A240] =	vst v63  }
0x78: {  	s0 =	simm.s32 $0x980;
	s9 =	simm.s32 $0xAC00  }
0x79: {  	[spmem:s2] =	stream.indirect.scatter.add.f32 [tilespmem:s9], [sflag:$0x1], $0x10, s0, s12, $0xb8;
	[tilespmem:$0x1A240] =	vst v63  }
0x7a: {  	s0 =	simm.s32 $0xA00;
	s9 =	simm.s32 $0xB400  }
0x7b: {  	[spmem:s2] =	stream.indirect.scatter.add.f32 [tilespmem:s9], [sflag:$0x1], $0x10, s0, s12, $0xb8;
	[tilespmem:$0x1A240] =	vst v63  }
0x7c: {  	s0 =	simm.s32 $0xA80;
	s9 =	simm.s32 $0xBC00  }
0x7d: {  	[spmem:s2] =	stream.indirect.scatter.add.f32 [tilespmem:s9], [sflag:$0x1], $0x10, s0, s12, $0xb8;
	[tilespmem:$0x1A240] =	vst v63  }
0x7e: {  	s0 =	simm.s32 $0xB00;
	s9 =	simm.s32 $0xC400  }
0x7f: {  	[spmem:s2] =	stream.indirect.scatter.add.f32 [tilespmem:s9], [sflag:$0x1], $0x10, s0, s12, $0xb8;
	[tilespmem:$0x1A240] =	vst v63  }
0x80: {  	s0 =	simm.s32 $0xB80;
	s9 =	simm.s32 $0xCC00  }
0x81: {  	[spmem:s2] =	stream.indirect.scatter.add.f32 [tilespmem:s9], [sflag:$0x1], $0x10, s0, s12, $0xb8;
	[tilespmem:$0x1A240] =	vst v63  }
0x82: {  	_ =	swait.ge [sflag:s26], $0x800  }
0x83: {  	[sflag:s26] =	ssyncset.done $0x0  }
0x84: {  	[sflag:s26] =	ssyncadd.s32 $0xFFFFF800  }
0x85: {  	_ =	swait.ge [sflag:s26], $0x800  }
0x86: {  	[sflag:s26] =	ssyncset.done $0x0  }
0x87: {  	[sflag:s26] =	ssyncadd.s32 $0xFFFFF800  }
0x88: {  	_ =	swait.ge [sflag:s26], $0x800  }
0x89: {  	[sflag:s26] =	ssyncset.done $0x0  }
0x8a: {  	[sflag:s26] =	ssyncadd.s32 $0xFFFFF800  }
0x8b: {  	_ =	swait.ge [sflag:s26], $0x800  }
0x8c: {  	[sflag:s26] =	ssyncset.done $0x0  }
0x8d: {  	[sflag:s26] =	ssyncadd.s32 $0xFFFFF800  }
0x8e: {  	_ =	swait.ge [sflag:s26], $0x800  }
0x8f: {  	[sflag:s26] =	ssyncset.done $0x0  }
0x90: {  	[sflag:s26] =	ssyncadd.s32 $0xFFFFF800  }
0x91: {  	_ =	swait.ge [sflag:s26], $0x800  }
0x92: {  	[sflag:s26] =	ssyncset.done $0x0  }
0x93: {  	[sflag:s26] =	ssyncadd.s32 $0xFFFFF800  }
0x94: {  	_ =	swait.ge [sflag:s26], $0x800  }
0x95: {  	[sflag:s26] =	ssyncset.done $0x0  }
0x96: {  	[sflag:s26] =	ssyncadd.s32 $0xFFFFF800  }
0x97: {  	_ =	swait.ge [sflag:s26], $0x800  }
0x98: {  	[sflag:s26] =	ssyncset.done $0x0  }
0x99: {  	s0 =	simm.s32 $0xC00;
	s9 =	simm.s32 $0xD400;
	[sflag:s26] =	ssyncadd.s32 $0xFFFFF800  }
0x9a: {  	[spmem:s2] =	stream.indirect.scatter.add.f32 [tilespmem:s9], [sflag:$0x1], $0x10, s0, s12, $0xb8;
	[tilespmem:$0x1A240] =	vst v63  }
0x9b: {  	s0 =	simm.s32 $0xC80;
	s9 =	simm.s32 $0xDC00  }
0x9c: {  	[spmem:s2] =	stream.indirect.scatter.add.f32 [tilespmem:s9], [sflag:$0x1], $0x10, s0, s12, $0xb8;
	[tilespmem:$0x1A240] =	vst v63  }
0x9d: {  	s0 =	simm.s32 $0xD00;
	s9 =	simm.s32 $0xE400  }
0x9e: {  	[spmem:s2] =	stream.indirect.scatter.add.f32 [tilespmem:s9], [sflag:$0x1], $0x10, s0, s12, $0xb8;
	[tilespmem:$0x1A240] =	vst v63  }
0x9f: {  	s0 =	simm.s32 $0xD80;
	s9 =	simm.s32 $0xEC00  }
0xa0: {  	[spmem:s2] =	stream.indirect.scatter.add.f32 [tilespmem:s9], [sflag:$0x1], $0x10, s0, s12, $0xb8;
	[tilespmem:$0x1A240] =	vst v63  }
0xa1: {  	s0 =	simm.s32 $0xE00;
	s9 =	simm.s32 $0xF400  }
0xa2: {  	[spmem:s2] =	stream.indirect.scatter.add.f32 [tilespmem:s9], [sflag:$0x1], $0x10, s0, s12, $0xb8;
	[tilespmem:$0x1A240] =	vst v63  }
0xa3: {  	s0 =	simm.s32 $0xE80;
	s9 =	simm.s32 $0xFC00  }
0xa4: {  	[spmem:s2] =	stream.indirect.scatter.add.f32 [tilespmem:s9], [sflag:$0x1], $0x10, s0, s12, $0xb8;
	[tilespmem:$0x1A240] =	vst v63  }
0xa5: {  	s0 =	simm.s32 $0xF00;
	s9 =	simm.s32 $0x10400  }
0xa6: {  	[spmem:s2] =	stream.indirect.scatter.add.f32 [tilespmem:s9], [sflag:$0x1], $0x10, s0, s12, $0xb8;
	[tilespmem:$0x1A240] =	vst v63  }
0xa7: {  	s9 =	simm.s32 $0xF80  }
0xa8: {  	[spmem:s2] =	stream.indirect.scatter.add.f32 [tilespmem:s13], [sflag:$0x1], $0x10, s9, s12, $0xb8;
	[tilespmem:$0x1A240] =	vst v63  }
0xa9: {  	_ =	swait.ge [sflag:s26], $0x800  }
0xaa: {  	[sflag:s26] =	ssyncset.done $0x0  }
0xab: {  	[sflag:s26] =	ssyncadd.s32 $0xFFFFF800  }
0xac: {  	_ =	swait.ge [sflag:s26], $0x800  }
0xad: {  	[sflag:s26] =	ssyncset.done $0x0  }
0xae: {  	[sflag:s26] =	ssyncadd.s32 $0xFFFFF800  }
0xaf: {  	_ =	swait.ge [sflag:s26], $0x800  }
0xb0: {  	[sflag:s26] =	ssyncset.done $0x0  }
0xb1: {  	[sflag:s26] =	ssyncadd.s32 $0xFFFFF800  }
0xb2: {  	_ =	swait.ge [sflag:s26], $0x800  }
0xb3: {  	[sflag:s26] =	ssyncset.done $0x0  }
0xb4: {  	[sflag:s26] =	ssyncadd.s32 $0xFFFFF800  }
0xb5: {  	_ =	swait.ge [sflag:s26], $0x800  }
0xb6: {  	[sflag:s26] =	ssyncset.done $0x0  }
0xb7: {  	[sflag:s26] =	ssyncadd.s32 $0xFFFFF800  }
0xb8: {  	_ =	swait.ge [sflag:s26], $0x800  }
0xb9: {  	[sflag:s26] =	ssyncset.done $0x0  }
0xba: {  	[sflag:s26] =	ssyncadd.s32 $0xFFFFF800  }
0xbb: {  	_ =	swait.ge [sflag:s26], $0x800  }
0xbc: {  	[sflag:s26] =	ssyncset.done $0x0  }
0xbd: {  	[sflag:s26] =	ssyncadd.s32 $0xFFFFF800  }
0xbe: {  	_ =	swait.ge [sflag:s26], $0x800  }
0xbf: {  	[sflag:s26] =	ssyncset.done $0x0  }
0xc0: {  	[sflag:s26] =	ssyncadd.s32 $0xFFFFF800  }
0xc1: {  	[spmem:s2] =	stream.indirect.scatter.add.f32 [tilespmem:s15], [sflag:$0x1], $0x10, s14, s12, $0xb8;
	[tilespmem:$0x1A240] =	vst v63  }
0xc2: {  	_ = 	snop  }
0xc3: {  	[spmem:s2] =	stream.indirect.scatter.add.f32 [tilespmem:s17], [sflag:$0x1], $0x10, s16, s12, $0xb8;
	[tilespmem:$0x1A240] =	vst v63  }
0xc4: {  	_ = 	snop  }
0xc5: {  	[spmem:s2] =	stream.indirect.scatter.add.f32 [tilespmem:s19], [sflag:$0x1], $0x10, s18, s12, $0xb8;
	[tilespmem:$0x1A240] =	vst v63  }
0xc6: {  	_ = 	snop  }
0xc7: {  	[spmem:s2] =	stream.indirect.scatter.add.f32 [tilespmem:s21], [sflag:$0x1], $0x10, s20, s12, $0xb8;
	[tilespmem:$0x1A240] =	vst v63  }
0xc8: {  	_ = 	snop  }
0xc9: {  	[spmem:s2] =	stream.indirect.scatter.add.f32 [tilespmem:s23], [sflag:$0x1], $0x10, s22, s12, $0xb8;
	[tilespmem:$0x1A240] =	vst v63  }
0xca: {  	_ = 	snop  }
0xcb: {  	[spmem:s2] =	stream.indirect.scatter.add.f32 [tilespmem:s25], [sflag:$0x1], $0x10, s24, s12, $0xb8;
	[tilespmem:$0x1A240] =	vst v63  }
0xcc: {  	_ = 	snop  }
0xcd: {  	[spmem:s2] =	stream.indirect.scatter.add.f32 [tilespmem:s29], [sflag:$0x1], $0x10, s28, s12, $0xb8;
	[tilespmem:$0x1A240] =	vst v63  }
0xce: {  	_ = 	snop  }
0xcf: {  	[spmem:s2] =	stream.indirect.scatter.add.f32 [tilespmem:s31], [sflag:$0x1], $0x10, s30, s12, $0xb8;
	[tilespmem:$0x1A240] =	vst v63  }
0xd0: {  	_ =	swait.ge [sflag:s26], $0x800  }
0xd1: {  	[sflag:s26] =	ssyncset.done $0x0  }
0xd2: {  	[sflag:s26] =	ssyncadd.s32 $0xFFFFF800  }
0xd3: {  	_ =	swait.ge [sflag:s26], $0x800  }
0xd4: {  	[sflag:s26] =	ssyncset.done $0x0  }
0xd5: {  	[sflag:s26] =	ssyncadd.s32 $0xFFFFF800  }
0xd6: {  	_ =	swait.ge [sflag:s26], $0x800  }
0xd7: {  	[sflag:s26] =	ssyncset.done $0x0  }
0xd8: {  	[sflag:s26] =	ssyncadd.s32 $0xFFFFF800  }
0xd9: {  	_ =	swait.ge [sflag:s26], $0x800  }
0xda: {  	[sflag:s26] =	ssyncset.done $0x0  }
0xdb: {  	[sflag:s26] =	ssyncadd.s32 $0xFFFFF800  }
0xdc: {  	_ =	swait.ge [sflag:s26], $0x800  }
0xdd: {  	[sflag:s26] =	ssyncset.done $0x0  }
0xde: {  	[sflag:s26] =	ssyncadd.s32 $0xFFFFF800  }
0xdf: {  	_ =	swait.ge [sflag:s26], $0x800  }
0xe0: {  	[sflag:s26] =	ssyncset.done $0x0  }
0xe1: {  	[sflag:s26] =	ssyncadd.s32 $0xFFFFF800  }
0xe2: {  	_ =	swait.ge [sflag:s26], $0x800  }
0xe3: {  	[sflag:s26] =	ssyncset.done $0x0  }
0xe4: {  	[sflag:s26] =	ssyncadd.s32 $0xFFFFF800  }
0xe5: {  	s1 =	sadd.s32 $0x1, s1;
	_ =	swait.ge [sflag:s26], $0x800  }
0xe6: {  	p0 =	sne.s32 s1, s8;
	s9 =	stileid.u32;
	[sflag:s26] =	ssyncset.done $0x0  }
0xe7: {  	s0 =	sshll.u32 s9, $0x6;
	s9 =	sshrl.u32 s4, $0x3;
	[sflag:s26] =	ssyncadd.s32 $0xFFFFF800  }
.Ltmp1:
0xe8: {  	s0 =	sor.u32 $0x1C02, s0;
	[bflag:$0x0] =	sbarrier.arrive $0xFFFF;
	(pc) =	sbr.rel @p0 .LBB2_1-.Ltmp1, $4  }
0xe9: {  	[hbm:s7], [sflag:s0] =	dma.local [spmem:s9], $0x4E4  }
0xea: {  	_ =	swait.ge [sflag:s10], $0x4E4  }
0xeb: {  	[sflag:s10] =	ssyncset.done $0x0  }
0xec: {  	[sflag:s10] =	ssyncadd.s32 $0xFFFFFB1C  }
0xed: {  	_ =	sfence.sel $0x180000  }
0xee: {  	[bflag:$0x0] =	sbarrier.arrive $0xFFFF  }
0xef: {  	_ =	strace $0x90000056  }
0xf0: {  	s0 =	stileid.u32;
	[bflag:$0x2] =	sbarrier.arrive $0xFFFF  }
0xf1: {  	p0 =	sne.s32 s0, $0x0;
	s0 =	rddreg [dreg:$0x2]  }
0xf2: {  	s0 =	sadd.s32 @!p0 $0x100000, s0  }
0xf3: {  	[sflag:s0] =	ssyncadd.tile.s32 @!p0 $0x1;
	_ =	shalt  }
.Lfunc_end2:
_tile_overlayer_lowered:
.L_overlay_start_2:
0xf4: {  	(tag) =	ssettag $0x2  }
0xf5: {  	s0 =	rddreg [dreg:$0x0];
	s2 =	stileid.u32  }
0xf6: {  	s1 =	rddreg [dreg:$0x1];
	p0 =	sne.s32 s2, $0x0  }
0xf7: {  	s3 =	rddreg [dreg:$0x2];
	[bflag:$0x3] =	sbarrier.arrive $0xFFFF;
	s2 =	simm.s32 @!p0 $0x1C02  }
0xf8: {  	[timem:s3], [sflag:s2] =	dma.local @!p0 [hbm:s0], s1  }
0xf9: {  	s0 =	simm.s32 @!p0 $0x2  }
0xfa: {  	_ =	swait.ge @!p0 [sflag:s0], s1  }
0xfb: {  	s1 =	ssub.s32 @!p0 $0x0, s1;
	[sflag:s0] =	ssyncset.done @!p0 $0x0  }
0xfc: {  	[sflag:s0] =	ssyncadd.s32 @!p0 s1  }
0xfd: {  	[bflag:$0x3] =	sbarrier.arrive $0xFFFF  }
0xfe: {  	_ =	shalt  }

</sc_bundles>
